<compile_context>
chip_gen: v7x
topology: tpu7x:2x2x1
jax: 0.10.2.dev20260603
libtpu: 0.0.44.dev20260713+nightly
codegen_flags: <defaults>
</compile_context>

<pallas_src>
import functools

import jax
import jax.numpy as jnp
from jax import lax
from jax.experimental import pallas as pl
from jax.experimental.pallas import tpu as pltpu
from jax.experimental.pallas import tpu_sc as plsc

N = 10000
E = 320000
D = 128
H = 128
NC = 2
NS = 16
NW = NC * NS
EPW = E // NW
CH = 80
NCH = EPW // CH
NP = 10240
RPS = NP // NS

_SC_MESH = plsc.VectorSubcoreMesh(core_axis_name="c", subcore_axis_name="s")


def _pq_body(mx, w1, w2, p_out, q_out):
    x = mx[...]
    p_out[...] = jnp.dot(x, w1[...], preferred_element_type=jnp.float32)
    q_out[...] = jnp.dot(x, w2[...], preferred_element_type=jnp.float32)


def _pq_call(mx, w1, w2):
    bn = 1000
    return pl.pallas_call(
        _pq_body,
        grid=(N // bn,),
        in_specs=[
            pl.BlockSpec((bn, D), lambda i: (i, 0)),
            pl.BlockSpec((D, H), lambda i: (0, 0)),
            pl.BlockSpec((D, H), lambda i: (0, 0)),
        ],
        out_specs=[
            pl.BlockSpec((bn, H), lambda i: (i, 0)),
            pl.BlockSpec((bn, H), lambda i: (i, 0)),
        ],
        out_shape=[
            jax.ShapeDtypeStruct((N, H), jnp.float32),
            jax.ShapeDtypeStruct((N, H), jnp.float32),
        ],
    )(mx, w1, w2)


@functools.partial(
    pl.kernel,
    out_type=jax.ShapeDtypeStruct((E, H), jnp.float32),
    mesh=_SC_MESH,
    scratch_types=[
        pltpu.VMEM((NCH, CH), jnp.int32),
        pltpu.VMEM((NCH, CH), jnp.int32),
        pltpu.VMEM((2, CH, H), jnp.float32),
        pltpu.VMEM((2, CH, H), jnp.float32),
        pltpu.VMEM((2, CH, H), jnp.float32),
        pltpu.SemaphoreType.DMA,
        pltpu.SemaphoreType.DMA,
        pltpu.SemaphoreType.DMA,
        pltpu.SemaphoreType.DMA,
        pltpu.SemaphoreType.DMA,
        pltpu.SemaphoreType.DMA,
    ],
)
def _gather_k(p_hbm, q_hbm, ei_hbm, ej_hbm, g_hbm, idxi, idxj,
              bufa, bufb, bufo, sa0, sb0, sa1, sb1, sw0, sw1):
    wid = lax.axis_index("s") * NC + lax.axis_index("c")
    base = wid * EPW
    pltpu.sync_copy(ei_hbm.at[wid], idxi)
    pltpu.sync_copy(ej_hbm.at[wid], idxj)
    sems = ((sa0, sb0), (sa1, sb1))
    wsems = (sw0, sw1)

    def start(j, slot):
        sa, sb = sems[slot]
        pltpu.async_copy(p_hbm.at[idxi.at[j]], bufa.at[slot], sa)
        pltpu.async_copy(q_hbm.at[idxj.at[j]], bufb.at[slot], sb)

    def work(j, slot):
        sa, sb = sems[slot]
        pltpu.make_async_copy(p_hbm.at[idxi.at[j]], bufa.at[slot], sa).wait()
        pltpu.make_async_copy(q_hbm.at[idxj.at[j]], bufb.at[slot], sb).wait()

        def row(r, c2):
            for k in range(H // 16):
                sl = pl.ds(k * 16, 16)
                bufo[slot, r, sl] = bufa[slot, r, sl] + bufb[slot, r, sl]
            return c2

        lax.fori_loop(0, CH, row, 0)
        pltpu.async_copy(bufo.at[slot], g_hbm.at[pl.ds(base + j * CH, CH)],
                         wsems[slot])

    def drainw(j, slot):
        pltpu.make_async_copy(bufo.at[slot],
                              g_hbm.at[pl.ds(base + j * CH, CH)],
                              wsems[slot]).wait()

    start(0, 0)
    start(1, 1)
    work(0, 0)
    start(2, 0)
    work(1, 1)

    def pair(jj, carry):
        j0 = 2 * jj
        start(j0 + 1, 1)
        drainw(j0 - 2, 0)
        work(j0, 0)
        start(j0 + 2, 0)
        drainw(j0 - 1, 1)
        work(j0 + 1, 1)
        return carry

    lax.fori_loop(1, NCH // 2, pair, 0)
    drainw(NCH - 3, 0)
    work(NCH - 1, 0)
    drainw(NCH - 2, 1)
    drainw(NCH - 1, 0)


@functools.partial(
    pl.kernel,
    out_type=jax.ShapeDtypeStruct((NC * NP, H), jnp.float32),
    mesh=_SC_MESH,
    scratch_types=[
        pltpu.VMEM((NCH, CH), jnp.int32),
        pltpu.VMEM((CH, H), jnp.float32),
        pltpu.VMEM((CH, H), jnp.float32),
        pltpu.VMEM_SHARED((NP, H), jnp.float32),
        pltpu.SemaphoreType.DMA,
    ],
)
def _count_k(ei_hbm, cnt_out, idx, ones_v, stage, cnt_sh, sem):
    c = lax.axis_index("c")
    s = lax.axis_index("s")
    wid = s * NC + c
    pltpu.sync_copy(ei_hbm.at[wid], idx)

    def fill(r, carry):
        for k in range(H // 16):
            sl = pl.ds(k * 16, 16)
            stage[r, sl] = jnp.zeros((16,), jnp.float32)
            ones_v[r, sl] = jnp.ones((16,), jnp.float32)
        return carry

    lax.fori_loop(0, CH, fill, 0)
    for t in range(RPS // CH):
        pltpu.sync_copy(stage, cnt_sh.at[pl.ds(s * RPS + t * CH, CH)])
    plsc.subcore_barrier()

    def fire(j):
        pltpu.async_copy(ones_v, cnt_sh.at[idx.at[j]], sem, add=True)

    def drain(j):
        pltpu.make_async_copy(ones_v, cnt_sh.at[idx.at[j]], sem).wait()

    w = 4
    for j0 in range(w):
        fire(j0)

    def chunk(j, carry):
        fire(j + w)
        drain(j)
        return carry

    lax.fori_loop(0, NCH - w, chunk, 0)
    for t in range(w):
        drain(NCH - w + t)
    plsc.subcore_barrier()
    for t in range(RPS // CH):
        pltpu.sync_copy(cnt_sh.at[pl.ds(s * RPS + t * CH, CH)], stage)
        pltpu.sync_copy(stage, cnt_out.at[pl.ds(c * NP + s * RPS + t * CH, CH)])


def _edge_body(g, ef, w3, b_in, wres, bres, out):
    u = jnp.dot(ef[...].astype(jnp.bfloat16), w3[...].astype(jnp.bfloat16),
                preferred_element_type=jnp.float32)
    h0 = jnp.maximum(g[...] + u + b_in[...], 0.0)
    h1 = h0 + jnp.dot(h0.astype(jnp.bfloat16),
                      wres[...].astype(jnp.bfloat16),
                      preferred_element_type=jnp.float32)
    out[...] = jnp.maximum(h1 + bres[...], 0.0)


def _edge_call(g, ef, w3, b_in, wres, bres):
    be = 3200
    return pl.pallas_call(
        _edge_body,
        grid=(E // be,),
        in_specs=[
            pl.BlockSpec((be, H), lambda i: (i, 0)),
            pl.BlockSpec((be, D), lambda i: (i, 0)),
            pl.BlockSpec((D, H), lambda i: (0, 0)),
            pl.BlockSpec((1, H), lambda i: (0, 0)),
            pl.BlockSpec((H, H), lambda i: (0, 0)),
            pl.BlockSpec((1, H), lambda i: (0, 0)),
        ],
        out_specs=pl.BlockSpec((be, H), lambda i: (i, 0)),
        out_shape=jax.ShapeDtypeStruct((E, H), jnp.float32),
    )(g, ef, w3, b_in, wres, bres)


@functools.partial(
    pl.kernel,
    out_type=jax.ShapeDtypeStruct((NC * NP, H), jnp.float32),
    mesh=_SC_MESH,
    scratch_types=[
        pltpu.VMEM((NCH, CH), jnp.int32),
        pltpu.VMEM((3, CH, H), jnp.float32),
        pltpu.VMEM_SHARED((NP, H), jnp.float32),
        pltpu.SemaphoreType.DMA,
        pltpu.SemaphoreType.DMA,
        pltpu.SemaphoreType.DMA,
        pltpu.SemaphoreType.DMA,
        pltpu.SemaphoreType.DMA,
        pltpu.SemaphoreType.DMA,
    ],
)
def _scatter_k(h_hbm, ei_hbm, acc_out, idx, rows, acc_sh,
               r0, r1, r2, a0, a1, a2):
    c = lax.axis_index("c")
    s = lax.axis_index("s")
    wid = s * NC + c
    rsem = (r0, r1, r2)
    asem = (a0, a1, a2)

    def fill(r, carry):
        for k in range(H // 16):
            rows[0, r, pl.ds(k * 16, 16)] = jnp.zeros((16,), jnp.float32)
        return carry

    lax.fori_loop(0, CH, fill, 0)
    for t in range(RPS // CH):
        pltpu.sync_copy(rows.at[0], acc_sh.at[pl.ds(s * RPS + t * CH, CH)])
    pltpu.sync_copy(ei_hbm.at[wid], idx)
    plsc.subcore_barrier()

    def start_r(j, slot):
        pltpu.async_copy(h_hbm.at[pl.ds(wid * EPW + j * CH, CH)],
                         rows.at[slot], rsem[slot])

    def drain_r(j, slot):
        pltpu.make_async_copy(h_hbm.at[pl.ds(wid * EPW + j * CH, CH)],
                              rows.at[slot], rsem[slot]).wait()

    def fire_a(j, slot):
        pltpu.async_copy(rows.at[slot], acc_sh.at[idx.at[j]], asem[slot],
                         add=True)

    def drain_a(j, slot):
        pltpu.make_async_copy(rows.at[slot], acc_sh.at[idx.at[j]],
                              asem[slot]).wait()

    start_r(0, 0)
    start_r(1, 1)
    start_r(2, 2)
    drain_r(0, 0)
    fire_a(0, 0)
    drain_r(1, 1)
    fire_a(1, 1)

    def triple(t, carry):
        j = 3 * t
        drain_a(j, 0)
        start_r(j + 3, 0)
        drain_r(j + 2, 2)
        fire_a(j + 2, 2)
        drain_a(j + 1, 1)
        start_r(j + 4, 1)
        drain_r(j + 3, 0)
        fire_a(j + 3, 0)
        drain_a(j + 2, 2)
        start_r(jnp.minimum(j + 5, NCH - 1), 2)
        drain_r(j + 4, 1)
        fire_a(j + 4, 1)
        return carry

    lax.fori_loop(0, (NCH - 2) // 3, triple, 0)
    drain_a(NCH - 2, 0)
    drain_a(NCH - 1, 1)
    drain_r(NCH - 1, 2)
    plsc.subcore_barrier()
    for t in range(RPS // CH):
        sl = pl.ds(s * RPS + t * CH, CH)
        pltpu.sync_copy(acc_sh.at[sl], rows.at[0])
        pltpu.sync_copy(rows.at[0], acc_out.at[pl.ds(c * NP + s * RPS + t * CH, CH)])


def _node_body(mx, acc, cnt, gs, w_out, b_out, wn1, wn2, wn3, nb_in,
               wres, bres, wno, bno, out):
    s_sum = acc[0] + acc[1]
    cvec = cnt[0, :, 0:1] + cnt[1, :, 0:1]
    so = jnp.dot(s_sum, w_out[...], preferred_element_type=jnp.float32)
    agg = jnp.where(cvec > 0.0, so / jnp.maximum(cvec, 1.0) + b_out[...], 0.0)
    h = (jnp.dot(mx[...], wn1[...], preferred_element_type=jnp.float32)
         + jnp.dot(agg, wn2[...], preferred_element_type=jnp.float32)
         + gs[...] * wn3[...] + nb_in[...])
    h = jnp.maximum(h, 0.0)
    h = jnp.maximum(
        h + jnp.dot(h, wres[...], preferred_element_type=jnp.float32)
        + bres[...], 0.0)
    out[...] = jnp.dot(h, wno[...], preferred_element_type=jnp.float32) + bno[...]


def _node_call(mx, acc, cnt, gs, w_out, b_out, wn1, wn2, wn3, nb_in,
               wres, bres, wno, bno):
    bn = 1000
    full = lambda i: (0, 0)
    return pl.pallas_call(
        _node_body,
        grid=(N // bn,),
        in_specs=[
            pl.BlockSpec((bn, D), lambda i: (i, 0)),
            pl.BlockSpec((NC, bn, H), lambda i: (0, i, 0)),
            pl.BlockSpec((NC, bn, H), lambda i: (0, i, 0)),
            pl.BlockSpec((bn, 1), lambda i: (i, 0)),
            pl.BlockSpec((H, D), full),
            pl.BlockSpec((1, D), full),
            pl.BlockSpec((D, H), full),
            pl.BlockSpec((D, H), full),
            pl.BlockSpec((1, H), full),
            pl.BlockSpec((1, H), full),
            pl.BlockSpec((H, H), full),
            pl.BlockSpec((1, H), full),
            pl.BlockSpec((H, D), full),
            pl.BlockSpec((1, D), full),
        ],
        out_specs=pl.BlockSpec((bn, D), lambda i: (i, 0)),
        out_shape=jax.ShapeDtypeStruct((N, D), jnp.float32),
    )(mx, acc, cnt, gs, w_out, b_out, wn1, wn2, wn3, nb_in, wres, bres,
      wno, bno)


def kernel(meta_xs, edge_index, edge_feature, global_state,
           bWin, bbin, bWres, bbres, bWout, bbout,
           nWin, nbin, nWres, nbres, nWout, nbout):
    ei3 = edge_index[0].reshape(NW, NCH, CH)
    ej3 = edge_index[1].reshape(NW, NCH, CH)
    w1, w2, w3 = bWin[:D], bWin[D:2 * D], bWin[2 * D:]
    p, q = _pq_call(meta_xs, w1, w2)
    g = _gather_k(p, q, ei3, ej3)
    cnt_f = _count_k(ei3)
    h = _edge_call(g, edge_feature, w3, bbin.reshape(1, H),
                   bWres, bbres.reshape(1, H))
    acc = _scatter_k(h, ei3).reshape(NC, NP, H)
    cnt = cnt_f.reshape(NC, NP, H)
    wn1, wn2, wn3 = nWin[:D], nWin[D:2 * D], nWin[2 * D:2 * D + 1]
    return _node_call(
        meta_xs, acc, cnt, global_state.reshape(N, 1),
        bWout, bbout.reshape(1, D), wn1, wn2, wn3, nbin.reshape(1, H),
        nWres, nbres.reshape(1, H), nWout, nbout.reshape(1, D))

# --- scband reference (transcript-rebuilt; emitter-appended) ---
"""Pipeline reference for scband-general-conv-1477468749991 (READ-ONLY COPY).

The authoritative reference and input builder live on the scoring server;
editing this copy changes nothing except your own understanding.
"""

import jax, jax.numpy as jnp
import numpy as np

N = 10000
E = 320000
D = 128
H = 128  # resid_hidden


def _init_linear(key, fan_in, fan_out):
    kw, kb = jax.random.split(key)
    bound = 1.0 / np.sqrt(fan_in)
    W = jax.random.uniform(kw, (fan_in, fan_out), jnp.float32, -bound, bound)
    b = jax.random.uniform(kb, (fan_out,), jnp.float32, -bound, bound)
    return W, b


def _resid_mlp(x, Win, bin_, Wres, bres, Wout, bout):
    # ResidualMessageMLP: input proj -> n_resid_layers residual blocks -> output proj
    h = jax.nn.relu(x @ Win + bin_)
    h = jax.nn.relu(h + (h @ Wres + bres))
    return h @ Wout + bout


def setup_inputs(seed: int = 0) -> dict:
    key = jax.random.key(seed)
    ks = jax.random.split(key, 12)
    meta_xs = jax.random.normal(ks[0], (N, D), jnp.float32)
    edge_index = jax.random.randint(ks[1], (2, E), 0, N, jnp.int32)
    edge_feature = jax.random.normal(ks[2], (E, D), jnp.float32)
    global_state = jax.random.normal(ks[3], (N,), jnp.float32)
    # bond_linears: ResidualMessageMLP(in_dim*3 -> out_dim), hidden=128
    bWin, bbin = _init_linear(ks[4], 3 * D, H)
    bWres, bbres = _init_linear(ks[5], H, H)
    bWout, bbout = _init_linear(ks[6], H, D)
    # node_linears: ResidualMessageMLP(in_dim*2+1 -> out_dim), hidden=128
    nWin, nbin = _init_linear(ks[7], 2 * D + 1, H)
    nWres, nbres = _init_linear(ks[8], H, H)
    nWout, nbout = _init_linear(ks[9], H, D)
    return {
        "meta_xs": meta_xs,
        "edge_index": edge_index,
        "edge_feature": edge_feature,
        "global_state": global_state,
        "bWin": bWin, "bbin": bbin, "bWres": bWres, "bbres": bbres, "bWout": bWout, "bbout": bbout,
        "nWin": nWin, "nbin": nbin, "nWres": nWres, "nbres": nbres, "nWout": nWout, "nbout": nbout,
    }


def reference(meta_xs, edge_index, edge_feature, global_state,
              bWin, bbin, bWres, bbres, bWout, bbout,
              nWin, nbin, nWres, nbres, nWout, nbout):
    ei = edge_index[0]  # edge_index_i (scatter key in average_edge_vector)
    ej = edge_index[1]  # edge_index_j
    xi = jnp.take(meta_xs, ei, axis=0)
    xj = jnp.take(meta_xs, ej, axis=0)
    concat_edge = jnp.concatenate([xi, xj, edge_feature], axis=1)
    concat_edge = _resid_mlp(concat_edge, bWin, bbin, bWres, bbres, bWout, bbout)
    # average_edge_vector: scatter_mean over src=edge_index[0]
    sums = jax.ops.segment_sum(concat_edge, ei, num_segments=N)
    counts = jax.ops.segment_sum(jnp.ones((E, 1), jnp.float32), ei, num_segments=N)
    agg = sums / jnp.maximum(counts, 1.0)
    agg = jnp.where(counts > 0, agg, jnp.zeros_like(agg))  # nan -> 0 as in torch.where(isnan)
    gs = global_state.reshape(global_state.shape[0], 1)
    concat_node = jnp.concatenate([meta_xs, agg, gs], axis=1)
    concat_node = _resid_mlp(concat_node, nWin, nbin, nWres, nbres, nWout, nbout)
    return concat_node

if __name__ == "__main__":
    import jax
    _d = setup_inputs()
    print(jax.jit(kernel)(*tuple(_d.values())))

</pallas_src>

<mosaic_0001>
#map = affine_map<(d0, d1) -> (0, 0, 0)>
#map1 = affine_map<(d0, d1) -> (0, 0)>
module attributes {stable_mosaic.version = 14 : i64} {
  func.func @_count_k(%arg0: i32, %arg1: i32, %arg2: memref<32x125x80xi32, #tpu.memory_space<hbm>>, %arg3: memref<20480x128xf32, #tpu.memory_space<hbm>>, %arg4: memref<125x80xi32, #tpu.memory_space<vmem>>, %arg5: memref<80x128xf32, #tpu.memory_space<vmem>>, %arg6: memref<80x128xf32, #tpu.memory_space<vmem>>, %arg7: memref<10240x128xf32, #tpu.memory_space<vmem_shared>>, %arg8: memref<!tpu.dma_semaphore, #tpu.memory_space<semaphore_mem>>) attributes {dimension_semantics = [#tpu.dimension_semantics<core_parallel>, #tpu.dimension_semantics<subcore_parallel>], iteration_bounds = array<i64: 2, 16>, scalar_prefetch = 0 : i64, scratch_operands = 5 : i64, tpu.core_type = #tpu.core_type<sc_vector_subcore>, window_params = [{transform_indices = #map}, {transform_indices = #map1}]} {
    %mul3A = arith.constant 2 : i32
    %mul3A_0 = arith.muli %arg1, %mul3A : i32
    %add3A = arith.addi %mul3A_0, %arg0 : i32
    "tpu.region"() ({
      %run_scoped3A = tpu.sem_alloc : memref<!tpu.dma_semaphore, #tpu.memory_space<semaphore_mem>>
      %dma_start3A_187 = arith.constant 0 : i32
      %dma_start3A_188 = arith.constant 0 : i32
      %dma_start3A_189 = tpu.memref_slice %arg2[%add3A, %dma_start3A_187, %dma_start3A_188] : memref<32x125x80xi32, #tpu.memory_space<hbm>> -> memref<1x125x80xi32, #tpu.memory_space<hbm>>
      %dma_start3A_190 = tpu.memref_squeeze %dma_start3A_189 : memref<1x125x80xi32, #tpu.memory_space<hbm>> -> memref<125x80xi32, #tpu.memory_space<hbm>>
      %dma_start3A_191 = arith.constant 0 : i32
      %dma_start3A_192 = arith.constant 0 : i32
      %dma_start3A_193 = tpu.memref_slice %arg2[%add3A, %dma_start3A_191, %dma_start3A_192] : memref<32x125x80xi32, #tpu.memory_space<hbm>> -> memref<1x125x80xi32, #tpu.memory_space<hbm>>
      %dma_start3A_194 = tpu.memref_squeeze %dma_start3A_193 : memref<1x125x80xi32, #tpu.memory_space<hbm>> -> memref<125x80xi32, #tpu.memory_space<hbm>>
      tpu.enqueue_dma source(%dma_start3A_194 : memref<125x80xi32, #tpu.memory_space<hbm>>) target(%arg4 : memref<125x80xi32, #tpu.memory_space<vmem>>) target_semaphore(%run_scoped3A : memref<!tpu.dma_semaphore, #tpu.memory_space<semaphore_mem>>)
      %dma_wait3A_195 = arith.constant 0 : i32
      %dma_wait3A_196 = arith.constant 0 : i32
      %dma_wait3A_197 = tpu.memref_slice %arg2[%add3A, %dma_wait3A_195, %dma_wait3A_196] : memref<32x125x80xi32, #tpu.memory_space<hbm>> -> memref<1x125x80xi32, #tpu.memory_space<hbm>>
      %dma_wait3A_198 = tpu.memref_squeeze %dma_wait3A_197 : memref<1x125x80xi32, #tpu.memory_space<hbm>> -> memref<125x80xi32, #tpu.memory_space<hbm>>
      %dma_wait3A_199 = arith.constant 0 : i32
      %dma_wait3A_200 = arith.constant 0 : i32
      %dma_wait3A_201 = tpu.memref_slice %arg2[%add3A, %dma_wait3A_199, %dma_wait3A_200] : memref<32x125x80xi32, #tpu.memory_space<hbm>> -> memref<1x125x80xi32, #tpu.memory_space<hbm>>
      %dma_wait3A_202 = tpu.memref_squeeze %dma_wait3A_201 : memref<1x125x80xi32, #tpu.memory_space<hbm>> -> memref<125x80xi32, #tpu.memory_space<hbm>>
      tpu.wait_dma2 semaphore(%run_scoped3A : memref<!tpu.dma_semaphore, #tpu.memory_space<semaphore_mem>>) src(%dma_wait3A_202 : memref<125x80xi32, #tpu.memory_space<hbm>>) dst(%arg4 : memref<125x80xi32, #tpu.memory_space<vmem>>)
      tpu.yield
    }) : () -> ()
    %scan3A = arith.constant 0 : i32
    %scan3A_1 = arith.constant 0 : i32
    %scan3A_2 = arith.constant 80 : i32
    %scan3A_3 = arith.addi %scan3A_1, %scan3A_2 : i32
    %scan3A_4 = arith.constant 1 : i32
    scf.for %scan3A_187 = %scan3A_1 to %scan3A_3 step %scan3A_4  : i32 {
      %broadcast_in_dim3A = arith.constant 0.000000e+00 : f32
      %broadcast_in_dim3A_188 = vector.broadcast %broadcast_in_dim3A : f32 to vector<16xf32>
      %swap3A = arith.index_cast %scan3A_187 : i32 to index
      %swap3A_189 = arith.constant 0 : index
      %swap3A_190 = tpu.vector_load %arg6[%swap3A, %swap3A_189] {strides = array<i32>} : memref<80x128xf32, #tpu.memory_space<vmem>>, vector<1x16xf32>,
      %swap3A_191 = vector.shape_cast %swap3A_190 : vector<1x16xf32> to vector<16xf32>
      %swap3A_192 = vector.shape_cast %broadcast_in_dim3A_188 : vector<16xf32> to vector<1x16xf32>
      tpu.vector_store %arg6[%swap3A, %swap3A_189], %swap3A_192 {strides = array<i32>} : memref<80x128xf32, #tpu.memory_space<vmem>>, vector<1x16xf32>,
      %broadcast_in_dim3A_193 = arith.constant 1.000000e+00 : f32
      %broadcast_in_dim3A_194 = vector.broadcast %broadcast_in_dim3A_193 : f32 to vector<16xf32>
      %swap3A_195 = arith.index_cast %scan3A_187 : i32 to index
      %swap3A_196 = arith.constant 0 : index
      %swap3A_197 = tpu.vector_load %arg5[%swap3A_195, %swap3A_196] {strides = array<i32>} : memref<80x128xf32, #tpu.memory_space<vmem>>, vector<1x16xf32>,
      %swap3A_198 = vector.shape_cast %swap3A_197 : vector<1x16xf32> to vector<16xf32>
      %swap3A_199 = vector.shape_cast %broadcast_in_dim3A_194 : vector<16xf32> to vector<1x16xf32>
      tpu.vector_store %arg5[%swap3A_195, %swap3A_196], %swap3A_199 {strides = array<i32>} : memref<80x128xf32, #tpu.memory_space<vmem>>, vector<1x16xf32>,
      %broadcast_in_dim3A_200 = arith.constant 0.000000e+00 : f32
      %broadcast_in_dim3A_201 = vector.broadcast %broadcast_in_dim3A_200 : f32 to vector<16xf32>
      %swap3A_202 = arith.index_cast %scan3A_187 : i32 to index
      %swap3A_203 = arith.constant 16 : index
      %swap3A_204 = tpu.vector_load %arg6[%swap3A_202, %swap3A_203] {strides = array<i32>} : memref<80x128xf32, #tpu.memory_space<vmem>>, vector<1x16xf32>,
      %swap3A_205 = vector.shape_cast %swap3A_204 : vector<1x16xf32> to vector<16xf32>
      %swap3A_206 = vector.shape_cast %broadcast_in_dim3A_201 : vector<16xf32> to vector<1x16xf32>
      tpu.vector_store %arg6[%swap3A_202, %swap3A_203], %swap3A_206 {strides = array<i32>} : memref<80x128xf32, #tpu.memory_space<vmem>>, vector<1x16xf32>,
      %broadcast_in_dim3A_207 = arith.constant 1.000000e+00 : f32
      %broadcast_in_dim3A_208 = vector.broadcast %broadcast_in_dim3A_207 : f32 to vector<16xf32>
      %swap3A_209 = arith.index_cast %scan3A_187 : i32 to index
      %swap3A_210 = arith.constant 16 : index
      %swap3A_211 = tpu.vector_load %arg5[%swap3A_209, %swap3A_210] {strides = array<i32>} : memref<80x128xf32, #tpu.memory_space<vmem>>, vector<1x16xf32>,
      %swap3A_212 = vector.shape_cast %swap3A_211 : vector<1x16xf32> to vector<16xf32>
      %swap3A_213 = vector.shape_cast %broadcast_in_dim3A_208 : vector<16xf32> to vector<1x16xf32>
      tpu.vector_store %arg5[%swap3A_209, %swap3A_210], %swap3A_213 {strides = array<i32>} : memref<80x128xf32, #tpu.memory_space<vmem>>, vector<1x16xf32>,
      %broadcast_in_dim3A_214 = arith.constant 0.000000e+00 : f32
      %broadcast_in_dim3A_215 = vector.broadcast %broadcast_in_dim3A_214 : f32 to vector<16xf32>
      %swap3A_216 = arith.index_cast %scan3A_187 : i32 to index
      %swap3A_217 = arith.constant 32 : index
      %swap3A_218 = tpu.vector_load %arg6[%swap3A_216, %swap3A_217] {strides = array<i32>} : memref<80x128xf32, #tpu.memory_space<vmem>>, vector<1x16xf32>,
      %swap3A_219 = vector.shape_cast %swap3A_218 : vector<1x16xf32> to vector<16xf32>
      %swap3A_220 = vector.shape_cast %broadcast_in_dim3A_215 : vector<16xf32> to vector<1x16xf32>
      tpu.vector_store %arg6[%swap3A_216, %swap3A_217], %swap3A_220 {strides = array<i32>} : memref<80x128xf32, #tpu.memory_space<vmem>>, vector<1x16xf32>,
      %broadcast_in_dim3A_221 = arith.constant 1.000000e+00 : f32
      %broadcast_in_dim3A_222 = vector.broadcast %broadcast_in_dim3A_221 : f32 to vector<16xf32>
      %swap3A_223 = arith.index_cast %scan3A_187 : i32 to index
      %swap3A_224 = arith.constant 32 : index
      %swap3A_225 = tpu.vector_load %arg5[%swap3A_223, %swap3A_224] {strides = array<i32>} : memref<80x128xf32, #tpu.memory_space<vmem>>, vector<1x16xf32>,
      %swap3A_226 = vector.shape_cast %swap3A_225 : vector<1x16xf32> to vector<16xf32>
      %swap3A_227 = vector.shape_cast %broadcast_in_dim3A_222 : vector<16xf32> to vector<1x16xf32>
      tpu.vector_store %arg5[%swap3A_223, %swap3A_224], %swap3A_227 {strides = array<i32>} : memref<80x128xf32, #tpu.memory_space<vmem>>, vector<1x16xf32>,
      %broadcast_in_dim3A_228 = arith.constant 0.000000e+00 : f32
      %broadcast_in_dim3A_229 = vector.broadcast %broadcast_in_dim3A_228 : f32 to vector<16xf32>
      %swap3A_230 = arith.index_cast %scan3A_187 : i32 to index
      %swap3A_231 = arith.constant 48 : index
      %swap3A_232 = tpu.vector_load %arg6[%swap3A_230, %swap3A_231] {strides = array<i32>} : memref<80x128xf32, #tpu.memory_space<vmem>>, vector<1x16xf32>,
      %swap3A_233 = vector.shape_cast %swap3A_232 : vector<1x16xf32> to vector<16xf32>
      %swap3A_234 = vector.shape_cast %broadcast_in_dim3A_229 : vector<16xf32> to vector<1x16xf32>
      tpu.vector_store %arg6[%swap3A_230, %swap3A_231], %swap3A_234 {strides = array<i32>} : memref<80x128xf32, #tpu.memory_space<vmem>>, vector<1x16xf32>,
      %broadcast_in_dim3A_235 = arith.constant 1.000000e+00 : f32
      %broadcast_in_dim3A_236 = vector.broadcast %broadcast_in_dim3A_235 : f32 to vector<16xf32>
      %swap3A_237 = arith.index_cast %scan3A_187 : i32 to index
      %swap3A_238 = arith.constant 48 : index
      %swap3A_239 = tpu.vector_load %arg5[%swap3A_237, %swap3A_238] {strides = array<i32>} : memref<80x128xf32, #tpu.memory_space<vmem>>, vector<1x16xf32>,
      %swap3A_240 = vector.shape_cast %swap3A_239 : vector<1x16xf32> to vector<16xf32>
      %swap3A_241 = vector.shape_cast %broadcast_in_dim3A_236 : vector<16xf32> to vector<1x16xf32>
      tpu.vector_store %arg5[%swap3A_237, %swap3A_238], %swap3A_241 {strides = array<i32>} : memref<80x128xf32, #tpu.memory_space<vmem>>, vector<1x16xf32>,
      %broadcast_in_dim3A_242 = arith.constant 0.000000e+00 : f32
      %broadcast_in_dim3A_243 = vector.broadcast %broadcast_in_dim3A_242 : f32 to vector<16xf32>
      %swap3A_244 = arith.index_cast %scan3A_187 : i32 to index
      %swap3A_245 = arith.constant 64 : index
      %swap3A_246 = tpu.vector_load %arg6[%swap3A_244, %swap3A_245] {strides = array<i32>} : memref<80x128xf32, #tpu.memory_space<vmem>>, vector<1x16xf32>,
      %swap3A_247 = vector.shape_cast %swap3A_246 : vector<1x16xf32> to vector<16xf32>
      %swap3A_248 = vector.shape_cast %broadcast_in_dim3A_243 : vector<16xf32> to vector<1x16xf32>
      tpu.vector_store %arg6[%swap3A_244, %swap3A_245], %swap3A_248 {strides = array<i32>} : memref<80x128xf32, #tpu.memory_space<vmem>>, vector<1x16xf32>,
      %broadcast_in_dim3A_249 = arith.constant 1.000000e+00 : f32
      %broadcast_in_dim3A_250 = vector.broadcast %broadcast_in_dim3A_249 : f32 to vector<16xf32>
      %swap3A_251 = arith.index_cast %scan3A_187 : i32 to index
      %swap3A_252 = arith.constant 64 : index
      %swap3A_253 = tpu.vector_load %arg5[%swap3A_251, %swap3A_252] {strides = array<i32>} : memref<80x128xf32, #tpu.memory_space<vmem>>, vector<1x16xf32>,
      %swap3A_254 = vector.shape_cast %swap3A_253 : vector<1x16xf32> to vector<16xf32>
      %swap3A_255 = vector.shape_cast %broadcast_in_dim3A_250 : vector<16xf32> to vector<1x16xf32>
      tpu.vector_store %arg5[%swap3A_251, %swap3A_252], %swap3A_255 {strides = array<i32>} : memref<80x128xf32, #tpu.memory_space<vmem>>, vector<1x16xf32>,
      %broadcast_in_dim3A_256 = arith.constant 0.000000e+00 : f32
      %broadcast_in_dim3A_257 = vector.broadcast %broadcast_in_dim3A_256 : f32 to vector<16xf32>
      %swap3A_258 = arith.index_cast %scan3A_187 : i32 to index
      %swap3A_259 = arith.constant 80 : index
      %swap3A_260 = tpu.vector_load %arg6[%swap3A_258, %swap3A_259] {strides = array<i32>} : memref<80x128xf32, #tpu.memory_space<vmem>>, vector<1x16xf32>,
      %swap3A_261 = vector.shape_cast %swap3A_260 : vector<1x16xf32> to vector<16xf32>
      %swap3A_262 = vector.shape_cast %broadcast_in_dim3A_257 : vector<16xf32> to vector<1x16xf32>
      tpu.vector_store %arg6[%swap3A_258, %swap3A_259], %swap3A_262 {strides = array<i32>} : memref<80x128xf32, #tpu.memory_space<vmem>>, vector<1x16xf32>,
      %broadcast_in_dim3A_263 = arith.constant 1.000000e+00 : f32
      %broadcast_in_dim3A_264 = vector.broadcast %broadcast_in_dim3A_263 : f32 to vector<16xf32>
      %swap3A_265 = arith.index_cast %scan3A_187 : i32 to index
      %swap3A_266 = arith.constant 80 : index
      %swap3A_267 = tpu.vector_load %arg5[%swap3A_265, %swap3A_266] {strides = array<i32>} : memref<80x128xf32, #tpu.memory_space<vmem>>, vector<1x16xf32>,
      %swap3A_268 = vector.shape_cast %swap3A_267 : vector<1x16xf32> to vector<16xf32>
      %swap3A_269 = vector.shape_cast %broadcast_in_dim3A_264 : vector<16xf32> to vector<1x16xf32>
      tpu.vector_store %arg5[%swap3A_265, %swap3A_266], %swap3A_269 {strides = array<i32>} : memref<80x128xf32, #tpu.memory_space<vmem>>, vector<1x16xf32>,
      %broadcast_in_dim3A_270 = arith.constant 0.000000e+00 : f32
      %broadcast_in_dim3A_271 = vector.broadcast %broadcast_in_dim3A_270 : f32 to vector<16xf32>
      %swap3A_272 = arith.index_cast %scan3A_187 : i32 to index
      %swap3A_273 = arith.constant 96 : index
      %swap3A_274 = tpu.vector_load %arg6[%swap3A_272, %swap3A_273] {strides = array<i32>} : memref<80x128xf32, #tpu.memory_space<vmem>>, vector<1x16xf32>,
      %swap3A_275 = vector.shape_cast %swap3A_274 : vector<1x16xf32> to vector<16xf32>
      %swap3A_276 = vector.shape_cast %broadcast_in_dim3A_271 : vector<16xf32> to vector<1x16xf32>
      tpu.vector_store %arg6[%swap3A_272, %swap3A_273], %swap3A_276 {strides = array<i32>} : memref<80x128xf32, #tpu.memory_space<vmem>>, vector<1x16xf32>,
      %broadcast_in_dim3A_277 = arith.constant 1.000000e+00 : f32
      %broadcast_in_dim3A_278 = vector.broadcast %broadcast_in_dim3A_277 : f32 to vector<16xf32>
      %swap3A_279 = arith.index_cast %scan3A_187 : i32 to index
      %swap3A_280 = arith.constant 96 : index
      %swap3A_281 = tpu.vector_load %arg5[%swap3A_279, %swap3A_280] {strides = array<i32>} : memref<80x128xf32, #tpu.memory_space<vmem>>, vector<1x16xf32>,
      %swap3A_282 = vector.shape_cast %swap3A_281 : vector<1x16xf32> to vector<16xf32>
      %swap3A_283 = vector.shape_cast %broadcast_in_dim3A_278 : vector<16xf32> to vector<1x16xf32>
      tpu.vector_store %arg5[%swap3A_279, %swap3A_280], %swap3A_283 {strides = array<i32>} : memref<80x128xf32, #tpu.memory_space<vmem>>, vector<1x16xf32>,
      %broadcast_in_dim3A_284 = arith.constant 0.000000e+00 : f32
      %broadcast_in_dim3A_285 = vector.broadcast %broadcast_in_dim3A_284 : f32 to vector<16xf32>
      %swap3A_286 = arith.index_cast %scan3A_187 : i32 to index
      %swap3A_287 = arith.constant 112 : index
      %swap3A_288 = tpu.vector_load %arg6[%swap3A_286, %swap3A_287] {strides = array<i32>} : memref<80x128xf32, #tpu.memory_space<vmem>>, vector<1x16xf32>,
      %swap3A_289 = vector.shape_cast %swap3A_288 : vector<1x16xf32> to vector<16xf32>
      %swap3A_290 = vector.shape_cast %broadcast_in_dim3A_285 : vector<16xf32> to vector<1x16xf32>
      tpu.vector_store %arg6[%swap3A_286, %swap3A_287], %swap3A_290 {strides = array<i32>} : memref<80x128xf32, #tpu.memory_space<vmem>>, vector<1x16xf32>,
      %broadcast_in_dim3A_291 = arith.constant 1.000000e+00 : f32
      %broadcast_in_dim3A_292 = vector.broadcast %broadcast_in_dim3A_291 : f32 to vector<16xf32>
      %swap3A_293 = arith.index_cast %scan3A_187 : i32 to index
      %swap3A_294 = arith.constant 112 : index
      %swap3A_295 = tpu.vector_load %arg5[%swap3A_293, %swap3A_294] {strides = array<i32>} : memref<80x128xf32, #tpu.memory_space<vmem>>, vector<1x16xf32>,
      %swap3A_296 = vector.shape_cast %swap3A_295 : vector<1x16xf32> to vector<16xf32>
      %swap3A_297 = vector.shape_cast %broadcast_in_dim3A_292 : vector<16xf32> to vector<1x16xf32>
      tpu.vector_store %arg5[%swap3A_293, %swap3A_294], %swap3A_297 {strides = array<i32>} : memref<80x128xf32, #tpu.memory_space<vmem>>, vector<1x16xf32>,
    }
    %scan3A_5 = arith.constant 80 : i32
    %mul3A_6 = arith.constant 640 : i32
    %mul3A_7 = arith.muli %arg1, %mul3A_6 : i32
    %add3A_8 = arith.constant 0 : i32
    %add3A_9 = arith.addi %mul3A_7, %add3A_8 : i32
    "tpu.region"() ({
      %run_scoped3A = tpu.sem_alloc : memref<!tpu.dma_semaphore, #tpu.memory_space<semaphore_mem>>
      %dma_start3A_187 = arith.constant 0 : i32
      %dma_start3A_188 = tpu.memref_slice %arg7[%add3A_9, %dma_start3A_187] : memref<10240x128xf32, #tpu.memory_space<vmem_shared>> -> memref<80x128xf32, #tpu.memory_space<vmem_shared>>
      %dma_start3A_189 = arith.constant 0 : i32
      %dma_start3A_190 = tpu.memref_slice %arg7[%add3A_9, %dma_start3A_189] : memref<10240x128xf32, #tpu.memory_space<vmem_shared>> -> memref<80x128xf32, #tpu.memory_space<vmem_shared>>
      tpu.enqueue_dma source(%arg6 : memref<80x128xf32, #tpu.memory_space<vmem>>) target(%dma_start3A_190 : memref<80x128xf32, #tpu.memory_space<vmem_shared>>) target_semaphore(%run_scoped3A : memref<!tpu.dma_semaphore, #tpu.memory_space<semaphore_mem>>)
      %dma_wait3A_191 = arith.constant 0 : i32
      %dma_wait3A_192 = tpu.memref_slice %arg7[%add3A_9, %dma_wait3A_191] : memref<10240x128xf32, #tpu.memory_space<vmem_shared>> -> memref<80x128xf32, #tpu.memory_space<vmem_shared>>
      %dma_wait3A_193 = arith.constant 0 : i32
      %dma_wait3A_194 = tpu.memref_slice %arg7[%add3A_9, %dma_wait3A_193] : memref<10240x128xf32, #tpu.memory_space<vmem_shared>> -> memref<80x128xf32, #tpu.memory_space<vmem_shared>>
      tpu.wait_dma2 semaphore(%run_scoped3A : memref<!tpu.dma_semaphore, #tpu.memory_space<semaphore_mem>>) src(%arg6 : memref<80x128xf32, #tpu.memory_space<vmem>>) dst(%dma_wait3A_194 : memref<80x128xf32, #tpu.memory_space<vmem_shared>>)
      tpu.yield
    }) : () -> ()
    %mul3A_10 = arith.constant 640 : i32
    %mul3A_11 = arith.muli %arg1, %mul3A_10 : i32
    %add3A_12 = arith.constant 80 : i32
    %add3A_13 = arith.addi %mul3A_11, %add3A_12 : i32
    "tpu.region"() ({
      %run_scoped3A = tpu.sem_alloc : memref<!tpu.dma_semaphore, #tpu.memory_space<semaphore_mem>>
      %dma_start3A_187 = arith.constant 0 : i32
      %dma_start3A_188 = tpu.memref_slice %arg7[%add3A_13, %dma_start3A_187] : memref<10240x128xf32, #tpu.memory_space<vmem_shared>> -> memref<80x128xf32, #tpu.memory_space<vmem_shared>>
      %dma_start3A_189 = arith.constant 0 : i32
      %dma_start3A_190 = tpu.memref_slice %arg7[%add3A_13, %dma_start3A_189] : memref<10240x128xf32, #tpu.memory_space<vmem_shared>> -> memref<80x128xf32, #tpu.memory_space<vmem_shared>>
      tpu.enqueue_dma source(%arg6 : memref<80x128xf32, #tpu.memory_space<vmem>>) target(%dma_start3A_190 : memref<80x128xf32, #tpu.memory_space<vmem_shared>>) target_semaphore(%run_scoped3A : memref<!tpu.dma_semaphore, #tpu.memory_space<semaphore_mem>>)
      %dma_wait3A_191 = arith.constant 0 : i32
      %dma_wait3A_192 = tpu.memref_slice %arg7[%add3A_13, %dma_wait3A_191] : memref<10240x128xf32, #tpu.memory_space<vmem_shared>> -> memref<80x128xf32, #tpu.memory_space<vmem_shared>>
      %dma_wait3A_193 = arith.constant 0 : i32
      %dma_wait3A_194 = tpu.memref_slice %arg7[%add3A_13, %dma_wait3A_193] : memref<10240x128xf32, #tpu.memory_space<vmem_shared>> -> memref<80x128xf32, #tpu.memory_space<vmem_shared>>
      tpu.wait_dma2 semaphore(%run_scoped3A : memref<!tpu.dma_semaphore, #tpu.memory_space<semaphore_mem>>) src(%arg6 : memref<80x128xf32, #tpu.memory_space<vmem>>) dst(%dma_wait3A_194 : memref<80x128xf32, #tpu.memory_space<vmem_shared>>)
      tpu.yield
    }) : () -> ()
    %mul3A_14 = arith.constant 640 : i32
    %mul3A_15 = arith.muli %arg1, %mul3A_14 : i32
    %add3A_16 = arith.constant 160 : i32
    %add3A_17 = arith.addi %mul3A_15, %add3A_16 : i32
    "tpu.region"() ({
      %run_scoped3A = tpu.sem_alloc : memref<!tpu.dma_semaphore, #tpu.memory_space<semaphore_mem>>
      %dma_start3A_187 = arith.constant 0 : i32
      %dma_start3A_188 = tpu.memref_slice %arg7[%add3A_17, %dma_start3A_187] : memref<10240x128xf32, #tpu.memory_space<vmem_shared>> -> memref<80x128xf32, #tpu.memory_space<vmem_shared>>
      %dma_start3A_189 = arith.constant 0 : i32
      %dma_start3A_190 = tpu.memref_slice %arg7[%add3A_17, %dma_start3A_189] : memref<10240x128xf32, #tpu.memory_space<vmem_shared>> -> memref<80x128xf32, #tpu.memory_space<vmem_shared>>
      tpu.enqueue_dma source(%arg6 : memref<80x128xf32, #tpu.memory_space<vmem>>) target(%dma_start3A_190 : memref<80x128xf32, #tpu.memory_space<vmem_shared>>) target_semaphore(%run_scoped3A : memref<!tpu.dma_semaphore, #tpu.memory_space<semaphore_mem>>)
      %dma_wait3A_191 = arith.constant 0 : i32
      %dma_wait3A_192 = tpu.memref_slice %arg7[%add3A_17, %dma_wait3A_191] : memref<10240x128xf32, #tpu.memory_space<vmem_shared>> -> memref<80x128xf32, #tpu.memory_space<vmem_shared>>
      %dma_wait3A_193 = arith.constant 0 : i32
      %dma_wait3A_194 = tpu.memref_slice %arg7[%add3A_17, %dma_wait3A_193] : memref<10240x128xf32, #tpu.memory_space<vmem_shared>> -> memref<80x128xf32, #tpu.memory_space<vmem_shared>>
      tpu.wait_dma2 semaphore(%run_scoped3A : memref<!tpu.dma_semaphore, #tpu.memory_space<semaphore_mem>>) src(%arg6 : memref<80x128xf32, #tpu.memory_space<vmem>>) dst(%dma_wait3A_194 : memref<80x128xf32, #tpu.memory_space<vmem_shared>>)
      tpu.yield
    }) : () -> ()
    %mul3A_18 = arith.constant 640 : i32
    %mul3A_19 = arith.muli %arg1, %mul3A_18 : i32
    %add3A_20 = arith.constant 240 : i32
    %add3A_21 = arith.addi %mul3A_19, %add3A_20 : i32
    "tpu.region"() ({
      %run_scoped3A = tpu.sem_alloc : memref<!tpu.dma_semaphore, #tpu.memory_space<semaphore_mem>>
      %dma_start3A_187 = arith.constant 0 : i32
      %dma_start3A_188 = tpu.memref_slice %arg7[%add3A_21, %dma_start3A_187] : memref<10240x128xf32, #tpu.memory_space<vmem_shared>> -> memref<80x128xf32, #tpu.memory_space<vmem_shared>>
      %dma_start3A_189 = arith.constant 0 : i32
      %dma_start3A_190 = tpu.memref_slice %arg7[%add3A_21, %dma_start3A_189] : memref<10240x128xf32, #tpu.memory_space<vmem_shared>> -> memref<80x128xf32, #tpu.memory_space<vmem_shared>>
      tpu.enqueue_dma source(%arg6 : memref<80x128xf32, #tpu.memory_space<vmem>>) target(%dma_start3A_190 : memref<80x128xf32, #tpu.memory_space<vmem_shared>>) target_semaphore(%run_scoped3A : memref<!tpu.dma_semaphore, #tpu.memory_space<semaphore_mem>>)
      %dma_wait3A_191 = arith.constant 0 : i32
      %dma_wait3A_192 = tpu.memref_slice %arg7[%add3A_21, %dma_wait3A_191] : memref<10240x128xf32, #tpu.memory_space<vmem_shared>> -> memref<80x128xf32, #tpu.memory_space<vmem_shared>>
      %dma_wait3A_193 = arith.constant 0 : i32
      %dma_wait3A_194 = tpu.memref_slice %arg7[%add3A_21, %dma_wait3A_193] : memref<10240x128xf32, #tpu.memory_space<vmem_shared>> -> memref<80x128xf32, #tpu.memory_space<vmem_shared>>
      tpu.wait_dma2 semaphore(%run_scoped3A : memref<!tpu.dma_semaphore, #tpu.memory_space<semaphore_mem>>) src(%arg6 : memref<80x128xf32, #tpu.memory_space<vmem>>) dst(%dma_wait3A_194 : memref<80x128xf32, #tpu.memory_space<vmem_shared>>)
      tpu.yield
    }) : () -> ()
    %mul3A_22 = arith.constant 640 : i32
    %mul3A_23 = arith.muli %arg1, %mul3A_22 : i32
    %add3A_24 = arith.constant 320 : i32
    %add3A_25 = arith.addi %mul3A_23, %add3A_24 : i32
    "tpu.region"() ({
      %run_scoped3A = tpu.sem_alloc : memref<!tpu.dma_semaphore, #tpu.memory_space<semaphore_mem>>
      %dma_start3A_187 = arith.constant 0 : i32
      %dma_start3A_188 = tpu.memref_slice %arg7[%add3A_25, %dma_start3A_187] : memref<10240x128xf32, #tpu.memory_space<vmem_shared>> -> memref<80x128xf32, #tpu.memory_space<vmem_shared>>
      %dma_start3A_189 = arith.constant 0 : i32
      %dma_start3A_190 = tpu.memref_slice %arg7[%add3A_25, %dma_start3A_189] : memref<10240x128xf32, #tpu.memory_space<vmem_shared>> -> memref<80x128xf32, #tpu.memory_space<vmem_shared>>
      tpu.enqueue_dma source(%arg6 : memref<80x128xf32, #tpu.memory_space<vmem>>) target(%dma_start3A_190 : memref<80x128xf32, #tpu.memory_space<vmem_shared>>) target_semaphore(%run_scoped3A : memref<!tpu.dma_semaphore, #tpu.memory_space<semaphore_mem>>)
      %dma_wait3A_191 = arith.constant 0 : i32
      %dma_wait3A_192 = tpu.memref_slice %arg7[%add3A_25, %dma_wait3A_191] : memref<10240x128xf32, #tpu.memory_space<vmem_shared>> -> memref<80x128xf32, #tpu.memory_space<vmem_shared>>
      %dma_wait3A_193 = arith.constant 0 : i32
      %dma_wait3A_194 = tpu.memref_slice %arg7[%add3A_25, %dma_wait3A_193] : memref<10240x128xf32, #tpu.memory_space<vmem_shared>> -> memref<80x128xf32, #tpu.memory_space<vmem_shared>>
      tpu.wait_dma2 semaphore(%run_scoped3A : memref<!tpu.dma_semaphore, #tpu.memory_space<semaphore_mem>>) src(%arg6 : memref<80x128xf32, #tpu.memory_space<vmem>>) dst(%dma_wait3A_194 : memref<80x128xf32, #tpu.memory_space<vmem_shared>>)
      tpu.yield
    }) : () -> ()
    %mul3A_26 = arith.constant 640 : i32
    %mul3A_27 = arith.muli %arg1, %mul3A_26 : i32
    %add3A_28 = arith.constant 400 : i32
    %add3A_29 = arith.addi %mul3A_27, %add3A_28 : i32
    "tpu.region"() ({
      %run_scoped3A = tpu.sem_alloc : memref<!tpu.dma_semaphore, #tpu.memory_space<semaphore_mem>>
      %dma_start3A_187 = arith.constant 0 : i32
      %dma_start3A_188 = tpu.memref_slice %arg7[%add3A_29, %dma_start3A_187] : memref<10240x128xf32, #tpu.memory_space<vmem_shared>> -> memref<80x128xf32, #tpu.memory_space<vmem_shared>>
      %dma_start3A_189 = arith.constant 0 : i32
      %dma_start3A_190 = tpu.memref_slice %arg7[%add3A_29, %dma_start3A_189] : memref<10240x128xf32, #tpu.memory_space<vmem_shared>> -> memref<80x128xf32, #tpu.memory_space<vmem_shared>>
      tpu.enqueue_dma source(%arg6 : memref<80x128xf32, #tpu.memory_space<vmem>>) target(%dma_start3A_190 : memref<80x128xf32, #tpu.memory_space<vmem_shared>>) target_semaphore(%run_scoped3A : memref<!tpu.dma_semaphore, #tpu.memory_space<semaphore_mem>>)
      %dma_wait3A_191 = arith.constant 0 : i32
      %dma_wait3A_192 = tpu.memref_slice %arg7[%add3A_29, %dma_wait3A_191] : memref<10240x128xf32, #tpu.memory_space<vmem_shared>> -> memref<80x128xf32, #tpu.memory_space<vmem_shared>>
      %dma_wait3A_193 = arith.constant 0 : i32
      %dma_wait3A_194 = tpu.memref_slice %arg7[%add3A_29, %dma_wait3A_193] : memref<10240x128xf32, #tpu.memory_space<vmem_shared>> -> memref<80x128xf32, #tpu.memory_space<vmem_shared>>
      tpu.wait_dma2 semaphore(%run_scoped3A : memref<!tpu.dma_semaphore, #tpu.memory_space<semaphore_mem>>) src(%arg6 : memref<80x128xf32, #tpu.memory_space<vmem>>) dst(%dma_wait3A_194 : memref<80x128xf32, #tpu.memory_space<vmem_shared>>)
      tpu.yield
    }) : () -> ()
    %mul3A_30 = arith.constant 640 : i32
    %mul3A_31 = arith.muli %arg1, %mul3A_30 : i32
    %add3A_32 = arith.constant 480 : i32
    %add3A_33 = arith.addi %mul3A_31, %add3A_32 : i32
    "tpu.region"() ({
      %run_scoped3A = tpu.sem_alloc : memref<!tpu.dma_semaphore, #tpu.memory_space<semaphore_mem>>
      %dma_start3A_187 = arith.constant 0 : i32
      %dma_start3A_188 = tpu.memref_slice %arg7[%add3A_33, %dma_start3A_187] : memref<10240x128xf32, #tpu.memory_space<vmem_shared>> -> memref<80x128xf32, #tpu.memory_space<vmem_shared>>
      %dma_start3A_189 = arith.constant 0 : i32
      %dma_start3A_190 = tpu.memref_slice %arg7[%add3A_33, %dma_start3A_189] : memref<10240x128xf32, #tpu.memory_space<vmem_shared>> -> memref<80x128xf32, #tpu.memory_space<vmem_shared>>
      tpu.enqueue_dma source(%arg6 : memref<80x128xf32, #tpu.memory_space<vmem>>) target(%dma_start3A_190 : memref<80x128xf32, #tpu.memory_space<vmem_shared>>) target_semaphore(%run_scoped3A : memref<!tpu.dma_semaphore, #tpu.memory_space<semaphore_mem>>)
      %dma_wait3A_191 = arith.constant 0 : i32
      %dma_wait3A_192 = tpu.memref_slice %arg7[%add3A_33, %dma_wait3A_191] : memref<10240x128xf32, #tpu.memory_space<vmem_shared>> -> memref<80x128xf32, #tpu.memory_space<vmem_shared>>
      %dma_wait3A_193 = arith.constant 0 : i32
      %dma_wait3A_194 = tpu.memref_slice %arg7[%add3A_33, %dma_wait3A_193] : memref<10240x128xf32, #tpu.memory_space<vmem_shared>> -> memref<80x128xf32, #tpu.memory_space<vmem_shared>>
      tpu.wait_dma2 semaphore(%run_scoped3A : memref<!tpu.dma_semaphore, #tpu.memory_space<semaphore_mem>>) src(%arg6 : memref<80x128xf32, #tpu.memory_space<vmem>>) dst(%dma_wait3A_194 : memref<80x128xf32, #tpu.memory_space<vmem_shared>>)
      tpu.yield
    }) : () -> ()
    %mul3A_34 = arith.constant 640 : i32
    %mul3A_35 = arith.muli %arg1, %mul3A_34 : i32
    %add3A_36 = arith.constant 560 : i32
    %add3A_37 = arith.addi %mul3A_35, %add3A_36 : i32
    "tpu.region"() ({
      %run_scoped3A = tpu.sem_alloc : memref<!tpu.dma_semaphore, #tpu.memory_space<semaphore_mem>>
      %dma_start3A_187 = arith.constant 0 : i32
      %dma_start3A_188 = tpu.memref_slice %arg7[%add3A_37, %dma_start3A_187] : memref<10240x128xf32, #tpu.memory_space<vmem_shared>> -> memref<80x128xf32, #tpu.memory_space<vmem_shared>>
      %dma_start3A_189 = arith.constant 0 : i32
      %dma_start3A_190 = tpu.memref_slice %arg7[%add3A_37, %dma_start3A_189] : memref<10240x128xf32, #tpu.memory_space<vmem_shared>> -> memref<80x128xf32, #tpu.memory_space<vmem_shared>>
      tpu.enqueue_dma source(%arg6 : memref<80x128xf32, #tpu.memory_space<vmem>>) target(%dma_start3A_190 : memref<80x128xf32, #tpu.memory_space<vmem_shared>>) target_semaphore(%run_scoped3A : memref<!tpu.dma_semaphore, #tpu.memory_space<semaphore_mem>>)
      %dma_wait3A_191 = arith.constant 0 : i32
      %dma_wait3A_192 = tpu.memref_slice %arg7[%add3A_37, %dma_wait3A_191] : memref<10240x128xf32, #tpu.memory_space<vmem_shared>> -> memref<80x128xf32, #tpu.memory_space<vmem_shared>>
      %dma_wait3A_193 = arith.constant 0 : i32
      %dma_wait3A_194 = tpu.memref_slice %arg7[%add3A_37, %dma_wait3A_193] : memref<10240x128xf32, #tpu.memory_space<vmem_shared>> -> memref<80x128xf32, #tpu.memory_space<vmem_shared>>
      tpu.wait_dma2 semaphore(%run_scoped3A : memref<!tpu.dma_semaphore, #tpu.memory_space<semaphore_mem>>) src(%arg6 : memref<80x128xf32, #tpu.memory_space<vmem>>) dst(%dma_wait3A_194 : memref<80x128xf32, #tpu.memory_space<vmem_shared>>)
      tpu.yield
    }) : () -> ()
    %barrier3A = arith.constant 0 : index
    tpu.barrier barrier_id(%barrier3A)
    %dma_start3A = arith.constant 0 : i32
    %dma_start3A_38 = arith.constant 0 : i32
    %dma_start3A_39 = tpu.memref_slice %arg4[%dma_start3A, %dma_start3A_38] : memref<125x80xi32, #tpu.memory_space<vmem>> -> memref<1x80xi32, #tpu.memory_space<vmem>>
    %dma_start3A_40 = tpu.memref_squeeze %dma_start3A_39 : memref<1x80xi32, #tpu.memory_space<vmem>> -> memref<80xi32, #tpu.memory_space<vmem>>
    %dma_start3A_41 = arith.constant 0 : i32
    %dma_start3A_42 = arith.constant 0 : i32
    %dma_start3A_43 = tpu.memref_slice %arg7[%dma_start3A_41, %dma_start3A_42] : memref<10240x128xf32, #tpu.memory_space<vmem_shared>> -> memref<10240x128xf32, #tpu.memory_space<vmem_shared>>
    tpu.enqueue_indirect_dma source(%arg5 : memref<80x128xf32, #tpu.memory_space<vmem>>) target(%dma_start3A_43 : memref<10240x128xf32, #tpu.memory_space<vmem_shared>>) offsets(%dma_start3A_40 : memref<80xi32, #tpu.memory_space<vmem>>) semaphore(%arg8 : memref<!tpu.dma_semaphore, #tpu.memory_space<semaphore_mem>>) {add = true}
    %dma_start3A_44 = arith.constant 1 : i32
    %dma_start3A_45 = arith.constant 0 : i32
    %dma_start3A_46 = tpu.memref_slice %arg4[%dma_start3A_44, %dma_start3A_45] : memref<125x80xi32, #tpu.memory_space<vmem>> -> memref<1x80xi32, #tpu.memory_space<vmem>>
    %dma_start3A_47 = tpu.memref_squeeze %dma_start3A_46 : memref<1x80xi32, #tpu.memory_space<vmem>> -> memref<80xi32, #tpu.memory_space<vmem>>
    %dma_start3A_48 = arith.constant 0 : i32
    %dma_start3A_49 = arith.constant 0 : i32
    %dma_start3A_50 = tpu.memref_slice %arg7[%dma_start3A_48, %dma_start3A_49] : memref<10240x128xf32, #tpu.memory_space<vmem_shared>> -> memref<10240x128xf32, #tpu.memory_space<vmem_shared>>
    tpu.enqueue_indirect_dma source(%arg5 : memref<80x128xf32, #tpu.memory_space<vmem>>) target(%dma_start3A_50 : memref<10240x128xf32, #tpu.memory_space<vmem_shared>>) offsets(%dma_start3A_47 : memref<80xi32, #tpu.memory_space<vmem>>) semaphore(%arg8 : memref<!tpu.dma_semaphore, #tpu.memory_space<semaphore_mem>>) {add = true}
    %dma_start3A_51 = arith.constant 2 : i32
    %dma_start3A_52 = arith.constant 0 : i32
    %dma_start3A_53 = tpu.memref_slice %arg4[%dma_start3A_51, %dma_start3A_52] : memref<125x80xi32, #tpu.memory_space<vmem>> -> memref<1x80xi32, #tpu.memory_space<vmem>>
    %dma_start3A_54 = tpu.memref_squeeze %dma_start3A_53 : memref<1x80xi32, #tpu.memory_space<vmem>> -> memref<80xi32, #tpu.memory_space<vmem>>
    %dma_start3A_55 = arith.constant 0 : i32
    %dma_start3A_56 = arith.constant 0 : i32
    %dma_start3A_57 = tpu.memref_slice %arg7[%dma_start3A_55, %dma_start3A_56] : memref<10240x128xf32, #tpu.memory_space<vmem_shared>> -> memref<10240x128xf32, #tpu.memory_space<vmem_shared>>
    tpu.enqueue_indirect_dma source(%arg5 : memref<80x128xf32, #tpu.memory_space<vmem>>) target(%dma_start3A_57 : memref<10240x128xf32, #tpu.memory_space<vmem_shared>>) offsets(%dma_start3A_54 : memref<80xi32, #tpu.memory_space<vmem>>) semaphore(%arg8 : memref<!tpu.dma_semaphore, #tpu.memory_space<semaphore_mem>>) {add = true}
    %dma_start3A_58 = arith.constant 3 : i32
    %dma_start3A_59 = arith.constant 0 : i32
    %dma_start3A_60 = tpu.memref_slice %arg4[%dma_start3A_58, %dma_start3A_59] : memref<125x80xi32, #tpu.memory_space<vmem>> -> memref<1x80xi32, #tpu.memory_space<vmem>>
    %dma_start3A_61 = tpu.memref_squeeze %dma_start3A_60 : memref<1x80xi32, #tpu.memory_space<vmem>> -> memref<80xi32, #tpu.memory_space<vmem>>
    %dma_start3A_62 = arith.constant 0 : i32
    %dma_start3A_63 = arith.constant 0 : i32
    %dma_start3A_64 = tpu.memref_slice %arg7[%dma_start3A_62, %dma_start3A_63] : memref<10240x128xf32, #tpu.memory_space<vmem_shared>> -> memref<10240x128xf32, #tpu.memory_space<vmem_shared>>
    tpu.enqueue_indirect_dma source(%arg5 : memref<80x128xf32, #tpu.memory_space<vmem>>) target(%dma_start3A_64 : memref<10240x128xf32, #tpu.memory_space<vmem_shared>>) offsets(%dma_start3A_61 : memref<80xi32, #tpu.memory_space<vmem>>) semaphore(%arg8 : memref<!tpu.dma_semaphore, #tpu.memory_space<semaphore_mem>>) {add = true}
    %scan3A_65 = arith.constant 0 : i32
    %scan3A_66 = arith.constant 0 : i32
    %scan3A_67 = arith.constant 121 : i32
    %scan3A_68 = arith.addi %scan3A_66, %scan3A_67 : i32
    %scan3A_69 = arith.constant 1 : i32
    scf.for %scan3A_187 = %scan3A_66 to %scan3A_68 step %scan3A_69  : i32 {
      %add3A_188 = arith.constant 4 : i32
      %add3A_189 = arith.addi %scan3A_187, %add3A_188 : i32
      %dma_start3A_190 = arith.constant 0 : i32
      %dma_start3A_191 = tpu.memref_slice %arg4[%add3A_189, %dma_start3A_190] : memref<125x80xi32, #tpu.memory_space<vmem>> -> memref<1x80xi32, #tpu.memory_space<vmem>>
      %dma_start3A_192 = tpu.memref_squeeze %dma_start3A_191 : memref<1x80xi32, #tpu.memory_space<vmem>> -> memref<80xi32, #tpu.memory_space<vmem>>
      %dma_start3A_193 = arith.constant 0 : i32
      %dma_start3A_194 = arith.constant 0 : i32
      %dma_start3A_195 = tpu.memref_slice %arg7[%dma_start3A_193, %dma_start3A_194] : memref<10240x128xf32, #tpu.memory_space<vmem_shared>> -> memref<10240x128xf32, #tpu.memory_space<vmem_shared>>
      tpu.enqueue_indirect_dma source(%arg5 : memref<80x128xf32, #tpu.memory_space<vmem>>) target(%dma_start3A_195 : memref<10240x128xf32, #tpu.memory_space<vmem_shared>>) offsets(%dma_start3A_192 : memref<80xi32, #tpu.memory_space<vmem>>) semaphore(%arg8 : memref<!tpu.dma_semaphore, #tpu.memory_space<semaphore_mem>>) {add = true}
      %dma_wait3A_196 = arith.constant 0 : i32
      %dma_wait3A_197 = tpu.memref_slice %arg4[%scan3A_187, %dma_wait3A_196] : memref<125x80xi32, #tpu.memory_space<vmem>> -> memref<1x80xi32, #tpu.memory_space<vmem>>
      %dma_wait3A_198 = tpu.memref_squeeze %dma_wait3A_197 : memref<1x80xi32, #tpu.memory_space<vmem>> -> memref<80xi32, #tpu.memory_space<vmem>>
      %dma_wait3A_199 = arith.constant 0 : i32
      %dma_wait3A_200 = arith.constant 0 : i32
      %dma_wait3A_201 = tpu.memref_slice %arg7[%dma_wait3A_199, %dma_wait3A_200] : memref<10240x128xf32, #tpu.memory_space<vmem_shared>> -> memref<10240x128xf32, #tpu.memory_space<vmem_shared>>
      tpu.wait_indirect_dma semaphore(%arg8 : memref<!tpu.dma_semaphore, #tpu.memory_space<semaphore_mem>>) src(%arg5 : memref<80x128xf32, #tpu.memory_space<vmem>>) dst(%dma_wait3A_201 : memref<10240x128xf32, #tpu.memory_space<vmem_shared>>)
    }
    %scan3A_70 = arith.constant 121 : i32
    %dma_wait3A = arith.constant 121 : i32
    %dma_wait3A_71 = arith.constant 0 : i32
    %dma_wait3A_72 = tpu.memref_slice %arg4[%dma_wait3A, %dma_wait3A_71] : memref<125x80xi32, #tpu.memory_space<vmem>> -> memref<1x80xi32, #tpu.memory_space<vmem>>
    %dma_wait3A_73 = tpu.memref_squeeze %dma_wait3A_72 : memref<1x80xi32, #tpu.memory_space<vmem>> -> memref<80xi32, #tpu.memory_space<vmem>>
    %dma_wait3A_74 = arith.constant 0 : i32
    %dma_wait3A_75 = arith.constant 0 : i32
    %dma_wait3A_76 = tpu.memref_slice %arg7[%dma_wait3A_74, %dma_wait3A_75] : memref<10240x128xf32, #tpu.memory_space<vmem_shared>> -> memref<10240x128xf32, #tpu.memory_space<vmem_shared>>
    tpu.wait_indirect_dma semaphore(%arg8 : memref<!tpu.dma_semaphore, #tpu.memory_space<semaphore_mem>>) src(%arg5 : memref<80x128xf32, #tpu.memory_space<vmem>>) dst(%dma_wait3A_76 : memref<10240x128xf32, #tpu.memory_space<vmem_shared>>)
    %dma_wait3A_77 = arith.constant 122 : i32
    %dma_wait3A_78 = arith.constant 0 : i32
    %dma_wait3A_79 = tpu.memref_slice %arg4[%dma_wait3A_77, %dma_wait3A_78] : memref<125x80xi32, #tpu.memory_space<vmem>> -> memref<1x80xi32, #tpu.memory_space<vmem>>
    %dma_wait3A_80 = tpu.memref_squeeze %dma_wait3A_79 : memref<1x80xi32, #tpu.memory_space<vmem>> -> memref<80xi32, #tpu.memory_space<vmem>>
    %dma_wait3A_81 = arith.constant 0 : i32
    %dma_wait3A_82 = arith.constant 0 : i32
    %dma_wait3A_83 = tpu.memref_slice %arg7[%dma_wait3A_81, %dma_wait3A_82] : memref<10240x128xf32, #tpu.memory_space<vmem_shared>> -> memref<10240x128xf32, #tpu.memory_space<vmem_shared>>
    tpu.wait_indirect_dma semaphore(%arg8 : memref<!tpu.dma_semaphore, #tpu.memory_space<semaphore_mem>>) src(%arg5 : memref<80x128xf32, #tpu.memory_space<vmem>>) dst(%dma_wait3A_83 : memref<10240x128xf32, #tpu.memory_space<vmem_shared>>)
    %dma_wait3A_84 = arith.constant 123 : i32
    %dma_wait3A_85 = arith.constant 0 : i32
    %dma_wait3A_86 = tpu.memref_slice %arg4[%dma_wait3A_84, %dma_wait3A_85] : memref<125x80xi32, #tpu.memory_space<vmem>> -> memref<1x80xi32, #tpu.memory_space<vmem>>
    %dma_wait3A_87 = tpu.memref_squeeze %dma_wait3A_86 : memref<1x80xi32, #tpu.memory_space<vmem>> -> memref<80xi32, #tpu.memory_space<vmem>>
    %dma_wait3A_88 = arith.constant 0 : i32
    %dma_wait3A_89 = arith.constant 0 : i32
    %dma_wait3A_90 = tpu.memref_slice %arg7[%dma_wait3A_88, %dma_wait3A_89] : memref<10240x128xf32, #tpu.memory_space<vmem_shared>> -> memref<10240x128xf32, #tpu.memory_space<vmem_shared>>
    tpu.wait_indirect_dma semaphore(%arg8 : memref<!tpu.dma_semaphore, #tpu.memory_space<semaphore_mem>>) src(%arg5 : memref<80x128xf32, #tpu.memory_space<vmem>>) dst(%dma_wait3A_90 : memref<10240x128xf32, #tpu.memory_space<vmem_shared>>)
    %dma_wait3A_91 = arith.constant 124 : i32
    %dma_wait3A_92 = arith.constant 0 : i32
    %dma_wait3A_93 = tpu.memref_slice %arg4[%dma_wait3A_91, %dma_wait3A_92] : memref<125x80xi32, #tpu.memory_space<vmem>> -> memref<1x80xi32, #tpu.memory_space<vmem>>
    %dma_wait3A_94 = tpu.memref_squeeze %dma_wait3A_93 : memref<1x80xi32, #tpu.memory_space<vmem>> -> memref<80xi32, #tpu.memory_space<vmem>>
    %dma_wait3A_95 = arith.constant 0 : i32
    %dma_wait3A_96 = arith.constant 0 : i32
    %dma_wait3A_97 = tpu.memref_slice %arg7[%dma_wait3A_95, %dma_wait3A_96] : memref<10240x128xf32, #tpu.memory_space<vmem_shared>> -> memref<10240x128xf32, #tpu.memory_space<vmem_shared>>
    tpu.wait_indirect_dma semaphore(%arg8 : memref<!tpu.dma_semaphore, #tpu.memory_space<semaphore_mem>>) src(%arg5 : memref<80x128xf32, #tpu.memory_space<vmem>>) dst(%dma_wait3A_97 : memref<10240x128xf32, #tpu.memory_space<vmem_shared>>)
    %barrier3A_98 = arith.constant 0 : index
    tpu.barrier barrier_id(%barrier3A_98)
    %mul3A_99 = arith.constant 640 : i32
    %mul3A_100 = arith.muli %arg1, %mul3A_99 : i32
    %add3A_101 = arith.constant 0 : i32
    %add3A_102 = arith.addi %mul3A_100, %add3A_101 : i32
    "tpu.region"() ({
      %run_scoped3A = tpu.sem_alloc : memref<!tpu.dma_semaphore, #tpu.memory_space<semaphore_mem>>
      %dma_start3A_187 = arith.constant 0 : i32
      %dma_start3A_188 = tpu.memref_slice %arg7[%add3A_102, %dma_start3A_187] : memref<10240x128xf32, #tpu.memory_space<vmem_shared>> -> memref<80x128xf32, #tpu.memory_space<vmem_shared>>
      %dma_start3A_189 = arith.constant 0 : i32
      %dma_start3A_190 = tpu.memref_slice %arg7[%add3A_102, %dma_start3A_189] : memref<10240x128xf32, #tpu.memory_space<vmem_shared>> -> memref<80x128xf32, #tpu.memory_space<vmem_shared>>
      tpu.enqueue_dma source(%dma_start3A_190 : memref<80x128xf32, #tpu.memory_space<vmem_shared>>) target(%arg6 : memref<80x128xf32, #tpu.memory_space<vmem>>) target_semaphore(%run_scoped3A : memref<!tpu.dma_semaphore, #tpu.memory_space<semaphore_mem>>)
      %dma_wait3A_191 = arith.constant 0 : i32
      %dma_wait3A_192 = tpu.memref_slice %arg7[%add3A_102, %dma_wait3A_191] : memref<10240x128xf32, #tpu.memory_space<vmem_shared>> -> memref<80x128xf32, #tpu.memory_space<vmem_shared>>
      %dma_wait3A_193 = arith.constant 0 : i32
      %dma_wait3A_194 = tpu.memref_slice %arg7[%add3A_102, %dma_wait3A_193] : memref<10240x128xf32, #tpu.memory_space<vmem_shared>> -> memref<80x128xf32, #tpu.memory_space<vmem_shared>>
      tpu.wait_dma2 semaphore(%run_scoped3A : memref<!tpu.dma_semaphore, #tpu.memory_space<semaphore_mem>>) src(%dma_wait3A_194 : memref<80x128xf32, #tpu.memory_space<vmem_shared>>) dst(%arg6 : memref<80x128xf32, #tpu.memory_space<vmem>>)
      tpu.yield
    }) : () -> ()
    %mul3A_103 = arith.constant 10240 : i32
    %mul3A_104 = arith.muli %arg0, %mul3A_103 : i32
    %mul3A_105 = arith.constant 640 : i32
    %mul3A_106 = arith.muli %arg1, %mul3A_105 : i32
    %add3A_107 = arith.addi %mul3A_104, %mul3A_106 : i32
    %add3A_108 = arith.constant 0 : i32
    %add3A_109 = arith.addi %add3A_107, %add3A_108 : i32
    "tpu.region"() ({
      %run_scoped3A = tpu.sem_alloc : memref<!tpu.dma_semaphore, #tpu.memory_space<semaphore_mem>>
      %dma_start3A_187 = arith.constant 0 : i32
      %dma_start3A_188 = tpu.memref_slice %arg3[%add3A_109, %dma_start3A_187] : memref<20480x128xf32, #tpu.memory_space<hbm>> -> memref<80x128xf32, #tpu.memory_space<hbm>>
      %dma_start3A_189 = arith.constant 0 : i32
      %dma_start3A_190 = tpu.memref_slice %arg3[%add3A_109, %dma_start3A_189] : memref<20480x128xf32, #tpu.memory_space<hbm>> -> memref<80x128xf32, #tpu.memory_space<hbm>>
      tpu.enqueue_dma source(%arg6 : memref<80x128xf32, #tpu.memory_space<vmem>>) target(%dma_start3A_190 : memref<80x128xf32, #tpu.memory_space<hbm>>) target_semaphore(%run_scoped3A : memref<!tpu.dma_semaphore, #tpu.memory_space<semaphore_mem>>)
      %dma_wait3A_191 = arith.constant 0 : i32
      %dma_wait3A_192 = tpu.memref_slice %arg3[%add3A_109, %dma_wait3A_191] : memref<20480x128xf32, #tpu.memory_space<hbm>> -> memref<80x128xf32, #tpu.memory_space<hbm>>
      %dma_wait3A_193 = arith.constant 0 : i32
      %dma_wait3A_194 = tpu.memref_slice %arg3[%add3A_109, %dma_wait3A_193] : memref<20480x128xf32, #tpu.memory_space<hbm>> -> memref<80x128xf32, #tpu.memory_space<hbm>>
      tpu.wait_dma2 semaphore(%run_scoped3A : memref<!tpu.dma_semaphore, #tpu.memory_space<semaphore_mem>>) src(%arg6 : memref<80x128xf32, #tpu.memory_space<vmem>>) dst(%dma_wait3A_194 : memref<80x128xf32, #tpu.memory_space<hbm>>)
      tpu.yield
    }) : () -> ()
    %mul3A_110 = arith.constant 640 : i32
    %mul3A_111 = arith.muli %arg1, %mul3A_110 : i32
    %add3A_112 = arith.constant 80 : i32
    %add3A_113 = arith.addi %mul3A_111, %add3A_112 : i32
    "tpu.region"() ({
      %run_scoped3A = tpu.sem_alloc : memref<!tpu.dma_semaphore, #tpu.memory_space<semaphore_mem>>
      %dma_start3A_187 = arith.constant 0 : i32
      %dma_start3A_188 = tpu.memref_slice %arg7[%add3A_113, %dma_start3A_187] : memref<10240x128xf32, #tpu.memory_space<vmem_shared>> -> memref<80x128xf32, #tpu.memory_space<vmem_shared>>
      %dma_start3A_189 = arith.constant 0 : i32
      %dma_start3A_190 = tpu.memref_slice %arg7[%add3A_113, %dma_start3A_189] : memref<10240x128xf32, #tpu.memory_space<vmem_shared>> -> memref<80x128xf32, #tpu.memory_space<vmem_shared>>
      tpu.enqueue_dma source(%dma_start3A_190 : memref<80x128xf32, #tpu.memory_space<vmem_shared>>) target(%arg6 : memref<80x128xf32, #tpu.memory_space<vmem>>) target_semaphore(%run_scoped3A : memref<!tpu.dma_semaphore, #tpu.memory_space<semaphore_mem>>)
      %dma_wait3A_191 = arith.constant 0 : i32
      %dma_wait3A_192 = tpu.memref_slice %arg7[%add3A_113, %dma_wait3A_191] : memref<10240x128xf32, #tpu.memory_space<vmem_shared>> -> memref<80x128xf32, #tpu.memory_space<vmem_shared>>
      %dma_wait3A_193 = arith.constant 0 : i32
      %dma_wait3A_194 = tpu.memref_slice %arg7[%add3A_113, %dma_wait3A_193] : memref<10240x128xf32, #tpu.memory_space<vmem_shared>> -> memref<80x128xf32, #tpu.memory_space<vmem_shared>>
      tpu.wait_dma2 semaphore(%run_scoped3A : memref<!tpu.dma_semaphore, #tpu.memory_space<semaphore_mem>>) src(%dma_wait3A_194 : memref<80x128xf32, #tpu.memory_space<vmem_shared>>) dst(%arg6 : memref<80x128xf32, #tpu.memory_space<vmem>>)
      tpu.yield
    }) : () -> ()
    %mul3A_114 = arith.constant 10240 : i32
    %mul3A_115 = arith.muli %arg0, %mul3A_114 : i32
    %mul3A_116 = arith.constant 640 : i32
    %mul3A_117 = arith.muli %arg1, %mul3A_116 : i32
    %add3A_118 = arith.addi %mul3A_115, %mul3A_117 : i32
    %add3A_119 = arith.constant 80 : i32
    %add3A_120 = arith.addi %add3A_118, %add3A_119 : i32
    "tpu.region"() ({
      %run_scoped3A = tpu.sem_alloc : memref<!tpu.dma_semaphore, #tpu.memory_space<semaphore_mem>>
      %dma_start3A_187 = arith.constant 0 : i32
      %dma_start3A_188 = tpu.memref_slice %arg3[%add3A_120, %dma_start3A_187] : memref<20480x128xf32, #tpu.memory_space<hbm>> -> memref<80x128xf32, #tpu.memory_space<hbm>>
      %dma_start3A_189 = arith.constant 0 : i32
      %dma_start3A_190 = tpu.memref_slice %arg3[%add3A_120, %dma_start3A_189] : memref<20480x128xf32, #tpu.memory_space<hbm>> -> memref<80x128xf32, #tpu.memory_space<hbm>>
      tpu.enqueue_dma source(%arg6 : memref<80x128xf32, #tpu.memory_space<vmem>>) target(%dma_start3A_190 : memref<80x128xf32, #tpu.memory_space<hbm>>) target_semaphore(%run_scoped3A : memref<!tpu.dma_semaphore, #tpu.memory_space<semaphore_mem>>)
      %dma_wait3A_191 = arith.constant 0 : i32
      %dma_wait3A_192 = tpu.memref_slice %arg3[%add3A_120, %dma_wait3A_191] : memref<20480x128xf32, #tpu.memory_space<hbm>> -> memref<80x128xf32, #tpu.memory_space<hbm>>
      %dma_wait3A_193 = arith.constant 0 : i32
      %dma_wait3A_194 = tpu.memref_slice %arg3[%add3A_120, %dma_wait3A_193] : memref<20480x128xf32, #tpu.memory_space<hbm>> -> memref<80x128xf32, #tpu.memory_space<hbm>>
      tpu.wait_dma2 semaphore(%run_scoped3A : memref<!tpu.dma_semaphore, #tpu.memory_space<semaphore_mem>>) src(%arg6 : memref<80x128xf32, #tpu.memory_space<vmem>>) dst(%dma_wait3A_194 : memref<80x128xf32, #tpu.memory_space<hbm>>)
      tpu.yield
    }) : () -> ()
    %mul3A_121 = arith.constant 640 : i32
    %mul3A_122 = arith.muli %arg1, %mul3A_121 : i32
    %add3A_123 = arith.constant 160 : i32
    %add3A_124 = arith.addi %mul3A_122, %add3A_123 : i32
    "tpu.region"() ({
      %run_scoped3A = tpu.sem_alloc : memref<!tpu.dma_semaphore, #tpu.memory_space<semaphore_mem>>
      %dma_start3A_187 = arith.constant 0 : i32
      %dma_start3A_188 = tpu.memref_slice %arg7[%add3A_124, %dma_start3A_187] : memref<10240x128xf32, #tpu.memory_space<vmem_shared>> -> memref<80x128xf32, #tpu.memory_space<vmem_shared>>
      %dma_start3A_189 = arith.constant 0 : i32
      %dma_start3A_190 = tpu.memref_slice %arg7[%add3A_124, %dma_start3A_189] : memref<10240x128xf32, #tpu.memory_space<vmem_shared>> -> memref<80x128xf32, #tpu.memory_space<vmem_shared>>
      tpu.enqueue_dma source(%dma_start3A_190 : memref<80x128xf32, #tpu.memory_space<vmem_shared>>) target(%arg6 : memref<80x128xf32, #tpu.memory_space<vmem>>) target_semaphore(%run_scoped3A : memref<!tpu.dma_semaphore, #tpu.memory_space<semaphore_mem>>)
      %dma_wait3A_191 = arith.constant 0 : i32
      %dma_wait3A_192 = tpu.memref_slice %arg7[%add3A_124, %dma_wait3A_191] : memref<10240x128xf32, #tpu.memory_space<vmem_shared>> -> memref<80x128xf32, #tpu.memory_space<vmem_shared>>
      %dma_wait3A_193 = arith.constant 0 : i32
      %dma_wait3A_194 = tpu.memref_slice %arg7[%add3A_124, %dma_wait3A_193] : memref<10240x128xf32, #tpu.memory_space<vmem_shared>> -> memref<80x128xf32, #tpu.memory_space<vmem_shared>>
      tpu.wait_dma2 semaphore(%run_scoped3A : memref<!tpu.dma_semaphore, #tpu.memory_space<semaphore_mem>>) src(%dma_wait3A_194 : memref<80x128xf32, #tpu.memory_space<vmem_shared>>) dst(%arg6 : memref<80x128xf32, #tpu.memory_space<vmem>>)
      tpu.yield
    }) : () -> ()
    %mul3A_125 = arith.constant 10240 : i32
    %mul3A_126 = arith.muli %arg0, %mul3A_125 : i32
    %mul3A_127 = arith.constant 640 : i32
    %mul3A_128 = arith.muli %arg1, %mul3A_127 : i32
    %add3A_129 = arith.addi %mul3A_126, %mul3A_128 : i32
    %add3A_130 = arith.constant 160 : i32
    %add3A_131 = arith.addi %add3A_129, %add3A_130 : i32
    "tpu.region"() ({
      %run_scoped3A = tpu.sem_alloc : memref<!tpu.dma_semaphore, #tpu.memory_space<semaphore_mem>>
      %dma_start3A_187 = arith.constant 0 : i32
      %dma_start3A_188 = tpu.memref_slice %arg3[%add3A_131, %dma_start3A_187] : memref<20480x128xf32, #tpu.memory_space<hbm>> -> memref<80x128xf32, #tpu.memory_space<hbm>>
      %dma_start3A_189 = arith.constant 0 : i32
      %dma_start3A_190 = tpu.memref_slice %arg3[%add3A_131, %dma_start3A_189] : memref<20480x128xf32, #tpu.memory_space<hbm>> -> memref<80x128xf32, #tpu.memory_space<hbm>>
      tpu.enqueue_dma source(%arg6 : memref<80x128xf32, #tpu.memory_space<vmem>>) target(%dma_start3A_190 : memref<80x128xf32, #tpu.memory_space<hbm>>) target_semaphore(%run_scoped3A : memref<!tpu.dma_semaphore, #tpu.memory_space<semaphore_mem>>)
      %dma_wait3A_191 = arith.constant 0 : i32
      %dma_wait3A_192 = tpu.memref_slice %arg3[%add3A_131, %dma_wait3A_191] : memref<20480x128xf32, #tpu.memory_space<hbm>> -> memref<80x128xf32, #tpu.memory_space<hbm>>
      %dma_wait3A_193 = arith.constant 0 : i32
      %dma_wait3A_194 = tpu.memref_slice %arg3[%add3A_131, %dma_wait3A_193] : memref<20480x128xf32, #tpu.memory_space<hbm>> -> memref<80x128xf32, #tpu.memory_space<hbm>>
      tpu.wait_dma2 semaphore(%run_scoped3A : memref<!tpu.dma_semaphore, #tpu.memory_space<semaphore_mem>>) src(%arg6 : memref<80x128xf32, #tpu.memory_space<vmem>>) dst(%dma_wait3A_194 : memref<80x128xf32, #tpu.memory_space<hbm>>)
      tpu.yield
    }) : () -> ()
    %mul3A_132 = arith.constant 640 : i32
    %mul3A_133 = arith.muli %arg1, %mul3A_132 : i32
    %add3A_134 = arith.constant 240 : i32
    %add3A_135 = arith.addi %mul3A_133, %add3A_134 : i32
    "tpu.region"() ({
      %run_scoped3A = tpu.sem_alloc : memref<!tpu.dma_semaphore, #tpu.memory_space<semaphore_mem>>
      %dma_start3A_187 = arith.constant 0 : i32
      %dma_start3A_188 = tpu.memref_slice %arg7[%add3A_135, %dma_start3A_187] : memref<10240x128xf32, #tpu.memory_space<vmem_shared>> -> memref<80x128xf32, #tpu.memory_space<vmem_shared>>
      %dma_start3A_189 = arith.constant 0 : i32
      %dma_start3A_190 = tpu.memref_slice %arg7[%add3A_135, %dma_start3A_189] : memref<10240x128xf32, #tpu.memory_space<vmem_shared>> -> memref<80x128xf32, #tpu.memory_space<vmem_shared>>
      tpu.enqueue_dma source(%dma_start3A_190 : memref<80x128xf32, #tpu.memory_space<vmem_shared>>) target(%arg6 : memref<80x128xf32, #tpu.memory_space<vmem>>) target_semaphore(%run_scoped3A : memref<!tpu.dma_semaphore, #tpu.memory_space<semaphore_mem>>)
      %dma_wait3A_191 = arith.constant 0 : i32
      %dma_wait3A_192 = tpu.memref_slice %arg7[%add3A_135, %dma_wait3A_191] : memref<10240x128xf32, #tpu.memory_space<vmem_shared>> -> memref<80x128xf32, #tpu.memory_space<vmem_shared>>
      %dma_wait3A_193 = arith.constant 0 : i32
      %dma_wait3A_194 = tpu.memref_slice %arg7[%add3A_135, %dma_wait3A_193] : memref<10240x128xf32, #tpu.memory_space<vmem_shared>> -> memref<80x128xf32, #tpu.memory_space<vmem_shared>>
      tpu.wait_dma2 semaphore(%run_scoped3A : memref<!tpu.dma_semaphore, #tpu.memory_space<semaphore_mem>>) src(%dma_wait3A_194 : memref<80x128xf32, #tpu.memory_space<vmem_shared>>) dst(%arg6 : memref<80x128xf32, #tpu.memory_space<vmem>>)
      tpu.yield
    }) : () -> ()
    %mul3A_136 = arith.constant 10240 : i32
    %mul3A_137 = arith.muli %arg0, %mul3A_136 : i32
    %mul3A_138 = arith.constant 640 : i32
    %mul3A_139 = arith.muli %arg1, %mul3A_138 : i32
    %add3A_140 = arith.addi %mul3A_137, %mul3A_139 : i32
    %add3A_141 = arith.constant 240 : i32
    %add3A_142 = arith.addi %add3A_140, %add3A_141 : i32
    "tpu.region"() ({
      %run_scoped3A = tpu.sem_alloc : memref<!tpu.dma_semaphore, #tpu.memory_space<semaphore_mem>>
      %dma_start3A_187 = arith.constant 0 : i32
      %dma_start3A_188 = tpu.memref_slice %arg3[%add3A_142, %dma_start3A_187] : memref<20480x128xf32, #tpu.memory_space<hbm>> -> memref<80x128xf32, #tpu.memory_space<hbm>>
      %dma_start3A_189 = arith.constant 0 : i32
      %dma_start3A_190 = tpu.memref_slice %arg3[%add3A_142, %dma_start3A_189] : memref<20480x128xf32, #tpu.memory_space<hbm>> -> memref<80x128xf32, #tpu.memory_space<hbm>>
      tpu.enqueue_dma source(%arg6 : memref<80x128xf32, #tpu.memory_space<vmem>>) target(%dma_start3A_190 : memref<80x128xf32, #tpu.memory_space<hbm>>) target_semaphore(%run_scoped3A : memref<!tpu.dma_semaphore, #tpu.memory_space<semaphore_mem>>)
      %dma_wait3A_191 = arith.constant 0 : i32
      %dma_wait3A_192 = tpu.memref_slice %arg3[%add3A_142, %dma_wait3A_191] : memref<20480x128xf32, #tpu.memory_space<hbm>> -> memref<80x128xf32, #tpu.memory_space<hbm>>
      %dma_wait3A_193 = arith.constant 0 : i32
      %dma_wait3A_194 = tpu.memref_slice %arg3[%add3A_142, %dma_wait3A_193] : memref<20480x128xf32, #tpu.memory_space<hbm>> -> memref<80x128xf32, #tpu.memory_space<hbm>>
      tpu.wait_dma2 semaphore(%run_scoped3A : memref<!tpu.dma_semaphore, #tpu.memory_space<semaphore_mem>>) src(%arg6 : memref<80x128xf32, #tpu.memory_space<vmem>>) dst(%dma_wait3A_194 : memref<80x128xf32, #tpu.memory_space<hbm>>)
      tpu.yield
    }) : () -> ()
    %mul3A_143 = arith.constant 640 : i32
    %mul3A_144 = arith.muli %arg1, %mul3A_143 : i32
    %add3A_145 = arith.constant 320 : i32
    %add3A_146 = arith.addi %mul3A_144, %add3A_145 : i32
    "tpu.region"() ({
      %run_scoped3A = tpu.sem_alloc : memref<!tpu.dma_semaphore, #tpu.memory_space<semaphore_mem>>
      %dma_start3A_187 = arith.constant 0 : i32
      %dma_start3A_188 = tpu.memref_slice %arg7[%add3A_146, %dma_start3A_187] : memref<10240x128xf32, #tpu.memory_space<vmem_shared>> -> memref<80x128xf32, #tpu.memory_space<vmem_shared>>
      %dma_start3A_189 = arith.constant 0 : i32
      %dma_start3A_190 = tpu.memref_slice %arg7[%add3A_146, %dma_start3A_189] : memref<10240x128xf32, #tpu.memory_space<vmem_shared>> -> memref<80x128xf32, #tpu.memory_space<vmem_shared>>
      tpu.enqueue_dma source(%dma_start3A_190 : memref<80x128xf32, #tpu.memory_space<vmem_shared>>) target(%arg6 : memref<80x128xf32, #tpu.memory_space<vmem>>) target_semaphore(%run_scoped3A : memref<!tpu.dma_semaphore, #tpu.memory_space<semaphore_mem>>)
      %dma_wait3A_191 = arith.constant 0 : i32
      %dma_wait3A_192 = tpu.memref_slice %arg7[%add3A_146, %dma_wait3A_191] : memref<10240x128xf32, #tpu.memory_space<vmem_shared>> -> memref<80x128xf32, #tpu.memory_space<vmem_shared>>
      %dma_wait3A_193 = arith.constant 0 : i32
      %dma_wait3A_194 = tpu.memref_slice %arg7[%add3A_146, %dma_wait3A_193] : memref<10240x128xf32, #tpu.memory_space<vmem_shared>> -> memref<80x128xf32, #tpu.memory_space<vmem_shared>>
      tpu.wait_dma2 semaphore(%run_scoped3A : memref<!tpu.dma_semaphore, #tpu.memory_space<semaphore_mem>>) src(%dma_wait3A_194 : memref<80x128xf32, #tpu.memory_space<vmem_shared>>) dst(%arg6 : memref<80x128xf32, #tpu.memory_space<vmem>>)
      tpu.yield
    }) : () -> ()
    %mul3A_147 = arith.constant 10240 : i32
    %mul3A_148 = arith.muli %arg0, %mul3A_147 : i32
    %mul3A_149 = arith.constant 640 : i32
    %mul3A_150 = arith.muli %arg1, %mul3A_149 : i32
    %add3A_151 = arith.addi %mul3A_148, %mul3A_150 : i32
    %add3A_152 = arith.constant 320 : i32
    %add3A_153 = arith.addi %add3A_151, %add3A_152 : i32
    "tpu.region"() ({
      %run_scoped3A = tpu.sem_alloc : memref<!tpu.dma_semaphore, #tpu.memory_space<semaphore_mem>>
      %dma_start3A_187 = arith.constant 0 : i32
      %dma_start3A_188 = tpu.memref_slice %arg3[%add3A_153, %dma_start3A_187] : memref<20480x128xf32, #tpu.memory_space<hbm>> -> memref<80x128xf32, #tpu.memory_space<hbm>>
      %dma_start3A_189 = arith.constant 0 : i32
      %dma_start3A_190 = tpu.memref_slice %arg3[%add3A_153, %dma_start3A_189] : memref<20480x128xf32, #tpu.memory_space<hbm>> -> memref<80x128xf32, #tpu.memory_space<hbm>>
      tpu.enqueue_dma source(%arg6 : memref<80x128xf32, #tpu.memory_space<vmem>>) target(%dma_start3A_190 : memref<80x128xf32, #tpu.memory_space<hbm>>) target_semaphore(%run_scoped3A : memref<!tpu.dma_semaphore, #tpu.memory_space<semaphore_mem>>)
      %dma_wait3A_191 = arith.constant 0 : i32
      %dma_wait3A_192 = tpu.memref_slice %arg3[%add3A_153, %dma_wait3A_191] : memref<20480x128xf32, #tpu.memory_space<hbm>> -> memref<80x128xf32, #tpu.memory_space<hbm>>
      %dma_wait3A_193 = arith.constant 0 : i32
      %dma_wait3A_194 = tpu.memref_slice %arg3[%add3A_153, %dma_wait3A_193] : memref<20480x128xf32, #tpu.memory_space<hbm>> -> memref<80x128xf32, #tpu.memory_space<hbm>>
      tpu.wait_dma2 semaphore(%run_scoped3A : memref<!tpu.dma_semaphore, #tpu.memory_space<semaphore_mem>>) src(%arg6 : memref<80x128xf32, #tpu.memory_space<vmem>>) dst(%dma_wait3A_194 : memref<80x128xf32, #tpu.memory_space<hbm>>)
      tpu.yield
    }) : () -> ()
    %mul3A_154 = arith.constant 640 : i32
    %mul3A_155 = arith.muli %arg1, %mul3A_154 : i32
    %add3A_156 = arith.constant 400 : i32
    %add3A_157 = arith.addi %mul3A_155, %add3A_156 : i32
    "tpu.region"() ({
      %run_scoped3A = tpu.sem_alloc : memref<!tpu.dma_semaphore, #tpu.memory_space<semaphore_mem>>
      %dma_start3A_187 = arith.constant 0 : i32
      %dma_start3A_188 = tpu.memref_slice %arg7[%add3A_157, %dma_start3A_187] : memref<10240x128xf32, #tpu.memory_space<vmem_shared>> -> memref<80x128xf32, #tpu.memory_space<vmem_shared>>
      %dma_start3A_189 = arith.constant 0 : i32
      %dma_start3A_190 = tpu.memref_slice %arg7[%add3A_157, %dma_start3A_189] : memref<10240x128xf32, #tpu.memory_space<vmem_shared>> -> memref<80x128xf32, #tpu.memory_space<vmem_shared>>
      tpu.enqueue_dma source(%dma_start3A_190 : memref<80x128xf32, #tpu.memory_space<vmem_shared>>) target(%arg6 : memref<80x128xf32, #tpu.memory_space<vmem>>) target_semaphore(%run_scoped3A : memref<!tpu.dma_semaphore, #tpu.memory_space<semaphore_mem>>)
      %dma_wait3A_191 = arith.constant 0 : i32
      %dma_wait3A_192 = tpu.memref_slice %arg7[%add3A_157, %dma_wait3A_191] : memref<10240x128xf32, #tpu.memory_space<vmem_shared>> -> memref<80x128xf32, #tpu.memory_space<vmem_shared>>
      %dma_wait3A_193 = arith.constant 0 : i32
      %dma_wait3A_194 = tpu.memref_slice %arg7[%add3A_157, %dma_wait3A_193] : memref<10240x128xf32, #tpu.memory_space<vmem_shared>> -> memref<80x128xf32, #tpu.memory_space<vmem_shared>>
      tpu.wait_dma2 semaphore(%run_scoped3A : memref<!tpu.dma_semaphore, #tpu.memory_space<semaphore_mem>>) src(%dma_wait3A_194 : memref<80x128xf32, #tpu.memory_space<vmem_shared>>) dst(%arg6 : memref<80x128xf32, #tpu.memory_space<vmem>>)
      tpu.yield
    }) : () -> ()
    %mul3A_158 = arith.constant 10240 : i32
    %mul3A_159 = arith.muli %arg0, %mul3A_158 : i32
    %mul3A_160 = arith.constant 640 : i32
    %mul3A_161 = arith.muli %arg1, %mul3A_160 : i32
    %add3A_162 = arith.addi %mul3A_159, %mul3A_161 : i32
    %add3A_163 = arith.constant 400 : i32
    %add3A_164 = arith.addi %add3A_162, %add3A_163 : i32
    "tpu.region"() ({
      %run_scoped3A = tpu.sem_alloc : memref<!tpu.dma_semaphore, #tpu.memory_space<semaphore_mem>>
      %dma_start3A_187 = arith.constant 0 : i32
      %dma_start3A_188 = tpu.memref_slice %arg3[%add3A_164, %dma_start3A_187] : memref<20480x128xf32, #tpu.memory_space<hbm>> -> memref<80x128xf32, #tpu.memory_space<hbm>>
      %dma_start3A_189 = arith.constant 0 : i32
      %dma_start3A_190 = tpu.memref_slice %arg3[%add3A_164, %dma_start3A_189] : memref<20480x128xf32, #tpu.memory_space<hbm>> -> memref<80x128xf32, #tpu.memory_space<hbm>>
      tpu.enqueue_dma source(%arg6 : memref<80x128xf32, #tpu.memory_space<vmem>>) target(%dma_start3A_190 : memref<80x128xf32, #tpu.memory_space<hbm>>) target_semaphore(%run_scoped3A : memref<!tpu.dma_semaphore, #tpu.memory_space<semaphore_mem>>)
      %dma_wait3A_191 = arith.constant 0 : i32
      %dma_wait3A_192 = tpu.memref_slice %arg3[%add3A_164, %dma_wait3A_191] : memref<20480x128xf32, #tpu.memory_space<hbm>> -> memref<80x128xf32, #tpu.memory_space<hbm>>
      %dma_wait3A_193 = arith.constant 0 : i32
      %dma_wait3A_194 = tpu.memref_slice %arg3[%add3A_164, %dma_wait3A_193] : memref<20480x128xf32, #tpu.memory_space<hbm>> -> memref<80x128xf32, #tpu.memory_space<hbm>>
      tpu.wait_dma2 semaphore(%run_scoped3A : memref<!tpu.dma_semaphore, #tpu.memory_space<semaphore_mem>>) src(%arg6 : memref<80x128xf32, #tpu.memory_space<vmem>>) dst(%dma_wait3A_194 : memref<80x128xf32, #tpu.memory_space<hbm>>)
      tpu.yield
    }) : () -> ()
    %mul3A_165 = arith.constant 640 : i32
    %mul3A_166 = arith.muli %arg1, %mul3A_165 : i32
    %add3A_167 = arith.constant 480 : i32
    %add3A_168 = arith.addi %mul3A_166, %add3A_167 : i32
    "tpu.region"() ({
      %run_scoped3A = tpu.sem_alloc : memref<!tpu.dma_semaphore, #tpu.memory_space<semaphore_mem>>
      %dma_start3A_187 = arith.constant 0 : i32
      %dma_start3A_188 = tpu.memref_slice %arg7[%add3A_168, %dma_start3A_187] : memref<10240x128xf32, #tpu.memory_space<vmem_shared>> -> memref<80x128xf32, #tpu.memory_space<vmem_shared>>
      %dma_start3A_189 = arith.constant 0 : i32
      %dma_start3A_190 = tpu.memref_slice %arg7[%add3A_168, %dma_start3A_189] : memref<10240x128xf32, #tpu.memory_space<vmem_shared>> -> memref<80x128xf32, #tpu.memory_space<vmem_shared>>
      tpu.enqueue_dma source(%dma_start3A_190 : memref<80x128xf32, #tpu.memory_space<vmem_shared>>) target(%arg6 : memref<80x128xf32, #tpu.memory_space<vmem>>) target_semaphore(%run_scoped3A : memref<!tpu.dma_semaphore, #tpu.memory_space<semaphore_mem>>)
      %dma_wait3A_191 = arith.constant 0 : i32
      %dma_wait3A_192 = tpu.memref_slice %arg7[%add3A_168, %dma_wait3A_191] : memref<10240x128xf32, #tpu.memory_space<vmem_shared>> -> memref<80x128xf32, #tpu.memory_space<vmem_shared>>
      %dma_wait3A_193 = arith.constant 0 : i32
      %dma_wait3A_194 = tpu.memref_slice %arg7[%add3A_168, %dma_wait3A_193] : memref<10240x128xf32, #tpu.memory_space<vmem_shared>> -> memref<80x128xf32, #tpu.memory_space<vmem_shared>>
      tpu.wait_dma2 semaphore(%run_scoped3A : memref<!tpu.dma_semaphore, #tpu.memory_space<semaphore_mem>>) src(%dma_wait3A_194 : memref<80x128xf32, #tpu.memory_space<vmem_shared>>) dst(%arg6 : memref<80x128xf32, #tpu.memory_space<vmem>>)
      tpu.yield
    }) : () -> ()
    %mul3A_169 = arith.constant 10240 : i32
    %mul3A_170 = arith.muli %arg0, %mul3A_169 : i32
    %mul3A_171 = arith.constant 640 : i32
    %mul3A_172 = arith.muli %arg1, %mul3A_171 : i32
    %add3A_173 = arith.addi %mul3A_170, %mul3A_172 : i32
    %add3A_174 = arith.constant 480 : i32
    %add3A_175 = arith.addi %add3A_173, %add3A_174 : i32
    "tpu.region"() ({
      %run_scoped3A = tpu.sem_alloc : memref<!tpu.dma_semaphore, #tpu.memory_space<semaphore_mem>>
      %dma_start3A_187 = arith.constant 0 : i32
      %dma_start3A_188 = tpu.memref_slice %arg3[%add3A_175, %dma_start3A_187] : memref<20480x128xf32, #tpu.memory_space<hbm>> -> memref<80x128xf32, #tpu.memory_space<hbm>>
      %dma_start3A_189 = arith.constant 0 : i32
      %dma_start3A_190 = tpu.memref_slice %arg3[%add3A_175, %dma_start3A_189] : memref<20480x128xf32, #tpu.memory_space<hbm>> -> memref<80x128xf32, #tpu.memory_space<hbm>>
      tpu.enqueue_dma source(%arg6 : memref<80x128xf32, #tpu.memory_space<vmem>>) target(%dma_start3A_190 : memref<80x128xf32, #tpu.memory_space<hbm>>) target_semaphore(%run_scoped3A : memref<!tpu.dma_semaphore, #tpu.memory_space<semaphore_mem>>)
      %dma_wait3A_191 = arith.constant 0 : i32
      %dma_wait3A_192 = tpu.memref_slice %arg3[%add3A_175, %dma_wait3A_191] : memref<20480x128xf32, #tpu.memory_space<hbm>> -> memref<80x128xf32, #tpu.memory_space<hbm>>
      %dma_wait3A_193 = arith.constant 0 : i32
      %dma_wait3A_194 = tpu.memref_slice %arg3[%add3A_175, %dma_wait3A_193] : memref<20480x128xf32, #tpu.memory_space<hbm>> -> memref<80x128xf32, #tpu.memory_space<hbm>>
      tpu.wait_dma2 semaphore(%run_scoped3A : memref<!tpu.dma_semaphore, #tpu.memory_space<semaphore_mem>>) src(%arg6 : memref<80x128xf32, #tpu.memory_space<vmem>>) dst(%dma_wait3A_194 : memref<80x128xf32, #tpu.memory_space<hbm>>)
      tpu.yield
    }) : () -> ()
    %mul3A_176 = arith.constant 640 : i32
    %mul3A_177 = arith.muli %arg1, %mul3A_176 : i32
    %add3A_178 = arith.constant 560 : i32
    %add3A_179 = arith.addi %mul3A_177, %add3A_178 : i32
    "tpu.region"() ({
      %run_scoped3A = tpu.sem_alloc : memref<!tpu.dma_semaphore, #tpu.memory_space<semaphore_mem>>
      %dma_start3A_187 = arith.constant 0 : i32
      %dma_start3A_188 = tpu.memref_slice %arg7[%add3A_179, %dma_start3A_187] : memref<10240x128xf32, #tpu.memory_space<vmem_shared>> -> memref<80x128xf32, #tpu.memory_space<vmem_shared>>
      %dma_start3A_189 = arith.constant 0 : i32
      %dma_start3A_190 = tpu.memref_slice %arg7[%add3A_179, %dma_start3A_189] : memref<10240x128xf32, #tpu.memory_space<vmem_shared>> -> memref<80x128xf32, #tpu.memory_space<vmem_shared>>
      tpu.enqueue_dma source(%dma_start3A_190 : memref<80x128xf32, #tpu.memory_space<vmem_shared>>) target(%arg6 : memref<80x128xf32, #tpu.memory_space<vmem>>) target_semaphore(%run_scoped3A : memref<!tpu.dma_semaphore, #tpu.memory_space<semaphore_mem>>)
      %dma_wait3A_191 = arith.constant 0 : i32
      %dma_wait3A_192 = tpu.memref_slice %arg7[%add3A_179, %dma_wait3A_191] : memref<10240x128xf32, #tpu.memory_space<vmem_shared>> -> memref<80x128xf32, #tpu.memory_space<vmem_shared>>
      %dma_wait3A_193 = arith.constant 0 : i32
      %dma_wait3A_194 = tpu.memref_slice %arg7[%add3A_179, %dma_wait3A_193] : memref<10240x128xf32, #tpu.memory_space<vmem_shared>> -> memref<80x128xf32, #tpu.memory_space<vmem_shared>>
      tpu.wait_dma2 semaphore(%run_scoped3A : memref<!tpu.dma_semaphore, #tpu.memory_space<semaphore_mem>>) src(%dma_wait3A_194 : memref<80x128xf32, #tpu.memory_space<vmem_shared>>) dst(%arg6 : memref<80x128xf32, #tpu.memory_space<vmem>>)
      tpu.yield
    }) : () -> ()
    %mul3A_180 = arith.constant 10240 : i32
    %mul3A_181 = arith.muli %arg0, %mul3A_180 : i32
    %mul3A_182 = arith.constant 640 : i32
    %mul3A_183 = arith.muli %arg1, %mul3A_182 : i32
    %add3A_184 = arith.addi %mul3A_181, %mul3A_183 : i32
    %add3A_185 = arith.constant 560 : i32
    %add3A_186 = arith.addi %add3A_184, %add3A_185 : i32
    "tpu.region"() ({
      %run_scoped3A = tpu.sem_alloc : memref<!tpu.dma_semaphore, #tpu.memory_space<semaphore_mem>>
      %dma_start3A_187 = arith.constant 0 : i32
      %dma_start3A_188 = tpu.memref_slice %arg3[%add3A_186, %dma_start3A_187] : memref<20480x128xf32, #tpu.memory_space<hbm>> -> memref<80x128xf32, #tpu.memory_space<hbm>>
      %dma_start3A_189 = arith.constant 0 : i32
      %dma_start3A_190 = tpu.memref_slice %arg3[%add3A_186, %dma_start3A_189] : memref<20480x128xf32, #tpu.memory_space<hbm>> -> memref<80x128xf32, #tpu.memory_space<hbm>>
      tpu.enqueue_dma source(%arg6 : memref<80x128xf32, #tpu.memory_space<vmem>>) target(%dma_start3A_190 : memref<80x128xf32, #tpu.memory_space<hbm>>) target_semaphore(%run_scoped3A : memref<!tpu.dma_semaphore, #tpu.memory_space<semaphore_mem>>)
      %dma_wait3A_191 = arith.constant 0 : i32
      %dma_wait3A_192 = tpu.memref_slice %arg3[%add3A_186, %dma_wait3A_191] : memref<20480x128xf32, #tpu.memory_space<hbm>> -> memref<80x128xf32, #tpu.memory_space<hbm>>
      %dma_wait3A_193 = arith.constant 0 : i32
      %dma_wait3A_194 = tpu.memref_slice %arg3[%add3A_186, %dma_wait3A_193] : memref<20480x128xf32, #tpu.memory_space<hbm>> -> memref<80x128xf32, #tpu.memory_space<hbm>>
      tpu.wait_dma2 semaphore(%run_scoped3A : memref<!tpu.dma_semaphore, #tpu.memory_space<semaphore_mem>>) src(%arg6 : memref<80x128xf32, #tpu.memory_space<vmem>>) dst(%dma_wait3A_194 : memref<80x128xf32, #tpu.memory_space<hbm>>)
      tpu.yield
    }) : () -> ()
    return
  }
}

#map = affine_map<(d0, d1) -> (0, 0)>
#map1 = affine_map<(d0, d1) -> (0, 0, 0)>
module attributes {stable_mosaic.version = 14 : i64} {
  func.func @_scatter_k(%arg0: i32, %arg1: i32, %arg2: memref<320000x128xf32, #tpu.memory_space<hbm>>, %arg3: memref<32x125x80xi32, #tpu.memory_space<hbm>>, %arg4: memref<20480x128xf32, #tpu.memory_space<hbm>>, %arg5: memref<125x80xi32, #tpu.memory_space<vmem>>, %arg6: memref<3x80x128xf32, #tpu.memory_space<vmem>>, %arg7: memref<10240x128xf32, #tpu.memory_space<vmem_shared>>, %arg8: memref<!tpu.dma_semaphore, #tpu.memory_space<semaphore_mem>>, %arg9: memref<!tpu.dma_semaphore, #tpu.memory_space<semaphore_mem>>, %arg10: memref<!tpu.dma_semaphore, #tpu.memory_space<semaphore_mem>>, %arg11: memref<!tpu.dma_semaphore, #tpu.memory_space<semaphore_mem>>, %arg12: memref<!tpu.dma_semaphore, #tpu.memory_space<semaphore_mem>>, %arg13: memref<!tpu.dma_semaphore, #tpu.memory_space<semaphore_mem>>) attributes {dimension_semantics = [#tpu.dimension_semantics<core_parallel>, #tpu.dimension_semantics<subcore_parallel>], iteration_bounds = array<i64: 2, 16>, scalar_prefetch = 0 : i64, scratch_operands = 9 : i64, tpu.core_type = #tpu.core_type<sc_vector_subcore>, window_params = [{transform_indices = #map}, {transform_indices = #map1}, {transform_indices = #map}]} {
    %mul3A = arith.constant 2 : i32
    %mul3A_0 = arith.muli %arg1, %mul3A : i32
    %add3A = arith.addi %mul3A_0, %arg0 : i32
    %scan3A = arith.constant 0 : i32
    %scan3A_1 = arith.constant 0 : i32
    %scan3A_2 = arith.constant 80 : i32
    %scan3A_3 = arith.addi %scan3A_1, %scan3A_2 : i32
    %scan3A_4 = arith.constant 1 : i32
    scf.for %scan3A_304 = %scan3A_1 to %scan3A_3 step %scan3A_4  : i32 {
      %broadcast_in_dim3A = arith.constant 0.000000e+00 : f32
      %broadcast_in_dim3A_305 = vector.broadcast %broadcast_in_dim3A : f32 to vector<16xf32>
      %swap3A = arith.constant 0 : i32
      %swap3A_306 = arith.index_cast %swap3A : i32 to index
      %swap3A_307 = arith.index_cast %scan3A_304 : i32 to index
      %swap3A_308 = arith.constant 0 : index
      %swap3A_309 = tpu.vector_load %arg6[%swap3A_306, %swap3A_307, %swap3A_308] {strides = array<i32>} : memref<3x80x128xf32, #tpu.memory_space<vmem>>, vector<1x1x16xf32>,
      %swap3A_310 = vector.shape_cast %swap3A_309 : vector<1x1x16xf32> to vector<16xf32>
      %swap3A_311 = vector.shape_cast %broadcast_in_dim3A_305 : vector<16xf32> to vector<1x1x16xf32>
      tpu.vector_store %arg6[%swap3A_306, %swap3A_307, %swap3A_308], %swap3A_311 {strides = array<i32>} : memref<3x80x128xf32, #tpu.memory_space<vmem>>, vector<1x1x16xf32>,
      %broadcast_in_dim3A_312 = arith.constant 0.000000e+00 : f32
      %broadcast_in_dim3A_313 = vector.broadcast %broadcast_in_dim3A_312 : f32 to vector<16xf32>
      %swap3A_314 = arith.constant 0 : i32
      %swap3A_315 = arith.index_cast %swap3A_314 : i32 to index
      %swap3A_316 = arith.index_cast %scan3A_304 : i32 to index
      %swap3A_317 = arith.constant 16 : index
      %swap3A_318 = tpu.vector_load %arg6[%swap3A_315, %swap3A_316, %swap3A_317] {strides = array<i32>} : memref<3x80x128xf32, #tpu.memory_space<vmem>>, vector<1x1x16xf32>,
      %swap3A_319 = vector.shape_cast %swap3A_318 : vector<1x1x16xf32> to vector<16xf32>
      %swap3A_320 = vector.shape_cast %broadcast_in_dim3A_313 : vector<16xf32> to vector<1x1x16xf32>
      tpu.vector_store %arg6[%swap3A_315, %swap3A_316, %swap3A_317], %swap3A_320 {strides = array<i32>} : memref<3x80x128xf32, #tpu.memory_space<vmem>>, vector<1x1x16xf32>,
      %broadcast_in_dim3A_321 = arith.constant 0.000000e+00 : f32
      %broadcast_in_dim3A_322 = vector.broadcast %broadcast_in_dim3A_321 : f32 to vector<16xf32>
      %swap3A_323 = arith.constant 0 : i32
      %swap3A_324 = arith.index_cast %swap3A_323 : i32 to index
      %swap3A_325 = arith.index_cast %scan3A_304 : i32 to index
      %swap3A_326 = arith.constant 32 : index
      %swap3A_327 = tpu.vector_load %arg6[%swap3A_324, %swap3A_325, %swap3A_326] {strides = array<i32>} : memref<3x80x128xf32, #tpu.memory_space<vmem>>, vector<1x1x16xf32>,
      %swap3A_328 = vector.shape_cast %swap3A_327 : vector<1x1x16xf32> to vector<16xf32>
      %swap3A_329 = vector.shape_cast %broadcast_in_dim3A_322 : vector<16xf32> to vector<1x1x16xf32>
      tpu.vector_store %arg6[%swap3A_324, %swap3A_325, %swap3A_326], %swap3A_329 {strides = array<i32>} : memref<3x80x128xf32, #tpu.memory_space<vmem>>, vector<1x1x16xf32>,
      %broadcast_in_dim3A_330 = arith.constant 0.000000e+00 : f32
      %broadcast_in_dim3A_331 = vector.broadcast %broadcast_in_dim3A_330 : f32 to vector<16xf32>
      %swap3A_332 = arith.constant 0 : i32
      %swap3A_333 = arith.index_cast %swap3A_332 : i32 to index
      %swap3A_334 = arith.index_cast %scan3A_304 : i32 to index
      %swap3A_335 = arith.constant 48 : index
      %swap3A_336 = tpu.vector_load %arg6[%swap3A_333, %swap3A_334, %swap3A_335] {strides = array<i32>} : memref<3x80x128xf32, #tpu.memory_space<vmem>>, vector<1x1x16xf32>,
      %swap3A_337 = vector.shape_cast %swap3A_336 : vector<1x1x16xf32> to vector<16xf32>
      %swap3A_338 = vector.shape_cast %broadcast_in_dim3A_331 : vector<16xf32> to vector<1x1x16xf32>
      tpu.vector_store %arg6[%swap3A_333, %swap3A_334, %swap3A_335], %swap3A_338 {strides = array<i32>} : memref<3x80x128xf32, #tpu.memory_space<vmem>>, vector<1x1x16xf32>,
      %broadcast_in_dim3A_339 = arith.constant 0.000000e+00 : f32
      %broadcast_in_dim3A_340 = vector.broadcast %broadcast_in_dim3A_339 : f32 to vector<16xf32>
      %swap3A_341 = arith.constant 0 : i32
      %swap3A_342 = arith.index_cast %swap3A_341 : i32 to index
      %swap3A_343 = arith.index_cast %scan3A_304 : i32 to index
      %swap3A_344 = arith.constant 64 : index
      %swap3A_345 = tpu.vector_load %arg6[%swap3A_342, %swap3A_343, %swap3A_344] {strides = array<i32>} : memref<3x80x128xf32, #tpu.memory_space<vmem>>, vector<1x1x16xf32>,
      %swap3A_346 = vector.shape_cast %swap3A_345 : vector<1x1x16xf32> to vector<16xf32>
      %swap3A_347 = vector.shape_cast %broadcast_in_dim3A_340 : vector<16xf32> to vector<1x1x16xf32>
      tpu.vector_store %arg6[%swap3A_342, %swap3A_343, %swap3A_344], %swap3A_347 {strides = array<i32>} : memref<3x80x128xf32, #tpu.memory_space<vmem>>, vector<1x1x16xf32>,
      %broadcast_in_dim3A_348 = arith.constant 0.000000e+00 : f32
      %broadcast_in_dim3A_349 = vector.broadcast %broadcast_in_dim3A_348 : f32 to vector<16xf32>
      %swap3A_350 = arith.constant 0 : i32
      %swap3A_351 = arith.index_cast %swap3A_350 : i32 to index
      %swap3A_352 = arith.index_cast %scan3A_304 : i32 to index
      %swap3A_353 = arith.constant 80 : index
      %swap3A_354 = tpu.vector_load %arg6[%swap3A_351, %swap3A_352, %swap3A_353] {strides = array<i32>} : memref<3x80x128xf32, #tpu.memory_space<vmem>>, vector<1x1x16xf32>,
      %swap3A_355 = vector.shape_cast %swap3A_354 : vector<1x1x16xf32> to vector<16xf32>
      %swap3A_356 = vector.shape_cast %broadcast_in_dim3A_349 : vector<16xf32> to vector<1x1x16xf32>
      tpu.vector_store %arg6[%swap3A_351, %swap3A_352, %swap3A_353], %swap3A_356 {strides = array<i32>} : memref<3x80x128xf32, #tpu.memory_space<vmem>>, vector<1x1x16xf32>,
      %broadcast_in_dim3A_357 = arith.constant 0.000000e+00 : f32
      %broadcast_in_dim3A_358 = vector.broadcast %broadcast_in_dim3A_357 : f32 to vector<16xf32>
      %swap3A_359 = arith.constant 0 : i32
      %swap3A_360 = arith.index_cast %swap3A_359 : i32 to index
      %swap3A_361 = arith.index_cast %scan3A_304 : i32 to index
      %swap3A_362 = arith.constant 96 : index
      %swap3A_363 = tpu.vector_load %arg6[%swap3A_360, %swap3A_361, %swap3A_362] {strides = array<i32>} : memref<3x80x128xf32, #tpu.memory_space<vmem>>, vector<1x1x16xf32>,
      %swap3A_364 = vector.shape_cast %swap3A_363 : vector<1x1x16xf32> to vector<16xf32>
      %swap3A_365 = vector.shape_cast %broadcast_in_dim3A_358 : vector<16xf32> to vector<1x1x16xf32>
      tpu.vector_store %arg6[%swap3A_360, %swap3A_361, %swap3A_362], %swap3A_365 {strides = array<i32>} : memref<3x80x128xf32, #tpu.memory_space<vmem>>, vector<1x1x16xf32>,
      %broadcast_in_dim3A_366 = arith.constant 0.000000e+00 : f32
      %broadcast_in_dim3A_367 = vector.broadcast %broadcast_in_dim3A_366 : f32 to vector<16xf32>
      %swap3A_368 = arith.constant 0 : i32
      %swap3A_369 = arith.index_cast %swap3A_368 : i32 to index
      %swap3A_370 = arith.index_cast %scan3A_304 : i32 to index
      %swap3A_371 = arith.constant 112 : index
      %swap3A_372 = tpu.vector_load %arg6[%swap3A_369, %swap3A_370, %swap3A_371] {strides = array<i32>} : memref<3x80x128xf32, #tpu.memory_space<vmem>>, vector<1x1x16xf32>,
      %swap3A_373 = vector.shape_cast %swap3A_372 : vector<1x1x16xf32> to vector<16xf32>
      %swap3A_374 = vector.shape_cast %broadcast_in_dim3A_367 : vector<16xf32> to vector<1x1x16xf32>
      tpu.vector_store %arg6[%swap3A_369, %swap3A_370, %swap3A_371], %swap3A_374 {strides = array<i32>} : memref<3x80x128xf32, #tpu.memory_space<vmem>>, vector<1x1x16xf32>,
    }
    %scan3A_5 = arith.constant 80 : i32
    %mul3A_6 = arith.constant 640 : i32
    %mul3A_7 = arith.muli %arg1, %mul3A_6 : i32
    %add3A_8 = arith.constant 0 : i32
    %add3A_9 = arith.addi %mul3A_7, %add3A_8 : i32
    %run_scoped3A = arith.constant 0 : i32
    "tpu.region"() ({
      %run_scoped3A_304 = tpu.sem_alloc : memref<!tpu.dma_semaphore, #tpu.memory_space<semaphore_mem>>
      %dma_start3A_305 = arith.constant 0 : i32
      %dma_start3A_306 = arith.constant 0 : i32
      %dma_start3A_307 = tpu.memref_slice %arg6[%run_scoped3A, %dma_start3A_305, %dma_start3A_306] : memref<3x80x128xf32, #tpu.memory_space<vmem>> -> memref<1x80x128xf32, #tpu.memory_space<vmem>>
      %dma_start3A_308 = tpu.memref_squeeze %dma_start3A_307 : memref<1x80x128xf32, #tpu.memory_space<vmem>> -> memref<80x128xf32, #tpu.memory_space<vmem>>
      %dma_start3A_309 = arith.constant 0 : i32
      %dma_start3A_310 = tpu.memref_slice %arg7[%add3A_9, %dma_start3A_309] : memref<10240x128xf32, #tpu.memory_space<vmem_shared>> -> memref<80x128xf32, #tpu.memory_space<vmem_shared>>
      %dma_start3A_311 = arith.constant 0 : i32
      %dma_start3A_312 = tpu.memref_slice %arg7[%add3A_9, %dma_start3A_311] : memref<10240x128xf32, #tpu.memory_space<vmem_shared>> -> memref<80x128xf32, #tpu.memory_space<vmem_shared>>
      %dma_start3A_313 = arith.constant 0 : i32
      %dma_start3A_314 = arith.constant 0 : i32
      %dma_start3A_315 = tpu.memref_slice %arg6[%run_scoped3A, %dma_start3A_313, %dma_start3A_314] : memref<3x80x128xf32, #tpu.memory_space<vmem>> -> memref<1x80x128xf32, #tpu.memory_space<vmem>>
      %dma_start3A_316 = tpu.memref_squeeze %dma_start3A_315 : memref<1x80x128xf32, #tpu.memory_space<vmem>> -> memref<80x128xf32, #tpu.memory_space<vmem>>
      tpu.enqueue_dma source(%dma_start3A_316 : memref<80x128xf32, #tpu.memory_space<vmem>>) target(%dma_start3A_312 : memref<80x128xf32, #tpu.memory_space<vmem_shared>>) target_semaphore(%run_scoped3A_304 : memref<!tpu.dma_semaphore, #tpu.memory_space<semaphore_mem>>)
      %dma_wait3A_317 = arith.constant 0 : i32
      %dma_wait3A_318 = arith.constant 0 : i32
      %dma_wait3A_319 = tpu.memref_slice %arg6[%run_scoped3A, %dma_wait3A_317, %dma_wait3A_318] : memref<3x80x128xf32, #tpu.memory_space<vmem>> -> memref<1x80x128xf32, #tpu.memory_space<vmem>>
      %dma_wait3A_320 = tpu.memref_squeeze %dma_wait3A_319 : memref<1x80x128xf32, #tpu.memory_space<vmem>> -> memref<80x128xf32, #tpu.memory_space<vmem>>
      %dma_wait3A_321 = arith.constant 0 : i32
      %dma_wait3A_322 = tpu.memref_slice %arg7[%add3A_9, %dma_wait3A_321] : memref<10240x128xf32, #tpu.memory_space<vmem_shared>> -> memref<80x128xf32, #tpu.memory_space<vmem_shared>>
      %dma_wait3A_323 = arith.constant 0 : i32
      %dma_wait3A_324 = tpu.memref_slice %arg7[%add3A_9, %dma_wait3A_323] : memref<10240x128xf32, #tpu.memory_space<vmem_shared>> -> memref<80x128xf32, #tpu.memory_space<vmem_shared>>
      %dma_wait3A_325 = arith.constant 0 : i32
      %dma_wait3A_326 = arith.constant 0 : i32
      %dma_wait3A_327 = tpu.memref_slice %arg6[%run_scoped3A, %dma_wait3A_325, %dma_wait3A_326] : memref<3x80x128xf32, #tpu.memory_space<vmem>> -> memref<1x80x128xf32, #tpu.memory_space<vmem>>
      %dma_wait3A_328 = tpu.memref_squeeze %dma_wait3A_327 : memref<1x80x128xf32, #tpu.memory_space<vmem>> -> memref<80x128xf32, #tpu.memory_space<vmem>>
      tpu.wait_dma2 semaphore(%run_scoped3A_304 : memref<!tpu.dma_semaphore, #tpu.memory_space<semaphore_mem>>) src(%dma_wait3A_328 : memref<80x128xf32, #tpu.memory_space<vmem>>) dst(%dma_wait3A_324 : memref<80x128xf32, #tpu.memory_space<vmem_shared>>)
      tpu.yield
    }) : () -> ()
    %mul3A_10 = arith.constant 640 : i32
    %mul3A_11 = arith.muli %arg1, %mul3A_10 : i32
    %add3A_12 = arith.constant 80 : i32
    %add3A_13 = arith.addi %mul3A_11, %add3A_12 : i32
    %run_scoped3A_14 = arith.constant 0 : i32
    "tpu.region"() ({
      %run_scoped3A_304 = tpu.sem_alloc : memref<!tpu.dma_semaphore, #tpu.memory_space<semaphore_mem>>
      %dma_start3A_305 = arith.constant 0 : i32
      %dma_start3A_306 = arith.constant 0 : i32
      %dma_start3A_307 = tpu.memref_slice %arg6[%run_scoped3A_14, %dma_start3A_305, %dma_start3A_306] : memref<3x80x128xf32, #tpu.memory_space<vmem>> -> memref<1x80x128xf32, #tpu.memory_space<vmem>>
      %dma_start3A_308 = tpu.memref_squeeze %dma_start3A_307 : memref<1x80x128xf32, #tpu.memory_space<vmem>> -> memref<80x128xf32, #tpu.memory_space<vmem>>
      %dma_start3A_309 = arith.constant 0 : i32
      %dma_start3A_310 = tpu.memref_slice %arg7[%add3A_13, %dma_start3A_309] : memref<10240x128xf32, #tpu.memory_space<vmem_shared>> -> memref<80x128xf32, #tpu.memory_space<vmem_shared>>
      %dma_start3A_311 = arith.constant 0 : i32
      %dma_start3A_312 = tpu.memref_slice %arg7[%add3A_13, %dma_start3A_311] : memref<10240x128xf32, #tpu.memory_space<vmem_shared>> -> memref<80x128xf32, #tpu.memory_space<vmem_shared>>
      %dma_start3A_313 = arith.constant 0 : i32
      %dma_start3A_314 = arith.constant 0 : i32
      %dma_start3A_315 = tpu.memref_slice %arg6[%run_scoped3A_14, %dma_start3A_313, %dma_start3A_314] : memref<3x80x128xf32, #tpu.memory_space<vmem>> -> memref<1x80x128xf32, #tpu.memory_space<vmem>>
      %dma_start3A_316 = tpu.memref_squeeze %dma_start3A_315 : memref<1x80x128xf32, #tpu.memory_space<vmem>> -> memref<80x128xf32, #tpu.memory_space<vmem>>
      tpu.enqueue_dma source(%dma_start3A_316 : memref<80x128xf32, #tpu.memory_space<vmem>>) target(%dma_start3A_312 : memref<80x128xf32, #tpu.memory_space<vmem_shared>>) target_semaphore(%run_scoped3A_304 : memref<!tpu.dma_semaphore, #tpu.memory_space<semaphore_mem>>)
      %dma_wait3A_317 = arith.constant 0 : i32
      %dma_wait3A_318 = arith.constant 0 : i32
      %dma_wait3A_319 = tpu.memref_slice %arg6[%run_scoped3A_14, %dma_wait3A_317, %dma_wait3A_318] : memref<3x80x128xf32, #tpu.memory_space<vmem>> -> memref<1x80x128xf32, #tpu.memory_space<vmem>>
      %dma_wait3A_320 = tpu.memref_squeeze %dma_wait3A_319 : memref<1x80x128xf32, #tpu.memory_space<vmem>> -> memref<80x128xf32, #tpu.memory_space<vmem>>
      %dma_wait3A_321 = arith.constant 0 : i32
      %dma_wait3A_322 = tpu.memref_slice %arg7[%add3A_13, %dma_wait3A_321] : memref<10240x128xf32, #tpu.memory_space<vmem_shared>> -> memref<80x128xf32, #tpu.memory_space<vmem_shared>>
      %dma_wait3A_323 = arith.constant 0 : i32
      %dma_wait3A_324 = tpu.memref_slice %arg7[%add3A_13, %dma_wait3A_323] : memref<10240x128xf32, #tpu.memory_space<vmem_shared>> -> memref<80x128xf32, #tpu.memory_space<vmem_shared>>
      %dma_wait3A_325 = arith.constant 0 : i32
      %dma_wait3A_326 = arith.constant 0 : i32
      %dma_wait3A_327 = tpu.memref_slice %arg6[%run_scoped3A_14, %dma_wait3A_325, %dma_wait3A_326] : memref<3x80x128xf32, #tpu.memory_space<vmem>> -> memref<1x80x128xf32, #tpu.memory_space<vmem>>
      %dma_wait3A_328 = tpu.memref_squeeze %dma_wait3A_327 : memref<1x80x128xf32, #tpu.memory_space<vmem>> -> memref<80x128xf32, #tpu.memory_space<vmem>>
      tpu.wait_dma2 semaphore(%run_scoped3A_304 : memref<!tpu.dma_semaphore, #tpu.memory_space<semaphore_mem>>) src(%dma_wait3A_328 : memref<80x128xf32, #tpu.memory_space<vmem>>) dst(%dma_wait3A_324 : memref<80x128xf32, #tpu.memory_space<vmem_shared>>)
      tpu.yield
    }) : () -> ()
    %mul3A_15 = arith.constant 640 : i32
    %mul3A_16 = arith.muli %arg1, %mul3A_15 : i32
    %add3A_17 = arith.constant 160 : i32
    %add3A_18 = arith.addi %mul3A_16, %add3A_17 : i32
    %run_scoped3A_19 = arith.constant 0 : i32
    "tpu.region"() ({
      %run_scoped3A_304 = tpu.sem_alloc : memref<!tpu.dma_semaphore, #tpu.memory_space<semaphore_mem>>
      %dma_start3A_305 = arith.constant 0 : i32
      %dma_start3A_306 = arith.constant 0 : i32
      %dma_start3A_307 = tpu.memref_slice %arg6[%run_scoped3A_19, %dma_start3A_305, %dma_start3A_306] : memref<3x80x128xf32, #tpu.memory_space<vmem>> -> memref<1x80x128xf32, #tpu.memory_space<vmem>>
      %dma_start3A_308 = tpu.memref_squeeze %dma_start3A_307 : memref<1x80x128xf32, #tpu.memory_space<vmem>> -> memref<80x128xf32, #tpu.memory_space<vmem>>
      %dma_start3A_309 = arith.constant 0 : i32
      %dma_start3A_310 = tpu.memref_slice %arg7[%add3A_18, %dma_start3A_309] : memref<10240x128xf32, #tpu.memory_space<vmem_shared>> -> memref<80x128xf32, #tpu.memory_space<vmem_shared>>
      %dma_start3A_311 = arith.constant 0 : i32
      %dma_start3A_312 = tpu.memref_slice %arg7[%add3A_18, %dma_start3A_311] : memref<10240x128xf32, #tpu.memory_space<vmem_shared>> -> memref<80x128xf32, #tpu.memory_space<vmem_shared>>
      %dma_start3A_313 = arith.constant 0 : i32
      %dma_start3A_314 = arith.constant 0 : i32
      %dma_start3A_315 = tpu.memref_slice %arg6[%run_scoped3A_19, %dma_start3A_313, %dma_start3A_314] : memref<3x80x128xf32, #tpu.memory_space<vmem>> -> memref<1x80x128xf32, #tpu.memory_space<vmem>>
      %dma_start3A_316 = tpu.memref_squeeze %dma_start3A_315 : memref<1x80x128xf32, #tpu.memory_space<vmem>> -> memref<80x128xf32, #tpu.memory_space<vmem>>
      tpu.enqueue_dma source(%dma_start3A_316 : memref<80x128xf32, #tpu.memory_space<vmem>>) target(%dma_start3A_312 : memref<80x128xf32, #tpu.memory_space<vmem_shared>>) target_semaphore(%run_scoped3A_304 : memref<!tpu.dma_semaphore, #tpu.memory_space<semaphore_mem>>)
      %dma_wait3A_317 = arith.constant 0 : i32
      %dma_wait3A_318 = arith.constant 0 : i32
      %dma_wait3A_319 = tpu.memref_slice %arg6[%run_scoped3A_19, %dma_wait3A_317, %dma_wait3A_318] : memref<3x80x128xf32, #tpu.memory_space<vmem>> -> memref<1x80x128xf32, #tpu.memory_space<vmem>>
      %dma_wait3A_320 = tpu.memref_squeeze %dma_wait3A_319 : memref<1x80x128xf32, #tpu.memory_space<vmem>> -> memref<80x128xf32, #tpu.memory_space<vmem>>
      %dma_wait3A_321 = arith.constant 0 : i32
      %dma_wait3A_322 = tpu.memref_slice %arg7[%add3A_18, %dma_wait3A_321] : memref<10240x128xf32, #tpu.memory_space<vmem_shared>> -> memref<80x128xf32, #tpu.memory_space<vmem_shared>>
      %dma_wait3A_323 = arith.constant 0 : i32
      %dma_wait3A_324 = tpu.memref_slice %arg7[%add3A_18, %dma_wait3A_323] : memref<10240x128xf32, #tpu.memory_space<vmem_shared>> -> memref<80x128xf32, #tpu.memory_space<vmem_shared>>
      %dma_wait3A_325 = arith.constant 0 : i32
      %dma_wait3A_326 = arith.constant 0 : i32
      %dma_wait3A_327 = tpu.memref_slice %arg6[%run_scoped3A_19, %dma_wait3A_325, %dma_wait3A_326] : memref<3x80x128xf32, #tpu.memory_space<vmem>> -> memref<1x80x128xf32, #tpu.memory_space<vmem>>
      %dma_wait3A_328 = tpu.memref_squeeze %dma_wait3A_327 : memref<1x80x128xf32, #tpu.memory_space<vmem>> -> memref<80x128xf32, #tpu.memory_space<vmem>>
      tpu.wait_dma2 semaphore(%run_scoped3A_304 : memref<!tpu.dma_semaphore, #tpu.memory_space<semaphore_mem>>) src(%dma_wait3A_328 : memref<80x128xf32, #tpu.memory_space<vmem>>) dst(%dma_wait3A_324 : memref<80x128xf32, #tpu.memory_space<vmem_shared>>)
      tpu.yield
    }) : () -> ()
    %mul3A_20 = arith.constant 640 : i32
    %mul3A_21 = arith.muli %arg1, %mul3A_20 : i32
    %add3A_22 = arith.constant 240 : i32
    %add3A_23 = arith.addi %mul3A_21, %add3A_22 : i32
    %run_scoped3A_24 = arith.constant 0 : i32
    "tpu.region"() ({
      %run_scoped3A_304 = tpu.sem_alloc : memref<!tpu.dma_semaphore, #tpu.memory_space<semaphore_mem>>
      %dma_start3A_305 = arith.constant 0 : i32
      %dma_start3A_306 = arith.constant 0 : i32
      %dma_start3A_307 = tpu.memref_slice %arg6[%run_scoped3A_24, %dma_start3A_305, %dma_start3A_306] : memref<3x80x128xf32, #tpu.memory_space<vmem>> -> memref<1x80x128xf32, #tpu.memory_space<vmem>>
      %dma_start3A_308 = tpu.memref_squeeze %dma_start3A_307 : memref<1x80x128xf32, #tpu.memory_space<vmem>> -> memref<80x128xf32, #tpu.memory_space<vmem>>
      %dma_start3A_309 = arith.constant 0 : i32
      %dma_start3A_310 = tpu.memref_slice %arg7[%add3A_23, %dma_start3A_309] : memref<10240x128xf32, #tpu.memory_space<vmem_shared>> -> memref<80x128xf32, #tpu.memory_space<vmem_shared>>
      %dma_start3A_311 = arith.constant 0 : i32
      %dma_start3A_312 = tpu.memref_slice %arg7[%add3A_23, %dma_start3A_311] : memref<10240x128xf32, #tpu.memory_space<vmem_shared>> -> memref<80x128xf32, #tpu.memory_space<vmem_shared>>
      %dma_start3A_313 = arith.constant 0 : i32
      %dma_start3A_314 = arith.constant 0 : i32
      %dma_start3A_315 = tpu.memref_slice %arg6[%run_scoped3A_24, %dma_start3A_313, %dma_start3A_314] : memref<3x80x128xf32, #tpu.memory_space<vmem>> -> memref<1x80x128xf32, #tpu.memory_space<vmem>>
      %dma_start3A_316 = tpu.memref_squeeze %dma_start3A_315 : memref<1x80x128xf32, #tpu.memory_space<vmem>> -> memref<80x128xf32, #tpu.memory_space<vmem>>
      tpu.enqueue_dma source(%dma_start3A_316 : memref<80x128xf32, #tpu.memory_space<vmem>>) target(%dma_start3A_312 : memref<80x128xf32, #tpu.memory_space<vmem_shared>>) target_semaphore(%run_scoped3A_304 : memref<!tpu.dma_semaphore, #tpu.memory_space<semaphore_mem>>)
      %dma_wait3A_317 = arith.constant 0 : i32
      %dma_wait3A_318 = arith.constant 0 : i32
      %dma_wait3A_319 = tpu.memref_slice %arg6[%run_scoped3A_24, %dma_wait3A_317, %dma_wait3A_318] : memref<3x80x128xf32, #tpu.memory_space<vmem>> -> memref<1x80x128xf32, #tpu.memory_space<vmem>>
      %dma_wait3A_320 = tpu.memref_squeeze %dma_wait3A_319 : memref<1x80x128xf32, #tpu.memory_space<vmem>> -> memref<80x128xf32, #tpu.memory_space<vmem>>
      %dma_wait3A_321 = arith.constant 0 : i32
      %dma_wait3A_322 = tpu.memref_slice %arg7[%add3A_23, %dma_wait3A_321] : memref<10240x128xf32, #tpu.memory_space<vmem_shared>> -> memref<80x128xf32, #tpu.memory_space<vmem_shared>>
      %dma_wait3A_323 = arith.constant 0 : i32
      %dma_wait3A_324 = tpu.memref_slice %arg7[%add3A_23, %dma_wait3A_323] : memref<10240x128xf32, #tpu.memory_space<vmem_shared>> -> memref<80x128xf32, #tpu.memory_space<vmem_shared>>
      %dma_wait3A_325 = arith.constant 0 : i32
      %dma_wait3A_326 = arith.constant 0 : i32
      %dma_wait3A_327 = tpu.memref_slice %arg6[%run_scoped3A_24, %dma_wait3A_325, %dma_wait3A_326] : memref<3x80x128xf32, #tpu.memory_space<vmem>> -> memref<1x80x128xf32, #tpu.memory_space<vmem>>
      %dma_wait3A_328 = tpu.memref_squeeze %dma_wait3A_327 : memref<1x80x128xf32, #tpu.memory_space<vmem>> -> memref<80x128xf32, #tpu.memory_space<vmem>>
      tpu.wait_dma2 semaphore(%run_scoped3A_304 : memref<!tpu.dma_semaphore, #tpu.memory_space<semaphore_mem>>) src(%dma_wait3A_328 : memref<80x128xf32, #tpu.memory_space<vmem>>) dst(%dma_wait3A_324 : memref<80x128xf32, #tpu.memory_space<vmem_shared>>)
      tpu.yield
    }) : () -> ()
    %mul3A_25 = arith.constant 640 : i32
    %mul3A_26 = arith.muli %arg1, %mul3A_25 : i32
    %add3A_27 = arith.constant 320 : i32
    %add3A_28 = arith.addi %mul3A_26, %add3A_27 : i32
    %run_scoped3A_29 = arith.constant 0 : i32
    "tpu.region"() ({
      %run_scoped3A_304 = tpu.sem_alloc : memref<!tpu.dma_semaphore, #tpu.memory_space<semaphore_mem>>
      %dma_start3A_305 = arith.constant 0 : i32
      %dma_start3A_306 = arith.constant 0 : i32
      %dma_start3A_307 = tpu.memref_slice %arg6[%run_scoped3A_29, %dma_start3A_305, %dma_start3A_306] : memref<3x80x128xf32, #tpu.memory_space<vmem>> -> memref<1x80x128xf32, #tpu.memory_space<vmem>>
      %dma_start3A_308 = tpu.memref_squeeze %dma_start3A_307 : memref<1x80x128xf32, #tpu.memory_space<vmem>> -> memref<80x128xf32, #tpu.memory_space<vmem>>
      %dma_start3A_309 = arith.constant 0 : i32
      %dma_start3A_310 = tpu.memref_slice %arg7[%add3A_28, %dma_start3A_309] : memref<10240x128xf32, #tpu.memory_space<vmem_shared>> -> memref<80x128xf32, #tpu.memory_space<vmem_shared>>
      %dma_start3A_311 = arith.constant 0 : i32
      %dma_start3A_312 = tpu.memref_slice %arg7[%add3A_28, %dma_start3A_311] : memref<10240x128xf32, #tpu.memory_space<vmem_shared>> -> memref<80x128xf32, #tpu.memory_space<vmem_shared>>
      %dma_start3A_313 = arith.constant 0 : i32
      %dma_start3A_314 = arith.constant 0 : i32
      %dma_start3A_315 = tpu.memref_slice %arg6[%run_scoped3A_29, %dma_start3A_313, %dma_start3A_314] : memref<3x80x128xf32, #tpu.memory_space<vmem>> -> memref<1x80x128xf32, #tpu.memory_space<vmem>>
      %dma_start3A_316 = tpu.memref_squeeze %dma_start3A_315 : memref<1x80x128xf32, #tpu.memory_space<vmem>> -> memref<80x128xf32, #tpu.memory_space<vmem>>
      tpu.enqueue_dma source(%dma_start3A_316 : memref<80x128xf32, #tpu.memory_space<vmem>>) target(%dma_start3A_312 : memref<80x128xf32, #tpu.memory_space<vmem_shared>>) target_semaphore(%run_scoped3A_304 : memref<!tpu.dma_semaphore, #tpu.memory_space<semaphore_mem>>)
      %dma_wait3A_317 = arith.constant 0 : i32
      %dma_wait3A_318 = arith.constant 0 : i32
      %dma_wait3A_319 = tpu.memref_slice %arg6[%run_scoped3A_29, %dma_wait3A_317, %dma_wait3A_318] : memref<3x80x128xf32, #tpu.memory_space<vmem>> -> memref<1x80x128xf32, #tpu.memory_space<vmem>>
      %dma_wait3A_320 = tpu.memref_squeeze %dma_wait3A_319 : memref<1x80x128xf32, #tpu.memory_space<vmem>> -> memref<80x128xf32, #tpu.memory_space<vmem>>
      %dma_wait3A_321 = arith.constant 0 : i32
      %dma_wait3A_322 = tpu.memref_slice %arg7[%add3A_28, %dma_wait3A_321] : memref<10240x128xf32, #tpu.memory_space<vmem_shared>> -> memref<80x128xf32, #tpu.memory_space<vmem_shared>>
      %dma_wait3A_323 = arith.constant 0 : i32
      %dma_wait3A_324 = tpu.memref_slice %arg7[%add3A_28, %dma_wait3A_323] : memref<10240x128xf32, #tpu.memory_space<vmem_shared>> -> memref<80x128xf32, #tpu.memory_space<vmem_shared>>
      %dma_wait3A_325 = arith.constant 0 : i32
      %dma_wait3A_326 = arith.constant 0 : i32
      %dma_wait3A_327 = tpu.memref_slice %arg6[%run_scoped3A_29, %dma_wait3A_325, %dma_wait3A_326] : memref<3x80x128xf32, #tpu.memory_space<vmem>> -> memref<1x80x128xf32, #tpu.memory_space<vmem>>
      %dma_wait3A_328 = tpu.memref_squeeze %dma_wait3A_327 : memref<1x80x128xf32, #tpu.memory_space<vmem>> -> memref<80x128xf32, #tpu.memory_space<vmem>>
      tpu.wait_dma2 semaphore(%run_scoped3A_304 : memref<!tpu.dma_semaphore, #tpu.memory_space<semaphore_mem>>) src(%dma_wait3A_328 : memref<80x128xf32, #tpu.memory_space<vmem>>) dst(%dma_wait3A_324 : memref<80x128xf32, #tpu.memory_space<vmem_shared>>)
      tpu.yield
    }) : () -> ()
    %mul3A_30 = arith.constant 640 : i32
    %mul3A_31 = arith.muli %arg1, %mul3A_30 : i32
    %add3A_32 = arith.constant 400 : i32
    %add3A_33 = arith.addi %mul3A_31, %add3A_32 : i32
    %run_scoped3A_34 = arith.constant 0 : i32
    "tpu.region"() ({
      %run_scoped3A_304 = tpu.sem_alloc : memref<!tpu.dma_semaphore, #tpu.memory_space<semaphore_mem>>
      %dma_start3A_305 = arith.constant 0 : i32
      %dma_start3A_306 = arith.constant 0 : i32
      %dma_start3A_307 = tpu.memref_slice %arg6[%run_scoped3A_34, %dma_start3A_305, %dma_start3A_306] : memref<3x80x128xf32, #tpu.memory_space<vmem>> -> memref<1x80x128xf32, #tpu.memory_space<vmem>>
      %dma_start3A_308 = tpu.memref_squeeze %dma_start3A_307 : memref<1x80x128xf32, #tpu.memory_space<vmem>> -> memref<80x128xf32, #tpu.memory_space<vmem>>
      %dma_start3A_309 = arith.constant 0 : i32
      %dma_start3A_310 = tpu.memref_slice %arg7[%add3A_33, %dma_start3A_309] : memref<10240x128xf32, #tpu.memory_space<vmem_shared>> -> memref<80x128xf32, #tpu.memory_space<vmem_shared>>
      %dma_start3A_311 = arith.constant 0 : i32
      %dma_start3A_312 = tpu.memref_slice %arg7[%add3A_33, %dma_start3A_311] : memref<10240x128xf32, #tpu.memory_space<vmem_shared>> -> memref<80x128xf32, #tpu.memory_space<vmem_shared>>
      %dma_start3A_313 = arith.constant 0 : i32
      %dma_start3A_314 = arith.constant 0 : i32
      %dma_start3A_315 = tpu.memref_slice %arg6[%run_scoped3A_34, %dma_start3A_313, %dma_start3A_314] : memref<3x80x128xf32, #tpu.memory_space<vmem>> -> memref<1x80x128xf32, #tpu.memory_space<vmem>>
      %dma_start3A_316 = tpu.memref_squeeze %dma_start3A_315 : memref<1x80x128xf32, #tpu.memory_space<vmem>> -> memref<80x128xf32, #tpu.memory_space<vmem>>
      tpu.enqueue_dma source(%dma_start3A_316 : memref<80x128xf32, #tpu.memory_space<vmem>>) target(%dma_start3A_312 : memref<80x128xf32, #tpu.memory_space<vmem_shared>>) target_semaphore(%run_scoped3A_304 : memref<!tpu.dma_semaphore, #tpu.memory_space<semaphore_mem>>)
      %dma_wait3A_317 = arith.constant 0 : i32
      %dma_wait3A_318 = arith.constant 0 : i32
      %dma_wait3A_319 = tpu.memref_slice %arg6[%run_scoped3A_34, %dma_wait3A_317, %dma_wait3A_318] : memref<3x80x128xf32, #tpu.memory_space<vmem>> -> memref<1x80x128xf32, #tpu.memory_space<vmem>>
      %dma_wait3A_320 = tpu.memref_squeeze %dma_wait3A_319 : memref<1x80x128xf32, #tpu.memory_space<vmem>> -> memref<80x128xf32, #tpu.memory_space<vmem>>
      %dma_wait3A_321 = arith.constant 0 : i32
      %dma_wait3A_322 = tpu.memref_slice %arg7[%add3A_33, %dma_wait3A_321] : memref<10240x128xf32, #tpu.memory_space<vmem_shared>> -> memref<80x128xf32, #tpu.memory_space<vmem_shared>>
      %dma_wait3A_323 = arith.constant 0 : i32
      %dma_wait3A_324 = tpu.memref_slice %arg7[%add3A_33, %dma_wait3A_323] : memref<10240x128xf32, #tpu.memory_space<vmem_shared>> -> memref<80x128xf32, #tpu.memory_space<vmem_shared>>
      %dma_wait3A_325 = arith.constant 0 : i32
      %dma_wait3A_326 = arith.constant 0 : i32
      %dma_wait3A_327 = tpu.memref_slice %arg6[%run_scoped3A_34, %dma_wait3A_325, %dma_wait3A_326] : memref<3x80x128xf32, #tpu.memory_space<vmem>> -> memref<1x80x128xf32, #tpu.memory_space<vmem>>
      %dma_wait3A_328 = tpu.memref_squeeze %dma_wait3A_327 : memref<1x80x128xf32, #tpu.memory_space<vmem>> -> memref<80x128xf32, #tpu.memory_space<vmem>>
      tpu.wait_dma2 semaphore(%run_scoped3A_304 : memref<!tpu.dma_semaphore, #tpu.memory_space<semaphore_mem>>) src(%dma_wait3A_328 : memref<80x128xf32, #tpu.memory_space<vmem>>) dst(%dma_wait3A_324 : memref<80x128xf32, #tpu.memory_space<vmem_shared>>)
      tpu.yield
    }) : () -> ()
    %mul3A_35 = arith.constant 640 : i32
    %mul3A_36 = arith.muli %arg1, %mul3A_35 : i32
    %add3A_37 = arith.constant 480 : i32
    %add3A_38 = arith.addi %mul3A_36, %add3A_37 : i32
    %run_scoped3A_39 = arith.constant 0 : i32
    "tpu.region"() ({
      %run_scoped3A_304 = tpu.sem_alloc : memref<!tpu.dma_semaphore, #tpu.memory_space<semaphore_mem>>
      %dma_start3A_305 = arith.constant 0 : i32
      %dma_start3A_306 = arith.constant 0 : i32
      %dma_start3A_307 = tpu.memref_slice %arg6[%run_scoped3A_39, %dma_start3A_305, %dma_start3A_306] : memref<3x80x128xf32, #tpu.memory_space<vmem>> -> memref<1x80x128xf32, #tpu.memory_space<vmem>>
      %dma_start3A_308 = tpu.memref_squeeze %dma_start3A_307 : memref<1x80x128xf32, #tpu.memory_space<vmem>> -> memref<80x128xf32, #tpu.memory_space<vmem>>
      %dma_start3A_309 = arith.constant 0 : i32
      %dma_start3A_310 = tpu.memref_slice %arg7[%add3A_38, %dma_start3A_309] : memref<10240x128xf32, #tpu.memory_space<vmem_shared>> -> memref<80x128xf32, #tpu.memory_space<vmem_shared>>
      %dma_start3A_311 = arith.constant 0 : i32
      %dma_start3A_312 = tpu.memref_slice %arg7[%add3A_38, %dma_start3A_311] : memref<10240x128xf32, #tpu.memory_space<vmem_shared>> -> memref<80x128xf32, #tpu.memory_space<vmem_shared>>
      %dma_start3A_313 = arith.constant 0 : i32
      %dma_start3A_314 = arith.constant 0 : i32
      %dma_start3A_315 = tpu.memref_slice %arg6[%run_scoped3A_39, %dma_start3A_313, %dma_start3A_314] : memref<3x80x128xf32, #tpu.memory_space<vmem>> -> memref<1x80x128xf32, #tpu.memory_space<vmem>>
      %dma_start3A_316 = tpu.memref_squeeze %dma_start3A_315 : memref<1x80x128xf32, #tpu.memory_space<vmem>> -> memref<80x128xf32, #tpu.memory_space<vmem>>
      tpu.enqueue_dma source(%dma_start3A_316 : memref<80x128xf32, #tpu.memory_space<vmem>>) target(%dma_start3A_312 : memref<80x128xf32, #tpu.memory_space<vmem_shared>>) target_semaphore(%run_scoped3A_304 : memref<!tpu.dma_semaphore, #tpu.memory_space<semaphore_mem>>)
      %dma_wait3A_317 = arith.constant 0 : i32
      %dma_wait3A_318 = arith.constant 0 : i32
      %dma_wait3A_319 = tpu.memref_slice %arg6[%run_scoped3A_39, %dma_wait3A_317, %dma_wait3A_318] : memref<3x80x128xf32, #tpu.memory_space<vmem>> -> memref<1x80x128xf32, #tpu.memory_space<vmem>>
      %dma_wait3A_320 = tpu.memref_squeeze %dma_wait3A_319 : memref<1x80x128xf32, #tpu.memory_space<vmem>> -> memref<80x128xf32, #tpu.memory_space<vmem>>
      %dma_wait3A_321 = arith.constant 0 : i32
      %dma_wait3A_322 = tpu.memref_slice %arg7[%add3A_38, %dma_wait3A_321] : memref<10240x128xf32, #tpu.memory_space<vmem_shared>> -> memref<80x128xf32, #tpu.memory_space<vmem_shared>>
      %dma_wait3A_323 = arith.constant 0 : i32
      %dma_wait3A_324 = tpu.memref_slice %arg7[%add3A_38, %dma_wait3A_323] : memref<10240x128xf32, #tpu.memory_space<vmem_shared>> -> memref<80x128xf32, #tpu.memory_space<vmem_shared>>
      %dma_wait3A_325 = arith.constant 0 : i32
      %dma_wait3A_326 = arith.constant 0 : i32
      %dma_wait3A_327 = tpu.memref_slice %arg6[%run_scoped3A_39, %dma_wait3A_325, %dma_wait3A_326] : memref<3x80x128xf32, #tpu.memory_space<vmem>> -> memref<1x80x128xf32, #tpu.memory_space<vmem>>
      %dma_wait3A_328 = tpu.memref_squeeze %dma_wait3A_327 : memref<1x80x128xf32, #tpu.memory_space<vmem>> -> memref<80x128xf32, #tpu.memory_space<vmem>>
      tpu.wait_dma2 semaphore(%run_scoped3A_304 : memref<!tpu.dma_semaphore, #tpu.memory_space<semaphore_mem>>) src(%dma_wait3A_328 : memref<80x128xf32, #tpu.memory_space<vmem>>) dst(%dma_wait3A_324 : memref<80x128xf32, #tpu.memory_space<vmem_shared>>)
      tpu.yield
    }) : () -> ()
    %mul3A_40 = arith.constant 640 : i32
    %mul3A_41 = arith.muli %arg1, %mul3A_40 : i32
    %add3A_42 = arith.constant 560 : i32
    %add3A_43 = arith.addi %mul3A_41, %add3A_42 : i32
    %run_scoped3A_44 = arith.constant 0 : i32
    "tpu.region"() ({
      %run_scoped3A_304 = tpu.sem_alloc : memref<!tpu.dma_semaphore, #tpu.memory_space<semaphore_mem>>
      %dma_start3A_305 = arith.constant 0 : i32
      %dma_start3A_306 = arith.constant 0 : i32
      %dma_start3A_307 = tpu.memref_slice %arg6[%run_scoped3A_44, %dma_start3A_305, %dma_start3A_306] : memref<3x80x128xf32, #tpu.memory_space<vmem>> -> memref<1x80x128xf32, #tpu.memory_space<vmem>>
      %dma_start3A_308 = tpu.memref_squeeze %dma_start3A_307 : memref<1x80x128xf32, #tpu.memory_space<vmem>> -> memref<80x128xf32, #tpu.memory_space<vmem>>
      %dma_start3A_309 = arith.constant 0 : i32
      %dma_start3A_310 = tpu.memref_slice %arg7[%add3A_43, %dma_start3A_309] : memref<10240x128xf32, #tpu.memory_space<vmem_shared>> -> memref<80x128xf32, #tpu.memory_space<vmem_shared>>
      %dma_start3A_311 = arith.constant 0 : i32
      %dma_start3A_312 = tpu.memref_slice %arg7[%add3A_43, %dma_start3A_311] : memref<10240x128xf32, #tpu.memory_space<vmem_shared>> -> memref<80x128xf32, #tpu.memory_space<vmem_shared>>
      %dma_start3A_313 = arith.constant 0 : i32
      %dma_start3A_314 = arith.constant 0 : i32
      %dma_start3A_315 = tpu.memref_slice %arg6[%run_scoped3A_44, %dma_start3A_313, %dma_start3A_314] : memref<3x80x128xf32, #tpu.memory_space<vmem>> -> memref<1x80x128xf32, #tpu.memory_space<vmem>>
      %dma_start3A_316 = tpu.memref_squeeze %dma_start3A_315 : memref<1x80x128xf32, #tpu.memory_space<vmem>> -> memref<80x128xf32, #tpu.memory_space<vmem>>
      tpu.enqueue_dma source(%dma_start3A_316 : memref<80x128xf32, #tpu.memory_space<vmem>>) target(%dma_start3A_312 : memref<80x128xf32, #tpu.memory_space<vmem_shared>>) target_semaphore(%run_scoped3A_304 : memref<!tpu.dma_semaphore, #tpu.memory_space<semaphore_mem>>)
      %dma_wait3A_317 = arith.constant 0 : i32
      %dma_wait3A_318 = arith.constant 0 : i32
      %dma_wait3A_319 = tpu.memref_slice %arg6[%run_scoped3A_44, %dma_wait3A_317, %dma_wait3A_318] : memref<3x80x128xf32, #tpu.memory_space<vmem>> -> memref<1x80x128xf32, #tpu.memory_space<vmem>>
      %dma_wait3A_320 = tpu.memref_squeeze %dma_wait3A_319 : memref<1x80x128xf32, #tpu.memory_space<vmem>> -> memref<80x128xf32, #tpu.memory_space<vmem>>
      %dma_wait3A_321 = arith.constant 0 : i32
      %dma_wait3A_322 = tpu.memref_slice %arg7[%add3A_43, %dma_wait3A_321] : memref<10240x128xf32, #tpu.memory_space<vmem_shared>> -> memref<80x128xf32, #tpu.memory_space<vmem_shared>>
      %dma_wait3A_323 = arith.constant 0 : i32
      %dma_wait3A_324 = tpu.memref_slice %arg7[%add3A_43, %dma_wait3A_323] : memref<10240x128xf32, #tpu.memory_space<vmem_shared>> -> memref<80x128xf32, #tpu.memory_space<vmem_shared>>
      %dma_wait3A_325 = arith.constant 0 : i32
      %dma_wait3A_326 = arith.constant 0 : i32
      %dma_wait3A_327 = tpu.memref_slice %arg6[%run_scoped3A_44, %dma_wait3A_325, %dma_wait3A_326] : memref<3x80x128xf32, #tpu.memory_space<vmem>> -> memref<1x80x128xf32, #tpu.memory_space<vmem>>
      %dma_wait3A_328 = tpu.memref_squeeze %dma_wait3A_327 : memref<1x80x128xf32, #tpu.memory_space<vmem>> -> memref<80x128xf32, #tpu.memory_space<vmem>>
      tpu.wait_dma2 semaphore(%run_scoped3A_304 : memref<!tpu.dma_semaphore, #tpu.memory_space<semaphore_mem>>) src(%dma_wait3A_328 : memref<80x128xf32, #tpu.memory_space<vmem>>) dst(%dma_wait3A_324 : memref<80x128xf32, #tpu.memory_space<vmem_shared>>)
      tpu.yield
    }) : () -> ()
    "tpu.region"() ({
      %run_scoped3A_304 = tpu.sem_alloc : memref<!tpu.dma_semaphore, #tpu.memory_space<semaphore_mem>>
      %dma_start3A_305 = arith.constant 0 : i32
      %dma_start3A_306 = arith.constant 0 : i32
      %dma_start3A_307 = tpu.memref_slice %arg3[%add3A, %dma_start3A_305, %dma_start3A_306] : memref<32x125x80xi32, #tpu.memory_space<hbm>> -> memref<1x125x80xi32, #tpu.memory_space<hbm>>
      %dma_start3A_308 = tpu.memref_squeeze %dma_start3A_307 : memref<1x125x80xi32, #tpu.memory_space<hbm>> -> memref<125x80xi32, #tpu.memory_space<hbm>>
      %dma_start3A_309 = arith.constant 0 : i32
      %dma_start3A_310 = arith.constant 0 : i32
      %dma_start3A_311 = tpu.memref_slice %arg3[%add3A, %dma_start3A_309, %dma_start3A_310] : memref<32x125x80xi32, #tpu.memory_space<hbm>> -> memref<1x125x80xi32, #tpu.memory_space<hbm>>
      %dma_start3A_312 = tpu.memref_squeeze %dma_start3A_311 : memref<1x125x80xi32, #tpu.memory_space<hbm>> -> memref<125x80xi32, #tpu.memory_space<hbm>>
      tpu.enqueue_dma source(%dma_start3A_312 : memref<125x80xi32, #tpu.memory_space<hbm>>) target(%arg5 : memref<125x80xi32, #tpu.memory_space<vmem>>) target_semaphore(%run_scoped3A_304 : memref<!tpu.dma_semaphore, #tpu.memory_space<semaphore_mem>>)
      %dma_wait3A_313 = arith.constant 0 : i32
      %dma_wait3A_314 = arith.constant 0 : i32
      %dma_wait3A_315 = tpu.memref_slice %arg3[%add3A, %dma_wait3A_313, %dma_wait3A_314] : memref<32x125x80xi32, #tpu.memory_space<hbm>> -> memref<1x125x80xi32, #tpu.memory_space<hbm>>
      %dma_wait3A_316 = tpu.memref_squeeze %dma_wait3A_315 : memref<1x125x80xi32, #tpu.memory_space<hbm>> -> memref<125x80xi32, #tpu.memory_space<hbm>>
      %dma_wait3A_317 = arith.constant 0 : i32
      %dma_wait3A_318 = arith.constant 0 : i32
      %dma_wait3A_319 = tpu.memref_slice %arg3[%add3A, %dma_wait3A_317, %dma_wait3A_318] : memref<32x125x80xi32, #tpu.memory_space<hbm>> -> memref<1x125x80xi32, #tpu.memory_space<hbm>>
      %dma_wait3A_320 = tpu.memref_squeeze %dma_wait3A_319 : memref<1x125x80xi32, #tpu.memory_space<hbm>> -> memref<125x80xi32, #tpu.memory_space<hbm>>
      tpu.wait_dma2 semaphore(%run_scoped3A_304 : memref<!tpu.dma_semaphore, #tpu.memory_space<semaphore_mem>>) src(%dma_wait3A_320 : memref<125x80xi32, #tpu.memory_space<hbm>>) dst(%arg5 : memref<125x80xi32, #tpu.memory_space<vmem>>)
      tpu.yield
    }) : () -> ()
    %barrier3A = arith.constant 0 : index
    tpu.barrier barrier_id(%barrier3A)
    %mul3A_45 = arith.constant 10000 : i32
    %mul3A_46 = arith.muli %add3A, %mul3A_45 : i32
    %add3A_47 = arith.constant 0 : i32
    %add3A_48 = arith.addi %mul3A_46, %add3A_47 : i32
    %dma_start3A = arith.constant 0 : i32
    %dma_start3A_49 = arith.constant 0 : i32
    %dma_start3A_50 = arith.constant 0 : i32
    %dma_start3A_51 = tpu.memref_slice %arg6[%dma_start3A, %dma_start3A_49, %dma_start3A_50] : memref<3x80x128xf32, #tpu.memory_space<vmem>> -> memref<1x80x128xf32, #tpu.memory_space<vmem>>
    %dma_start3A_52 = tpu.memref_squeeze %dma_start3A_51 : memref<1x80x128xf32, #tpu.memory_space<vmem>> -> memref<80x128xf32, #tpu.memory_space<vmem>>
    %dma_start3A_53 = arith.constant 0 : i32
    %dma_start3A_54 = tpu.memref_slice %arg2[%add3A_48, %dma_start3A_53] : memref<320000x128xf32, #tpu.memory_space<hbm>> -> memref<80x128xf32, #tpu.memory_space<hbm>>
    %dma_start3A_55 = arith.constant 0 : i32
    %dma_start3A_56 = arith.constant 0 : i32
    %dma_start3A_57 = tpu.memref_slice %arg6[%dma_start3A, %dma_start3A_55, %dma_start3A_56] : memref<3x80x128xf32, #tpu.memory_space<vmem>> -> memref<1x80x128xf32, #tpu.memory_space<vmem>>
    %dma_start3A_58 = tpu.memref_squeeze %dma_start3A_57 : memref<1x80x128xf32, #tpu.memory_space<vmem>> -> memref<80x128xf32, #tpu.memory_space<vmem>>
    %dma_start3A_59 = arith.constant 0 : i32
    %dma_start3A_60 = tpu.memref_slice %arg2[%add3A_48, %dma_start3A_59] : memref<320000x128xf32, #tpu.memory_space<hbm>> -> memref<80x128xf32, #tpu.memory_space<hbm>>
    tpu.enqueue_dma source(%dma_start3A_60 : memref<80x128xf32, #tpu.memory_space<hbm>>) target(%dma_start3A_58 : memref<80x128xf32, #tpu.memory_space<vmem>>) target_semaphore(%arg8 : memref<!tpu.dma_semaphore, #tpu.memory_space<semaphore_mem>>)
    %mul3A_61 = arith.constant 10000 : i32
    %mul3A_62 = arith.muli %add3A, %mul3A_61 : i32
    %add3A_63 = arith.constant 80 : i32
    %add3A_64 = arith.addi %mul3A_62, %add3A_63 : i32
    %dma_start3A_65 = arith.constant 1 : i32
    %dma_start3A_66 = arith.constant 0 : i32
    %dma_start3A_67 = arith.constant 0 : i32
    %dma_start3A_68 = tpu.memref_slice %arg6[%dma_start3A_65, %dma_start3A_66, %dma_start3A_67] : memref<3x80x128xf32, #tpu.memory_space<vmem>> -> memref<1x80x128xf32, #tpu.memory_space<vmem>>
    %dma_start3A_69 = tpu.memref_squeeze %dma_start3A_68 : memref<1x80x128xf32, #tpu.memory_space<vmem>> -> memref<80x128xf32, #tpu.memory_space<vmem>>
    %dma_start3A_70 = arith.constant 0 : i32
    %dma_start3A_71 = tpu.memref_slice %arg2[%add3A_64, %dma_start3A_70] : memref<320000x128xf32, #tpu.memory_space<hbm>> -> memref<80x128xf32, #tpu.memory_space<hbm>>
    %dma_start3A_72 = arith.constant 0 : i32
    %dma_start3A_73 = arith.constant 0 : i32
    %dma_start3A_74 = tpu.memref_slice %arg6[%dma_start3A_65, %dma_start3A_72, %dma_start3A_73] : memref<3x80x128xf32, #tpu.memory_space<vmem>> -> memref<1x80x128xf32, #tpu.memory_space<vmem>>
    %dma_start3A_75 = tpu.memref_squeeze %dma_start3A_74 : memref<1x80x128xf32, #tpu.memory_space<vmem>> -> memref<80x128xf32, #tpu.memory_space<vmem>>
    %dma_start3A_76 = arith.constant 0 : i32
    %dma_start3A_77 = tpu.memref_slice %arg2[%add3A_64, %dma_start3A_76] : memref<320000x128xf32, #tpu.memory_space<hbm>> -> memref<80x128xf32, #tpu.memory_space<hbm>>
    tpu.enqueue_dma source(%dma_start3A_77 : memref<80x128xf32, #tpu.memory_space<hbm>>) target(%dma_start3A_75 : memref<80x128xf32, #tpu.memory_space<vmem>>) target_semaphore(%arg9 : memref<!tpu.dma_semaphore, #tpu.memory_space<semaphore_mem>>)
    %mul3A_78 = arith.constant 10000 : i32
    %mul3A_79 = arith.muli %add3A, %mul3A_78 : i32
    %add3A_80 = arith.constant 160 : i32
    %add3A_81 = arith.addi %mul3A_79, %add3A_80 : i32
    %dma_start3A_82 = arith.constant 2 : i32
    %dma_start3A_83 = arith.constant 0 : i32
    %dma_start3A_84 = arith.constant 0 : i32
    %dma_start3A_85 = tpu.memref_slice %arg6[%dma_start3A_82, %dma_start3A_83, %dma_start3A_84] : memref<3x80x128xf32, #tpu.memory_space<vmem>> -> memref<1x80x128xf32, #tpu.memory_space<vmem>>
    %dma_start3A_86 = tpu.memref_squeeze %dma_start3A_85 : memref<1x80x128xf32, #tpu.memory_space<vmem>> -> memref<80x128xf32, #tpu.memory_space<vmem>>
    %dma_start3A_87 = arith.constant 0 : i32
    %dma_start3A_88 = tpu.memref_slice %arg2[%add3A_81, %dma_start3A_87] : memref<320000x128xf32, #tpu.memory_space<hbm>> -> memref<80x128xf32, #tpu.memory_space<hbm>>
    %dma_start3A_89 = arith.constant 0 : i32
    %dma_start3A_90 = arith.constant 0 : i32
    %dma_start3A_91 = tpu.memref_slice %arg6[%dma_start3A_82, %dma_start3A_89, %dma_start3A_90] : memref<3x80x128xf32, #tpu.memory_space<vmem>> -> memref<1x80x128xf32, #tpu.memory_space<vmem>>
    %dma_start3A_92 = tpu.memref_squeeze %dma_start3A_91 : memref<1x80x128xf32, #tpu.memory_space<vmem>> -> memref<80x128xf32, #tpu.memory_space<vmem>>
    %dma_start3A_93 = arith.constant 0 : i32
    %dma_start3A_94 = tpu.memref_slice %arg2[%add3A_81, %dma_start3A_93] : memref<320000x128xf32, #tpu.memory_space<hbm>> -> memref<80x128xf32, #tpu.memory_space<hbm>>
    tpu.enqueue_dma source(%dma_start3A_94 : memref<80x128xf32, #tpu.memory_space<hbm>>) target(%dma_start3A_92 : memref<80x128xf32, #tpu.memory_space<vmem>>) target_semaphore(%arg10 : memref<!tpu.dma_semaphore, #tpu.memory_space<semaphore_mem>>)
    %mul3A_95 = arith.constant 10000 : i32
    %mul3A_96 = arith.muli %add3A, %mul3A_95 : i32
    %add3A_97 = arith.constant 0 : i32
    %add3A_98 = arith.addi %mul3A_96, %add3A_97 : i32
    %dma_wait3A = arith.constant 0 : i32
    %dma_wait3A_99 = arith.constant 0 : i32
    %dma_wait3A_100 = arith.constant 0 : i32
    %dma_wait3A_101 = tpu.memref_slice %arg6[%dma_wait3A, %dma_wait3A_99, %dma_wait3A_100] : memref<3x80x128xf32, #tpu.memory_space<vmem>> -> memref<1x80x128xf32, #tpu.memory_space<vmem>>
    %dma_wait3A_102 = tpu.memref_squeeze %dma_wait3A_101 : memref<1x80x128xf32, #tpu.memory_space<vmem>> -> memref<80x128xf32, #tpu.memory_space<vmem>>
    %dma_wait3A_103 = arith.constant 0 : i32
    %dma_wait3A_104 = tpu.memref_slice %arg2[%add3A_98, %dma_wait3A_103] : memref<320000x128xf32, #tpu.memory_space<hbm>> -> memref<80x128xf32, #tpu.memory_space<hbm>>
    %dma_wait3A_105 = arith.constant 0 : i32
    %dma_wait3A_106 = arith.constant 0 : i32
    %dma_wait3A_107 = tpu.memref_slice %arg6[%dma_wait3A, %dma_wait3A_105, %dma_wait3A_106] : memref<3x80x128xf32, #tpu.memory_space<vmem>> -> memref<1x80x128xf32, #tpu.memory_space<vmem>>
    %dma_wait3A_108 = tpu.memref_squeeze %dma_wait3A_107 : memref<1x80x128xf32, #tpu.memory_space<vmem>> -> memref<80x128xf32, #tpu.memory_space<vmem>>
    %dma_wait3A_109 = arith.constant 0 : i32
    %dma_wait3A_110 = tpu.memref_slice %arg2[%add3A_98, %dma_wait3A_109] : memref<320000x128xf32, #tpu.memory_space<hbm>> -> memref<80x128xf32, #tpu.memory_space<hbm>>
    tpu.wait_dma2 semaphore(%arg8 : memref<!tpu.dma_semaphore, #tpu.memory_space<semaphore_mem>>) src(%dma_wait3A_110 : memref<80x128xf32, #tpu.memory_space<hbm>>) dst(%dma_wait3A_108 : memref<80x128xf32, #tpu.memory_space<vmem>>)
    %dma_start3A_111 = arith.constant 0 : i32
    %dma_start3A_112 = arith.constant 0 : i32
    %dma_start3A_113 = arith.constant 0 : i32
    %dma_start3A_114 = arith.constant 0 : i32
    %dma_start3A_115 = tpu.memref_slice %arg6[%dma_start3A_111, %dma_start3A_113, %dma_start3A_114] : memref<3x80x128xf32, #tpu.memory_space<vmem>> -> memref<1x80x128xf32, #tpu.memory_space<vmem>>
    %dma_start3A_116 = tpu.memref_squeeze %dma_start3A_115 : memref<1x80x128xf32, #tpu.memory_space<vmem>> -> memref<80x128xf32, #tpu.memory_space<vmem>>
    %dma_start3A_117 = arith.constant 0 : i32
    %dma_start3A_118 = tpu.memref_slice %arg5[%dma_start3A_112, %dma_start3A_117] : memref<125x80xi32, #tpu.memory_space<vmem>> -> memref<1x80xi32, #tpu.memory_space<vmem>>
    %dma_start3A_119 = tpu.memref_squeeze %dma_start3A_118 : memref<1x80xi32, #tpu.memory_space<vmem>> -> memref<80xi32, #tpu.memory_space<vmem>>
    %dma_start3A_120 = arith.constant 0 : i32
    %dma_start3A_121 = arith.constant 0 : i32
    %dma_start3A_122 = tpu.memref_slice %arg7[%dma_start3A_120, %dma_start3A_121] : memref<10240x128xf32, #tpu.memory_space<vmem_shared>> -> memref<10240x128xf32, #tpu.memory_space<vmem_shared>>
    tpu.enqueue_indirect_dma source(%dma_start3A_116 : memref<80x128xf32, #tpu.memory_space<vmem>>) target(%dma_start3A_122 : memref<10240x128xf32, #tpu.memory_space<vmem_shared>>) offsets(%dma_start3A_119 : memref<80xi32, #tpu.memory_space<vmem>>) semaphore(%arg11 : memref<!tpu.dma_semaphore, #tpu.memory_space<semaphore_mem>>) {add = true}
    %mul3A_123 = arith.constant 10000 : i32
    %mul3A_124 = arith.muli %add3A, %mul3A_123 : i32
    %add3A_125 = arith.constant 80 : i32
    %add3A_126 = arith.addi %mul3A_124, %add3A_125 : i32
    %dma_wait3A_127 = arith.constant 1 : i32
    %dma_wait3A_128 = arith.constant 0 : i32
    %dma_wait3A_129 = arith.constant 0 : i32
    %dma_wait3A_130 = tpu.memref_slice %arg6[%dma_wait3A_127, %dma_wait3A_128, %dma_wait3A_129] : memref<3x80x128xf32, #tpu.memory_space<vmem>> -> memref<1x80x128xf32, #tpu.memory_space<vmem>>
    %dma_wait3A_131 = tpu.memref_squeeze %dma_wait3A_130 : memref<1x80x128xf32, #tpu.memory_space<vmem>> -> memref<80x128xf32, #tpu.memory_space<vmem>>
    %dma_wait3A_132 = arith.constant 0 : i32
    %dma_wait3A_133 = tpu.memref_slice %arg2[%add3A_126, %dma_wait3A_132] : memref<320000x128xf32, #tpu.memory_space<hbm>> -> memref<80x128xf32, #tpu.memory_space<hbm>>
    %dma_wait3A_134 = arith.constant 0 : i32
    %dma_wait3A_135 = arith.constant 0 : i32
    %dma_wait3A_136 = tpu.memref_slice %arg6[%dma_wait3A_127, %dma_wait3A_134, %dma_wait3A_135] : memref<3x80x128xf32, #tpu.memory_space<vmem>> -> memref<1x80x128xf32, #tpu.memory_space<vmem>>
    %dma_wait3A_137 = tpu.memref_squeeze %dma_wait3A_136 : memref<1x80x128xf32, #tpu.memory_space<vmem>> -> memref<80x128xf32, #tpu.memory_space<vmem>>
    %dma_wait3A_138 = arith.constant 0 : i32
    %dma_wait3A_139 = tpu.memref_slice %arg2[%add3A_126, %dma_wait3A_138] : memref<320000x128xf32, #tpu.memory_space<hbm>> -> memref<80x128xf32, #tpu.memory_space<hbm>>
    tpu.wait_dma2 semaphore(%arg9 : memref<!tpu.dma_semaphore, #tpu.memory_space<semaphore_mem>>) src(%dma_wait3A_139 : memref<80x128xf32, #tpu.memory_space<hbm>>) dst(%dma_wait3A_137 : memref<80x128xf32, #tpu.memory_space<vmem>>)
    %dma_start3A_140 = arith.constant 1 : i32
    %dma_start3A_141 = arith.constant 1 : i32
    %dma_start3A_142 = arith.constant 0 : i32
    %dma_start3A_143 = arith.constant 0 : i32
    %dma_start3A_144 = tpu.memref_slice %arg6[%dma_start3A_140, %dma_start3A_142, %dma_start3A_143] : memref<3x80x128xf32, #tpu.memory_space<vmem>> -> memref<1x80x128xf32, #tpu.memory_space<vmem>>
    %dma_start3A_145 = tpu.memref_squeeze %dma_start3A_144 : memref<1x80x128xf32, #tpu.memory_space<vmem>> -> memref<80x128xf32, #tpu.memory_space<vmem>>
    %dma_start3A_146 = arith.constant 0 : i32
    %dma_start3A_147 = tpu.memref_slice %arg5[%dma_start3A_141, %dma_start3A_146] : memref<125x80xi32, #tpu.memory_space<vmem>> -> memref<1x80xi32, #tpu.memory_space<vmem>>
    %dma_start3A_148 = tpu.memref_squeeze %dma_start3A_147 : memref<1x80xi32, #tpu.memory_space<vmem>> -> memref<80xi32, #tpu.memory_space<vmem>>
    %dma_start3A_149 = arith.constant 0 : i32
    %dma_start3A_150 = arith.constant 0 : i32
    %dma_start3A_151 = tpu.memref_slice %arg7[%dma_start3A_149, %dma_start3A_150] : memref<10240x128xf32, #tpu.memory_space<vmem_shared>> -> memref<10240x128xf32, #tpu.memory_space<vmem_shared>>
    tpu.enqueue_indirect_dma source(%dma_start3A_145 : memref<80x128xf32, #tpu.memory_space<vmem>>) target(%dma_start3A_151 : memref<10240x128xf32, #tpu.memory_space<vmem_shared>>) offsets(%dma_start3A_148 : memref<80xi32, #tpu.memory_space<vmem>>) semaphore(%arg12 : memref<!tpu.dma_semaphore, #tpu.memory_space<semaphore_mem>>) {add = true}
    %scan3A_152 = arith.constant 0 : i32
    %scan3A_153 = arith.constant 0 : i32
    %scan3A_154 = arith.constant 41 : i32
    %scan3A_155 = arith.addi %scan3A_153, %scan3A_154 : i32
    %scan3A_156 = arith.constant 1 : i32
    scf.for %scan3A_304 = %scan3A_153 to %scan3A_155 step %scan3A_156  : i32 {
      %mul3A_305 = arith.constant 3 : i32
      %mul3A_306 = arith.muli %mul3A_305, %scan3A_304 : i32
      %dma_wait3A_307 = arith.constant 0 : i32
      %dma_wait3A_308 = arith.constant 0 : i32
      %dma_wait3A_309 = arith.constant 0 : i32
      %dma_wait3A_310 = tpu.memref_slice %arg6[%dma_wait3A_307, %dma_wait3A_308, %dma_wait3A_309] : memref<3x80x128xf32, #tpu.memory_space<vmem>> -> memref<1x80x128xf32, #tpu.memory_space<vmem>>
      %dma_wait3A_311 = tpu.memref_squeeze %dma_wait3A_310 : memref<1x80x128xf32, #tpu.memory_space<vmem>> -> memref<80x128xf32, #tpu.memory_space<vmem>>
      %dma_wait3A_312 = arith.constant 0 : i32
      %dma_wait3A_313 = tpu.memref_slice %arg5[%mul3A_306, %dma_wait3A_312] : memref<125x80xi32, #tpu.memory_space<vmem>> -> memref<1x80xi32, #tpu.memory_space<vmem>>
      %dma_wait3A_314 = tpu.memref_squeeze %dma_wait3A_313 : memref<1x80xi32, #tpu.memory_space<vmem>> -> memref<80xi32, #tpu.memory_space<vmem>>
      %dma_wait3A_315 = arith.constant 0 : i32
      %dma_wait3A_316 = arith.constant 0 : i32
      %dma_wait3A_317 = tpu.memref_slice %arg7[%dma_wait3A_315, %dma_wait3A_316] : memref<10240x128xf32, #tpu.memory_space<vmem_shared>> -> memref<10240x128xf32, #tpu.memory_space<vmem_shared>>
      tpu.wait_indirect_dma semaphore(%arg11 : memref<!tpu.dma_semaphore, #tpu.memory_space<semaphore_mem>>) src(%dma_wait3A_311 : memref<80x128xf32, #tpu.memory_space<vmem>>) dst(%dma_wait3A_317 : memref<10240x128xf32, #tpu.memory_space<vmem_shared>>)
      %add3A_318 = arith.constant 3 : i32
      %add3A_319 = arith.addi %mul3A_306, %add3A_318 : i32
      %mul3A_320 = arith.constant 10000 : i32
      %mul3A_321 = arith.muli %add3A, %mul3A_320 : i32
      %mul3A_322 = arith.constant 80 : i32
      %mul3A_323 = arith.muli %add3A_319, %mul3A_322 : i32
      %add3A_324 = arith.addi %mul3A_321, %mul3A_323 : i32
      %dma_start3A_325 = arith.constant 0 : i32
      %dma_start3A_326 = arith.constant 0 : i32
      %dma_start3A_327 = arith.constant 0 : i32
      %dma_start3A_328 = tpu.memref_slice %arg6[%dma_start3A_325, %dma_start3A_326, %dma_start3A_327] : memref<3x80x128xf32, #tpu.memory_space<vmem>> -> memref<1x80x128xf32, #tpu.memory_space<vmem>>
      %dma_start3A_329 = tpu.memref_squeeze %dma_start3A_328 : memref<1x80x128xf32, #tpu.memory_space<vmem>> -> memref<80x128xf32, #tpu.memory_space<vmem>>
      %dma_start3A_330 = arith.constant 0 : i32
      %dma_start3A_331 = tpu.memref_slice %arg2[%add3A_324, %dma_start3A_330] : memref<320000x128xf32, #tpu.memory_space<hbm>> -> memref<80x128xf32, #tpu.memory_space<hbm>>
      %dma_start3A_332 = arith.constant 0 : i32
      %dma_start3A_333 = arith.constant 0 : i32
      %dma_start3A_334 = tpu.memref_slice %arg6[%dma_start3A_325, %dma_start3A_332, %dma_start3A_333] : memref<3x80x128xf32, #tpu.memory_space<vmem>> -> memref<1x80x128xf32, #tpu.memory_space<vmem>>
      %dma_start3A_335 = tpu.memref_squeeze %dma_start3A_334 : memref<1x80x128xf32, #tpu.memory_space<vmem>> -> memref<80x128xf32, #tpu.memory_space<vmem>>
      %dma_start3A_336 = arith.constant 0 : i32
      %dma_start3A_337 = tpu.memref_slice %arg2[%add3A_324, %dma_start3A_336] : memref<320000x128xf32, #tpu.memory_space<hbm>> -> memref<80x128xf32, #tpu.memory_space<hbm>>
      tpu.enqueue_dma source(%dma_start3A_337 : memref<80x128xf32, #tpu.memory_space<hbm>>) target(%dma_start3A_335 : memref<80x128xf32, #tpu.memory_space<vmem>>) target_semaphore(%arg8 : memref<!tpu.dma_semaphore, #tpu.memory_space<semaphore_mem>>)
      %add3A_338 = arith.constant 2 : i32
      %add3A_339 = arith.addi %mul3A_306, %add3A_338 : i32
      %mul3A_340 = arith.constant 10000 : i32
      %mul3A_341 = arith.muli %add3A, %mul3A_340 : i32
      %mul3A_342 = arith.constant 80 : i32
      %mul3A_343 = arith.muli %add3A_339, %mul3A_342 : i32
      %add3A_344 = arith.addi %mul3A_341, %mul3A_343 : i32
      %dma_wait3A_345 = arith.constant 2 : i32
      %dma_wait3A_346 = arith.constant 0 : i32
      %dma_wait3A_347 = arith.constant 0 : i32
      %dma_wait3A_348 = tpu.memref_slice %arg6[%dma_wait3A_345, %dma_wait3A_346, %dma_wait3A_347] : memref<3x80x128xf32, #tpu.memory_space<vmem>> -> memref<1x80x128xf32, #tpu.memory_space<vmem>>
      %dma_wait3A_349 = tpu.memref_squeeze %dma_wait3A_348 : memref<1x80x128xf32, #tpu.memory_space<vmem>> -> memref<80x128xf32, #tpu.memory_space<vmem>>
      %dma_wait3A_350 = arith.constant 0 : i32
      %dma_wait3A_351 = tpu.memref_slice %arg2[%add3A_344, %dma_wait3A_350] : memref<320000x128xf32, #tpu.memory_space<hbm>> -> memref<80x128xf32, #tpu.memory_space<hbm>>
      %dma_wait3A_352 = arith.constant 0 : i32
      %dma_wait3A_353 = arith.constant 0 : i32
      %dma_wait3A_354 = tpu.memref_slice %arg6[%dma_wait3A_345, %dma_wait3A_352, %dma_wait3A_353] : memref<3x80x128xf32, #tpu.memory_space<vmem>> -> memref<1x80x128xf32, #tpu.memory_space<vmem>>
      %dma_wait3A_355 = tpu.memref_squeeze %dma_wait3A_354 : memref<1x80x128xf32, #tpu.memory_space<vmem>> -> memref<80x128xf32, #tpu.memory_space<vmem>>
      %dma_wait3A_356 = arith.constant 0 : i32
      %dma_wait3A_357 = tpu.memref_slice %arg2[%add3A_344, %dma_wait3A_356] : memref<320000x128xf32, #tpu.memory_space<hbm>> -> memref<80x128xf32, #tpu.memory_space<hbm>>
      tpu.wait_dma2 semaphore(%arg10 : memref<!tpu.dma_semaphore, #tpu.memory_space<semaphore_mem>>) src(%dma_wait3A_357 : memref<80x128xf32, #tpu.memory_space<hbm>>) dst(%dma_wait3A_355 : memref<80x128xf32, #tpu.memory_space<vmem>>)
      %add3A_358 = arith.constant 2 : i32
      %add3A_359 = arith.addi %mul3A_306, %add3A_358 : i32
      %dma_start3A_360 = arith.constant 2 : i32
      %dma_start3A_361 = arith.constant 0 : i32
      %dma_start3A_362 = arith.constant 0 : i32
      %dma_start3A_363 = tpu.memref_slice %arg6[%dma_start3A_360, %dma_start3A_361, %dma_start3A_362] : memref<3x80x128xf32, #tpu.memory_space<vmem>> -> memref<1x80x128xf32, #tpu.memory_space<vmem>>
      %dma_start3A_364 = tpu.memref_squeeze %dma_start3A_363 : memref<1x80x128xf32, #tpu.memory_space<vmem>> -> memref<80x128xf32, #tpu.memory_space<vmem>>
      %dma_start3A_365 = arith.constant 0 : i32
      %dma_start3A_366 = tpu.memref_slice %arg5[%add3A_359, %dma_start3A_365] : memref<125x80xi32, #tpu.memory_space<vmem>> -> memref<1x80xi32, #tpu.memory_space<vmem>>
      %dma_start3A_367 = tpu.memref_squeeze %dma_start3A_366 : memref<1x80xi32, #tpu.memory_space<vmem>> -> memref<80xi32, #tpu.memory_space<vmem>>
      %dma_start3A_368 = arith.constant 0 : i32
      %dma_start3A_369 = arith.constant 0 : i32
      %dma_start3A_370 = tpu.memref_slice %arg7[%dma_start3A_368, %dma_start3A_369] : memref<10240x128xf32, #tpu.memory_space<vmem_shared>> -> memref<10240x128xf32, #tpu.memory_space<vmem_shared>>
      tpu.enqueue_indirect_dma source(%dma_start3A_364 : memref<80x128xf32, #tpu.memory_space<vmem>>) target(%dma_start3A_370 : memref<10240x128xf32, #tpu.memory_space<vmem_shared>>) offsets(%dma_start3A_367 : memref<80xi32, #tpu.memory_space<vmem>>) semaphore(%arg13 : memref<!tpu.dma_semaphore, #tpu.memory_space<semaphore_mem>>) {add = true}
      %add3A_371 = arith.constant 1 : i32
      %add3A_372 = arith.addi %mul3A_306, %add3A_371 : i32
      %dma_wait3A_373 = arith.constant 1 : i32
      %dma_wait3A_374 = arith.constant 0 : i32
      %dma_wait3A_375 = arith.constant 0 : i32
      %dma_wait3A_376 = tpu.memref_slice %arg6[%dma_wait3A_373, %dma_wait3A_374, %dma_wait3A_375] : memref<3x80x128xf32, #tpu.memory_space<vmem>> -> memref<1x80x128xf32, #tpu.memory_space<vmem>>
      %dma_wait3A_377 = tpu.memref_squeeze %dma_wait3A_376 : memref<1x80x128xf32, #tpu.memory_space<vmem>> -> memref<80x128xf32, #tpu.memory_space<vmem>>
      %dma_wait3A_378 = arith.constant 0 : i32
      %dma_wait3A_379 = tpu.memref_slice %arg5[%add3A_372, %dma_wait3A_378] : memref<125x80xi32, #tpu.memory_space<vmem>> -> memref<1x80xi32, #tpu.memory_space<vmem>>
      %dma_wait3A_380 = tpu.memref_squeeze %dma_wait3A_379 : memref<1x80xi32, #tpu.memory_space<vmem>> -> memref<80xi32, #tpu.memory_space<vmem>>
      %dma_wait3A_381 = arith.constant 0 : i32
      %dma_wait3A_382 = arith.constant 0 : i32
      %dma_wait3A_383 = tpu.memref_slice %arg7[%dma_wait3A_381, %dma_wait3A_382] : memref<10240x128xf32, #tpu.memory_space<vmem_shared>> -> memref<10240x128xf32, #tpu.memory_space<vmem_shared>>
      tpu.wait_indirect_dma semaphore(%arg12 : memref<!tpu.dma_semaphore, #tpu.memory_space<semaphore_mem>>) src(%dma_wait3A_377 : memref<80x128xf32, #tpu.memory_space<vmem>>) dst(%dma_wait3A_383 : memref<10240x128xf32, #tpu.memory_space<vmem_shared>>)
      %add3A_384 = arith.constant 4 : i32
      %add3A_385 = arith.addi %mul3A_306, %add3A_384 : i32
      %mul3A_386 = arith.constant 10000 : i32
      %mul3A_387 = arith.muli %add3A, %mul3A_386 : i32
      %mul3A_388 = arith.constant 80 : i32
      %mul3A_389 = arith.muli %add3A_385, %mul3A_388 : i32
      %add3A_390 = arith.addi %mul3A_387, %mul3A_389 : i32
      %dma_start3A_391 = arith.constant 1 : i32
      %dma_start3A_392 = arith.constant 0 : i32
      %dma_start3A_393 = arith.constant 0 : i32
      %dma_start3A_394 = tpu.memref_slice %arg6[%dma_start3A_391, %dma_start3A_392, %dma_start3A_393] : memref<3x80x128xf32, #tpu.memory_space<vmem>> -> memref<1x80x128xf32, #tpu.memory_space<vmem>>
      %dma_start3A_395 = tpu.memref_squeeze %dma_start3A_394 : memref<1x80x128xf32, #tpu.memory_space<vmem>> -> memref<80x128xf32, #tpu.memory_space<vmem>>
      %dma_start3A_396 = arith.constant 0 : i32
      %dma_start3A_397 = tpu.memref_slice %arg2[%add3A_390, %dma_start3A_396] : memref<320000x128xf32, #tpu.memory_space<hbm>> -> memref<80x128xf32, #tpu.memory_space<hbm>>
      %dma_start3A_398 = arith.constant 0 : i32
      %dma_start3A_399 = arith.constant 0 : i32
      %dma_start3A_400 = tpu.memref_slice %arg6[%dma_start3A_391, %dma_start3A_398, %dma_start3A_399] : memref<3x80x128xf32, #tpu.memory_space<vmem>> -> memref<1x80x128xf32, #tpu.memory_space<vmem>>
      %dma_start3A_401 = tpu.memref_squeeze %dma_start3A_400 : memref<1x80x128xf32, #tpu.memory_space<vmem>> -> memref<80x128xf32, #tpu.memory_space<vmem>>
      %dma_start3A_402 = arith.constant 0 : i32
      %dma_start3A_403 = tpu.memref_slice %arg2[%add3A_390, %dma_start3A_402] : memref<320000x128xf32, #tpu.memory_space<hbm>> -> memref<80x128xf32, #tpu.memory_space<hbm>>
      tpu.enqueue_dma source(%dma_start3A_403 : memref<80x128xf32, #tpu.memory_space<hbm>>) target(%dma_start3A_401 : memref<80x128xf32, #tpu.memory_space<vmem>>) target_semaphore(%arg9 : memref<!tpu.dma_semaphore, #tpu.memory_space<semaphore_mem>>)
      %add3A_404 = arith.constant 3 : i32
      %add3A_405 = arith.addi %mul3A_306, %add3A_404 : i32
      %mul3A_406 = arith.constant 10000 : i32
      %mul3A_407 = arith.muli %add3A, %mul3A_406 : i32
      %mul3A_408 = arith.constant 80 : i32
      %mul3A_409 = arith.muli %add3A_405, %mul3A_408 : i32
      %add3A_410 = arith.addi %mul3A_407, %mul3A_409 : i32
      %dma_wait3A_411 = arith.constant 0 : i32
      %dma_wait3A_412 = arith.constant 0 : i32
      %dma_wait3A_413 = arith.constant 0 : i32
      %dma_wait3A_414 = tpu.memref_slice %arg6[%dma_wait3A_411, %dma_wait3A_412, %dma_wait3A_413] : memref<3x80x128xf32, #tpu.memory_space<vmem>> -> memref<1x80x128xf32, #tpu.memory_space<vmem>>
      %dma_wait3A_415 = tpu.memref_squeeze %dma_wait3A_414 : memref<1x80x128xf32, #tpu.memory_space<vmem>> -> memref<80x128xf32, #tpu.memory_space<vmem>>
      %dma_wait3A_416 = arith.constant 0 : i32
      %dma_wait3A_417 = tpu.memref_slice %arg2[%add3A_410, %dma_wait3A_416] : memref<320000x128xf32, #tpu.memory_space<hbm>> -> memref<80x128xf32, #tpu.memory_space<hbm>>
      %dma_wait3A_418 = arith.constant 0 : i32
      %dma_wait3A_419 = arith.constant 0 : i32
      %dma_wait3A_420 = tpu.memref_slice %arg6[%dma_wait3A_411, %dma_wait3A_418, %dma_wait3A_419] : memref<3x80x128xf32, #tpu.memory_space<vmem>> -> memref<1x80x128xf32, #tpu.memory_space<vmem>>
      %dma_wait3A_421 = tpu.memref_squeeze %dma_wait3A_420 : memref<1x80x128xf32, #tpu.memory_space<vmem>> -> memref<80x128xf32, #tpu.memory_space<vmem>>
      %dma_wait3A_422 = arith.constant 0 : i32
      %dma_wait3A_423 = tpu.memref_slice %arg2[%add3A_410, %dma_wait3A_422] : memref<320000x128xf32, #tpu.memory_space<hbm>> -> memref<80x128xf32, #tpu.memory_space<hbm>>
      tpu.wait_dma2 semaphore(%arg8 : memref<!tpu.dma_semaphore, #tpu.memory_space<semaphore_mem>>) src(%dma_wait3A_423 : memref<80x128xf32, #tpu.memory_space<hbm>>) dst(%dma_wait3A_421 : memref<80x128xf32, #tpu.memory_space<vmem>>)
      %add3A_424 = arith.constant 3 : i32
      %add3A_425 = arith.addi %mul3A_306, %add3A_424 : i32
      %dma_start3A_426 = arith.constant 0 : i32
      %dma_start3A_427 = arith.constant 0 : i32
      %dma_start3A_428 = arith.constant 0 : i32
      %dma_start3A_429 = tpu.memref_slice %arg6[%dma_start3A_426, %dma_start3A_427, %dma_start3A_428] : memref<3x80x128xf32, #tpu.memory_space<vmem>> -> memref<1x80x128xf32, #tpu.memory_space<vmem>>
      %dma_start3A_430 = tpu.memref_squeeze %dma_start3A_429 : memref<1x80x128xf32, #tpu.memory_space<vmem>> -> memref<80x128xf32, #tpu.memory_space<vmem>>
      %dma_start3A_431 = arith.constant 0 : i32
      %dma_start3A_432 = tpu.memref_slice %arg5[%add3A_425, %dma_start3A_431] : memref<125x80xi32, #tpu.memory_space<vmem>> -> memref<1x80xi32, #tpu.memory_space<vmem>>
      %dma_start3A_433 = tpu.memref_squeeze %dma_start3A_432 : memref<1x80xi32, #tpu.memory_space<vmem>> -> memref<80xi32, #tpu.memory_space<vmem>>
      %dma_start3A_434 = arith.constant 0 : i32
      %dma_start3A_435 = arith.constant 0 : i32
      %dma_start3A_436 = tpu.memref_slice %arg7[%dma_start3A_434, %dma_start3A_435] : memref<10240x128xf32, #tpu.memory_space<vmem_shared>> -> memref<10240x128xf32, #tpu.memory_space<vmem_shared>>
      tpu.enqueue_indirect_dma source(%dma_start3A_430 : memref<80x128xf32, #tpu.memory_space<vmem>>) target(%dma_start3A_436 : memref<10240x128xf32, #tpu.memory_space<vmem_shared>>) offsets(%dma_start3A_433 : memref<80xi32, #tpu.memory_space<vmem>>) semaphore(%arg11 : memref<!tpu.dma_semaphore, #tpu.memory_space<semaphore_mem>>) {add = true}
      %add3A_437 = arith.constant 2 : i32
      %add3A_438 = arith.addi %mul3A_306, %add3A_437 : i32
      %dma_wait3A_439 = arith.constant 2 : i32
      %dma_wait3A_440 = arith.constant 0 : i32
      %dma_wait3A_441 = arith.constant 0 : i32
      %dma_wait3A_442 = tpu.memref_slice %arg6[%dma_wait3A_439, %dma_wait3A_440, %dma_wait3A_441] : memref<3x80x128xf32, #tpu.memory_space<vmem>> -> memref<1x80x128xf32, #tpu.memory_space<vmem>>
      %dma_wait3A_443 = tpu.memref_squeeze %dma_wait3A_442 : memref<1x80x128xf32, #tpu.memory_space<vmem>> -> memref<80x128xf32, #tpu.memory_space<vmem>>
      %dma_wait3A_444 = arith.constant 0 : i32
      %dma_wait3A_445 = tpu.memref_slice %arg5[%add3A_438, %dma_wait3A_444] : memref<125x80xi32, #tpu.memory_space<vmem>> -> memref<1x80xi32, #tpu.memory_space<vmem>>
      %dma_wait3A_446 = tpu.memref_squeeze %dma_wait3A_445 : memref<1x80xi32, #tpu.memory_space<vmem>> -> memref<80xi32, #tpu.memory_space<vmem>>
      %dma_wait3A_447 = arith.constant 0 : i32
      %dma_wait3A_448 = arith.constant 0 : i32
      %dma_wait3A_449 = tpu.memref_slice %arg7[%dma_wait3A_447, %dma_wait3A_448] : memref<10240x128xf32, #tpu.memory_space<vmem_shared>> -> memref<10240x128xf32, #tpu.memory_space<vmem_shared>>
      tpu.wait_indirect_dma semaphore(%arg13 : memref<!tpu.dma_semaphore, #tpu.memory_space<semaphore_mem>>) src(%dma_wait3A_443 : memref<80x128xf32, #tpu.memory_space<vmem>>) dst(%dma_wait3A_449 : memref<10240x128xf32, #tpu.memory_space<vmem_shared>>)
      %add3A_450 = arith.constant 5 : i32
      %add3A_451 = arith.addi %mul3A_306, %add3A_450 : i32
      %min3A = arith.constant 124 : i32
      %min3A_452 = arith.minsi %add3A_451, %min3A : i32
      %mul3A_453 = arith.constant 10000 : i32
      %mul3A_454 = arith.muli %add3A, %mul3A_453 : i32
      %mul3A_455 = arith.constant 80 : i32
      %mul3A_456 = arith.muli %min3A_452, %mul3A_455 : i32
      %add3A_457 = arith.addi %mul3A_454, %mul3A_456 : i32
      %dma_start3A_458 = arith.constant 2 : i32
      %dma_start3A_459 = arith.constant 0 : i32
      %dma_start3A_460 = arith.constant 0 : i32
      %dma_start3A_461 = tpu.memref_slice %arg6[%dma_start3A_458, %dma_start3A_459, %dma_start3A_460] : memref<3x80x128xf32, #tpu.memory_space<vmem>> -> memref<1x80x128xf32, #tpu.memory_space<vmem>>
      %dma_start3A_462 = tpu.memref_squeeze %dma_start3A_461 : memref<1x80x128xf32, #tpu.memory_space<vmem>> -> memref<80x128xf32, #tpu.memory_space<vmem>>
      %dma_start3A_463 = arith.constant 0 : i32
      %dma_start3A_464 = tpu.memref_slice %arg2[%add3A_457, %dma_start3A_463] : memref<320000x128xf32, #tpu.memory_space<hbm>> -> memref<80x128xf32, #tpu.memory_space<hbm>>
      %dma_start3A_465 = arith.constant 0 : i32
      %dma_start3A_466 = arith.constant 0 : i32
      %dma_start3A_467 = tpu.memref_slice %arg6[%dma_start3A_458, %dma_start3A_465, %dma_start3A_466] : memref<3x80x128xf32, #tpu.memory_space<vmem>> -> memref<1x80x128xf32, #tpu.memory_space<vmem>>
      %dma_start3A_468 = tpu.memref_squeeze %dma_start3A_467 : memref<1x80x128xf32, #tpu.memory_space<vmem>> -> memref<80x128xf32, #tpu.memory_space<vmem>>
      %dma_start3A_469 = arith.constant 0 : i32
      %dma_start3A_470 = tpu.memref_slice %arg2[%add3A_457, %dma_start3A_469] : memref<320000x128xf32, #tpu.memory_space<hbm>> -> memref<80x128xf32, #tpu.memory_space<hbm>>
      tpu.enqueue_dma source(%dma_start3A_470 : memref<80x128xf32, #tpu.memory_space<hbm>>) target(%dma_start3A_468 : memref<80x128xf32, #tpu.memory_space<vmem>>) target_semaphore(%arg10 : memref<!tpu.dma_semaphore, #tpu.memory_space<semaphore_mem>>)
      %add3A_471 = arith.constant 4 : i32
      %add3A_472 = arith.addi %mul3A_306, %add3A_471 : i32
      %mul3A_473 = arith.constant 10000 : i32
      %mul3A_474 = arith.muli %add3A, %mul3A_473 : i32
      %mul3A_475 = arith.constant 80 : i32
      %mul3A_476 = arith.muli %add3A_472, %mul3A_475 : i32
      %add3A_477 = arith.addi %mul3A_474, %mul3A_476 : i32
      %dma_wait3A_478 = arith.constant 1 : i32
      %dma_wait3A_479 = arith.constant 0 : i32
      %dma_wait3A_480 = arith.constant 0 : i32
      %dma_wait3A_481 = tpu.memref_slice %arg6[%dma_wait3A_478, %dma_wait3A_479, %dma_wait3A_480] : memref<3x80x128xf32, #tpu.memory_space<vmem>> -> memref<1x80x128xf32, #tpu.memory_space<vmem>>
      %dma_wait3A_482 = tpu.memref_squeeze %dma_wait3A_481 : memref<1x80x128xf32, #tpu.memory_space<vmem>> -> memref<80x128xf32, #tpu.memory_space<vmem>>
      %dma_wait3A_483 = arith.constant 0 : i32
      %dma_wait3A_484 = tpu.memref_slice %arg2[%add3A_477, %dma_wait3A_483] : memref<320000x128xf32, #tpu.memory_space<hbm>> -> memref<80x128xf32, #tpu.memory_space<hbm>>
      %dma_wait3A_485 = arith.constant 0 : i32
      %dma_wait3A_486 = arith.constant 0 : i32
      %dma_wait3A_487 = tpu.memref_slice %arg6[%dma_wait3A_478, %dma_wait3A_485, %dma_wait3A_486] : memref<3x80x128xf32, #tpu.memory_space<vmem>> -> memref<1x80x128xf32, #tpu.memory_space<vmem>>
      %dma_wait3A_488 = tpu.memref_squeeze %dma_wait3A_487 : memref<1x80x128xf32, #tpu.memory_space<vmem>> -> memref<80x128xf32, #tpu.memory_space<vmem>>
      %dma_wait3A_489 = arith.constant 0 : i32
      %dma_wait3A_490 = tpu.memref_slice %arg2[%add3A_477, %dma_wait3A_489] : memref<320000x128xf32, #tpu.memory_space<hbm>> -> memref<80x128xf32, #tpu.memory_space<hbm>>
      tpu.wait_dma2 semaphore(%arg9 : memref<!tpu.dma_semaphore, #tpu.memory_space<semaphore_mem>>) src(%dma_wait3A_490 : memref<80x128xf32, #tpu.memory_space<hbm>>) dst(%dma_wait3A_488 : memref<80x128xf32, #tpu.memory_space<vmem>>)
      %add3A_491 = arith.constant 4 : i32
      %add3A_492 = arith.addi %mul3A_306, %add3A_491 : i32
      %dma_start3A_493 = arith.constant 1 : i32
      %dma_start3A_494 = arith.constant 0 : i32
      %dma_start3A_495 = arith.constant 0 : i32
      %dma_start3A_496 = tpu.memref_slice %arg6[%dma_start3A_493, %dma_start3A_494, %dma_start3A_495] : memref<3x80x128xf32, #tpu.memory_space<vmem>> -> memref<1x80x128xf32, #tpu.memory_space<vmem>>
      %dma_start3A_497 = tpu.memref_squeeze %dma_start3A_496 : memref<1x80x128xf32, #tpu.memory_space<vmem>> -> memref<80x128xf32, #tpu.memory_space<vmem>>
      %dma_start3A_498 = arith.constant 0 : i32
      %dma_start3A_499 = tpu.memref_slice %arg5[%add3A_492, %dma_start3A_498] : memref<125x80xi32, #tpu.memory_space<vmem>> -> memref<1x80xi32, #tpu.memory_space<vmem>>
      %dma_start3A_500 = tpu.memref_squeeze %dma_start3A_499 : memref<1x80xi32, #tpu.memory_space<vmem>> -> memref<80xi32, #tpu.memory_space<vmem>>
      %dma_start3A_501 = arith.constant 0 : i32
      %dma_start3A_502 = arith.constant 0 : i32
      %dma_start3A_503 = tpu.memref_slice %arg7[%dma_start3A_501, %dma_start3A_502] : memref<10240x128xf32, #tpu.memory_space<vmem_shared>> -> memref<10240x128xf32, #tpu.memory_space<vmem_shared>>
      tpu.enqueue_indirect_dma source(%dma_start3A_497 : memref<80x128xf32, #tpu.memory_space<vmem>>) target(%dma_start3A_503 : memref<10240x128xf32, #tpu.memory_space<vmem_shared>>) offsets(%dma_start3A_500 : memref<80xi32, #tpu.memory_space<vmem>>) semaphore(%arg12 : memref<!tpu.dma_semaphore, #tpu.memory_space<semaphore_mem>>) {add = true}
    }
    %scan3A_157 = arith.constant 41 : i32
    %dma_wait3A_158 = arith.constant 0 : i32
    %dma_wait3A_159 = arith.constant 123 : i32
    %dma_wait3A_160 = arith.constant 0 : i32
    %dma_wait3A_161 = arith.constant 0 : i32
    %dma_wait3A_162 = tpu.memref_slice %arg6[%dma_wait3A_158, %dma_wait3A_160, %dma_wait3A_161] : memref<3x80x128xf32, #tpu.memory_space<vmem>> -> memref<1x80x128xf32, #tpu.memory_space<vmem>>
    %dma_wait3A_163 = tpu.memref_squeeze %dma_wait3A_162 : memref<1x80x128xf32, #tpu.memory_space<vmem>> -> memref<80x128xf32, #tpu.memory_space<vmem>>
    %dma_wait3A_164 = arith.constant 0 : i32
    %dma_wait3A_165 = tpu.memref_slice %arg5[%dma_wait3A_159, %dma_wait3A_164] : memref<125x80xi32, #tpu.memory_space<vmem>> -> memref<1x80xi32, #tpu.memory_space<vmem>>
    %dma_wait3A_166 = tpu.memref_squeeze %dma_wait3A_165 : memref<1x80xi32, #tpu.memory_space<vmem>> -> memref<80xi32, #tpu.memory_space<vmem>>
    %dma_wait3A_167 = arith.constant 0 : i32
    %dma_wait3A_168 = arith.constant 0 : i32
    %dma_wait3A_169 = tpu.memref_slice %arg7[%dma_wait3A_167, %dma_wait3A_168] : memref<10240x128xf32, #tpu.memory_space<vmem_shared>> -> memref<10240x128xf32, #tpu.memory_space<vmem_shared>>
    tpu.wait_indirect_dma semaphore(%arg11 : memref<!tpu.dma_semaphore, #tpu.memory_space<semaphore_mem>>) src(%dma_wait3A_163 : memref<80x128xf32, #tpu.memory_space<vmem>>) dst(%dma_wait3A_169 : memref<10240x128xf32, #tpu.memory_space<vmem_shared>>)
    %dma_wait3A_170 = arith.constant 1 : i32
    %dma_wait3A_171 = arith.constant 124 : i32
    %dma_wait3A_172 = arith.constant 0 : i32
    %dma_wait3A_173 = arith.constant 0 : i32
    %dma_wait3A_174 = tpu.memref_slice %arg6[%dma_wait3A_170, %dma_wait3A_172, %dma_wait3A_173] : memref<3x80x128xf32, #tpu.memory_space<vmem>> -> memref<1x80x128xf32, #tpu.memory_space<vmem>>
    %dma_wait3A_175 = tpu.memref_squeeze %dma_wait3A_174 : memref<1x80x128xf32, #tpu.memory_space<vmem>> -> memref<80x128xf32, #tpu.memory_space<vmem>>
    %dma_wait3A_176 = arith.constant 0 : i32
    %dma_wait3A_177 = tpu.memref_slice %arg5[%dma_wait3A_171, %dma_wait3A_176] : memref<125x80xi32, #tpu.memory_space<vmem>> -> memref<1x80xi32, #tpu.memory_space<vmem>>
    %dma_wait3A_178 = tpu.memref_squeeze %dma_wait3A_177 : memref<1x80xi32, #tpu.memory_space<vmem>> -> memref<80xi32, #tpu.memory_space<vmem>>
    %dma_wait3A_179 = arith.constant 0 : i32
    %dma_wait3A_180 = arith.constant 0 : i32
    %dma_wait3A_181 = tpu.memref_slice %arg7[%dma_wait3A_179, %dma_wait3A_180] : memref<10240x128xf32, #tpu.memory_space<vmem_shared>> -> memref<10240x128xf32, #tpu.memory_space<vmem_shared>>
    tpu.wait_indirect_dma semaphore(%arg12 : memref<!tpu.dma_semaphore, #tpu.memory_space<semaphore_mem>>) src(%dma_wait3A_175 : memref<80x128xf32, #tpu.memory_space<vmem>>) dst(%dma_wait3A_181 : memref<10240x128xf32, #tpu.memory_space<vmem_shared>>)
    %mul3A_182 = arith.constant 10000 : i32
    %mul3A_183 = arith.muli %add3A, %mul3A_182 : i32
    %add3A_184 = arith.constant 9920 : i32
    %add3A_185 = arith.addi %mul3A_183, %add3A_184 : i32
    %dma_wait3A_186 = arith.constant 2 : i32
    %dma_wait3A_187 = arith.constant 0 : i32
    %dma_wait3A_188 = arith.constant 0 : i32
    %dma_wait3A_189 = tpu.memref_slice %arg6[%dma_wait3A_186, %dma_wait3A_187, %dma_wait3A_188] : memref<3x80x128xf32, #tpu.memory_space<vmem>> -> memref<1x80x128xf32, #tpu.memory_space<vmem>>
    %dma_wait3A_190 = tpu.memref_squeeze %dma_wait3A_189 : memref<1x80x128xf32, #tpu.memory_space<vmem>> -> memref<80x128xf32, #tpu.memory_space<vmem>>
    %dma_wait3A_191 = arith.constant 0 : i32
    %dma_wait3A_192 = tpu.memref_slice %arg2[%add3A_185, %dma_wait3A_191] : memref<320000x128xf32, #tpu.memory_space<hbm>> -> memref<80x128xf32, #tpu.memory_space<hbm>>
    %dma_wait3A_193 = arith.constant 0 : i32
    %dma_wait3A_194 = arith.constant 0 : i32
    %dma_wait3A_195 = tpu.memref_slice %arg6[%dma_wait3A_186, %dma_wait3A_193, %dma_wait3A_194] : memref<3x80x128xf32, #tpu.memory_space<vmem>> -> memref<1x80x128xf32, #tpu.memory_space<vmem>>
    %dma_wait3A_196 = tpu.memref_squeeze %dma_wait3A_195 : memref<1x80x128xf32, #tpu.memory_space<vmem>> -> memref<80x128xf32, #tpu.memory_space<vmem>>
    %dma_wait3A_197 = arith.constant 0 : i32
    %dma_wait3A_198 = tpu.memref_slice %arg2[%add3A_185, %dma_wait3A_197] : memref<320000x128xf32, #tpu.memory_space<hbm>> -> memref<80x128xf32, #tpu.memory_space<hbm>>
    tpu.wait_dma2 semaphore(%arg10 : memref<!tpu.dma_semaphore, #tpu.memory_space<semaphore_mem>>) src(%dma_wait3A_198 : memref<80x128xf32, #tpu.memory_space<hbm>>) dst(%dma_wait3A_196 : memref<80x128xf32, #tpu.memory_space<vmem>>)
    %barrier3A_199 = arith.constant 0 : index
    tpu.barrier barrier_id(%barrier3A_199)
    %mul3A_200 = arith.constant 640 : i32
    %mul3A_201 = arith.muli %arg1, %mul3A_200 : i32
    %add3A_202 = arith.constant 0 : i32
    %add3A_203 = arith.addi %mul3A_201, %add3A_202 : i32
    %run_scoped3A_204 = arith.constant 0 : i32
    "tpu.region"() ({
      %run_scoped3A_304 = tpu.sem_alloc : memref<!tpu.dma_semaphore, #tpu.memory_space<semaphore_mem>>
      %dma_start3A_305 = arith.constant 0 : i32
      %dma_start3A_306 = arith.constant 0 : i32
      %dma_start3A_307 = tpu.memref_slice %arg6[%run_scoped3A_204, %dma_start3A_305, %dma_start3A_306] : memref<3x80x128xf32, #tpu.memory_space<vmem>> -> memref<1x80x128xf32, #tpu.memory_space<vmem>>
      %dma_start3A_308 = tpu.memref_squeeze %dma_start3A_307 : memref<1x80x128xf32, #tpu.memory_space<vmem>> -> memref<80x128xf32, #tpu.memory_space<vmem>>
      %dma_start3A_309 = arith.constant 0 : i32
      %dma_start3A_310 = tpu.memref_slice %arg7[%add3A_203, %dma_start3A_309] : memref<10240x128xf32, #tpu.memory_space<vmem_shared>> -> memref<80x128xf32, #tpu.memory_space<vmem_shared>>
      %dma_start3A_311 = arith.constant 0 : i32
      %dma_start3A_312 = arith.constant 0 : i32
      %dma_start3A_313 = tpu.memref_slice %arg6[%run_scoped3A_204, %dma_start3A_311, %dma_start3A_312] : memref<3x80x128xf32, #tpu.memory_space<vmem>> -> memref<1x80x128xf32, #tpu.memory_space<vmem>>
      %dma_start3A_314 = tpu.memref_squeeze %dma_start3A_313 : memref<1x80x128xf32, #tpu.memory_space<vmem>> -> memref<80x128xf32, #tpu.memory_space<vmem>>
      %dma_start3A_315 = arith.constant 0 : i32
      %dma_start3A_316 = tpu.memref_slice %arg7[%add3A_203, %dma_start3A_315] : memref<10240x128xf32, #tpu.memory_space<vmem_shared>> -> memref<80x128xf32, #tpu.memory_space<vmem_shared>>
      tpu.enqueue_dma source(%dma_start3A_316 : memref<80x128xf32, #tpu.memory_space<vmem_shared>>) target(%dma_start3A_314 : memref<80x128xf32, #tpu.memory_space<vmem>>) target_semaphore(%run_scoped3A_304 : memref<!tpu.dma_semaphore, #tpu.memory_space<semaphore_mem>>)
      %dma_wait3A_317 = arith.constant 0 : i32
      %dma_wait3A_318 = arith.constant 0 : i32
      %dma_wait3A_319 = tpu.memref_slice %arg6[%run_scoped3A_204, %dma_wait3A_317, %dma_wait3A_318] : memref<3x80x128xf32, #tpu.memory_space<vmem>> -> memref<1x80x128xf32, #tpu.memory_space<vmem>>
      %dma_wait3A_320 = tpu.memref_squeeze %dma_wait3A_319 : memref<1x80x128xf32, #tpu.memory_space<vmem>> -> memref<80x128xf32, #tpu.memory_space<vmem>>
      %dma_wait3A_321 = arith.constant 0 : i32
      %dma_wait3A_322 = tpu.memref_slice %arg7[%add3A_203, %dma_wait3A_321] : memref<10240x128xf32, #tpu.memory_space<vmem_shared>> -> memref<80x128xf32, #tpu.memory_space<vmem_shared>>
      %dma_wait3A_323 = arith.constant 0 : i32
      %dma_wait3A_324 = arith.constant 0 : i32
      %dma_wait3A_325 = tpu.memref_slice %arg6[%run_scoped3A_204, %dma_wait3A_323, %dma_wait3A_324] : memref<3x80x128xf32, #tpu.memory_space<vmem>> -> memref<1x80x128xf32, #tpu.memory_space<vmem>>
      %dma_wait3A_326 = tpu.memref_squeeze %dma_wait3A_325 : memref<1x80x128xf32, #tpu.memory_space<vmem>> -> memref<80x128xf32, #tpu.memory_space<vmem>>
      %dma_wait3A_327 = arith.constant 0 : i32
      %dma_wait3A_328 = tpu.memref_slice %arg7[%add3A_203, %dma_wait3A_327] : memref<10240x128xf32, #tpu.memory_space<vmem_shared>> -> memref<80x128xf32, #tpu.memory_space<vmem_shared>>
      tpu.wait_dma2 semaphore(%run_scoped3A_304 : memref<!tpu.dma_semaphore, #tpu.memory_space<semaphore_mem>>) src(%dma_wait3A_328 : memref<80x128xf32, #tpu.memory_space<vmem_shared>>) dst(%dma_wait3A_326 : memref<80x128xf32, #tpu.memory_space<vmem>>)
      tpu.yield
    }) : () -> ()
    %mul3A_205 = arith.constant 10240 : i32
    %mul3A_206 = arith.muli %arg0, %mul3A_205 : i32
    %mul3A_207 = arith.constant 640 : i32
    %mul3A_208 = arith.muli %arg1, %mul3A_207 : i32
    %add3A_209 = arith.addi %mul3A_206, %mul3A_208 : i32
    %add3A_210 = arith.constant 0 : i32
    %add3A_211 = arith.addi %add3A_209, %add3A_210 : i32
    %run_scoped3A_212 = arith.constant 0 : i32
    "tpu.region"() ({
      %run_scoped3A_304 = tpu.sem_alloc : memref<!tpu.dma_semaphore, #tpu.memory_space<semaphore_mem>>
      %dma_start3A_305 = arith.constant 0 : i32
      %dma_start3A_306 = arith.constant 0 : i32
      %dma_start3A_307 = tpu.memref_slice %arg6[%run_scoped3A_212, %dma_start3A_305, %dma_start3A_306] : memref<3x80x128xf32, #tpu.memory_space<vmem>> -> memref<1x80x128xf32, #tpu.memory_space<vmem>>
      %dma_start3A_308 = tpu.memref_squeeze %dma_start3A_307 : memref<1x80x128xf32, #tpu.memory_space<vmem>> -> memref<80x128xf32, #tpu.memory_space<vmem>>
      %dma_start3A_309 = arith.constant 0 : i32
      %dma_start3A_310 = tpu.memref_slice %arg4[%add3A_211, %dma_start3A_309] : memref<20480x128xf32, #tpu.memory_space<hbm>> -> memref<80x128xf32, #tpu.memory_space<hbm>>
      %dma_start3A_311 = arith.constant 0 : i32
      %dma_start3A_312 = tpu.memref_slice %arg4[%add3A_211, %dma_start3A_311] : memref<20480x128xf32, #tpu.memory_space<hbm>> -> memref<80x128xf32, #tpu.memory_space<hbm>>
      %dma_start3A_313 = arith.constant 0 : i32
      %dma_start3A_314 = arith.constant 0 : i32
      %dma_start3A_315 = tpu.memref_slice %arg6[%run_scoped3A_212, %dma_start3A_313, %dma_start3A_314] : memref<3x80x128xf32, #tpu.memory_space<vmem>> -> memref<1x80x128xf32, #tpu.memory_space<vmem>>
      %dma_start3A_316 = tpu.memref_squeeze %dma_start3A_315 : memref<1x80x128xf32, #tpu.memory_space<vmem>> -> memref<80x128xf32, #tpu.memory_space<vmem>>
      tpu.enqueue_dma source(%dma_start3A_316 : memref<80x128xf32, #tpu.memory_space<vmem>>) target(%dma_start3A_312 : memref<80x128xf32, #tpu.memory_space<hbm>>) target_semaphore(%run_scoped3A_304 : memref<!tpu.dma_semaphore, #tpu.memory_space<semaphore_mem>>)
      %dma_wait3A_317 = arith.constant 0 : i32
      %dma_wait3A_318 = arith.constant 0 : i32
      %dma_wait3A_319 = tpu.memref_slice %arg6[%run_scoped3A_212, %dma_wait3A_317, %dma_wait3A_318] : memref<3x80x128xf32, #tpu.memory_space<vmem>> -> memref<1x80x128xf32, #tpu.memory_space<vmem>>
      %dma_wait3A_320 = tpu.memref_squeeze %dma_wait3A_319 : memref<1x80x128xf32, #tpu.memory_space<vmem>> -> memref<80x128xf32, #tpu.memory_space<vmem>>
      %dma_wait3A_321 = arith.constant 0 : i32
      %dma_wait3A_322 = tpu.memref_slice %arg4[%add3A_211, %dma_wait3A_321] : memref<20480x128xf32, #tpu.memory_space<hbm>> -> memref<80x128xf32, #tpu.memory_space<hbm>>
      %dma_wait3A_323 = arith.constant 0 : i32
      %dma_wait3A_324 = tpu.memref_slice %arg4[%add3A_211, %dma_wait3A_323] : memref<20480x128xf32, #tpu.memory_space<hbm>> -> memref<80x128xf32, #tpu.memory_space<hbm>>
      %dma_wait3A_325 = arith.constant 0 : i32
      %dma_wait3A_326 = arith.constant 0 : i32
      %dma_wait3A_327 = tpu.memref_slice %arg6[%run_scoped3A_212, %dma_wait3A_325, %dma_wait3A_326] : memref<3x80x128xf32, #tpu.memory_space<vmem>> -> memref<1x80x128xf32, #tpu.memory_space<vmem>>
      %dma_wait3A_328 = tpu.memref_squeeze %dma_wait3A_327 : memref<1x80x128xf32, #tpu.memory_space<vmem>> -> memref<80x128xf32, #tpu.memory_space<vmem>>
      tpu.wait_dma2 semaphore(%run_scoped3A_304 : memref<!tpu.dma_semaphore, #tpu.memory_space<semaphore_mem>>) src(%dma_wait3A_328 : memref<80x128xf32, #tpu.memory_space<vmem>>) dst(%dma_wait3A_324 : memref<80x128xf32, #tpu.memory_space<hbm>>)
      tpu.yield
    }) : () -> ()
    %mul3A_213 = arith.constant 640 : i32
    %mul3A_214 = arith.muli %arg1, %mul3A_213 : i32
    %add3A_215 = arith.constant 80 : i32
    %add3A_216 = arith.addi %mul3A_214, %add3A_215 : i32
    %run_scoped3A_217 = arith.constant 0 : i32
    "tpu.region"() ({
      %run_scoped3A_304 = tpu.sem_alloc : memref<!tpu.dma_semaphore, #tpu.memory_space<semaphore_mem>>
      %dma_start3A_305 = arith.constant 0 : i32
      %dma_start3A_306 = arith.constant 0 : i32
      %dma_start3A_307 = tpu.memref_slice %arg6[%run_scoped3A_217, %dma_start3A_305, %dma_start3A_306] : memref<3x80x128xf32, #tpu.memory_space<vmem>> -> memref<1x80x128xf32, #tpu.memory_space<vmem>>
      %dma_start3A_308 = tpu.memref_squeeze %dma_start3A_307 : memref<1x80x128xf32, #tpu.memory_space<vmem>> -> memref<80x128xf32, #tpu.memory_space<vmem>>
      %dma_start3A_309 = arith.constant 0 : i32
      %dma_start3A_310 = tpu.memref_slice %arg7[%add3A_216, %dma_start3A_309] : memref<10240x128xf32, #tpu.memory_space<vmem_shared>> -> memref<80x128xf32, #tpu.memory_space<vmem_shared>>
      %dma_start3A_311 = arith.constant 0 : i32
      %dma_start3A_312 = arith.constant 0 : i32
      %dma_start3A_313 = tpu.memref_slice %arg6[%run_scoped3A_217, %dma_start3A_311, %dma_start3A_312] : memref<3x80x128xf32, #tpu.memory_space<vmem>> -> memref<1x80x128xf32, #tpu.memory_space<vmem>>
      %dma_start3A_314 = tpu.memref_squeeze %dma_start3A_313 : memref<1x80x128xf32, #tpu.memory_space<vmem>> -> memref<80x128xf32, #tpu.memory_space<vmem>>
      %dma_start3A_315 = arith.constant 0 : i32
      %dma_start3A_316 = tpu.memref_slice %arg7[%add3A_216, %dma_start3A_315] : memref<10240x128xf32, #tpu.memory_space<vmem_shared>> -> memref<80x128xf32, #tpu.memory_space<vmem_shared>>
      tpu.enqueue_dma source(%dma_start3A_316 : memref<80x128xf32, #tpu.memory_space<vmem_shared>>) target(%dma_start3A_314 : memref<80x128xf32, #tpu.memory_space<vmem>>) target_semaphore(%run_scoped3A_304 : memref<!tpu.dma_semaphore, #tpu.memory_space<semaphore_mem>>)
      %dma_wait3A_317 = arith.constant 0 : i32
      %dma_wait3A_318 = arith.constant 0 : i32
      %dma_wait3A_319 = tpu.memref_slice %arg6[%run_scoped3A_217, %dma_wait3A_317, %dma_wait3A_318] : memref<3x80x128xf32, #tpu.memory_space<vmem>> -> memref<1x80x128xf32, #tpu.memory_space<vmem>>
      %dma_wait3A_320 = tpu.memref_squeeze %dma_wait3A_319 : memref<1x80x128xf32, #tpu.memory_space<vmem>> -> memref<80x128xf32, #tpu.memory_space<vmem>>
      %dma_wait3A_321 = arith.constant 0 : i32
      %dma_wait3A_322 = tpu.memref_slice %arg7[%add3A_216, %dma_wait3A_321] : memref<10240x128xf32, #tpu.memory_space<vmem_shared>> -> memref<80x128xf32, #tpu.memory_space<vmem_shared>>
      %dma_wait3A_323 = arith.constant 0 : i32
      %dma_wait3A_324 = arith.constant 0 : i32
      %dma_wait3A_325 = tpu.memref_slice %arg6[%run_scoped3A_217, %dma_wait3A_323, %dma_wait3A_324] : memref<3x80x128xf32, #tpu.memory_space<vmem>> -> memref<1x80x128xf32, #tpu.memory_space<vmem>>
      %dma_wait3A_326 = tpu.memref_squeeze %dma_wait3A_325 : memref<1x80x128xf32, #tpu.memory_space<vmem>> -> memref<80x128xf32, #tpu.memory_space<vmem>>
      %dma_wait3A_327 = arith.constant 0 : i32
      %dma_wait3A_328 = tpu.memref_slice %arg7[%add3A_216, %dma_wait3A_327] : memref<10240x128xf32, #tpu.memory_space<vmem_shared>> -> memref<80x128xf32, #tpu.memory_space<vmem_shared>>
      tpu.wait_dma2 semaphore(%run_scoped3A_304 : memref<!tpu.dma_semaphore, #tpu.memory_space<semaphore_mem>>) src(%dma_wait3A_328 : memref<80x128xf32, #tpu.memory_space<vmem_shared>>) dst(%dma_wait3A_326 : memref<80x128xf32, #tpu.memory_space<vmem>>)
      tpu.yield
    }) : () -> ()
    %mul3A_218 = arith.constant 10240 : i32
    %mul3A_219 = arith.muli %arg0, %mul3A_218 : i32
    %mul3A_220 = arith.constant 640 : i32
    %mul3A_221 = arith.muli %arg1, %mul3A_220 : i32
    %add3A_222 = arith.addi %mul3A_219, %mul3A_221 : i32
    %add3A_223 = arith.constant 80 : i32
    %add3A_224 = arith.addi %add3A_222, %add3A_223 : i32
    %run_scoped3A_225 = arith.constant 0 : i32
    "tpu.region"() ({
      %run_scoped3A_304 = tpu.sem_alloc : memref<!tpu.dma_semaphore, #tpu.memory_space<semaphore_mem>>
      %dma_start3A_305 = arith.constant 0 : i32
      %dma_start3A_306 = arith.constant 0 : i32
      %dma_start3A_307 = tpu.memref_slice %arg6[%run_scoped3A_225, %dma_start3A_305, %dma_start3A_306] : memref<3x80x128xf32, #tpu.memory_space<vmem>> -> memref<1x80x128xf32, #tpu.memory_space<vmem>>
      %dma_start3A_308 = tpu.memref_squeeze %dma_start3A_307 : memref<1x80x128xf32, #tpu.memory_space<vmem>> -> memref<80x128xf32, #tpu.memory_space<vmem>>
      %dma_start3A_309 = arith.constant 0 : i32
      %dma_start3A_310 = tpu.memref_slice %arg4[%add3A_224, %dma_start3A_309] : memref<20480x128xf32, #tpu.memory_space<hbm>> -> memref<80x128xf32, #tpu.memory_space<hbm>>
      %dma_start3A_311 = arith.constant 0 : i32
      %dma_start3A_312 = tpu.memref_slice %arg4[%add3A_224, %dma_start3A_311] : memref<20480x128xf32, #tpu.memory_space<hbm>> -> memref<80x128xf32, #tpu.memory_space<hbm>>
      %dma_start3A_313 = arith.constant 0 : i32
      %dma_start3A_314 = arith.constant 0 : i32
      %dma_start3A_315 = tpu.memref_slice %arg6[%run_scoped3A_225, %dma_start3A_313, %dma_start3A_314] : memref<3x80x128xf32, #tpu.memory_space<vmem>> -> memref<1x80x128xf32, #tpu.memory_space<vmem>>
      %dma_start3A_316 = tpu.memref_squeeze %dma_start3A_315 : memref<1x80x128xf32, #tpu.memory_space<vmem>> -> memref<80x128xf32, #tpu.memory_space<vmem>>
      tpu.enqueue_dma source(%dma_start3A_316 : memref<80x128xf32, #tpu.memory_space<vmem>>) target(%dma_start3A_312 : memref<80x128xf32, #tpu.memory_space<hbm>>) target_semaphore(%run_scoped3A_304 : memref<!tpu.dma_semaphore, #tpu.memory_space<semaphore_mem>>)
      %dma_wait3A_317 = arith.constant 0 : i32
      %dma_wait3A_318 = arith.constant 0 : i32
      %dma_wait3A_319 = tpu.memref_slice %arg6[%run_scoped3A_225, %dma_wait3A_317, %dma_wait3A_318] : memref<3x80x128xf32, #tpu.memory_space<vmem>> -> memref<1x80x128xf32, #tpu.memory_space<vmem>>
      %dma_wait3A_320 = tpu.memref_squeeze %dma_wait3A_319 : memref<1x80x128xf32, #tpu.memory_space<vmem>> -> memref<80x128xf32, #tpu.memory_space<vmem>>
      %dma_wait3A_321 = arith.constant 0 : i32
      %dma_wait3A_322 = tpu.memref_slice %arg4[%add3A_224, %dma_wait3A_321] : memref<20480x128xf32, #tpu.memory_space<hbm>> -> memref<80x128xf32, #tpu.memory_space<hbm>>
      %dma_wait3A_323 = arith.constant 0 : i32
      %dma_wait3A_324 = tpu.memref_slice %arg4[%add3A_224, %dma_wait3A_323] : memref<20480x128xf32, #tpu.memory_space<hbm>> -> memref<80x128xf32, #tpu.memory_space<hbm>>
      %dma_wait3A_325 = arith.constant 0 : i32
      %dma_wait3A_326 = arith.constant 0 : i32
      %dma_wait3A_327 = tpu.memref_slice %arg6[%run_scoped3A_225, %dma_wait3A_325, %dma_wait3A_326] : memref<3x80x128xf32, #tpu.memory_space<vmem>> -> memref<1x80x128xf32, #tpu.memory_space<vmem>>
      %dma_wait3A_328 = tpu.memref_squeeze %dma_wait3A_327 : memref<1x80x128xf32, #tpu.memory_space<vmem>> -> memref<80x128xf32, #tpu.memory_space<vmem>>
      tpu.wait_dma2 semaphore(%run_scoped3A_304 : memref<!tpu.dma_semaphore, #tpu.memory_space<semaphore_mem>>) src(%dma_wait3A_328 : memref<80x128xf32, #tpu.memory_space<vmem>>) dst(%dma_wait3A_324 : memref<80x128xf32, #tpu.memory_space<hbm>>)
      tpu.yield
    }) : () -> ()
    %mul3A_226 = arith.constant 640 : i32
    %mul3A_227 = arith.muli %arg1, %mul3A_226 : i32
    %add3A_228 = arith.constant 160 : i32
    %add3A_229 = arith.addi %mul3A_227, %add3A_228 : i32
    %run_scoped3A_230 = arith.constant 0 : i32
    "tpu.region"() ({
      %run_scoped3A_304 = tpu.sem_alloc : memref<!tpu.dma_semaphore, #tpu.memory_space<semaphore_mem>>
      %dma_start3A_305 = arith.constant 0 : i32
      %dma_start3A_306 = arith.constant 0 : i32
      %dma_start3A_307 = tpu.memref_slice %arg6[%run_scoped3A_230, %dma_start3A_305, %dma_start3A_306] : memref<3x80x128xf32, #tpu.memory_space<vmem>> -> memref<1x80x128xf32, #tpu.memory_space<vmem>>
      %dma_start3A_308 = tpu.memref_squeeze %dma_start3A_307 : memref<1x80x128xf32, #tpu.memory_space<vmem>> -> memref<80x128xf32, #tpu.memory_space<vmem>>
      %dma_start3A_309 = arith.constant 0 : i32
      %dma_start3A_310 = tpu.memref_slice %arg7[%add3A_229, %dma_start3A_309] : memref<10240x128xf32, #tpu.memory_space<vmem_shared>> -> memref<80x128xf32, #tpu.memory_space<vmem_shared>>
      %dma_start3A_311 = arith.constant 0 : i32
      %dma_start3A_312 = arith.constant 0 : i32
      %dma_start3A_313 = tpu.memref_slice %arg6[%run_scoped3A_230, %dma_start3A_311, %dma_start3A_312] : memref<3x80x128xf32, #tpu.memory_space<vmem>> -> memref<1x80x128xf32, #tpu.memory_space<vmem>>
      %dma_start3A_314 = tpu.memref_squeeze %dma_start3A_313 : memref<1x80x128xf32, #tpu.memory_space<vmem>> -> memref<80x128xf32, #tpu.memory_space<vmem>>
      %dma_start3A_315 = arith.constant 0 : i32
      %dma_start3A_316 = tpu.memref_slice %arg7[%add3A_229, %dma_start3A_315] : memref<10240x128xf32, #tpu.memory_space<vmem_shared>> -> memref<80x128xf32, #tpu.memory_space<vmem_shared>>
      tpu.enqueue_dma source(%dma_start3A_316 : memref<80x128xf32, #tpu.memory_space<vmem_shared>>) target(%dma_start3A_314 : memref<80x128xf32, #tpu.memory_space<vmem>>) target_semaphore(%run_scoped3A_304 : memref<!tpu.dma_semaphore, #tpu.memory_space<semaphore_mem>>)
      %dma_wait3A_317 = arith.constant 0 : i32
      %dma_wait3A_318 = arith.constant 0 : i32
      %dma_wait3A_319 = tpu.memref_slice %arg6[%run_scoped3A_230, %dma_wait3A_317, %dma_wait3A_318] : memref<3x80x128xf32, #tpu.memory_space<vmem>> -> memref<1x80x128xf32, #tpu.memory_space<vmem>>
      %dma_wait3A_320 = tpu.memref_squeeze %dma_wait3A_319 : memref<1x80x128xf32, #tpu.memory_space<vmem>> -> memref<80x128xf32, #tpu.memory_space<vmem>>
      %dma_wait3A_321 = arith.constant 0 : i32
      %dma_wait3A_322 = tpu.memref_slice %arg7[%add3A_229, %dma_wait3A_321] : memref<10240x128xf32, #tpu.memory_space<vmem_shared>> -> memref<80x128xf32, #tpu.memory_space<vmem_shared>>
      %dma_wait3A_323 = arith.constant 0 : i32
      %dma_wait3A_324 = arith.constant 0 : i32
      %dma_wait3A_325 = tpu.memref_slice %arg6[%run_scoped3A_230, %dma_wait3A_323, %dma_wait3A_324] : memref<3x80x128xf32, #tpu.memory_space<vmem>> -> memref<1x80x128xf32, #tpu.memory_space<vmem>>
      %dma_wait3A_326 = tpu.memref_squeeze %dma_wait3A_325 : memref<1x80x128xf32, #tpu.memory_space<vmem>> -> memref<80x128xf32, #tpu.memory_space<vmem>>
      %dma_wait3A_327 = arith.constant 0 : i32
      %dma_wait3A_328 = tpu.memref_slice %arg7[%add3A_229, %dma_wait3A_327] : memref<10240x128xf32, #tpu.memory_space<vmem_shared>> -> memref<80x128xf32, #tpu.memory_space<vmem_shared>>
      tpu.wait_dma2 semaphore(%run_scoped3A_304 : memref<!tpu.dma_semaphore, #tpu.memory_space<semaphore_mem>>) src(%dma_wait3A_328 : memref<80x128xf32, #tpu.memory_space<vmem_shared>>) dst(%dma_wait3A_326 : memref<80x128xf32, #tpu.memory_space<vmem>>)
      tpu.yield
    }) : () -> ()
    %mul3A_231 = arith.constant 10240 : i32
    %mul3A_232 = arith.muli %arg0, %mul3A_231 : i32
    %mul3A_233 = arith.constant 640 : i32
    %mul3A_234 = arith.muli %arg1, %mul3A_233 : i32
    %add3A_235 = arith.addi %mul3A_232, %mul3A_234 : i32
    %add3A_236 = arith.constant 160 : i32
    %add3A_237 = arith.addi %add3A_235, %add3A_236 : i32
    %run_scoped3A_238 = arith.constant 0 : i32
    "tpu.region"() ({
      %run_scoped3A_304 = tpu.sem_alloc : memref<!tpu.dma_semaphore, #tpu.memory_space<semaphore_mem>>
      %dma_start3A_305 = arith.constant 0 : i32
      %dma_start3A_306 = arith.constant 0 : i32
      %dma_start3A_307 = tpu.memref_slice %arg6[%run_scoped3A_238, %dma_start3A_305, %dma_start3A_306] : memref<3x80x128xf32, #tpu.memory_space<vmem>> -> memref<1x80x128xf32, #tpu.memory_space<vmem>>
      %dma_start3A_308 = tpu.memref_squeeze %dma_start3A_307 : memref<1x80x128xf32, #tpu.memory_space<vmem>> -> memref<80x128xf32, #tpu.memory_space<vmem>>
      %dma_start3A_309 = arith.constant 0 : i32
      %dma_start3A_310 = tpu.memref_slice %arg4[%add3A_237, %dma_start3A_309] : memref<20480x128xf32, #tpu.memory_space<hbm>> -> memref<80x128xf32, #tpu.memory_space<hbm>>
      %dma_start3A_311 = arith.constant 0 : i32
      %dma_start3A_312 = tpu.memref_slice %arg4[%add3A_237, %dma_start3A_311] : memref<20480x128xf32, #tpu.memory_space<hbm>> -> memref<80x128xf32, #tpu.memory_space<hbm>>
      %dma_start3A_313 = arith.constant 0 : i32
      %dma_start3A_314 = arith.constant 0 : i32
      %dma_start3A_315 = tpu.memref_slice %arg6[%run_scoped3A_238, %dma_start3A_313, %dma_start3A_314] : memref<3x80x128xf32, #tpu.memory_space<vmem>> -> memref<1x80x128xf32, #tpu.memory_space<vmem>>
      %dma_start3A_316 = tpu.memref_squeeze %dma_start3A_315 : memref<1x80x128xf32, #tpu.memory_space<vmem>> -> memref<80x128xf32, #tpu.memory_space<vmem>>
      tpu.enqueue_dma source(%dma_start3A_316 : memref<80x128xf32, #tpu.memory_space<vmem>>) target(%dma_start3A_312 : memref<80x128xf32, #tpu.memory_space<hbm>>) target_semaphore(%run_scoped3A_304 : memref<!tpu.dma_semaphore, #tpu.memory_space<semaphore_mem>>)
      %dma_wait3A_317 = arith.constant 0 : i32
      %dma_wait3A_318 = arith.constant 0 : i32
      %dma_wait3A_319 = tpu.memref_slice %arg6[%run_scoped3A_238, %dma_wait3A_317, %dma_wait3A_318] : memref<3x80x128xf32, #tpu.memory_space<vmem>> -> memref<1x80x128xf32, #tpu.memory_space<vmem>>
      %dma_wait3A_320 = tpu.memref_squeeze %dma_wait3A_319 : memref<1x80x128xf32, #tpu.memory_space<vmem>> -> memref<80x128xf32, #tpu.memory_space<vmem>>
      %dma_wait3A_321 = arith.constant 0 : i32
      %dma_wait3A_322 = tpu.memref_slice %arg4[%add3A_237, %dma_wait3A_321] : memref<20480x128xf32, #tpu.memory_space<hbm>> -> memref<80x128xf32, #tpu.memory_space<hbm>>
      %dma_wait3A_323 = arith.constant 0 : i32
      %dma_wait3A_324 = tpu.memref_slice %arg4[%add3A_237, %dma_wait3A_323] : memref<20480x128xf32, #tpu.memory_space<hbm>> -> memref<80x128xf32, #tpu.memory_space<hbm>>
      %dma_wait3A_325 = arith.constant 0 : i32
      %dma_wait3A_326 = arith.constant 0 : i32
      %dma_wait3A_327 = tpu.memref_slice %arg6[%run_scoped3A_238, %dma_wait3A_325, %dma_wait3A_326] : memref<3x80x128xf32, #tpu.memory_space<vmem>> -> memref<1x80x128xf32, #tpu.memory_space<vmem>>
      %dma_wait3A_328 = tpu.memref_squeeze %dma_wait3A_327 : memref<1x80x128xf32, #tpu.memory_space<vmem>> -> memref<80x128xf32, #tpu.memory_space<vmem>>
      tpu.wait_dma2 semaphore(%run_scoped3A_304 : memref<!tpu.dma_semaphore, #tpu.memory_space<semaphore_mem>>) src(%dma_wait3A_328 : memref<80x128xf32, #tpu.memory_space<vmem>>) dst(%dma_wait3A_324 : memref<80x128xf32, #tpu.memory_space<hbm>>)
      tpu.yield
    }) : () -> ()
    %mul3A_239 = arith.constant 640 : i32
    %mul3A_240 = arith.muli %arg1, %mul3A_239 : i32
    %add3A_241 = arith.constant 240 : i32
    %add3A_242 = arith.addi %mul3A_240, %add3A_241 : i32
    %run_scoped3A_243 = arith.constant 0 : i32
    "tpu.region"() ({
      %run_scoped3A_304 = tpu.sem_alloc : memref<!tpu.dma_semaphore, #tpu.memory_space<semaphore_mem>>
      %dma_start3A_305 = arith.constant 0 : i32
      %dma_start3A_306 = arith.constant 0 : i32
      %dma_start3A_307 = tpu.memref_slice %arg6[%run_scoped3A_243, %dma_start3A_305, %dma_start3A_306] : memref<3x80x128xf32, #tpu.memory_space<vmem>> -> memref<1x80x128xf32, #tpu.memory_space<vmem>>
      %dma_start3A_308 = tpu.memref_squeeze %dma_start3A_307 : memref<1x80x128xf32, #tpu.memory_space<vmem>> -> memref<80x128xf32, #tpu.memory_space<vmem>>
      %dma_start3A_309 = arith.constant 0 : i32
      %dma_start3A_310 = tpu.memref_slice %arg7[%add3A_242, %dma_start3A_309] : memref<10240x128xf32, #tpu.memory_space<vmem_shared>> -> memref<80x128xf32, #tpu.memory_space<vmem_shared>>
      %dma_start3A_311 = arith.constant 0 : i32
      %dma_start3A_312 = arith.constant 0 : i32
      %dma_start3A_313 = tpu.memref_slice %arg6[%run_scoped3A_243, %dma_start3A_311, %dma_start3A_312] : memref<3x80x128xf32, #tpu.memory_space<vmem>> -> memref<1x80x128xf32, #tpu.memory_space<vmem>>
      %dma_start3A_314 = tpu.memref_squeeze %dma_start3A_313 : memref<1x80x128xf32, #tpu.memory_space<vmem>> -> memref<80x128xf32, #tpu.memory_space<vmem>>
      %dma_start3A_315 = arith.constant 0 : i32
      %dma_start3A_316 = tpu.memref_slice %arg7[%add3A_242, %dma_start3A_315] : memref<10240x128xf32, #tpu.memory_space<vmem_shared>> -> memref<80x128xf32, #tpu.memory_space<vmem_shared>>
      tpu.enqueue_dma source(%dma_start3A_316 : memref<80x128xf32, #tpu.memory_space<vmem_shared>>) target(%dma_start3A_314 : memref<80x128xf32, #tpu.memory_space<vmem>>) target_semaphore(%run_scoped3A_304 : memref<!tpu.dma_semaphore, #tpu.memory_space<semaphore_mem>>)
      %dma_wait3A_317 = arith.constant 0 : i32
      %dma_wait3A_318 = arith.constant 0 : i32
      %dma_wait3A_319 = tpu.memref_slice %arg6[%run_scoped3A_243, %dma_wait3A_317, %dma_wait3A_318] : memref<3x80x128xf32, #tpu.memory_space<vmem>> -> memref<1x80x128xf32, #tpu.memory_space<vmem>>
      %dma_wait3A_320 = tpu.memref_squeeze %dma_wait3A_319 : memref<1x80x128xf32, #tpu.memory_space<vmem>> -> memref<80x128xf32, #tpu.memory_space<vmem>>
      %dma_wait3A_321 = arith.constant 0 : i32
      %dma_wait3A_322 = tpu.memref_slice %arg7[%add3A_242, %dma_wait3A_321] : memref<10240x128xf32, #tpu.memory_space<vmem_shared>> -> memref<80x128xf32, #tpu.memory_space<vmem_shared>>
      %dma_wait3A_323 = arith.constant 0 : i32
      %dma_wait3A_324 = arith.constant 0 : i32
      %dma_wait3A_325 = tpu.memref_slice %arg6[%run_scoped3A_243, %dma_wait3A_323, %dma_wait3A_324] : memref<3x80x128xf32, #tpu.memory_space<vmem>> -> memref<1x80x128xf32, #tpu.memory_space<vmem>>
      %dma_wait3A_326 = tpu.memref_squeeze %dma_wait3A_325 : memref<1x80x128xf32, #tpu.memory_space<vmem>> -> memref<80x128xf32, #tpu.memory_space<vmem>>
      %dma_wait3A_327 = arith.constant 0 : i32
      %dma_wait3A_328 = tpu.memref_slice %arg7[%add3A_242, %dma_wait3A_327] : memref<10240x128xf32, #tpu.memory_space<vmem_shared>> -> memref<80x128xf32, #tpu.memory_space<vmem_shared>>
      tpu.wait_dma2 semaphore(%run_scoped3A_304 : memref<!tpu.dma_semaphore, #tpu.memory_space<semaphore_mem>>) src(%dma_wait3A_328 : memref<80x128xf32, #tpu.memory_space<vmem_shared>>) dst(%dma_wait3A_326 : memref<80x128xf32, #tpu.memory_space<vmem>>)
      tpu.yield
    }) : () -> ()
    %mul3A_244 = arith.constant 10240 : i32
    %mul3A_245 = arith.muli %arg0, %mul3A_244 : i32
    %mul3A_246 = arith.constant 640 : i32
    %mul3A_247 = arith.muli %arg1, %mul3A_246 : i32
    %add3A_248 = arith.addi %mul3A_245, %mul3A_247 : i32
    %add3A_249 = arith.constant 240 : i32
    %add3A_250 = arith.addi %add3A_248, %add3A_249 : i32
    %run_scoped3A_251 = arith.constant 0 : i32
    "tpu.region"() ({
      %run_scoped3A_304 = tpu.sem_alloc : memref<!tpu.dma_semaphore, #tpu.memory_space<semaphore_mem>>
      %dma_start3A_305 = arith.constant 0 : i32
      %dma_start3A_306 = arith.constant 0 : i32
      %dma_start3A_307 = tpu.memref_slice %arg6[%run_scoped3A_251, %dma_start3A_305, %dma_start3A_306] : memref<3x80x128xf32, #tpu.memory_space<vmem>> -> memref<1x80x128xf32, #tpu.memory_space<vmem>>
      %dma_start3A_308 = tpu.memref_squeeze %dma_start3A_307 : memref<1x80x128xf32, #tpu.memory_space<vmem>> -> memref<80x128xf32, #tpu.memory_space<vmem>>
      %dma_start3A_309 = arith.constant 0 : i32
      %dma_start3A_310 = tpu.memref_slice %arg4[%add3A_250, %dma_start3A_309] : memref<20480x128xf32, #tpu.memory_space<hbm>> -> memref<80x128xf32, #tpu.memory_space<hbm>>
      %dma_start3A_311 = arith.constant 0 : i32
      %dma_start3A_312 = tpu.memref_slice %arg4[%add3A_250, %dma_start3A_311] : memref<20480x128xf32, #tpu.memory_space<hbm>> -> memref<80x128xf32, #tpu.memory_space<hbm>>
      %dma_start3A_313 = arith.constant 0 : i32
      %dma_start3A_314 = arith.constant 0 : i32
      %dma_start3A_315 = tpu.memref_slice %arg6[%run_scoped3A_251, %dma_start3A_313, %dma_start3A_314] : memref<3x80x128xf32, #tpu.memory_space<vmem>> -> memref<1x80x128xf32, #tpu.memory_space<vmem>>
      %dma_start3A_316 = tpu.memref_squeeze %dma_start3A_315 : memref<1x80x128xf32, #tpu.memory_space<vmem>> -> memref<80x128xf32, #tpu.memory_space<vmem>>
      tpu.enqueue_dma source(%dma_start3A_316 : memref<80x128xf32, #tpu.memory_space<vmem>>) target(%dma_start3A_312 : memref<80x128xf32, #tpu.memory_space<hbm>>) target_semaphore(%run_scoped3A_304 : memref<!tpu.dma_semaphore, #tpu.memory_space<semaphore_mem>>)
      %dma_wait3A_317 = arith.constant 0 : i32
      %dma_wait3A_318 = arith.constant 0 : i32
      %dma_wait3A_319 = tpu.memref_slice %arg6[%run_scoped3A_251, %dma_wait3A_317, %dma_wait3A_318] : memref<3x80x128xf32, #tpu.memory_space<vmem>> -> memref<1x80x128xf32, #tpu.memory_space<vmem>>
      %dma_wait3A_320 = tpu.memref_squeeze %dma_wait3A_319 : memref<1x80x128xf32, #tpu.memory_space<vmem>> -> memref<80x128xf32, #tpu.memory_space<vmem>>
      %dma_wait3A_321 = arith.constant 0 : i32
      %dma_wait3A_322 = tpu.memref_slice %arg4[%add3A_250, %dma_wait3A_321] : memref<20480x128xf32, #tpu.memory_space<hbm>> -> memref<80x128xf32, #tpu.memory_space<hbm>>
      %dma_wait3A_323 = arith.constant 0 : i32
      %dma_wait3A_324 = tpu.memref_slice %arg4[%add3A_250, %dma_wait3A_323] : memref<20480x128xf32, #tpu.memory_space<hbm>> -> memref<80x128xf32, #tpu.memory_space<hbm>>
      %dma_wait3A_325 = arith.constant 0 : i32
      %dma_wait3A_326 = arith.constant 0 : i32
      %dma_wait3A_327 = tpu.memref_slice %arg6[%run_scoped3A_251, %dma_wait3A_325, %dma_wait3A_326] : memref<3x80x128xf32, #tpu.memory_space<vmem>> -> memref<1x80x128xf32, #tpu.memory_space<vmem>>
      %dma_wait3A_328 = tpu.memref_squeeze %dma_wait3A_327 : memref<1x80x128xf32, #tpu.memory_space<vmem>> -> memref<80x128xf32, #tpu.memory_space<vmem>>
      tpu.wait_dma2 semaphore(%run_scoped3A_304 : memref<!tpu.dma_semaphore, #tpu.memory_space<semaphore_mem>>) src(%dma_wait3A_328 : memref<80x128xf32, #tpu.memory_space<vmem>>) dst(%dma_wait3A_324 : memref<80x128xf32, #tpu.memory_space<hbm>>)
      tpu.yield
    }) : () -> ()
    %mul3A_252 = arith.constant 640 : i32
    %mul3A_253 = arith.muli %arg1, %mul3A_252 : i32
    %add3A_254 = arith.constant 320 : i32
    %add3A_255 = arith.addi %mul3A_253, %add3A_254 : i32
    %run_scoped3A_256 = arith.constant 0 : i32
    "tpu.region"() ({
      %run_scoped3A_304 = tpu.sem_alloc : memref<!tpu.dma_semaphore, #tpu.memory_space<semaphore_mem>>
      %dma_start3A_305 = arith.constant 0 : i32
      %dma_start3A_306 = arith.constant 0 : i32
      %dma_start3A_307 = tpu.memref_slice %arg6[%run_scoped3A_256, %dma_start3A_305, %dma_start3A_306] : memref<3x80x128xf32, #tpu.memory_space<vmem>> -> memref<1x80x128xf32, #tpu.memory_space<vmem>>
      %dma_start3A_308 = tpu.memref_squeeze %dma_start3A_307 : memref<1x80x128xf32, #tpu.memory_space<vmem>> -> memref<80x128xf32, #tpu.memory_space<vmem>>
      %dma_start3A_309 = arith.constant 0 : i32
      %dma_start3A_310 = tpu.memref_slice %arg7[%add3A_255, %dma_start3A_309] : memref<10240x128xf32, #tpu.memory_space<vmem_shared>> -> memref<80x128xf32, #tpu.memory_space<vmem_shared>>
      %dma_start3A_311 = arith.constant 0 : i32
      %dma_start3A_312 = arith.constant 0 : i32
      %dma_start3A_313 = tpu.memref_slice %arg6[%run_scoped3A_256, %dma_start3A_311, %dma_start3A_312] : memref<3x80x128xf32, #tpu.memory_space<vmem>> -> memref<1x80x128xf32, #tpu.memory_space<vmem>>
      %dma_start3A_314 = tpu.memref_squeeze %dma_start3A_313 : memref<1x80x128xf32, #tpu.memory_space<vmem>> -> memref<80x128xf32, #tpu.memory_space<vmem>>
      %dma_start3A_315 = arith.constant 0 : i32
      %dma_start3A_316 = tpu.memref_slice %arg7[%add3A_255, %dma_start3A_315] : memref<10240x128xf32, #tpu.memory_space<vmem_shared>> -> memref<80x128xf32, #tpu.memory_space<vmem_shared>>
      tpu.enqueue_dma source(%dma_start3A_316 : memref<80x128xf32, #tpu.memory_space<vmem_shared>>) target(%dma_start3A_314 : memref<80x128xf32, #tpu.memory_space<vmem>>) target_semaphore(%run_scoped3A_304 : memref<!tpu.dma_semaphore, #tpu.memory_space<semaphore_mem>>)
      %dma_wait3A_317 = arith.constant 0 : i32
      %dma_wait3A_318 = arith.constant 0 : i32
      %dma_wait3A_319 = tpu.memref_slice %arg6[%run_scoped3A_256, %dma_wait3A_317, %dma_wait3A_318] : memref<3x80x128xf32, #tpu.memory_space<vmem>> -> memref<1x80x128xf32, #tpu.memory_space<vmem>>
      %dma_wait3A_320 = tpu.memref_squeeze %dma_wait3A_319 : memref<1x80x128xf32, #tpu.memory_space<vmem>> -> memref<80x128xf32, #tpu.memory_space<vmem>>
      %dma_wait3A_321 = arith.constant 0 : i32
      %dma_wait3A_322 = tpu.memref_slice %arg7[%add3A_255, %dma_wait3A_321] : memref<10240x128xf32, #tpu.memory_space<vmem_shared>> -> memref<80x128xf32, #tpu.memory_space<vmem_shared>>
      %dma_wait3A_323 = arith.constant 0 : i32
      %dma_wait3A_324 = arith.constant 0 : i32
      %dma_wait3A_325 = tpu.memref_slice %arg6[%run_scoped3A_256, %dma_wait3A_323, %dma_wait3A_324] : memref<3x80x128xf32, #tpu.memory_space<vmem>> -> memref<1x80x128xf32, #tpu.memory_space<vmem>>
      %dma_wait3A_326 = tpu.memref_squeeze %dma_wait3A_325 : memref<1x80x128xf32, #tpu.memory_space<vmem>> -> memref<80x128xf32, #tpu.memory_space<vmem>>
      %dma_wait3A_327 = arith.constant 0 : i32
      %dma_wait3A_328 = tpu.memref_slice %arg7[%add3A_255, %dma_wait3A_327] : memref<10240x128xf32, #tpu.memory_space<vmem_shared>> -> memref<80x128xf32, #tpu.memory_space<vmem_shared>>
      tpu.wait_dma2 semaphore(%run_scoped3A_304 : memref<!tpu.dma_semaphore, #tpu.memory_space<semaphore_mem>>) src(%dma_wait3A_328 : memref<80x128xf32, #tpu.memory_space<vmem_shared>>) dst(%dma_wait3A_326 : memref<80x128xf32, #tpu.memory_space<vmem>>)
      tpu.yield
    }) : () -> ()
    %mul3A_257 = arith.constant 10240 : i32
    %mul3A_258 = arith.muli %arg0, %mul3A_257 : i32
    %mul3A_259 = arith.constant 640 : i32
    %mul3A_260 = arith.muli %arg1, %mul3A_259 : i32
    %add3A_261 = arith.addi %mul3A_258, %mul3A_260 : i32
    %add3A_262 = arith.constant 320 : i32
    %add3A_263 = arith.addi %add3A_261, %add3A_262 : i32
    %run_scoped3A_264 = arith.constant 0 : i32
    "tpu.region"() ({
      %run_scoped3A_304 = tpu.sem_alloc : memref<!tpu.dma_semaphore, #tpu.memory_space<semaphore_mem>>
      %dma_start3A_305 = arith.constant 0 : i32
      %dma_start3A_306 = arith.constant 0 : i32
      %dma_start3A_307 = tpu.memref_slice %arg6[%run_scoped3A_264, %dma_start3A_305, %dma_start3A_306] : memref<3x80x128xf32, #tpu.memory_space<vmem>> -> memref<1x80x128xf32, #tpu.memory_space<vmem>>
      %dma_start3A_308 = tpu.memref_squeeze %dma_start3A_307 : memref<1x80x128xf32, #tpu.memory_space<vmem>> -> memref<80x128xf32, #tpu.memory_space<vmem>>
      %dma_start3A_309 = arith.constant 0 : i32
      %dma_start3A_310 = tpu.memref_slice %arg4[%add3A_263, %dma_start3A_309] : memref<20480x128xf32, #tpu.memory_space<hbm>> -> memref<80x128xf32, #tpu.memory_space<hbm>>
      %dma_start3A_311 = arith.constant 0 : i32
      %dma_start3A_312 = tpu.memref_slice %arg4[%add3A_263, %dma_start3A_311] : memref<20480x128xf32, #tpu.memory_space<hbm>> -> memref<80x128xf32, #tpu.memory_space<hbm>>
      %dma_start3A_313 = arith.constant 0 : i32
      %dma_start3A_314 = arith.constant 0 : i32
      %dma_start3A_315 = tpu.memref_slice %arg6[%run_scoped3A_264, %dma_start3A_313, %dma_start3A_314] : memref<3x80x128xf32, #tpu.memory_space<vmem>> -> memref<1x80x128xf32, #tpu.memory_space<vmem>>
      %dma_start3A_316 = tpu.memref_squeeze %dma_start3A_315 : memref<1x80x128xf32, #tpu.memory_space<vmem>> -> memref<80x128xf32, #tpu.memory_space<vmem>>
      tpu.enqueue_dma source(%dma_start3A_316 : memref<80x128xf32, #tpu.memory_space<vmem>>) target(%dma_start3A_312 : memref<80x128xf32, #tpu.memory_space<hbm>>) target_semaphore(%run_scoped3A_304 : memref<!tpu.dma_semaphore, #tpu.memory_space<semaphore_mem>>)
      %dma_wait3A_317 = arith.constant 0 : i32
      %dma_wait3A_318 = arith.constant 0 : i32
      %dma_wait3A_319 = tpu.memref_slice %arg6[%run_scoped3A_264, %dma_wait3A_317, %dma_wait3A_318] : memref<3x80x128xf32, #tpu.memory_space<vmem>> -> memref<1x80x128xf32, #tpu.memory_space<vmem>>
      %dma_wait3A_320 = tpu.memref_squeeze %dma_wait3A_319 : memref<1x80x128xf32, #tpu.memory_space<vmem>> -> memref<80x128xf32, #tpu.memory_space<vmem>>
      %dma_wait3A_321 = arith.constant 0 : i32
      %dma_wait3A_322 = tpu.memref_slice %arg4[%add3A_263, %dma_wait3A_321] : memref<20480x128xf32, #tpu.memory_space<hbm>> -> memref<80x128xf32, #tpu.memory_space<hbm>>
      %dma_wait3A_323 = arith.constant 0 : i32
      %dma_wait3A_324 = tpu.memref_slice %arg4[%add3A_263, %dma_wait3A_323] : memref<20480x128xf32, #tpu.memory_space<hbm>> -> memref<80x128xf32, #tpu.memory_space<hbm>>
      %dma_wait3A_325 = arith.constant 0 : i32
      %dma_wait3A_326 = arith.constant 0 : i32
      %dma_wait3A_327 = tpu.memref_slice %arg6[%run_scoped3A_264, %dma_wait3A_325, %dma_wait3A_326] : memref<3x80x128xf32, #tpu.memory_space<vmem>> -> memref<1x80x128xf32, #tpu.memory_space<vmem>>
      %dma_wait3A_328 = tpu.memref_squeeze %dma_wait3A_327 : memref<1x80x128xf32, #tpu.memory_space<vmem>> -> memref<80x128xf32, #tpu.memory_space<vmem>>
      tpu.wait_dma2 semaphore(%run_scoped3A_304 : memref<!tpu.dma_semaphore, #tpu.memory_space<semaphore_mem>>) src(%dma_wait3A_328 : memref<80x128xf32, #tpu.memory_space<vmem>>) dst(%dma_wait3A_324 : memref<80x128xf32, #tpu.memory_space<hbm>>)
      tpu.yield
    }) : () -> ()
    %mul3A_265 = arith.constant 640 : i32
    %mul3A_266 = arith.muli %arg1, %mul3A_265 : i32
    %add3A_267 = arith.constant 400 : i32
    %add3A_268 = arith.addi %mul3A_266, %add3A_267 : i32
    %run_scoped3A_269 = arith.constant 0 : i32
    "tpu.region"() ({
      %run_scoped3A_304 = tpu.sem_alloc : memref<!tpu.dma_semaphore, #tpu.memory_space<semaphore_mem>>
      %dma_start3A_305 = arith.constant 0 : i32
      %dma_start3A_306 = arith.constant 0 : i32
      %dma_start3A_307 = tpu.memref_slice %arg6[%run_scoped3A_269, %dma_start3A_305, %dma_start3A_306] : memref<3x80x128xf32, #tpu.memory_space<vmem>> -> memref<1x80x128xf32, #tpu.memory_space<vmem>>
      %dma_start3A_308 = tpu.memref_squeeze %dma_start3A_307 : memref<1x80x128xf32, #tpu.memory_space<vmem>> -> memref<80x128xf32, #tpu.memory_space<vmem>>
      %dma_start3A_309 = arith.constant 0 : i32
      %dma_start3A_310 = tpu.memref_slice %arg7[%add3A_268, %dma_start3A_309] : memref<10240x128xf32, #tpu.memory_space<vmem_shared>> -> memref<80x128xf32, #tpu.memory_space<vmem_shared>>
      %dma_start3A_311 = arith.constant 0 : i32
      %dma_start3A_312 = arith.constant 0 : i32
      %dma_start3A_313 = tpu.memref_slice %arg6[%run_scoped3A_269, %dma_start3A_311, %dma_start3A_312] : memref<3x80x128xf32, #tpu.memory_space<vmem>> -> memref<1x80x128xf32, #tpu.memory_space<vmem>>
      %dma_start3A_314 = tpu.memref_squeeze %dma_start3A_313 : memref<1x80x128xf32, #tpu.memory_space<vmem>> -> memref<80x128xf32, #tpu.memory_space<vmem>>
      %dma_start3A_315 = arith.constant 0 : i32
      %dma_start3A_316 = tpu.memref_slice %arg7[%add3A_268, %dma_start3A_315] : memref<10240x128xf32, #tpu.memory_space<vmem_shared>> -> memref<80x128xf32, #tpu.memory_space<vmem_shared>>
      tpu.enqueue_dma source(%dma_start3A_316 : memref<80x128xf32, #tpu.memory_space<vmem_shared>>) target(%dma_start3A_314 : memref<80x128xf32, #tpu.memory_space<vmem>>) target_semaphore(%run_scoped3A_304 : memref<!tpu.dma_semaphore, #tpu.memory_space<semaphore_mem>>)
      %dma_wait3A_317 = arith.constant 0 : i32
      %dma_wait3A_318 = arith.constant 0 : i32
      %dma_wait3A_319 = tpu.memref_slice %arg6[%run_scoped3A_269, %dma_wait3A_317, %dma_wait3A_318] : memref<3x80x128xf32, #tpu.memory_space<vmem>> -> memref<1x80x128xf32, #tpu.memory_space<vmem>>
      %dma_wait3A_320 = tpu.memref_squeeze %dma_wait3A_319 : memref<1x80x128xf32, #tpu.memory_space<vmem>> -> memref<80x128xf32, #tpu.memory_space<vmem>>
      %dma_wait3A_321 = arith.constant 0 : i32
      %dma_wait3A_322 = tpu.memref_slice %arg7[%add3A_268, %dma_wait3A_321] : memref<10240x128xf32, #tpu.memory_space<vmem_shared>> -> memref<80x128xf32, #tpu.memory_space<vmem_shared>>
      %dma_wait3A_323 = arith.constant 0 : i32
      %dma_wait3A_324 = arith.constant 0 : i32
      %dma_wait3A_325 = tpu.memref_slice %arg6[%run_scoped3A_269, %dma_wait3A_323, %dma_wait3A_324] : memref<3x80x128xf32, #tpu.memory_space<vmem>> -> memref<1x80x128xf32, #tpu.memory_space<vmem>>
      %dma_wait3A_326 = tpu.memref_squeeze %dma_wait3A_325 : memref<1x80x128xf32, #tpu.memory_space<vmem>> -> memref<80x128xf32, #tpu.memory_space<vmem>>
      %dma_wait3A_327 = arith.constant 0 : i32
      %dma_wait3A_328 = tpu.memref_slice %arg7[%add3A_268, %dma_wait3A_327] : memref<10240x128xf32, #tpu.memory_space<vmem_shared>> -> memref<80x128xf32, #tpu.memory_space<vmem_shared>>
      tpu.wait_dma2 semaphore(%run_scoped3A_304 : memref<!tpu.dma_semaphore, #tpu.memory_space<semaphore_mem>>) src(%dma_wait3A_328 : memref<80x128xf32, #tpu.memory_space<vmem_shared>>) dst(%dma_wait3A_326 : memref<80x128xf32, #tpu.memory_space<vmem>>)
      tpu.yield
    }) : () -> ()
    %mul3A_270 = arith.constant 10240 : i32
    %mul3A_271 = arith.muli %arg0, %mul3A_270 : i32
    %mul3A_272 = arith.constant 640 : i32
    %mul3A_273 = arith.muli %arg1, %mul3A_272 : i32
    %add3A_274 = arith.addi %mul3A_271, %mul3A_273 : i32
    %add3A_275 = arith.constant 400 : i32
    %add3A_276 = arith.addi %add3A_274, %add3A_275 : i32
    %run_scoped3A_277 = arith.constant 0 : i32
    "tpu.region"() ({
      %run_scoped3A_304 = tpu.sem_alloc : memref<!tpu.dma_semaphore, #tpu.memory_space<semaphore_mem>>
      %dma_start3A_305 = arith.constant 0 : i32
      %dma_start3A_306 = arith.constant 0 : i32
      %dma_start3A_307 = tpu.memref_slice %arg6[%run_scoped3A_277, %dma_start3A_305, %dma_start3A_306] : memref<3x80x128xf32, #tpu.memory_space<vmem>> -> memref<1x80x128xf32, #tpu.memory_space<vmem>>
      %dma_start3A_308 = tpu.memref_squeeze %dma_start3A_307 : memref<1x80x128xf32, #tpu.memory_space<vmem>> -> memref<80x128xf32, #tpu.memory_space<vmem>>
      %dma_start3A_309 = arith.constant 0 : i32
      %dma_start3A_310 = tpu.memref_slice %arg4[%add3A_276, %dma_start3A_309] : memref<20480x128xf32, #tpu.memory_space<hbm>> -> memref<80x128xf32, #tpu.memory_space<hbm>>
      %dma_start3A_311 = arith.constant 0 : i32
      %dma_start3A_312 = tpu.memref_slice %arg4[%add3A_276, %dma_start3A_311] : memref<20480x128xf32, #tpu.memory_space<hbm>> -> memref<80x128xf32, #tpu.memory_space<hbm>>
      %dma_start3A_313 = arith.constant 0 : i32
      %dma_start3A_314 = arith.constant 0 : i32
      %dma_start3A_315 = tpu.memref_slice %arg6[%run_scoped3A_277, %dma_start3A_313, %dma_start3A_314] : memref<3x80x128xf32, #tpu.memory_space<vmem>> -> memref<1x80x128xf32, #tpu.memory_space<vmem>>
      %dma_start3A_316 = tpu.memref_squeeze %dma_start3A_315 : memref<1x80x128xf32, #tpu.memory_space<vmem>> -> memref<80x128xf32, #tpu.memory_space<vmem>>
      tpu.enqueue_dma source(%dma_start3A_316 : memref<80x128xf32, #tpu.memory_space<vmem>>) target(%dma_start3A_312 : memref<80x128xf32, #tpu.memory_space<hbm>>) target_semaphore(%run_scoped3A_304 : memref<!tpu.dma_semaphore, #tpu.memory_space<semaphore_mem>>)
      %dma_wait3A_317 = arith.constant 0 : i32
      %dma_wait3A_318 = arith.constant 0 : i32
      %dma_wait3A_319 = tpu.memref_slice %arg6[%run_scoped3A_277, %dma_wait3A_317, %dma_wait3A_318] : memref<3x80x128xf32, #tpu.memory_space<vmem>> -> memref<1x80x128xf32, #tpu.memory_space<vmem>>
      %dma_wait3A_320 = tpu.memref_squeeze %dma_wait3A_319 : memref<1x80x128xf32, #tpu.memory_space<vmem>> -> memref<80x128xf32, #tpu.memory_space<vmem>>
      %dma_wait3A_321 = arith.constant 0 : i32
      %dma_wait3A_322 = tpu.memref_slice %arg4[%add3A_276, %dma_wait3A_321] : memref<20480x128xf32, #tpu.memory_space<hbm>> -> memref<80x128xf32, #tpu.memory_space<hbm>>
      %dma_wait3A_323 = arith.constant 0 : i32
      %dma_wait3A_324 = tpu.memref_slice %arg4[%add3A_276, %dma_wait3A_323] : memref<20480x128xf32, #tpu.memory_space<hbm>> -> memref<80x128xf32, #tpu.memory_space<hbm>>
      %dma_wait3A_325 = arith.constant 0 : i32
      %dma_wait3A_326 = arith.constant 0 : i32
      %dma_wait3A_327 = tpu.memref_slice %arg6[%run_scoped3A_277, %dma_wait3A_325, %dma_wait3A_326] : memref<3x80x128xf32, #tpu.memory_space<vmem>> -> memref<1x80x128xf32, #tpu.memory_space<vmem>>
      %dma_wait3A_328 = tpu.memref_squeeze %dma_wait3A_327 : memref<1x80x128xf32, #tpu.memory_space<vmem>> -> memref<80x128xf32, #tpu.memory_space<vmem>>
      tpu.wait_dma2 semaphore(%run_scoped3A_304 : memref<!tpu.dma_semaphore, #tpu.memory_space<semaphore_mem>>) src(%dma_wait3A_328 : memref<80x128xf32, #tpu.memory_space<vmem>>) dst(%dma_wait3A_324 : memref<80x128xf32, #tpu.memory_space<hbm>>)
      tpu.yield
    }) : () -> ()
    %mul3A_278 = arith.constant 640 : i32
    %mul3A_279 = arith.muli %arg1, %mul3A_278 : i32
    %add3A_280 = arith.constant 480 : i32
    %add3A_281 = arith.addi %mul3A_279, %add3A_280 : i32
    %run_scoped3A_282 = arith.constant 0 : i32
    "tpu.region"() ({
      %run_scoped3A_304 = tpu.sem_alloc : memref<!tpu.dma_semaphore, #tpu.memory_space<semaphore_mem>>
      %dma_start3A_305 = arith.constant 0 : i32
      %dma_start3A_306 = arith.constant 0 : i32
      %dma_start3A_307 = tpu.memref_slice %arg6[%run_scoped3A_282, %dma_start3A_305, %dma_start3A_306] : memref<3x80x128xf32, #tpu.memory_space<vmem>> -> memref<1x80x128xf32, #tpu.memory_space<vmem>>
      %dma_start3A_308 = tpu.memref_squeeze %dma_start3A_307 : memref<1x80x128xf32, #tpu.memory_space<vmem>> -> memref<80x128xf32, #tpu.memory_space<vmem>>
      %dma_start3A_309 = arith.constant 0 : i32
      %dma_start3A_310 = tpu.memref_slice %arg7[%add3A_281, %dma_start3A_309] : memref<10240x128xf32, #tpu.memory_space<vmem_shared>> -> memref<80x128xf32, #tpu.memory_space<vmem_shared>>
      %dma_start3A_311 = arith.constant 0 : i32
      %dma_start3A_312 = arith.constant 0 : i32
      %dma_start3A_313 = tpu.memref_slice %arg6[%run_scoped3A_282, %dma_start3A_311, %dma_start3A_312] : memref<3x80x128xf32, #tpu.memory_space<vmem>> -> memref<1x80x128xf32, #tpu.memory_space<vmem>>
      %dma_start3A_314 = tpu.memref_squeeze %dma_start3A_313 : memref<1x80x128xf32, #tpu.memory_space<vmem>> -> memref<80x128xf32, #tpu.memory_space<vmem>>
      %dma_start3A_315 = arith.constant 0 : i32
      %dma_start3A_316 = tpu.memref_slice %arg7[%add3A_281, %dma_start3A_315] : memref<10240x128xf32, #tpu.memory_space<vmem_shared>> -> memref<80x128xf32, #tpu.memory_space<vmem_shared>>
      tpu.enqueue_dma source(%dma_start3A_316 : memref<80x128xf32, #tpu.memory_space<vmem_shared>>) target(%dma_start3A_314 : memref<80x128xf32, #tpu.memory_space<vmem>>) target_semaphore(%run_scoped3A_304 : memref<!tpu.dma_semaphore, #tpu.memory_space<semaphore_mem>>)
      %dma_wait3A_317 = arith.constant 0 : i32
      %dma_wait3A_318 = arith.constant 0 : i32
      %dma_wait3A_319 = tpu.memref_slice %arg6[%run_scoped3A_282, %dma_wait3A_317, %dma_wait3A_318] : memref<3x80x128xf32, #tpu.memory_space<vmem>> -> memref<1x80x128xf32, #tpu.memory_space<vmem>>
      %dma_wait3A_320 = tpu.memref_squeeze %dma_wait3A_319 : memref<1x80x128xf32, #tpu.memory_space<vmem>> -> memref<80x128xf32, #tpu.memory_space<vmem>>
      %dma_wait3A_321 = arith.constant 0 : i32
      %dma_wait3A_322 = tpu.memref_slice %arg7[%add3A_281, %dma_wait3A_321] : memref<10240x128xf32, #tpu.memory_space<vmem_shared>> -> memref<80x128xf32, #tpu.memory_space<vmem_shared>>
      %dma_wait3A_323 = arith.constant 0 : i32
      %dma_wait3A_324 = arith.constant 0 : i32
      %dma_wait3A_325 = tpu.memref_slice %arg6[%run_scoped3A_282, %dma_wait3A_323, %dma_wait3A_324] : memref<3x80x128xf32, #tpu.memory_space<vmem>> -> memref<1x80x128xf32, #tpu.memory_space<vmem>>
      %dma_wait3A_326 = tpu.memref_squeeze %dma_wait3A_325 : memref<1x80x128xf32, #tpu.memory_space<vmem>> -> memref<80x128xf32, #tpu.memory_space<vmem>>
      %dma_wait3A_327 = arith.constant 0 : i32
      %dma_wait3A_328 = tpu.memref_slice %arg7[%add3A_281, %dma_wait3A_327] : memref<10240x128xf32, #tpu.memory_space<vmem_shared>> -> memref<80x128xf32, #tpu.memory_space<vmem_shared>>
      tpu.wait_dma2 semaphore(%run_scoped3A_304 : memref<!tpu.dma_semaphore, #tpu.memory_space<semaphore_mem>>) src(%dma_wait3A_328 : memref<80x128xf32, #tpu.memory_space<vmem_shared>>) dst(%dma_wait3A_326 : memref<80x128xf32, #tpu.memory_space<vmem>>)
      tpu.yield
    }) : () -> ()
    %mul3A_283 = arith.constant 10240 : i32
    %mul3A_284 = arith.muli %arg0, %mul3A_283 : i32
    %mul3A_285 = arith.constant 640 : i32
    %mul3A_286 = arith.muli %arg1, %mul3A_285 : i32
    %add3A_287 = arith.addi %mul3A_284, %mul3A_286 : i32
    %add3A_288 = arith.constant 480 : i32
    %add3A_289 = arith.addi %add3A_287, %add3A_288 : i32
    %run_scoped3A_290 = arith.constant 0 : i32
    "tpu.region"() ({
      %run_scoped3A_304 = tpu.sem_alloc : memref<!tpu.dma_semaphore, #tpu.memory_space<semaphore_mem>>
      %dma_start3A_305 = arith.constant 0 : i32
      %dma_start3A_306 = arith.constant 0 : i32
      %dma_start3A_307 = tpu.memref_slice %arg6[%run_scoped3A_290, %dma_start3A_305, %dma_start3A_306] : memref<3x80x128xf32, #tpu.memory_space<vmem>> -> memref<1x80x128xf32, #tpu.memory_space<vmem>>
      %dma_start3A_308 = tpu.memref_squeeze %dma_start3A_307 : memref<1x80x128xf32, #tpu.memory_space<vmem>> -> memref<80x128xf32, #tpu.memory_space<vmem>>
      %dma_start3A_309 = arith.constant 0 : i32
      %dma_start3A_310 = tpu.memref_slice %arg4[%add3A_289, %dma_start3A_309] : memref<20480x128xf32, #tpu.memory_space<hbm>> -> memref<80x128xf32, #tpu.memory_space<hbm>>
      %dma_start3A_311 = arith.constant 0 : i32
      %dma_start3A_312 = tpu.memref_slice %arg4[%add3A_289, %dma_start3A_311] : memref<20480x128xf32, #tpu.memory_space<hbm>> -> memref<80x128xf32, #tpu.memory_space<hbm>>
      %dma_start3A_313 = arith.constant 0 : i32
      %dma_start3A_314 = arith.constant 0 : i32
      %dma_start3A_315 = tpu.memref_slice %arg6[%run_scoped3A_290, %dma_start3A_313, %dma_start3A_314] : memref<3x80x128xf32, #tpu.memory_space<vmem>> -> memref<1x80x128xf32, #tpu.memory_space<vmem>>
      %dma_start3A_316 = tpu.memref_squeeze %dma_start3A_315 : memref<1x80x128xf32, #tpu.memory_space<vmem>> -> memref<80x128xf32, #tpu.memory_space<vmem>>
      tpu.enqueue_dma source(%dma_start3A_316 : memref<80x128xf32, #tpu.memory_space<vmem>>) target(%dma_start3A_312 : memref<80x128xf32, #tpu.memory_space<hbm>>) target_semaphore(%run_scoped3A_304 : memref<!tpu.dma_semaphore, #tpu.memory_space<semaphore_mem>>)
      %dma_wait3A_317 = arith.constant 0 : i32
      %dma_wait3A_318 = arith.constant 0 : i32
      %dma_wait3A_319 = tpu.memref_slice %arg6[%run_scoped3A_290, %dma_wait3A_317, %dma_wait3A_318] : memref<3x80x128xf32, #tpu.memory_space<vmem>> -> memref<1x80x128xf32, #tpu.memory_space<vmem>>
      %dma_wait3A_320 = tpu.memref_squeeze %dma_wait3A_319 : memref<1x80x128xf32, #tpu.memory_space<vmem>> -> memref<80x128xf32, #tpu.memory_space<vmem>>
      %dma_wait3A_321 = arith.constant 0 : i32
      %dma_wait3A_322 = tpu.memref_slice %arg4[%add3A_289, %dma_wait3A_321] : memref<20480x128xf32, #tpu.memory_space<hbm>> -> memref<80x128xf32, #tpu.memory_space<hbm>>
      %dma_wait3A_323 = arith.constant 0 : i32
      %dma_wait3A_324 = tpu.memref_slice %arg4[%add3A_289, %dma_wait3A_323] : memref<20480x128xf32, #tpu.memory_space<hbm>> -> memref<80x128xf32, #tpu.memory_space<hbm>>
      %dma_wait3A_325 = arith.constant 0 : i32
      %dma_wait3A_326 = arith.constant 0 : i32
      %dma_wait3A_327 = tpu.memref_slice %arg6[%run_scoped3A_290, %dma_wait3A_325, %dma_wait3A_326] : memref<3x80x128xf32, #tpu.memory_space<vmem>> -> memref<1x80x128xf32, #tpu.memory_space<vmem>>
      %dma_wait3A_328 = tpu.memref_squeeze %dma_wait3A_327 : memref<1x80x128xf32, #tpu.memory_space<vmem>> -> memref<80x128xf32, #tpu.memory_space<vmem>>
      tpu.wait_dma2 semaphore(%run_scoped3A_304 : memref<!tpu.dma_semaphore, #tpu.memory_space<semaphore_mem>>) src(%dma_wait3A_328 : memref<80x128xf32, #tpu.memory_space<vmem>>) dst(%dma_wait3A_324 : memref<80x128xf32, #tpu.memory_space<hbm>>)
      tpu.yield
    }) : () -> ()
    %mul3A_291 = arith.constant 640 : i32
    %mul3A_292 = arith.muli %arg1, %mul3A_291 : i32
    %add3A_293 = arith.constant 560 : i32
    %add3A_294 = arith.addi %mul3A_292, %add3A_293 : i32
    %run_scoped3A_295 = arith.constant 0 : i32
    "tpu.region"() ({
      %run_scoped3A_304 = tpu.sem_alloc : memref<!tpu.dma_semaphore, #tpu.memory_space<semaphore_mem>>
      %dma_start3A_305 = arith.constant 0 : i32
      %dma_start3A_306 = arith.constant 0 : i32
      %dma_start3A_307 = tpu.memref_slice %arg6[%run_scoped3A_295, %dma_start3A_305, %dma_start3A_306] : memref<3x80x128xf32, #tpu.memory_space<vmem>> -> memref<1x80x128xf32, #tpu.memory_space<vmem>>
      %dma_start3A_308 = tpu.memref_squeeze %dma_start3A_307 : memref<1x80x128xf32, #tpu.memory_space<vmem>> -> memref<80x128xf32, #tpu.memory_space<vmem>>
      %dma_start3A_309 = arith.constant 0 : i32
      %dma_start3A_310 = tpu.memref_slice %arg7[%add3A_294, %dma_start3A_309] : memref<10240x128xf32, #tpu.memory_space<vmem_shared>> -> memref<80x128xf32, #tpu.memory_space<vmem_shared>>
      %dma_start3A_311 = arith.constant 0 : i32
      %dma_start3A_312 = arith.constant 0 : i32
      %dma_start3A_313 = tpu.memref_slice %arg6[%run_scoped3A_295, %dma_start3A_311, %dma_start3A_312] : memref<3x80x128xf32, #tpu.memory_space<vmem>> -> memref<1x80x128xf32, #tpu.memory_space<vmem>>
      %dma_start3A_314 = tpu.memref_squeeze %dma_start3A_313 : memref<1x80x128xf32, #tpu.memory_space<vmem>> -> memref<80x128xf32, #tpu.memory_space<vmem>>
      %dma_start3A_315 = arith.constant 0 : i32
      %dma_start3A_316 = tpu.memref_slice %arg7[%add3A_294, %dma_start3A_315] : memref<10240x128xf32, #tpu.memory_space<vmem_shared>> -> memref<80x128xf32, #tpu.memory_space<vmem_shared>>
      tpu.enqueue_dma source(%dma_start3A_316 : memref<80x128xf32, #tpu.memory_space<vmem_shared>>) target(%dma_start3A_314 : memref<80x128xf32, #tpu.memory_space<vmem>>) target_semaphore(%run_scoped3A_304 : memref<!tpu.dma_semaphore, #tpu.memory_space<semaphore_mem>>)
      %dma_wait3A_317 = arith.constant 0 : i32
      %dma_wait3A_318 = arith.constant 0 : i32
      %dma_wait3A_319 = tpu.memref_slice %arg6[%run_scoped3A_295, %dma_wait3A_317, %dma_wait3A_318] : memref<3x80x128xf32, #tpu.memory_space<vmem>> -> memref<1x80x128xf32, #tpu.memory_space<vmem>>
      %dma_wait3A_320 = tpu.memref_squeeze %dma_wait3A_319 : memref<1x80x128xf32, #tpu.memory_space<vmem>> -> memref<80x128xf32, #tpu.memory_space<vmem>>
      %dma_wait3A_321 = arith.constant 0 : i32
      %dma_wait3A_322 = tpu.memref_slice %arg7[%add3A_294, %dma_wait3A_321] : memref<10240x128xf32, #tpu.memory_space<vmem_shared>> -> memref<80x128xf32, #tpu.memory_space<vmem_shared>>
      %dma_wait3A_323 = arith.constant 0 : i32
      %dma_wait3A_324 = arith.constant 0 : i32
      %dma_wait3A_325 = tpu.memref_slice %arg6[%run_scoped3A_295, %dma_wait3A_323, %dma_wait3A_324] : memref<3x80x128xf32, #tpu.memory_space<vmem>> -> memref<1x80x128xf32, #tpu.memory_space<vmem>>
      %dma_wait3A_326 = tpu.memref_squeeze %dma_wait3A_325 : memref<1x80x128xf32, #tpu.memory_space<vmem>> -> memref<80x128xf32, #tpu.memory_space<vmem>>
      %dma_wait3A_327 = arith.constant 0 : i32
      %dma_wait3A_328 = tpu.memref_slice %arg7[%add3A_294, %dma_wait3A_327] : memref<10240x128xf32, #tpu.memory_space<vmem_shared>> -> memref<80x128xf32, #tpu.memory_space<vmem_shared>>
      tpu.wait_dma2 semaphore(%run_scoped3A_304 : memref<!tpu.dma_semaphore, #tpu.memory_space<semaphore_mem>>) src(%dma_wait3A_328 : memref<80x128xf32, #tpu.memory_space<vmem_shared>>) dst(%dma_wait3A_326 : memref<80x128xf32, #tpu.memory_space<vmem>>)
      tpu.yield
    }) : () -> ()
    %mul3A_296 = arith.constant 10240 : i32
    %mul3A_297 = arith.muli %arg0, %mul3A_296 : i32
    %mul3A_298 = arith.constant 640 : i32
    %mul3A_299 = arith.muli %arg1, %mul3A_298 : i32
    %add3A_300 = arith.addi %mul3A_297, %mul3A_299 : i32
    %add3A_301 = arith.constant 560 : i32
    %add3A_302 = arith.addi %add3A_300, %add3A_301 : i32
    %run_scoped3A_303 = arith.constant 0 : i32
    "tpu.region"() ({
      %run_scoped3A_304 = tpu.sem_alloc : memref<!tpu.dma_semaphore, #tpu.memory_space<semaphore_mem>>
      %dma_start3A_305 = arith.constant 0 : i32
      %dma_start3A_306 = arith.constant 0 : i32
      %dma_start3A_307 = tpu.memref_slice %arg6[%run_scoped3A_303, %dma_start3A_305, %dma_start3A_306] : memref<3x80x128xf32, #tpu.memory_space<vmem>> -> memref<1x80x128xf32, #tpu.memory_space<vmem>>
      %dma_start3A_308 = tpu.memref_squeeze %dma_start3A_307 : memref<1x80x128xf32, #tpu.memory_space<vmem>> -> memref<80x128xf32, #tpu.memory_space<vmem>>
      %dma_start3A_309 = arith.constant 0 : i32
      %dma_start3A_310 = tpu.memref_slice %arg4[%add3A_302, %dma_start3A_309] : memref<20480x128xf32, #tpu.memory_space<hbm>> -> memref<80x128xf32, #tpu.memory_space<hbm>>
      %dma_start3A_311 = arith.constant 0 : i32
      %dma_start3A_312 = tpu.memref_slice %arg4[%add3A_302, %dma_start3A_311] : memref<20480x128xf32, #tpu.memory_space<hbm>> -> memref<80x128xf32, #tpu.memory_space<hbm>>
      %dma_start3A_313 = arith.constant 0 : i32
      %dma_start3A_314 = arith.constant 0 : i32
      %dma_start3A_315 = tpu.memref_slice %arg6[%run_scoped3A_303, %dma_start3A_313, %dma_start3A_314] : memref<3x80x128xf32, #tpu.memory_space<vmem>> -> memref<1x80x128xf32, #tpu.memory_space<vmem>>
      %dma_start3A_316 = tpu.memref_squeeze %dma_start3A_315 : memref<1x80x128xf32, #tpu.memory_space<vmem>> -> memref<80x128xf32, #tpu.memory_space<vmem>>
      tpu.enqueue_dma source(%dma_start3A_316 : memref<80x128xf32, #tpu.memory_space<vmem>>) target(%dma_start3A_312 : memref<80x128xf32, #tpu.memory_space<hbm>>) target_semaphore(%run_scoped3A_304 : memref<!tpu.dma_semaphore, #tpu.memory_space<semaphore_mem>>)
      %dma_wait3A_317 = arith.constant 0 : i32
      %dma_wait3A_318 = arith.constant 0 : i32
      %dma_wait3A_319 = tpu.memref_slice %arg6[%run_scoped3A_303, %dma_wait3A_317, %dma_wait3A_318] : memref<3x80x128xf32, #tpu.memory_space<vmem>> -> memref<1x80x128xf32, #tpu.memory_space<vmem>>
      %dma_wait3A_320 = tpu.memref_squeeze %dma_wait3A_319 : memref<1x80x128xf32, #tpu.memory_space<vmem>> -> memref<80x128xf32, #tpu.memory_space<vmem>>
      %dma_wait3A_321 = arith.constant 0 : i32
      %dma_wait3A_322 = tpu.memref_slice %arg4[%add3A_302, %dma_wait3A_321] : memref<20480x128xf32, #tpu.memory_space<hbm>> -> memref<80x128xf32, #tpu.memory_space<hbm>>
      %dma_wait3A_323 = arith.constant 0 : i32
      %dma_wait3A_324 = tpu.memref_slice %arg4[%add3A_302, %dma_wait3A_323] : memref<20480x128xf32, #tpu.memory_space<hbm>> -> memref<80x128xf32, #tpu.memory_space<hbm>>
      %dma_wait3A_325 = arith.constant 0 : i32
      %dma_wait3A_326 = arith.constant 0 : i32
      %dma_wait3A_327 = tpu.memref_slice %arg6[%run_scoped3A_303, %dma_wait3A_325, %dma_wait3A_326] : memref<3x80x128xf32, #tpu.memory_space<vmem>> -> memref<1x80x128xf32, #tpu.memory_space<vmem>>
      %dma_wait3A_328 = tpu.memref_squeeze %dma_wait3A_327 : memref<1x80x128xf32, #tpu.memory_space<vmem>> -> memref<80x128xf32, #tpu.memory_space<vmem>>
      tpu.wait_dma2 semaphore(%run_scoped3A_304 : memref<!tpu.dma_semaphore, #tpu.memory_space<semaphore_mem>>) src(%dma_wait3A_328 : memref<80x128xf32, #tpu.memory_space<vmem>>) dst(%dma_wait3A_324 : memref<80x128xf32, #tpu.memory_space<hbm>>)
      tpu.yield
    }) : () -> ()
    return
  }
}

#map = affine_map<(d0, d1) -> (0, 0)>
#map1 = affine_map<(d0, d1) -> (0, 0, 0)>
module attributes {stable_mosaic.version = 14 : i64} {
  func.func @_gather_k(%arg0: i32, %arg1: i32, %arg2: memref<10000x128xf32, #tpu.memory_space<hbm>>, %arg3: memref<10000x128xf32, #tpu.memory_space<hbm>>, %arg4: memref<32x125x80xi32, #tpu.memory_space<hbm>>, %arg5: memref<32x125x80xi32, #tpu.memory_space<hbm>>, %arg6: memref<320000x128xf32, #tpu.memory_space<hbm>>, %arg7: memref<125x80xi32, #tpu.memory_space<vmem>>, %arg8: memref<125x80xi32, #tpu.memory_space<vmem>>, %arg9: memref<2x80x128xf32, #tpu.memory_space<vmem>>, %arg10: memref<2x80x128xf32, #tpu.memory_space<vmem>>, %arg11: memref<2x80x128xf32, #tpu.memory_space<vmem>>, %arg12: memref<!tpu.dma_semaphore, #tpu.memory_space<semaphore_mem>>, %arg13: memref<!tpu.dma_semaphore, #tpu.memory_space<semaphore_mem>>, %arg14: memref<!tpu.dma_semaphore, #tpu.memory_space<semaphore_mem>>, %arg15: memref<!tpu.dma_semaphore, #tpu.memory_space<semaphore_mem>>, %arg16: memref<!tpu.dma_semaphore, #tpu.memory_space<semaphore_mem>>, %arg17: memref<!tpu.dma_semaphore, #tpu.memory_space<semaphore_mem>>) attributes {dimension_semantics = [#tpu.dimension_semantics<core_parallel>, #tpu.dimension_semantics<subcore_parallel>], iteration_bounds = array<i64: 2, 16>, scalar_prefetch = 0 : i64, scratch_operands = 11 : i64, tpu.core_type = #tpu.core_type<sc_vector_subcore>, window_params = [{transform_indices = #map}, {transform_indices = #map}, {transform_indices = #map1}, {transform_indices = #map1}, {transform_indices = #map}]} {
    %mul3A = arith.constant 2 : i32
    %mul3A_0 = arith.muli %arg1, %mul3A : i32
    %add3A = arith.addi %mul3A_0, %arg0 : i32
    %mul3A_1 = arith.constant 10000 : i32
    %mul3A_2 = arith.muli %add3A, %mul3A_1 : i32
    "tpu.region"() ({
      %run_scoped3A = tpu.sem_alloc : memref<!tpu.dma_semaphore, #tpu.memory_space<semaphore_mem>>
      %dma_start3A_258 = arith.constant 0 : i32
      %dma_start3A_259 = arith.constant 0 : i32
      %dma_start3A_260 = tpu.memref_slice %arg4[%add3A, %dma_start3A_258, %dma_start3A_259] : memref<32x125x80xi32, #tpu.memory_space<hbm>> -> memref<1x125x80xi32, #tpu.memory_space<hbm>>
      %dma_start3A_261 = tpu.memref_squeeze %dma_start3A_260 : memref<1x125x80xi32, #tpu.memory_space<hbm>> -> memref<125x80xi32, #tpu.memory_space<hbm>>
      %dma_start3A_262 = arith.constant 0 : i32
      %dma_start3A_263 = arith.constant 0 : i32
      %dma_start3A_264 = tpu.memref_slice %arg4[%add3A, %dma_start3A_262, %dma_start3A_263] : memref<32x125x80xi32, #tpu.memory_space<hbm>> -> memref<1x125x80xi32, #tpu.memory_space<hbm>>
      %dma_start3A_265 = tpu.memref_squeeze %dma_start3A_264 : memref<1x125x80xi32, #tpu.memory_space<hbm>> -> memref<125x80xi32, #tpu.memory_space<hbm>>
      tpu.enqueue_dma source(%dma_start3A_265 : memref<125x80xi32, #tpu.memory_space<hbm>>) target(%arg7 : memref<125x80xi32, #tpu.memory_space<vmem>>) target_semaphore(%run_scoped3A : memref<!tpu.dma_semaphore, #tpu.memory_space<semaphore_mem>>)
      %dma_wait3A_266 = arith.constant 0 : i32
      %dma_wait3A_267 = arith.constant 0 : i32
      %dma_wait3A_268 = tpu.memref_slice %arg4[%add3A, %dma_wait3A_266, %dma_wait3A_267] : memref<32x125x80xi32, #tpu.memory_space<hbm>> -> memref<1x125x80xi32, #tpu.memory_space<hbm>>
      %dma_wait3A_269 = tpu.memref_squeeze %dma_wait3A_268 : memref<1x125x80xi32, #tpu.memory_space<hbm>> -> memref<125x80xi32, #tpu.memory_space<hbm>>
      %dma_wait3A_270 = arith.constant 0 : i32
      %dma_wait3A_271 = arith.constant 0 : i32
      %dma_wait3A_272 = tpu.memref_slice %arg4[%add3A, %dma_wait3A_270, %dma_wait3A_271] : memref<32x125x80xi32, #tpu.memory_space<hbm>> -> memref<1x125x80xi32, #tpu.memory_space<hbm>>
      %dma_wait3A_273 = tpu.memref_squeeze %dma_wait3A_272 : memref<1x125x80xi32, #tpu.memory_space<hbm>> -> memref<125x80xi32, #tpu.memory_space<hbm>>
      tpu.wait_dma2 semaphore(%run_scoped3A : memref<!tpu.dma_semaphore, #tpu.memory_space<semaphore_mem>>) src(%dma_wait3A_273 : memref<125x80xi32, #tpu.memory_space<hbm>>) dst(%arg7 : memref<125x80xi32, #tpu.memory_space<vmem>>)
      tpu.yield
    }) : () -> ()
    "tpu.region"() ({
      %run_scoped3A = tpu.sem_alloc : memref<!tpu.dma_semaphore, #tpu.memory_space<semaphore_mem>>
      %dma_start3A_258 = arith.constant 0 : i32
      %dma_start3A_259 = arith.constant 0 : i32
      %dma_start3A_260 = tpu.memref_slice %arg5[%add3A, %dma_start3A_258, %dma_start3A_259] : memref<32x125x80xi32, #tpu.memory_space<hbm>> -> memref<1x125x80xi32, #tpu.memory_space<hbm>>
      %dma_start3A_261 = tpu.memref_squeeze %dma_start3A_260 : memref<1x125x80xi32, #tpu.memory_space<hbm>> -> memref<125x80xi32, #tpu.memory_space<hbm>>
      %dma_start3A_262 = arith.constant 0 : i32
      %dma_start3A_263 = arith.constant 0 : i32
      %dma_start3A_264 = tpu.memref_slice %arg5[%add3A, %dma_start3A_262, %dma_start3A_263] : memref<32x125x80xi32, #tpu.memory_space<hbm>> -> memref<1x125x80xi32, #tpu.memory_space<hbm>>
      %dma_start3A_265 = tpu.memref_squeeze %dma_start3A_264 : memref<1x125x80xi32, #tpu.memory_space<hbm>> -> memref<125x80xi32, #tpu.memory_space<hbm>>
      tpu.enqueue_dma source(%dma_start3A_265 : memref<125x80xi32, #tpu.memory_space<hbm>>) target(%arg8 : memref<125x80xi32, #tpu.memory_space<vmem>>) target_semaphore(%run_scoped3A : memref<!tpu.dma_semaphore, #tpu.memory_space<semaphore_mem>>)
      %dma_wait3A_266 = arith.constant 0 : i32
      %dma_wait3A_267 = arith.constant 0 : i32
      %dma_wait3A_268 = tpu.memref_slice %arg5[%add3A, %dma_wait3A_266, %dma_wait3A_267] : memref<32x125x80xi32, #tpu.memory_space<hbm>> -> memref<1x125x80xi32, #tpu.memory_space<hbm>>
      %dma_wait3A_269 = tpu.memref_squeeze %dma_wait3A_268 : memref<1x125x80xi32, #tpu.memory_space<hbm>> -> memref<125x80xi32, #tpu.memory_space<hbm>>
      %dma_wait3A_270 = arith.constant 0 : i32
      %dma_wait3A_271 = arith.constant 0 : i32
      %dma_wait3A_272 = tpu.memref_slice %arg5[%add3A, %dma_wait3A_270, %dma_wait3A_271] : memref<32x125x80xi32, #tpu.memory_space<hbm>> -> memref<1x125x80xi32, #tpu.memory_space<hbm>>
      %dma_wait3A_273 = tpu.memref_squeeze %dma_wait3A_272 : memref<1x125x80xi32, #tpu.memory_space<hbm>> -> memref<125x80xi32, #tpu.memory_space<hbm>>
      tpu.wait_dma2 semaphore(%run_scoped3A : memref<!tpu.dma_semaphore, #tpu.memory_space<semaphore_mem>>) src(%dma_wait3A_273 : memref<125x80xi32, #tpu.memory_space<hbm>>) dst(%arg8 : memref<125x80xi32, #tpu.memory_space<vmem>>)
      tpu.yield
    }) : () -> ()
    %dma_start3A = arith.constant 0 : i32
    %dma_start3A_3 = arith.constant 0 : i32
    %dma_start3A_4 = arith.constant 0 : i32
    %dma_start3A_5 = arith.constant 0 : i32
    %dma_start3A_6 = tpu.memref_slice %arg9[%dma_start3A_3, %dma_start3A_4, %dma_start3A_5] : memref<2x80x128xf32, #tpu.memory_space<vmem>> -> memref<1x80x128xf32, #tpu.memory_space<vmem>>
    %dma_start3A_7 = tpu.memref_squeeze %dma_start3A_6 : memref<1x80x128xf32, #tpu.memory_space<vmem>> -> memref<80x128xf32, #tpu.memory_space<vmem>>
    %dma_start3A_8 = arith.constant 0 : i32
    %dma_start3A_9 = tpu.memref_slice %arg7[%dma_start3A, %dma_start3A_8] : memref<125x80xi32, #tpu.memory_space<vmem>> -> memref<1x80xi32, #tpu.memory_space<vmem>>
    %dma_start3A_10 = tpu.memref_squeeze %dma_start3A_9 : memref<1x80xi32, #tpu.memory_space<vmem>> -> memref<80xi32, #tpu.memory_space<vmem>>
    %dma_start3A_11 = arith.constant 0 : i32
    %dma_start3A_12 = arith.constant 0 : i32
    %dma_start3A_13 = tpu.memref_slice %arg2[%dma_start3A_11, %dma_start3A_12] : memref<10000x128xf32, #tpu.memory_space<hbm>> -> memref<10000x128xf32, #tpu.memory_space<hbm>>
    tpu.enqueue_indirect_dma source(%dma_start3A_13 : memref<10000x128xf32, #tpu.memory_space<hbm>>) target(%dma_start3A_7 : memref<80x128xf32, #tpu.memory_space<vmem>>) offsets(%dma_start3A_10 : memref<80xi32, #tpu.memory_space<vmem>>) semaphore(%arg12 : memref<!tpu.dma_semaphore, #tpu.memory_space<semaphore_mem>>)
    %dma_start3A_14 = arith.constant 0 : i32
    %dma_start3A_15 = arith.constant 0 : i32
    %dma_start3A_16 = arith.constant 0 : i32
    %dma_start3A_17 = arith.constant 0 : i32
    %dma_start3A_18 = tpu.memref_slice %arg10[%dma_start3A_15, %dma_start3A_16, %dma_start3A_17] : memref<2x80x128xf32, #tpu.memory_space<vmem>> -> memref<1x80x128xf32, #tpu.memory_space<vmem>>
    %dma_start3A_19 = tpu.memref_squeeze %dma_start3A_18 : memref<1x80x128xf32, #tpu.memory_space<vmem>> -> memref<80x128xf32, #tpu.memory_space<vmem>>
    %dma_start3A_20 = arith.constant 0 : i32
    %dma_start3A_21 = tpu.memref_slice %arg8[%dma_start3A_14, %dma_start3A_20] : memref<125x80xi32, #tpu.memory_space<vmem>> -> memref<1x80xi32, #tpu.memory_space<vmem>>
    %dma_start3A_22 = tpu.memref_squeeze %dma_start3A_21 : memref<1x80xi32, #tpu.memory_space<vmem>> -> memref<80xi32, #tpu.memory_space<vmem>>
    %dma_start3A_23 = arith.constant 0 : i32
    %dma_start3A_24 = arith.constant 0 : i32
    %dma_start3A_25 = tpu.memref_slice %arg3[%dma_start3A_23, %dma_start3A_24] : memref<10000x128xf32, #tpu.memory_space<hbm>> -> memref<10000x128xf32, #tpu.memory_space<hbm>>
    tpu.enqueue_indirect_dma source(%dma_start3A_25 : memref<10000x128xf32, #tpu.memory_space<hbm>>) target(%dma_start3A_19 : memref<80x128xf32, #tpu.memory_space<vmem>>) offsets(%dma_start3A_22 : memref<80xi32, #tpu.memory_space<vmem>>) semaphore(%arg13 : memref<!tpu.dma_semaphore, #tpu.memory_space<semaphore_mem>>)
    %dma_start3A_26 = arith.constant 1 : i32
    %dma_start3A_27 = arith.constant 1 : i32
    %dma_start3A_28 = arith.constant 0 : i32
    %dma_start3A_29 = arith.constant 0 : i32
    %dma_start3A_30 = tpu.memref_slice %arg9[%dma_start3A_27, %dma_start3A_28, %dma_start3A_29] : memref<2x80x128xf32, #tpu.memory_space<vmem>> -> memref<1x80x128xf32, #tpu.memory_space<vmem>>
    %dma_start3A_31 = tpu.memref_squeeze %dma_start3A_30 : memref<1x80x128xf32, #tpu.memory_space<vmem>> -> memref<80x128xf32, #tpu.memory_space<vmem>>
    %dma_start3A_32 = arith.constant 0 : i32
    %dma_start3A_33 = tpu.memref_slice %arg7[%dma_start3A_26, %dma_start3A_32] : memref<125x80xi32, #tpu.memory_space<vmem>> -> memref<1x80xi32, #tpu.memory_space<vmem>>
    %dma_start3A_34 = tpu.memref_squeeze %dma_start3A_33 : memref<1x80xi32, #tpu.memory_space<vmem>> -> memref<80xi32, #tpu.memory_space<vmem>>
    %dma_start3A_35 = arith.constant 0 : i32
    %dma_start3A_36 = arith.constant 0 : i32
    %dma_start3A_37 = tpu.memref_slice %arg2[%dma_start3A_35, %dma_start3A_36] : memref<10000x128xf32, #tpu.memory_space<hbm>> -> memref<10000x128xf32, #tpu.memory_space<hbm>>
    tpu.enqueue_indirect_dma source(%dma_start3A_37 : memref<10000x128xf32, #tpu.memory_space<hbm>>) target(%dma_start3A_31 : memref<80x128xf32, #tpu.memory_space<vmem>>) offsets(%dma_start3A_34 : memref<80xi32, #tpu.memory_space<vmem>>) semaphore(%arg14 : memref<!tpu.dma_semaphore, #tpu.memory_space<semaphore_mem>>)
    %dma_start3A_38 = arith.constant 1 : i32
    %dma_start3A_39 = arith.constant 1 : i32
    %dma_start3A_40 = arith.constant 0 : i32
    %dma_start3A_41 = arith.constant 0 : i32
    %dma_start3A_42 = tpu.memref_slice %arg10[%dma_start3A_39, %dma_start3A_40, %dma_start3A_41] : memref<2x80x128xf32, #tpu.memory_space<vmem>> -> memref<1x80x128xf32, #tpu.memory_space<vmem>>
    %dma_start3A_43 = tpu.memref_squeeze %dma_start3A_42 : memref<1x80x128xf32, #tpu.memory_space<vmem>> -> memref<80x128xf32, #tpu.memory_space<vmem>>
    %dma_start3A_44 = arith.constant 0 : i32
    %dma_start3A_45 = tpu.memref_slice %arg8[%dma_start3A_38, %dma_start3A_44] : memref<125x80xi32, #tpu.memory_space<vmem>> -> memref<1x80xi32, #tpu.memory_space<vmem>>
    %dma_start3A_46 = tpu.memref_squeeze %dma_start3A_45 : memref<1x80xi32, #tpu.memory_space<vmem>> -> memref<80xi32, #tpu.memory_space<vmem>>
    %dma_start3A_47 = arith.constant 0 : i32
    %dma_start3A_48 = arith.constant 0 : i32
    %dma_start3A_49 = tpu.memref_slice %arg3[%dma_start3A_47, %dma_start3A_48] : memref<10000x128xf32, #tpu.memory_space<hbm>> -> memref<10000x128xf32, #tpu.memory_space<hbm>>
    tpu.enqueue_indirect_dma source(%dma_start3A_49 : memref<10000x128xf32, #tpu.memory_space<hbm>>) target(%dma_start3A_43 : memref<80x128xf32, #tpu.memory_space<vmem>>) offsets(%dma_start3A_46 : memref<80xi32, #tpu.memory_space<vmem>>) semaphore(%arg15 : memref<!tpu.dma_semaphore, #tpu.memory_space<semaphore_mem>>)
    %dma_wait3A = arith.constant 0 : i32
    %dma_wait3A_50 = arith.constant 0 : i32
    %dma_wait3A_51 = arith.constant 0 : i32
    %dma_wait3A_52 = arith.constant 0 : i32
    %dma_wait3A_53 = tpu.memref_slice %arg9[%dma_wait3A_50, %dma_wait3A_51, %dma_wait3A_52] : memref<2x80x128xf32, #tpu.memory_space<vmem>> -> memref<1x80x128xf32, #tpu.memory_space<vmem>>
    %dma_wait3A_54 = tpu.memref_squeeze %dma_wait3A_53 : memref<1x80x128xf32, #tpu.memory_space<vmem>> -> memref<80x128xf32, #tpu.memory_space<vmem>>
    %dma_wait3A_55 = arith.constant 0 : i32
    %dma_wait3A_56 = tpu.memref_slice %arg7[%dma_wait3A, %dma_wait3A_55] : memref<125x80xi32, #tpu.memory_space<vmem>> -> memref<1x80xi32, #tpu.memory_space<vmem>>
    %dma_wait3A_57 = tpu.memref_squeeze %dma_wait3A_56 : memref<1x80xi32, #tpu.memory_space<vmem>> -> memref<80xi32, #tpu.memory_space<vmem>>
    %dma_wait3A_58 = arith.constant 0 : i32
    %dma_wait3A_59 = arith.constant 0 : i32
    %dma_wait3A_60 = tpu.memref_slice %arg2[%dma_wait3A_58, %dma_wait3A_59] : memref<10000x128xf32, #tpu.memory_space<hbm>> -> memref<10000x128xf32, #tpu.memory_space<hbm>>
    tpu.wait_indirect_dma semaphore(%arg12 : memref<!tpu.dma_semaphore, #tpu.memory_space<semaphore_mem>>) src(%dma_wait3A_60 : memref<10000x128xf32, #tpu.memory_space<hbm>>) dst(%dma_wait3A_54 : memref<80x128xf32, #tpu.memory_space<vmem>>)
    %dma_wait3A_61 = arith.constant 0 : i32
    %dma_wait3A_62 = arith.constant 0 : i32
    %dma_wait3A_63 = arith.constant 0 : i32
    %dma_wait3A_64 = arith.constant 0 : i32
    %dma_wait3A_65 = tpu.memref_slice %arg10[%dma_wait3A_62, %dma_wait3A_63, %dma_wait3A_64] : memref<2x80x128xf32, #tpu.memory_space<vmem>> -> memref<1x80x128xf32, #tpu.memory_space<vmem>>
    %dma_wait3A_66 = tpu.memref_squeeze %dma_wait3A_65 : memref<1x80x128xf32, #tpu.memory_space<vmem>> -> memref<80x128xf32, #tpu.memory_space<vmem>>
    %dma_wait3A_67 = arith.constant 0 : i32
    %dma_wait3A_68 = tpu.memref_slice %arg8[%dma_wait3A_61, %dma_wait3A_67] : memref<125x80xi32, #tpu.memory_space<vmem>> -> memref<1x80xi32, #tpu.memory_space<vmem>>
    %dma_wait3A_69 = tpu.memref_squeeze %dma_wait3A_68 : memref<1x80xi32, #tpu.memory_space<vmem>> -> memref<80xi32, #tpu.memory_space<vmem>>
    %dma_wait3A_70 = arith.constant 0 : i32
    %dma_wait3A_71 = arith.constant 0 : i32
    %dma_wait3A_72 = tpu.memref_slice %arg3[%dma_wait3A_70, %dma_wait3A_71] : memref<10000x128xf32, #tpu.memory_space<hbm>> -> memref<10000x128xf32, #tpu.memory_space<hbm>>
    tpu.wait_indirect_dma semaphore(%arg13 : memref<!tpu.dma_semaphore, #tpu.memory_space<semaphore_mem>>) src(%dma_wait3A_72 : memref<10000x128xf32, #tpu.memory_space<hbm>>) dst(%dma_wait3A_66 : memref<80x128xf32, #tpu.memory_space<vmem>>)
    %scan3A = arith.constant 0 : i32
    %scan3A_73 = arith.constant 0 : i32
    %scan3A_74 = arith.constant 80 : i32
    %scan3A_75 = arith.addi %scan3A_73, %scan3A_74 : i32
    %scan3A_76 = arith.constant 1 : i32
    scf.for %scan3A_258 = %scan3A_73 to %scan3A_75 step %scan3A_76  : i32 {
      %get3A = arith.constant 0 : i32
      %get3A_259 = arith.index_cast %get3A : i32 to index
      %get3A_260 = arith.index_cast %scan3A_258 : i32 to index
      %get3A_261 = arith.constant 0 : index
      %get3A_262 = tpu.vector_load %arg9[%get3A_259, %get3A_260, %get3A_261] {strides = array<i32>} : memref<2x80x128xf32, #tpu.memory_space<vmem>>, vector<1x1x16xf32>,
      %get3A_263 = vector.shape_cast %get3A_262 : vector<1x1x16xf32> to vector<16xf32>
      %get3A_264 = arith.constant 0 : i32
      %get3A_265 = arith.index_cast %get3A_264 : i32 to index
      %get3A_266 = arith.index_cast %scan3A_258 : i32 to index
      %get3A_267 = arith.constant 0 : index
      %get3A_268 = tpu.vector_load %arg10[%get3A_265, %get3A_266, %get3A_267] {strides = array<i32>} : memref<2x80x128xf32, #tpu.memory_space<vmem>>, vector<1x1x16xf32>,
      %get3A_269 = vector.shape_cast %get3A_268 : vector<1x1x16xf32> to vector<16xf32>
      %add3A_270 = arith.addf %get3A_263, %get3A_269 : vector<16xf32>
      %swap3A = arith.constant 0 : i32
      %swap3A_271 = arith.index_cast %swap3A : i32 to index
      %swap3A_272 = arith.index_cast %scan3A_258 : i32 to index
      %swap3A_273 = arith.constant 0 : index
      %swap3A_274 = tpu.vector_load %arg11[%swap3A_271, %swap3A_272, %swap3A_273] {strides = array<i32>} : memref<2x80x128xf32, #tpu.memory_space<vmem>>, vector<1x1x16xf32>,
      %swap3A_275 = vector.shape_cast %swap3A_274 : vector<1x1x16xf32> to vector<16xf32>
      %swap3A_276 = vector.shape_cast %add3A_270 : vector<16xf32> to vector<1x1x16xf32>
      tpu.vector_store %arg11[%swap3A_271, %swap3A_272, %swap3A_273], %swap3A_276 {strides = array<i32>} : memref<2x80x128xf32, #tpu.memory_space<vmem>>, vector<1x1x16xf32>,
      %get3A_277 = arith.constant 0 : i32
      %get3A_278 = arith.index_cast %get3A_277 : i32 to index
      %get3A_279 = arith.index_cast %scan3A_258 : i32 to index
      %get3A_280 = arith.constant 16 : index
      %get3A_281 = tpu.vector_load %arg9[%get3A_278, %get3A_279, %get3A_280] {strides = array<i32>} : memref<2x80x128xf32, #tpu.memory_space<vmem>>, vector<1x1x16xf32>,
      %get3A_282 = vector.shape_cast %get3A_281 : vector<1x1x16xf32> to vector<16xf32>
      %get3A_283 = arith.constant 0 : i32
      %get3A_284 = arith.index_cast %get3A_283 : i32 to index
      %get3A_285 = arith.index_cast %scan3A_258 : i32 to index
      %get3A_286 = arith.constant 16 : index
      %get3A_287 = tpu.vector_load %arg10[%get3A_284, %get3A_285, %get3A_286] {strides = array<i32>} : memref<2x80x128xf32, #tpu.memory_space<vmem>>, vector<1x1x16xf32>,
      %get3A_288 = vector.shape_cast %get3A_287 : vector<1x1x16xf32> to vector<16xf32>
      %add3A_289 = arith.addf %get3A_282, %get3A_288 : vector<16xf32>
      %swap3A_290 = arith.constant 0 : i32
      %swap3A_291 = arith.index_cast %swap3A_290 : i32 to index
      %swap3A_292 = arith.index_cast %scan3A_258 : i32 to index
      %swap3A_293 = arith.constant 16 : index
      %swap3A_294 = tpu.vector_load %arg11[%swap3A_291, %swap3A_292, %swap3A_293] {strides = array<i32>} : memref<2x80x128xf32, #tpu.memory_space<vmem>>, vector<1x1x16xf32>,
      %swap3A_295 = vector.shape_cast %swap3A_294 : vector<1x1x16xf32> to vector<16xf32>
      %swap3A_296 = vector.shape_cast %add3A_289 : vector<16xf32> to vector<1x1x16xf32>
      tpu.vector_store %arg11[%swap3A_291, %swap3A_292, %swap3A_293], %swap3A_296 {strides = array<i32>} : memref<2x80x128xf32, #tpu.memory_space<vmem>>, vector<1x1x16xf32>,
      %get3A_297 = arith.constant 0 : i32
      %get3A_298 = arith.index_cast %get3A_297 : i32 to index
      %get3A_299 = arith.index_cast %scan3A_258 : i32 to index
      %get3A_300 = arith.constant 32 : index
      %get3A_301 = tpu.vector_load %arg9[%get3A_298, %get3A_299, %get3A_300] {strides = array<i32>} : memref<2x80x128xf32, #tpu.memory_space<vmem>>, vector<1x1x16xf32>,
      %get3A_302 = vector.shape_cast %get3A_301 : vector<1x1x16xf32> to vector<16xf32>
      %get3A_303 = arith.constant 0 : i32
      %get3A_304 = arith.index_cast %get3A_303 : i32 to index
      %get3A_305 = arith.index_cast %scan3A_258 : i32 to index
      %get3A_306 = arith.constant 32 : index
      %get3A_307 = tpu.vector_load %arg10[%get3A_304, %get3A_305, %get3A_306] {strides = array<i32>} : memref<2x80x128xf32, #tpu.memory_space<vmem>>, vector<1x1x16xf32>,
      %get3A_308 = vector.shape_cast %get3A_307 : vector<1x1x16xf32> to vector<16xf32>
      %add3A_309 = arith.addf %get3A_302, %get3A_308 : vector<16xf32>
      %swap3A_310 = arith.constant 0 : i32
      %swap3A_311 = arith.index_cast %swap3A_310 : i32 to index
      %swap3A_312 = arith.index_cast %scan3A_258 : i32 to index
      %swap3A_313 = arith.constant 32 : index
      %swap3A_314 = tpu.vector_load %arg11[%swap3A_311, %swap3A_312, %swap3A_313] {strides = array<i32>} : memref<2x80x128xf32, #tpu.memory_space<vmem>>, vector<1x1x16xf32>,
      %swap3A_315 = vector.shape_cast %swap3A_314 : vector<1x1x16xf32> to vector<16xf32>
      %swap3A_316 = vector.shape_cast %add3A_309 : vector<16xf32> to vector<1x1x16xf32>
      tpu.vector_store %arg11[%swap3A_311, %swap3A_312, %swap3A_313], %swap3A_316 {strides = array<i32>} : memref<2x80x128xf32, #tpu.memory_space<vmem>>, vector<1x1x16xf32>,
      %get3A_317 = arith.constant 0 : i32
      %get3A_318 = arith.index_cast %get3A_317 : i32 to index
      %get3A_319 = arith.index_cast %scan3A_258 : i32 to index
      %get3A_320 = arith.constant 48 : index
      %get3A_321 = tpu.vector_load %arg9[%get3A_318, %get3A_319, %get3A_320] {strides = array<i32>} : memref<2x80x128xf32, #tpu.memory_space<vmem>>, vector<1x1x16xf32>,
      %get3A_322 = vector.shape_cast %get3A_321 : vector<1x1x16xf32> to vector<16xf32>
      %get3A_323 = arith.constant 0 : i32
      %get3A_324 = arith.index_cast %get3A_323 : i32 to index
      %get3A_325 = arith.index_cast %scan3A_258 : i32 to index
      %get3A_326 = arith.constant 48 : index
      %get3A_327 = tpu.vector_load %arg10[%get3A_324, %get3A_325, %get3A_326] {strides = array<i32>} : memref<2x80x128xf32, #tpu.memory_space<vmem>>, vector<1x1x16xf32>,
      %get3A_328 = vector.shape_cast %get3A_327 : vector<1x1x16xf32> to vector<16xf32>
      %add3A_329 = arith.addf %get3A_322, %get3A_328 : vector<16xf32>
      %swap3A_330 = arith.constant 0 : i32
      %swap3A_331 = arith.index_cast %swap3A_330 : i32 to index
      %swap3A_332 = arith.index_cast %scan3A_258 : i32 to index
      %swap3A_333 = arith.constant 48 : index
      %swap3A_334 = tpu.vector_load %arg11[%swap3A_331, %swap3A_332, %swap3A_333] {strides = array<i32>} : memref<2x80x128xf32, #tpu.memory_space<vmem>>, vector<1x1x16xf32>,
      %swap3A_335 = vector.shape_cast %swap3A_334 : vector<1x1x16xf32> to vector<16xf32>
      %swap3A_336 = vector.shape_cast %add3A_329 : vector<16xf32> to vector<1x1x16xf32>
      tpu.vector_store %arg11[%swap3A_331, %swap3A_332, %swap3A_333], %swap3A_336 {strides = array<i32>} : memref<2x80x128xf32, #tpu.memory_space<vmem>>, vector<1x1x16xf32>,
      %get3A_337 = arith.constant 0 : i32
      %get3A_338 = arith.index_cast %get3A_337 : i32 to index
      %get3A_339 = arith.index_cast %scan3A_258 : i32 to index
      %get3A_340 = arith.constant 64 : index
      %get3A_341 = tpu.vector_load %arg9[%get3A_338, %get3A_339, %get3A_340] {strides = array<i32>} : memref<2x80x128xf32, #tpu.memory_space<vmem>>, vector<1x1x16xf32>,
      %get3A_342 = vector.shape_cast %get3A_341 : vector<1x1x16xf32> to vector<16xf32>
      %get3A_343 = arith.constant 0 : i32
      %get3A_344 = arith.index_cast %get3A_343 : i32 to index
      %get3A_345 = arith.index_cast %scan3A_258 : i32 to index
      %get3A_346 = arith.constant 64 : index
      %get3A_347 = tpu.vector_load %arg10[%get3A_344, %get3A_345, %get3A_346] {strides = array<i32>} : memref<2x80x128xf32, #tpu.memory_space<vmem>>, vector<1x1x16xf32>,
      %get3A_348 = vector.shape_cast %get3A_347 : vector<1x1x16xf32> to vector<16xf32>
      %add3A_349 = arith.addf %get3A_342, %get3A_348 : vector<16xf32>
      %swap3A_350 = arith.constant 0 : i32
      %swap3A_351 = arith.index_cast %swap3A_350 : i32 to index
      %swap3A_352 = arith.index_cast %scan3A_258 : i32 to index
      %swap3A_353 = arith.constant 64 : index
      %swap3A_354 = tpu.vector_load %arg11[%swap3A_351, %swap3A_352, %swap3A_353] {strides = array<i32>} : memref<2x80x128xf32, #tpu.memory_space<vmem>>, vector<1x1x16xf32>,
      %swap3A_355 = vector.shape_cast %swap3A_354 : vector<1x1x16xf32> to vector<16xf32>
      %swap3A_356 = vector.shape_cast %add3A_349 : vector<16xf32> to vector<1x1x16xf32>
      tpu.vector_store %arg11[%swap3A_351, %swap3A_352, %swap3A_353], %swap3A_356 {strides = array<i32>} : memref<2x80x128xf32, #tpu.memory_space<vmem>>, vector<1x1x16xf32>,
      %get3A_357 = arith.constant 0 : i32
      %get3A_358 = arith.index_cast %get3A_357 : i32 to index
      %get3A_359 = arith.index_cast %scan3A_258 : i32 to index
      %get3A_360 = arith.constant 80 : index
      %get3A_361 = tpu.vector_load %arg9[%get3A_358, %get3A_359, %get3A_360] {strides = array<i32>} : memref<2x80x128xf32, #tpu.memory_space<vmem>>, vector<1x1x16xf32>,
      %get3A_362 = vector.shape_cast %get3A_361 : vector<1x1x16xf32> to vector<16xf32>
      %get3A_363 = arith.constant 0 : i32
      %get3A_364 = arith.index_cast %get3A_363 : i32 to index
      %get3A_365 = arith.index_cast %scan3A_258 : i32 to index
      %get3A_366 = arith.constant 80 : index
      %get3A_367 = tpu.vector_load %arg10[%get3A_364, %get3A_365, %get3A_366] {strides = array<i32>} : memref<2x80x128xf32, #tpu.memory_space<vmem>>, vector<1x1x16xf32>,
      %get3A_368 = vector.shape_cast %get3A_367 : vector<1x1x16xf32> to vector<16xf32>
      %add3A_369 = arith.addf %get3A_362, %get3A_368 : vector<16xf32>
      %swap3A_370 = arith.constant 0 : i32
      %swap3A_371 = arith.index_cast %swap3A_370 : i32 to index
      %swap3A_372 = arith.index_cast %scan3A_258 : i32 to index
      %swap3A_373 = arith.constant 80 : index
      %swap3A_374 = tpu.vector_load %arg11[%swap3A_371, %swap3A_372, %swap3A_373] {strides = array<i32>} : memref<2x80x128xf32, #tpu.memory_space<vmem>>, vector<1x1x16xf32>,
      %swap3A_375 = vector.shape_cast %swap3A_374 : vector<1x1x16xf32> to vector<16xf32>
      %swap3A_376 = vector.shape_cast %add3A_369 : vector<16xf32> to vector<1x1x16xf32>
      tpu.vector_store %arg11[%swap3A_371, %swap3A_372, %swap3A_373], %swap3A_376 {strides = array<i32>} : memref<2x80x128xf32, #tpu.memory_space<vmem>>, vector<1x1x16xf32>,
      %get3A_377 = arith.constant 0 : i32
      %get3A_378 = arith.index_cast %get3A_377 : i32 to index
      %get3A_379 = arith.index_cast %scan3A_258 : i32 to index
      %get3A_380 = arith.constant 96 : index
      %get3A_381 = tpu.vector_load %arg9[%get3A_378, %get3A_379, %get3A_380] {strides = array<i32>} : memref<2x80x128xf32, #tpu.memory_space<vmem>>, vector<1x1x16xf32>,
      %get3A_382 = vector.shape_cast %get3A_381 : vector<1x1x16xf32> to vector<16xf32>
      %get3A_383 = arith.constant 0 : i32
      %get3A_384 = arith.index_cast %get3A_383 : i32 to index
      %get3A_385 = arith.index_cast %scan3A_258 : i32 to index
      %get3A_386 = arith.constant 96 : index
      %get3A_387 = tpu.vector_load %arg10[%get3A_384, %get3A_385, %get3A_386] {strides = array<i32>} : memref<2x80x128xf32, #tpu.memory_space<vmem>>, vector<1x1x16xf32>,
      %get3A_388 = vector.shape_cast %get3A_387 : vector<1x1x16xf32> to vector<16xf32>
      %add3A_389 = arith.addf %get3A_382, %get3A_388 : vector<16xf32>
      %swap3A_390 = arith.constant 0 : i32
      %swap3A_391 = arith.index_cast %swap3A_390 : i32 to index
      %swap3A_392 = arith.index_cast %scan3A_258 : i32 to index
      %swap3A_393 = arith.constant 96 : index
      %swap3A_394 = tpu.vector_load %arg11[%swap3A_391, %swap3A_392, %swap3A_393] {strides = array<i32>} : memref<2x80x128xf32, #tpu.memory_space<vmem>>, vector<1x1x16xf32>,
      %swap3A_395 = vector.shape_cast %swap3A_394 : vector<1x1x16xf32> to vector<16xf32>
      %swap3A_396 = vector.shape_cast %add3A_389 : vector<16xf32> to vector<1x1x16xf32>
      tpu.vector_store %arg11[%swap3A_391, %swap3A_392, %swap3A_393], %swap3A_396 {strides = array<i32>} : memref<2x80x128xf32, #tpu.memory_space<vmem>>, vector<1x1x16xf32>,
      %get3A_397 = arith.constant 0 : i32
      %get3A_398 = arith.index_cast %get3A_397 : i32 to index
      %get3A_399 = arith.index_cast %scan3A_258 : i32 to index
      %get3A_400 = arith.constant 112 : index
      %get3A_401 = tpu.vector_load %arg9[%get3A_398, %get3A_399, %get3A_400] {strides = array<i32>} : memref<2x80x128xf32, #tpu.memory_space<vmem>>, vector<1x1x16xf32>,
      %get3A_402 = vector.shape_cast %get3A_401 : vector<1x1x16xf32> to vector<16xf32>
      %get3A_403 = arith.constant 0 : i32
      %get3A_404 = arith.index_cast %get3A_403 : i32 to index
      %get3A_405 = arith.index_cast %scan3A_258 : i32 to index
      %get3A_406 = arith.constant 112 : index
      %get3A_407 = tpu.vector_load %arg10[%get3A_404, %get3A_405, %get3A_406] {strides = array<i32>} : memref<2x80x128xf32, #tpu.memory_space<vmem>>, vector<1x1x16xf32>,
      %get3A_408 = vector.shape_cast %get3A_407 : vector<1x1x16xf32> to vector<16xf32>
      %add3A_409 = arith.addf %get3A_402, %get3A_408 : vector<16xf32>
      %swap3A_410 = arith.constant 0 : i32
      %swap3A_411 = arith.index_cast %swap3A_410 : i32 to index
      %swap3A_412 = arith.index_cast %scan3A_258 : i32 to index
      %swap3A_413 = arith.constant 112 : index
      %swap3A_414 = tpu.vector_load %arg11[%swap3A_411, %swap3A_412, %swap3A_413] {strides = array<i32>} : memref<2x80x128xf32, #tpu.memory_space<vmem>>, vector<1x1x16xf32>,
      %swap3A_415 = vector.shape_cast %swap3A_414 : vector<1x1x16xf32> to vector<16xf32>
      %swap3A_416 = vector.shape_cast %add3A_409 : vector<16xf32> to vector<1x1x16xf32>
      tpu.vector_store %arg11[%swap3A_411, %swap3A_412, %swap3A_413], %swap3A_416 {strides = array<i32>} : memref<2x80x128xf32, #tpu.memory_space<vmem>>, vector<1x1x16xf32>,
    }
    %scan3A_77 = arith.constant 80 : i32
    %add3A_78 = arith.constant 0 : i32
    %add3A_79 = arith.addi %mul3A_2, %add3A_78 : i32
    %dma_start3A_80 = arith.constant 0 : i32
    %dma_start3A_81 = arith.constant 0 : i32
    %dma_start3A_82 = arith.constant 0 : i32
    %dma_start3A_83 = tpu.memref_slice %arg11[%dma_start3A_80, %dma_start3A_81, %dma_start3A_82] : memref<2x80x128xf32, #tpu.memory_space<vmem>> -> memref<1x80x128xf32, #tpu.memory_space<vmem>>
    %dma_start3A_84 = tpu.memref_squeeze %dma_start3A_83 : memref<1x80x128xf32, #tpu.memory_space<vmem>> -> memref<80x128xf32, #tpu.memory_space<vmem>>
    %dma_start3A_85 = arith.constant 0 : i32
    %dma_start3A_86 = tpu.memref_slice %arg6[%add3A_79, %dma_start3A_85] : memref<320000x128xf32, #tpu.memory_space<hbm>> -> memref<80x128xf32, #tpu.memory_space<hbm>>
    %dma_start3A_87 = arith.constant 0 : i32
    %dma_start3A_88 = tpu.memref_slice %arg6[%add3A_79, %dma_start3A_87] : memref<320000x128xf32, #tpu.memory_space<hbm>> -> memref<80x128xf32, #tpu.memory_space<hbm>>
    %dma_start3A_89 = arith.constant 0 : i32
    %dma_start3A_90 = arith.constant 0 : i32
    %dma_start3A_91 = tpu.memref_slice %arg11[%dma_start3A_80, %dma_start3A_89, %dma_start3A_90] : memref<2x80x128xf32, #tpu.memory_space<vmem>> -> memref<1x80x128xf32, #tpu.memory_space<vmem>>
    %dma_start3A_92 = tpu.memref_squeeze %dma_start3A_91 : memref<1x80x128xf32, #tpu.memory_space<vmem>> -> memref<80x128xf32, #tpu.memory_space<vmem>>
    tpu.enqueue_dma source(%dma_start3A_92 : memref<80x128xf32, #tpu.memory_space<vmem>>) target(%dma_start3A_88 : memref<80x128xf32, #tpu.memory_space<hbm>>) target_semaphore(%arg16 : memref<!tpu.dma_semaphore, #tpu.memory_space<semaphore_mem>>)
    %dma_start3A_93 = arith.constant 2 : i32
    %dma_start3A_94 = arith.constant 0 : i32
    %dma_start3A_95 = arith.constant 0 : i32
    %dma_start3A_96 = arith.constant 0 : i32
    %dma_start3A_97 = tpu.memref_slice %arg9[%dma_start3A_94, %dma_start3A_95, %dma_start3A_96] : memref<2x80x128xf32, #tpu.memory_space<vmem>> -> memref<1x80x128xf32, #tpu.memory_space<vmem>>
    %dma_start3A_98 = tpu.memref_squeeze %dma_start3A_97 : memref<1x80x128xf32, #tpu.memory_space<vmem>> -> memref<80x128xf32, #tpu.memory_space<vmem>>
    %dma_start3A_99 = arith.constant 0 : i32
    %dma_start3A_100 = tpu.memref_slice %arg7[%dma_start3A_93, %dma_start3A_99] : memref<125x80xi32, #tpu.memory_space<vmem>> -> memref<1x80xi32, #tpu.memory_space<vmem>>
    %dma_start3A_101 = tpu.memref_squeeze %dma_start3A_100 : memref<1x80xi32, #tpu.memory_space<vmem>> -> memref<80xi32, #tpu.memory_space<vmem>>
    %dma_start3A_102 = arith.constant 0 : i32
    %dma_start3A_103 = arith.constant 0 : i32
    %dma_start3A_104 = tpu.memref_slice %arg2[%dma_start3A_102, %dma_start3A_103] : memref<10000x128xf32, #tpu.memory_space<hbm>> -> memref<10000x128xf32, #tpu.memory_space<hbm>>
    tpu.enqueue_indirect_dma source(%dma_start3A_104 : memref<10000x128xf32, #tpu.memory_space<hbm>>) target(%dma_start3A_98 : memref<80x128xf32, #tpu.memory_space<vmem>>) offsets(%dma_start3A_101 : memref<80xi32, #tpu.memory_space<vmem>>) semaphore(%arg12 : memref<!tpu.dma_semaphore, #tpu.memory_space<semaphore_mem>>)
    %dma_start3A_105 = arith.constant 2 : i32
    %dma_start3A_106 = arith.constant 0 : i32
    %dma_start3A_107 = arith.constant 0 : i32
    %dma_start3A_108 = arith.constant 0 : i32
    %dma_start3A_109 = tpu.memref_slice %arg10[%dma_start3A_106, %dma_start3A_107, %dma_start3A_108] : memref<2x80x128xf32, #tpu.memory_space<vmem>> -> memref<1x80x128xf32, #tpu.memory_space<vmem>>
    %dma_start3A_110 = tpu.memref_squeeze %dma_start3A_109 : memref<1x80x128xf32, #tpu.memory_space<vmem>> -> memref<80x128xf32, #tpu.memory_space<vmem>>
    %dma_start3A_111 = arith.constant 0 : i32
    %dma_start3A_112 = tpu.memref_slice %arg8[%dma_start3A_105, %dma_start3A_111] : memref<125x80xi32, #tpu.memory_space<vmem>> -> memref<1x80xi32, #tpu.memory_space<vmem>>
    %dma_start3A_113 = tpu.memref_squeeze %dma_start3A_112 : memref<1x80xi32, #tpu.memory_space<vmem>> -> memref<80xi32, #tpu.memory_space<vmem>>
    %dma_start3A_114 = arith.constant 0 : i32
    %dma_start3A_115 = arith.constant 0 : i32
    %dma_start3A_116 = tpu.memref_slice %arg3[%dma_start3A_114, %dma_start3A_115] : memref<10000x128xf32, #tpu.memory_space<hbm>> -> memref<10000x128xf32, #tpu.memory_space<hbm>>
    tpu.enqueue_indirect_dma source(%dma_start3A_116 : memref<10000x128xf32, #tpu.memory_space<hbm>>) target(%dma_start3A_110 : memref<80x128xf32, #tpu.memory_space<vmem>>) offsets(%dma_start3A_113 : memref<80xi32, #tpu.memory_space<vmem>>) semaphore(%arg13 : memref<!tpu.dma_semaphore, #tpu.memory_space<semaphore_mem>>)
    %dma_wait3A_117 = arith.constant 1 : i32
    %dma_wait3A_118 = arith.constant 1 : i32
    %dma_wait3A_119 = arith.constant 0 : i32
    %dma_wait3A_120 = arith.constant 0 : i32
    %dma_wait3A_121 = tpu.memref_slice %arg9[%dma_wait3A_118, %dma_wait3A_119, %dma_wait3A_120] : memref<2x80x128xf32, #tpu.memory_space<vmem>> -> memref<1x80x128xf32, #tpu.memory_space<vmem>>
    %dma_wait3A_122 = tpu.memref_squeeze %dma_wait3A_121 : memref<1x80x128xf32, #tpu.memory_space<vmem>> -> memref<80x128xf32, #tpu.memory_space<vmem>>
    %dma_wait3A_123 = arith.constant 0 : i32
    %dma_wait3A_124 = tpu.memref_slice %arg7[%dma_wait3A_117, %dma_wait3A_123] : memref<125x80xi32, #tpu.memory_space<vmem>> -> memref<1x80xi32, #tpu.memory_space<vmem>>
    %dma_wait3A_125 = tpu.memref_squeeze %dma_wait3A_124 : memref<1x80xi32, #tpu.memory_space<vmem>> -> memref<80xi32, #tpu.memory_space<vmem>>
    %dma_wait3A_126 = arith.constant 0 : i32
    %dma_wait3A_127 = arith.constant 0 : i32
    %dma_wait3A_128 = tpu.memref_slice %arg2[%dma_wait3A_126, %dma_wait3A_127] : memref<10000x128xf32, #tpu.memory_space<hbm>> -> memref<10000x128xf32, #tpu.memory_space<hbm>>
    tpu.wait_indirect_dma semaphore(%arg14 : memref<!tpu.dma_semaphore, #tpu.memory_space<semaphore_mem>>) src(%dma_wait3A_128 : memref<10000x128xf32, #tpu.memory_space<hbm>>) dst(%dma_wait3A_122 : memref<80x128xf32, #tpu.memory_space<vmem>>)
    %dma_wait3A_129 = arith.constant 1 : i32
    %dma_wait3A_130 = arith.constant 1 : i32
    %dma_wait3A_131 = arith.constant 0 : i32
    %dma_wait3A_132 = arith.constant 0 : i32
    %dma_wait3A_133 = tpu.memref_slice %arg10[%dma_wait3A_130, %dma_wait3A_131, %dma_wait3A_132] : memref<2x80x128xf32, #tpu.memory_space<vmem>> -> memref<1x80x128xf32, #tpu.memory_space<vmem>>
    %dma_wait3A_134 = tpu.memref_squeeze %dma_wait3A_133 : memref<1x80x128xf32, #tpu.memory_space<vmem>> -> memref<80x128xf32, #tpu.memory_space<vmem>>
    %dma_wait3A_135 = arith.constant 0 : i32
    %dma_wait3A_136 = tpu.memref_slice %arg8[%dma_wait3A_129, %dma_wait3A_135] : memref<125x80xi32, #tpu.memory_space<vmem>> -> memref<1x80xi32, #tpu.memory_space<vmem>>
    %dma_wait3A_137 = tpu.memref_squeeze %dma_wait3A_136 : memref<1x80xi32, #tpu.memory_space<vmem>> -> memref<80xi32, #tpu.memory_space<vmem>>
    %dma_wait3A_138 = arith.constant 0 : i32
    %dma_wait3A_139 = arith.constant 0 : i32
    %dma_wait3A_140 = tpu.memref_slice %arg3[%dma_wait3A_138, %dma_wait3A_139] : memref<10000x128xf32, #tpu.memory_space<hbm>> -> memref<10000x128xf32, #tpu.memory_space<hbm>>
    tpu.wait_indirect_dma semaphore(%arg15 : memref<!tpu.dma_semaphore, #tpu.memory_space<semaphore_mem>>) src(%dma_wait3A_140 : memref<10000x128xf32, #tpu.memory_space<hbm>>) dst(%dma_wait3A_134 : memref<80x128xf32, #tpu.memory_space<vmem>>)
    %scan3A_141 = arith.constant 0 : i32
    %scan3A_142 = arith.constant 0 : i32
    %scan3A_143 = arith.constant 80 : i32
    %scan3A_144 = arith.addi %scan3A_142, %scan3A_143 : i32
    %scan3A_145 = arith.constant 1 : i32
    scf.for %scan3A_258 = %scan3A_142 to %scan3A_144 step %scan3A_145  : i32 {
      %get3A = arith.constant 1 : i32
      %get3A_259 = arith.index_cast %get3A : i32 to index
      %get3A_260 = arith.index_cast %scan3A_258 : i32 to index
      %get3A_261 = arith.constant 0 : index
      %get3A_262 = tpu.vector_load %arg9[%get3A_259, %get3A_260, %get3A_261] {strides = array<i32>} : memref<2x80x128xf32, #tpu.memory_space<vmem>>, vector<1x1x16xf32>,
      %get3A_263 = vector.shape_cast %get3A_262 : vector<1x1x16xf32> to vector<16xf32>
      %get3A_264 = arith.constant 1 : i32
      %get3A_265 = arith.index_cast %get3A_264 : i32 to index
      %get3A_266 = arith.index_cast %scan3A_258 : i32 to index
      %get3A_267 = arith.constant 0 : index
      %get3A_268 = tpu.vector_load %arg10[%get3A_265, %get3A_266, %get3A_267] {strides = array<i32>} : memref<2x80x128xf32, #tpu.memory_space<vmem>>, vector<1x1x16xf32>,
      %get3A_269 = vector.shape_cast %get3A_268 : vector<1x1x16xf32> to vector<16xf32>
      %add3A_270 = arith.addf %get3A_263, %get3A_269 : vector<16xf32>
      %swap3A = arith.constant 1 : i32
      %swap3A_271 = arith.index_cast %swap3A : i32 to index
      %swap3A_272 = arith.index_cast %scan3A_258 : i32 to index
      %swap3A_273 = arith.constant 0 : index
      %swap3A_274 = tpu.vector_load %arg11[%swap3A_271, %swap3A_272, %swap3A_273] {strides = array<i32>} : memref<2x80x128xf32, #tpu.memory_space<vmem>>, vector<1x1x16xf32>,
      %swap3A_275 = vector.shape_cast %swap3A_274 : vector<1x1x16xf32> to vector<16xf32>
      %swap3A_276 = vector.shape_cast %add3A_270 : vector<16xf32> to vector<1x1x16xf32>
      tpu.vector_store %arg11[%swap3A_271, %swap3A_272, %swap3A_273], %swap3A_276 {strides = array<i32>} : memref<2x80x128xf32, #tpu.memory_space<vmem>>, vector<1x1x16xf32>,
      %get3A_277 = arith.constant 1 : i32
      %get3A_278 = arith.index_cast %get3A_277 : i32 to index
      %get3A_279 = arith.index_cast %scan3A_258 : i32 to index
      %get3A_280 = arith.constant 16 : index
      %get3A_281 = tpu.vector_load %arg9[%get3A_278, %get3A_279, %get3A_280] {strides = array<i32>} : memref<2x80x128xf32, #tpu.memory_space<vmem>>, vector<1x1x16xf32>,
      %get3A_282 = vector.shape_cast %get3A_281 : vector<1x1x16xf32> to vector<16xf32>
      %get3A_283 = arith.constant 1 : i32
      %get3A_284 = arith.index_cast %get3A_283 : i32 to index
      %get3A_285 = arith.index_cast %scan3A_258 : i32 to index
      %get3A_286 = arith.constant 16 : index
      %get3A_287 = tpu.vector_load %arg10[%get3A_284, %get3A_285, %get3A_286] {strides = array<i32>} : memref<2x80x128xf32, #tpu.memory_space<vmem>>, vector<1x1x16xf32>,
      %get3A_288 = vector.shape_cast %get3A_287 : vector<1x1x16xf32> to vector<16xf32>
      %add3A_289 = arith.addf %get3A_282, %get3A_288 : vector<16xf32>
      %swap3A_290 = arith.constant 1 : i32
      %swap3A_291 = arith.index_cast %swap3A_290 : i32 to index
      %swap3A_292 = arith.index_cast %scan3A_258 : i32 to index
      %swap3A_293 = arith.constant 16 : index
      %swap3A_294 = tpu.vector_load %arg11[%swap3A_291, %swap3A_292, %swap3A_293] {strides = array<i32>} : memref<2x80x128xf32, #tpu.memory_space<vmem>>, vector<1x1x16xf32>,
      %swap3A_295 = vector.shape_cast %swap3A_294 : vector<1x1x16xf32> to vector<16xf32>
      %swap3A_296 = vector.shape_cast %add3A_289 : vector<16xf32> to vector<1x1x16xf32>
      tpu.vector_store %arg11[%swap3A_291, %swap3A_292, %swap3A_293], %swap3A_296 {strides = array<i32>} : memref<2x80x128xf32, #tpu.memory_space<vmem>>, vector<1x1x16xf32>,
      %get3A_297 = arith.constant 1 : i32
      %get3A_298 = arith.index_cast %get3A_297 : i32 to index
      %get3A_299 = arith.index_cast %scan3A_258 : i32 to index
      %get3A_300 = arith.constant 32 : index
      %get3A_301 = tpu.vector_load %arg9[%get3A_298, %get3A_299, %get3A_300] {strides = array<i32>} : memref<2x80x128xf32, #tpu.memory_space<vmem>>, vector<1x1x16xf32>,
      %get3A_302 = vector.shape_cast %get3A_301 : vector<1x1x16xf32> to vector<16xf32>
      %get3A_303 = arith.constant 1 : i32
      %get3A_304 = arith.index_cast %get3A_303 : i32 to index
      %get3A_305 = arith.index_cast %scan3A_258 : i32 to index
      %get3A_306 = arith.constant 32 : index
      %get3A_307 = tpu.vector_load %arg10[%get3A_304, %get3A_305, %get3A_306] {strides = array<i32>} : memref<2x80x128xf32, #tpu.memory_space<vmem>>, vector<1x1x16xf32>,
      %get3A_308 = vector.shape_cast %get3A_307 : vector<1x1x16xf32> to vector<16xf32>
      %add3A_309 = arith.addf %get3A_302, %get3A_308 : vector<16xf32>
      %swap3A_310 = arith.constant 1 : i32
      %swap3A_311 = arith.index_cast %swap3A_310 : i32 to index
      %swap3A_312 = arith.index_cast %scan3A_258 : i32 to index
      %swap3A_313 = arith.constant 32 : index
      %swap3A_314 = tpu.vector_load %arg11[%swap3A_311, %swap3A_312, %swap3A_313] {strides = array<i32>} : memref<2x80x128xf32, #tpu.memory_space<vmem>>, vector<1x1x16xf32>,
      %swap3A_315 = vector.shape_cast %swap3A_314 : vector<1x1x16xf32> to vector<16xf32>
      %swap3A_316 = vector.shape_cast %add3A_309 : vector<16xf32> to vector<1x1x16xf32>
      tpu.vector_store %arg11[%swap3A_311, %swap3A_312, %swap3A_313], %swap3A_316 {strides = array<i32>} : memref<2x80x128xf32, #tpu.memory_space<vmem>>, vector<1x1x16xf32>,
      %get3A_317 = arith.constant 1 : i32
      %get3A_318 = arith.index_cast %get3A_317 : i32 to index
      %get3A_319 = arith.index_cast %scan3A_258 : i32 to index
      %get3A_320 = arith.constant 48 : index
      %get3A_321 = tpu.vector_load %arg9[%get3A_318, %get3A_319, %get3A_320] {strides = array<i32>} : memref<2x80x128xf32, #tpu.memory_space<vmem>>, vector<1x1x16xf32>,
      %get3A_322 = vector.shape_cast %get3A_321 : vector<1x1x16xf32> to vector<16xf32>
      %get3A_323 = arith.constant 1 : i32
      %get3A_324 = arith.index_cast %get3A_323 : i32 to index
      %get3A_325 = arith.index_cast %scan3A_258 : i32 to index
      %get3A_326 = arith.constant 48 : index
      %get3A_327 = tpu.vector_load %arg10[%get3A_324, %get3A_325, %get3A_326] {strides = array<i32>} : memref<2x80x128xf32, #tpu.memory_space<vmem>>, vector<1x1x16xf32>,
      %get3A_328 = vector.shape_cast %get3A_327 : vector<1x1x16xf32> to vector<16xf32>
      %add3A_329 = arith.addf %get3A_322, %get3A_328 : vector<16xf32>
      %swap3A_330 = arith.constant 1 : i32
      %swap3A_331 = arith.index_cast %swap3A_330 : i32 to index
      %swap3A_332 = arith.index_cast %scan3A_258 : i32 to index
      %swap3A_333 = arith.constant 48 : index
      %swap3A_334 = tpu.vector_load %arg11[%swap3A_331, %swap3A_332, %swap3A_333] {strides = array<i32>} : memref<2x80x128xf32, #tpu.memory_space<vmem>>, vector<1x1x16xf32>,
      %swap3A_335 = vector.shape_cast %swap3A_334 : vector<1x1x16xf32> to vector<16xf32>
      %swap3A_336 = vector.shape_cast %add3A_329 : vector<16xf32> to vector<1x1x16xf32>
      tpu.vector_store %arg11[%swap3A_331, %swap3A_332, %swap3A_333], %swap3A_336 {strides = array<i32>} : memref<2x80x128xf32, #tpu.memory_space<vmem>>, vector<1x1x16xf32>,
      %get3A_337 = arith.constant 1 : i32
      %get3A_338 = arith.index_cast %get3A_337 : i32 to index
      %get3A_339 = arith.index_cast %scan3A_258 : i32 to index
      %get3A_340 = arith.constant 64 : index
      %get3A_341 = tpu.vector_load %arg9[%get3A_338, %get3A_339, %get3A_340] {strides = array<i32>} : memref<2x80x128xf32, #tpu.memory_space<vmem>>, vector<1x1x16xf32>,
      %get3A_342 = vector.shape_cast %get3A_341 : vector<1x1x16xf32> to vector<16xf32>
      %get3A_343 = arith.constant 1 : i32
      %get3A_344 = arith.index_cast %get3A_343 : i32 to index
      %get3A_345 = arith.index_cast %scan3A_258 : i32 to index
      %get3A_346 = arith.constant 64 : index
      %get3A_347 = tpu.vector_load %arg10[%get3A_344, %get3A_345, %get3A_346] {strides = array<i32>} : memref<2x80x128xf32, #tpu.memory_space<vmem>>, vector<1x1x16xf32>,
      %get3A_348 = vector.shape_cast %get3A_347 : vector<1x1x16xf32> to vector<16xf32>
      %add3A_349 = arith.addf %get3A_342, %get3A_348 : vector<16xf32>
      %swap3A_350 = arith.constant 1 : i32
      %swap3A_351 = arith.index_cast %swap3A_350 : i32 to index
      %swap3A_352 = arith.index_cast %scan3A_258 : i32 to index
      %swap3A_353 = arith.constant 64 : index
      %swap3A_354 = tpu.vector_load %arg11[%swap3A_351, %swap3A_352, %swap3A_353] {strides = array<i32>} : memref<2x80x128xf32, #tpu.memory_space<vmem>>, vector<1x1x16xf32>,
      %swap3A_355 = vector.shape_cast %swap3A_354 : vector<1x1x16xf32> to vector<16xf32>
      %swap3A_356 = vector.shape_cast %add3A_349 : vector<16xf32> to vector<1x1x16xf32>
      tpu.vector_store %arg11[%swap3A_351, %swap3A_352, %swap3A_353], %swap3A_356 {strides = array<i32>} : memref<2x80x128xf32, #tpu.memory_space<vmem>>, vector<1x1x16xf32>,
      %get3A_357 = arith.constant 1 : i32
      %get3A_358 = arith.index_cast %get3A_357 : i32 to index
      %get3A_359 = arith.index_cast %scan3A_258 : i32 to index
      %get3A_360 = arith.constant 80 : index
      %get3A_361 = tpu.vector_load %arg9[%get3A_358, %get3A_359, %get3A_360] {strides = array<i32>} : memref<2x80x128xf32, #tpu.memory_space<vmem>>, vector<1x1x16xf32>,
      %get3A_362 = vector.shape_cast %get3A_361 : vector<1x1x16xf32> to vector<16xf32>
      %get3A_363 = arith.constant 1 : i32
      %get3A_364 = arith.index_cast %get3A_363 : i32 to index
      %get3A_365 = arith.index_cast %scan3A_258 : i32 to index
      %get3A_366 = arith.constant 80 : index
      %get3A_367 = tpu.vector_load %arg10[%get3A_364, %get3A_365, %get3A_366] {strides = array<i32>} : memref<2x80x128xf32, #tpu.memory_space<vmem>>, vector<1x1x16xf32>,
      %get3A_368 = vector.shape_cast %get3A_367 : vector<1x1x16xf32> to vector<16xf32>
      %add3A_369 = arith.addf %get3A_362, %get3A_368 : vector<16xf32>
      %swap3A_370 = arith.constant 1 : i32
      %swap3A_371 = arith.index_cast %swap3A_370 : i32 to index
      %swap3A_372 = arith.index_cast %scan3A_258 : i32 to index
      %swap3A_373 = arith.constant 80 : index
      %swap3A_374 = tpu.vector_load %arg11[%swap3A_371, %swap3A_372, %swap3A_373] {strides = array<i32>} : memref<2x80x128xf32, #tpu.memory_space<vmem>>, vector<1x1x16xf32>,
      %swap3A_375 = vector.shape_cast %swap3A_374 : vector<1x1x16xf32> to vector<16xf32>
      %swap3A_376 = vector.shape_cast %add3A_369 : vector<16xf32> to vector<1x1x16xf32>
      tpu.vector_store %arg11[%swap3A_371, %swap3A_372, %swap3A_373], %swap3A_376 {strides = array<i32>} : memref<2x80x128xf32, #tpu.memory_space<vmem>>, vector<1x1x16xf32>,
      %get3A_377 = arith.constant 1 : i32
      %get3A_378 = arith.index_cast %get3A_377 : i32 to index
      %get3A_379 = arith.index_cast %scan3A_258 : i32 to index
      %get3A_380 = arith.constant 96 : index
      %get3A_381 = tpu.vector_load %arg9[%get3A_378, %get3A_379, %get3A_380] {strides = array<i32>} : memref<2x80x128xf32, #tpu.memory_space<vmem>>, vector<1x1x16xf32>,
      %get3A_382 = vector.shape_cast %get3A_381 : vector<1x1x16xf32> to vector<16xf32>
      %get3A_383 = arith.constant 1 : i32
      %get3A_384 = arith.index_cast %get3A_383 : i32 to index
      %get3A_385 = arith.index_cast %scan3A_258 : i32 to index
      %get3A_386 = arith.constant 96 : index
      %get3A_387 = tpu.vector_load %arg10[%get3A_384, %get3A_385, %get3A_386] {strides = array<i32>} : memref<2x80x128xf32, #tpu.memory_space<vmem>>, vector<1x1x16xf32>,
      %get3A_388 = vector.shape_cast %get3A_387 : vector<1x1x16xf32> to vector<16xf32>
      %add3A_389 = arith.addf %get3A_382, %get3A_388 : vector<16xf32>
      %swap3A_390 = arith.constant 1 : i32
      %swap3A_391 = arith.index_cast %swap3A_390 : i32 to index
      %swap3A_392 = arith.index_cast %scan3A_258 : i32 to index
      %swap3A_393 = arith.constant 96 : index
      %swap3A_394 = tpu.vector_load %arg11[%swap3A_391, %swap3A_392, %swap3A_393] {strides = array<i32>} : memref<2x80x128xf32, #tpu.memory_space<vmem>>, vector<1x1x16xf32>,
      %swap3A_395 = vector.shape_cast %swap3A_394 : vector<1x1x16xf32> to vector<16xf32>
      %swap3A_396 = vector.shape_cast %add3A_389 : vector<16xf32> to vector<1x1x16xf32>
      tpu.vector_store %arg11[%swap3A_391, %swap3A_392, %swap3A_393], %swap3A_396 {strides = array<i32>} : memref<2x80x128xf32, #tpu.memory_space<vmem>>, vector<1x1x16xf32>,
      %get3A_397 = arith.constant 1 : i32
      %get3A_398 = arith.index_cast %get3A_397 : i32 to index
      %get3A_399 = arith.index_cast %scan3A_258 : i32 to index
      %get3A_400 = arith.constant 112 : index
      %get3A_401 = tpu.vector_load %arg9[%get3A_398, %get3A_399, %get3A_400] {strides = array<i32>} : memref<2x80x128xf32, #tpu.memory_space<vmem>>, vector<1x1x16xf32>,
      %get3A_402 = vector.shape_cast %get3A_401 : vector<1x1x16xf32> to vector<16xf32>
      %get3A_403 = arith.constant 1 : i32
      %get3A_404 = arith.index_cast %get3A_403 : i32 to index
      %get3A_405 = arith.index_cast %scan3A_258 : i32 to index
      %get3A_406 = arith.constant 112 : index
      %get3A_407 = tpu.vector_load %arg10[%get3A_404, %get3A_405, %get3A_406] {strides = array<i32>} : memref<2x80x128xf32, #tpu.memory_space<vmem>>, vector<1x1x16xf32>,
      %get3A_408 = vector.shape_cast %get3A_407 : vector<1x1x16xf32> to vector<16xf32>
      %add3A_409 = arith.addf %get3A_402, %get3A_408 : vector<16xf32>
      %swap3A_410 = arith.constant 1 : i32
      %swap3A_411 = arith.index_cast %swap3A_410 : i32 to index
      %swap3A_412 = arith.index_cast %scan3A_258 : i32 to index
      %swap3A_413 = arith.constant 112 : index
      %swap3A_414 = tpu.vector_load %arg11[%swap3A_411, %swap3A_412, %swap3A_413] {strides = array<i32>} : memref<2x80x128xf32, #tpu.memory_space<vmem>>, vector<1x1x16xf32>,
      %swap3A_415 = vector.shape_cast %swap3A_414 : vector<1x1x16xf32> to vector<16xf32>
      %swap3A_416 = vector.shape_cast %add3A_409 : vector<16xf32> to vector<1x1x16xf32>
      tpu.vector_store %arg11[%swap3A_411, %swap3A_412, %swap3A_413], %swap3A_416 {strides = array<i32>} : memref<2x80x128xf32, #tpu.memory_space<vmem>>, vector<1x1x16xf32>,
    }
    %scan3A_146 = arith.constant 80 : i32
    %add3A_147 = arith.constant 80 : i32
    %add3A_148 = arith.addi %mul3A_2, %add3A_147 : i32
    %dma_start3A_149 = arith.constant 1 : i32
    %dma_start3A_150 = arith.constant 0 : i32
    %dma_start3A_151 = arith.constant 0 : i32
    %dma_start3A_152 = tpu.memref_slice %arg11[%dma_start3A_149, %dma_start3A_150, %dma_start3A_151] : memref<2x80x128xf32, #tpu.memory_space<vmem>> -> memref<1x80x128xf32, #tpu.memory_space<vmem>>
    %dma_start3A_153 = tpu.memref_squeeze %dma_start3A_152 : memref<1x80x128xf32, #tpu.memory_space<vmem>> -> memref<80x128xf32, #tpu.memory_space<vmem>>
    %dma_start3A_154 = arith.constant 0 : i32
    %dma_start3A_155 = tpu.memref_slice %arg6[%add3A_148, %dma_start3A_154] : memref<320000x128xf32, #tpu.memory_space<hbm>> -> memref<80x128xf32, #tpu.memory_space<hbm>>
    %dma_start3A_156 = arith.constant 0 : i32
    %dma_start3A_157 = tpu.memref_slice %arg6[%add3A_148, %dma_start3A_156] : memref<320000x128xf32, #tpu.memory_space<hbm>> -> memref<80x128xf32, #tpu.memory_space<hbm>>
    %dma_start3A_158 = arith.constant 0 : i32
    %dma_start3A_159 = arith.constant 0 : i32
    %dma_start3A_160 = tpu.memref_slice %arg11[%dma_start3A_149, %dma_start3A_158, %dma_start3A_159] : memref<2x80x128xf32, #tpu.memory_space<vmem>> -> memref<1x80x128xf32, #tpu.memory_space<vmem>>
    %dma_start3A_161 = tpu.memref_squeeze %dma_start3A_160 : memref<1x80x128xf32, #tpu.memory_space<vmem>> -> memref<80x128xf32, #tpu.memory_space<vmem>>
    tpu.enqueue_dma source(%dma_start3A_161 : memref<80x128xf32, #tpu.memory_space<vmem>>) target(%dma_start3A_157 : memref<80x128xf32, #tpu.memory_space<hbm>>) target_semaphore(%arg17 : memref<!tpu.dma_semaphore, #tpu.memory_space<semaphore_mem>>)
    %scan3A_162 = arith.constant 0 : i32
    %scan3A_163 = arith.constant 1 : i32
    %scan3A_164 = arith.constant 61 : i32
    %scan3A_165 = arith.addi %scan3A_163, %scan3A_164 : i32
    %scan3A_166 = arith.constant 1 : i32
    scf.for %scan3A_258 = %scan3A_163 to %scan3A_165 step %scan3A_166  : i32 {
      %mul3A_259 = arith.constant 2 : i32
      %mul3A_260 = arith.muli %mul3A_259, %scan3A_258 : i32
      %add3A_261 = arith.constant 1 : i32
      %add3A_262 = arith.addi %mul3A_260, %add3A_261 : i32
      %dma_start3A_263 = arith.constant 1 : i32
      %dma_start3A_264 = arith.constant 0 : i32
      %dma_start3A_265 = arith.constant 0 : i32
      %dma_start3A_266 = tpu.memref_slice %arg9[%dma_start3A_263, %dma_start3A_264, %dma_start3A_265] : memref<2x80x128xf32, #tpu.memory_space<vmem>> -> memref<1x80x128xf32, #tpu.memory_space<vmem>>
      %dma_start3A_267 = tpu.memref_squeeze %dma_start3A_266 : memref<1x80x128xf32, #tpu.memory_space<vmem>> -> memref<80x128xf32, #tpu.memory_space<vmem>>
      %dma_start3A_268 = arith.constant 0 : i32
      %dma_start3A_269 = tpu.memref_slice %arg7[%add3A_262, %dma_start3A_268] : memref<125x80xi32, #tpu.memory_space<vmem>> -> memref<1x80xi32, #tpu.memory_space<vmem>>
      %dma_start3A_270 = tpu.memref_squeeze %dma_start3A_269 : memref<1x80xi32, #tpu.memory_space<vmem>> -> memref<80xi32, #tpu.memory_space<vmem>>
      %dma_start3A_271 = arith.constant 0 : i32
      %dma_start3A_272 = arith.constant 0 : i32
      %dma_start3A_273 = tpu.memref_slice %arg2[%dma_start3A_271, %dma_start3A_272] : memref<10000x128xf32, #tpu.memory_space<hbm>> -> memref<10000x128xf32, #tpu.memory_space<hbm>>
      tpu.enqueue_indirect_dma source(%dma_start3A_273 : memref<10000x128xf32, #tpu.memory_space<hbm>>) target(%dma_start3A_267 : memref<80x128xf32, #tpu.memory_space<vmem>>) offsets(%dma_start3A_270 : memref<80xi32, #tpu.memory_space<vmem>>) semaphore(%arg14 : memref<!tpu.dma_semaphore, #tpu.memory_space<semaphore_mem>>)
      %dma_start3A_274 = arith.constant 1 : i32
      %dma_start3A_275 = arith.constant 0 : i32
      %dma_start3A_276 = arith.constant 0 : i32
      %dma_start3A_277 = tpu.memref_slice %arg10[%dma_start3A_274, %dma_start3A_275, %dma_start3A_276] : memref<2x80x128xf32, #tpu.memory_space<vmem>> -> memref<1x80x128xf32, #tpu.memory_space<vmem>>
      %dma_start3A_278 = tpu.memref_squeeze %dma_start3A_277 : memref<1x80x128xf32, #tpu.memory_space<vmem>> -> memref<80x128xf32, #tpu.memory_space<vmem>>
      %dma_start3A_279 = arith.constant 0 : i32
      %dma_start3A_280 = tpu.memref_slice %arg8[%add3A_262, %dma_start3A_279] : memref<125x80xi32, #tpu.memory_space<vmem>> -> memref<1x80xi32, #tpu.memory_space<vmem>>
      %dma_start3A_281 = tpu.memref_squeeze %dma_start3A_280 : memref<1x80xi32, #tpu.memory_space<vmem>> -> memref<80xi32, #tpu.memory_space<vmem>>
      %dma_start3A_282 = arith.constant 0 : i32
      %dma_start3A_283 = arith.constant 0 : i32
      %dma_start3A_284 = tpu.memref_slice %arg3[%dma_start3A_282, %dma_start3A_283] : memref<10000x128xf32, #tpu.memory_space<hbm>> -> memref<10000x128xf32, #tpu.memory_space<hbm>>
      tpu.enqueue_indirect_dma source(%dma_start3A_284 : memref<10000x128xf32, #tpu.memory_space<hbm>>) target(%dma_start3A_278 : memref<80x128xf32, #tpu.memory_space<vmem>>) offsets(%dma_start3A_281 : memref<80xi32, #tpu.memory_space<vmem>>) semaphore(%arg15 : memref<!tpu.dma_semaphore, #tpu.memory_space<semaphore_mem>>)
      %sub3A = arith.constant 2 : i32
      %sub3A_285 = arith.subi %mul3A_260, %sub3A : i32
      %mul3A_286 = arith.constant 80 : i32
      %mul3A_287 = arith.muli %sub3A_285, %mul3A_286 : i32
      %add3A_288 = arith.addi %mul3A_2, %mul3A_287 : i32
      %dma_wait3A_289 = arith.constant 0 : i32
      %dma_wait3A_290 = arith.constant 0 : i32
      %dma_wait3A_291 = arith.constant 0 : i32
      %dma_wait3A_292 = tpu.memref_slice %arg11[%dma_wait3A_289, %dma_wait3A_290, %dma_wait3A_291] : memref<2x80x128xf32, #tpu.memory_space<vmem>> -> memref<1x80x128xf32, #tpu.memory_space<vmem>>
      %dma_wait3A_293 = tpu.memref_squeeze %dma_wait3A_292 : memref<1x80x128xf32, #tpu.memory_space<vmem>> -> memref<80x128xf32, #tpu.memory_space<vmem>>
      %dma_wait3A_294 = arith.constant 0 : i32
      %dma_wait3A_295 = tpu.memref_slice %arg6[%add3A_288, %dma_wait3A_294] : memref<320000x128xf32, #tpu.memory_space<hbm>> -> memref<80x128xf32, #tpu.memory_space<hbm>>
      %dma_wait3A_296 = arith.constant 0 : i32
      %dma_wait3A_297 = tpu.memref_slice %arg6[%add3A_288, %dma_wait3A_296] : memref<320000x128xf32, #tpu.memory_space<hbm>> -> memref<80x128xf32, #tpu.memory_space<hbm>>
      %dma_wait3A_298 = arith.constant 0 : i32
      %dma_wait3A_299 = arith.constant 0 : i32
      %dma_wait3A_300 = tpu.memref_slice %arg11[%dma_wait3A_289, %dma_wait3A_298, %dma_wait3A_299] : memref<2x80x128xf32, #tpu.memory_space<vmem>> -> memref<1x80x128xf32, #tpu.memory_space<vmem>>
      %dma_wait3A_301 = tpu.memref_squeeze %dma_wait3A_300 : memref<1x80x128xf32, #tpu.memory_space<vmem>> -> memref<80x128xf32, #tpu.memory_space<vmem>>
      tpu.wait_dma2 semaphore(%arg16 : memref<!tpu.dma_semaphore, #tpu.memory_space<semaphore_mem>>) src(%dma_wait3A_301 : memref<80x128xf32, #tpu.memory_space<vmem>>) dst(%dma_wait3A_297 : memref<80x128xf32, #tpu.memory_space<hbm>>)
      %dma_wait3A_302 = arith.constant 0 : i32
      %dma_wait3A_303 = arith.constant 0 : i32
      %dma_wait3A_304 = arith.constant 0 : i32
      %dma_wait3A_305 = tpu.memref_slice %arg9[%dma_wait3A_302, %dma_wait3A_303, %dma_wait3A_304] : memref<2x80x128xf32, #tpu.memory_space<vmem>> -> memref<1x80x128xf32, #tpu.memory_space<vmem>>
      %dma_wait3A_306 = tpu.memref_squeeze %dma_wait3A_305 : memref<1x80x128xf32, #tpu.memory_space<vmem>> -> memref<80x128xf32, #tpu.memory_space<vmem>>
      %dma_wait3A_307 = arith.constant 0 : i32
      %dma_wait3A_308 = tpu.memref_slice %arg7[%mul3A_260, %dma_wait3A_307] : memref<125x80xi32, #tpu.memory_space<vmem>> -> memref<1x80xi32, #tpu.memory_space<vmem>>
      %dma_wait3A_309 = tpu.memref_squeeze %dma_wait3A_308 : memref<1x80xi32, #tpu.memory_space<vmem>> -> memref<80xi32, #tpu.memory_space<vmem>>
      %dma_wait3A_310 = arith.constant 0 : i32
      %dma_wait3A_311 = arith.constant 0 : i32
      %dma_wait3A_312 = tpu.memref_slice %arg2[%dma_wait3A_310, %dma_wait3A_311] : memref<10000x128xf32, #tpu.memory_space<hbm>> -> memref<10000x128xf32, #tpu.memory_space<hbm>>
      tpu.wait_indirect_dma semaphore(%arg12 : memref<!tpu.dma_semaphore, #tpu.memory_space<semaphore_mem>>) src(%dma_wait3A_312 : memref<10000x128xf32, #tpu.memory_space<hbm>>) dst(%dma_wait3A_306 : memref<80x128xf32, #tpu.memory_space<vmem>>)
      %dma_wait3A_313 = arith.constant 0 : i32
      %dma_wait3A_314 = arith.constant 0 : i32
      %dma_wait3A_315 = arith.constant 0 : i32
      %dma_wait3A_316 = tpu.memref_slice %arg10[%dma_wait3A_313, %dma_wait3A_314, %dma_wait3A_315] : memref<2x80x128xf32, #tpu.memory_space<vmem>> -> memref<1x80x128xf32, #tpu.memory_space<vmem>>
      %dma_wait3A_317 = tpu.memref_squeeze %dma_wait3A_316 : memref<1x80x128xf32, #tpu.memory_space<vmem>> -> memref<80x128xf32, #tpu.memory_space<vmem>>
      %dma_wait3A_318 = arith.constant 0 : i32
      %dma_wait3A_319 = tpu.memref_slice %arg8[%mul3A_260, %dma_wait3A_318] : memref<125x80xi32, #tpu.memory_space<vmem>> -> memref<1x80xi32, #tpu.memory_space<vmem>>
      %dma_wait3A_320 = tpu.memref_squeeze %dma_wait3A_319 : memref<1x80xi32, #tpu.memory_space<vmem>> -> memref<80xi32, #tpu.memory_space<vmem>>
      %dma_wait3A_321 = arith.constant 0 : i32
      %dma_wait3A_322 = arith.constant 0 : i32
      %dma_wait3A_323 = tpu.memref_slice %arg3[%dma_wait3A_321, %dma_wait3A_322] : memref<10000x128xf32, #tpu.memory_space<hbm>> -> memref<10000x128xf32, #tpu.memory_space<hbm>>
      tpu.wait_indirect_dma semaphore(%arg13 : memref<!tpu.dma_semaphore, #tpu.memory_space<semaphore_mem>>) src(%dma_wait3A_323 : memref<10000x128xf32, #tpu.memory_space<hbm>>) dst(%dma_wait3A_317 : memref<80x128xf32, #tpu.memory_space<vmem>>)
      %scan3A_324 = arith.constant 0 : i32
      %scan3A_325 = arith.constant 0 : i32
      %scan3A_326 = arith.constant 80 : i32
      %scan3A_327 = arith.addi %scan3A_325, %scan3A_326 : i32
      %scan3A_328 = arith.constant 1 : i32
      scf.for %scan3A_434 = %scan3A_325 to %scan3A_327 step %scan3A_328  : i32 {
        %get3A = arith.constant 0 : i32
        %get3A_435 = arith.index_cast %get3A : i32 to index
        %get3A_436 = arith.index_cast %scan3A_434 : i32 to index
        %get3A_437 = arith.constant 0 : index
        %get3A_438 = tpu.vector_load %arg9[%get3A_435, %get3A_436, %get3A_437] {strides = array<i32>} : memref<2x80x128xf32, #tpu.memory_space<vmem>>, vector<1x1x16xf32>,
        %get3A_439 = vector.shape_cast %get3A_438 : vector<1x1x16xf32> to vector<16xf32>
        %get3A_440 = arith.constant 0 : i32
        %get3A_441 = arith.index_cast %get3A_440 : i32 to index
        %get3A_442 = arith.index_cast %scan3A_434 : i32 to index
        %get3A_443 = arith.constant 0 : index
        %get3A_444 = tpu.vector_load %arg10[%get3A_441, %get3A_442, %get3A_443] {strides = array<i32>} : memref<2x80x128xf32, #tpu.memory_space<vmem>>, vector<1x1x16xf32>,
        %get3A_445 = vector.shape_cast %get3A_444 : vector<1x1x16xf32> to vector<16xf32>
        %add3A_446 = arith.addf %get3A_439, %get3A_445 : vector<16xf32>
        %swap3A = arith.constant 0 : i32
        %swap3A_447 = arith.index_cast %swap3A : i32 to index
        %swap3A_448 = arith.index_cast %scan3A_434 : i32 to index
        %swap3A_449 = arith.constant 0 : index
        %swap3A_450 = tpu.vector_load %arg11[%swap3A_447, %swap3A_448, %swap3A_449] {strides = array<i32>} : memref<2x80x128xf32, #tpu.memory_space<vmem>>, vector<1x1x16xf32>,
        %swap3A_451 = vector.shape_cast %swap3A_450 : vector<1x1x16xf32> to vector<16xf32>
        %swap3A_452 = vector.shape_cast %add3A_446 : vector<16xf32> to vector<1x1x16xf32>
        tpu.vector_store %arg11[%swap3A_447, %swap3A_448, %swap3A_449], %swap3A_452 {strides = array<i32>} : memref<2x80x128xf32, #tpu.memory_space<vmem>>, vector<1x1x16xf32>,
        %get3A_453 = arith.constant 0 : i32
        %get3A_454 = arith.index_cast %get3A_453 : i32 to index
        %get3A_455 = arith.index_cast %scan3A_434 : i32 to index
        %get3A_456 = arith.constant 16 : index
        %get3A_457 = tpu.vector_load %arg9[%get3A_454, %get3A_455, %get3A_456] {strides = array<i32>} : memref<2x80x128xf32, #tpu.memory_space<vmem>>, vector<1x1x16xf32>,
        %get3A_458 = vector.shape_cast %get3A_457 : vector<1x1x16xf32> to vector<16xf32>
        %get3A_459 = arith.constant 0 : i32
        %get3A_460 = arith.index_cast %get3A_459 : i32 to index
        %get3A_461 = arith.index_cast %scan3A_434 : i32 to index
        %get3A_462 = arith.constant 16 : index
        %get3A_463 = tpu.vector_load %arg10[%get3A_460, %get3A_461, %get3A_462] {strides = array<i32>} : memref<2x80x128xf32, #tpu.memory_space<vmem>>, vector<1x1x16xf32>,
        %get3A_464 = vector.shape_cast %get3A_463 : vector<1x1x16xf32> to vector<16xf32>
        %add3A_465 = arith.addf %get3A_458, %get3A_464 : vector<16xf32>
        %swap3A_466 = arith.constant 0 : i32
        %swap3A_467 = arith.index_cast %swap3A_466 : i32 to index
        %swap3A_468 = arith.index_cast %scan3A_434 : i32 to index
        %swap3A_469 = arith.constant 16 : index
        %swap3A_470 = tpu.vector_load %arg11[%swap3A_467, %swap3A_468, %swap3A_469] {strides = array<i32>} : memref<2x80x128xf32, #tpu.memory_space<vmem>>, vector<1x1x16xf32>,
        %swap3A_471 = vector.shape_cast %swap3A_470 : vector<1x1x16xf32> to vector<16xf32>
        %swap3A_472 = vector.shape_cast %add3A_465 : vector<16xf32> to vector<1x1x16xf32>
        tpu.vector_store %arg11[%swap3A_467, %swap3A_468, %swap3A_469], %swap3A_472 {strides = array<i32>} : memref<2x80x128xf32, #tpu.memory_space<vmem>>, vector<1x1x16xf32>,
        %get3A_473 = arith.constant 0 : i32
        %get3A_474 = arith.index_cast %get3A_473 : i32 to index
        %get3A_475 = arith.index_cast %scan3A_434 : i32 to index
        %get3A_476 = arith.constant 32 : index
        %get3A_477 = tpu.vector_load %arg9[%get3A_474, %get3A_475, %get3A_476] {strides = array<i32>} : memref<2x80x128xf32, #tpu.memory_space<vmem>>, vector<1x1x16xf32>,
        %get3A_478 = vector.shape_cast %get3A_477 : vector<1x1x16xf32> to vector<16xf32>
        %get3A_479 = arith.constant 0 : i32
        %get3A_480 = arith.index_cast %get3A_479 : i32 to index
        %get3A_481 = arith.index_cast %scan3A_434 : i32 to index
        %get3A_482 = arith.constant 32 : index
        %get3A_483 = tpu.vector_load %arg10[%get3A_480, %get3A_481, %get3A_482] {strides = array<i32>} : memref<2x80x128xf32, #tpu.memory_space<vmem>>, vector<1x1x16xf32>,
        %get3A_484 = vector.shape_cast %get3A_483 : vector<1x1x16xf32> to vector<16xf32>
        %add3A_485 = arith.addf %get3A_478, %get3A_484 : vector<16xf32>
        %swap3A_486 = arith.constant 0 : i32
        %swap3A_487 = arith.index_cast %swap3A_486 : i32 to index
        %swap3A_488 = arith.index_cast %scan3A_434 : i32 to index
        %swap3A_489 = arith.constant 32 : index
        %swap3A_490 = tpu.vector_load %arg11[%swap3A_487, %swap3A_488, %swap3A_489] {strides = array<i32>} : memref<2x80x128xf32, #tpu.memory_space<vmem>>, vector<1x1x16xf32>,
        %swap3A_491 = vector.shape_cast %swap3A_490 : vector<1x1x16xf32> to vector<16xf32>
        %swap3A_492 = vector.shape_cast %add3A_485 : vector<16xf32> to vector<1x1x16xf32>
        tpu.vector_store %arg11[%swap3A_487, %swap3A_488, %swap3A_489], %swap3A_492 {strides = array<i32>} : memref<2x80x128xf32, #tpu.memory_space<vmem>>, vector<1x1x16xf32>,
        %get3A_493 = arith.constant 0 : i32
        %get3A_494 = arith.index_cast %get3A_493 : i32 to index
        %get3A_495 = arith.index_cast %scan3A_434 : i32 to index
        %get3A_496 = arith.constant 48 : index
        %get3A_497 = tpu.vector_load %arg9[%get3A_494, %get3A_495, %get3A_496] {strides = array<i32>} : memref<2x80x128xf32, #tpu.memory_space<vmem>>, vector<1x1x16xf32>,
        %get3A_498 = vector.shape_cast %get3A_497 : vector<1x1x16xf32> to vector<16xf32>
        %get3A_499 = arith.constant 0 : i32
        %get3A_500 = arith.index_cast %get3A_499 : i32 to index
        %get3A_501 = arith.index_cast %scan3A_434 : i32 to index
        %get3A_502 = arith.constant 48 : index
        %get3A_503 = tpu.vector_load %arg10[%get3A_500, %get3A_501, %get3A_502] {strides = array<i32>} : memref<2x80x128xf32, #tpu.memory_space<vmem>>, vector<1x1x16xf32>,
        %get3A_504 = vector.shape_cast %get3A_503 : vector<1x1x16xf32> to vector<16xf32>
        %add3A_505 = arith.addf %get3A_498, %get3A_504 : vector<16xf32>
        %swap3A_506 = arith.constant 0 : i32
        %swap3A_507 = arith.index_cast %swap3A_506 : i32 to index
        %swap3A_508 = arith.index_cast %scan3A_434 : i32 to index
        %swap3A_509 = arith.constant 48 : index
        %swap3A_510 = tpu.vector_load %arg11[%swap3A_507, %swap3A_508, %swap3A_509] {strides = array<i32>} : memref<2x80x128xf32, #tpu.memory_space<vmem>>, vector<1x1x16xf32>,
        %swap3A_511 = vector.shape_cast %swap3A_510 : vector<1x1x16xf32> to vector<16xf32>
        %swap3A_512 = vector.shape_cast %add3A_505 : vector<16xf32> to vector<1x1x16xf32>
        tpu.vector_store %arg11[%swap3A_507, %swap3A_508, %swap3A_509], %swap3A_512 {strides = array<i32>} : memref<2x80x128xf32, #tpu.memory_space<vmem>>, vector<1x1x16xf32>,
        %get3A_513 = arith.constant 0 : i32
        %get3A_514 = arith.index_cast %get3A_513 : i32 to index
        %get3A_515 = arith.index_cast %scan3A_434 : i32 to index
        %get3A_516 = arith.constant 64 : index
        %get3A_517 = tpu.vector_load %arg9[%get3A_514, %get3A_515, %get3A_516] {strides = array<i32>} : memref<2x80x128xf32, #tpu.memory_space<vmem>>, vector<1x1x16xf32>,
        %get3A_518 = vector.shape_cast %get3A_517 : vector<1x1x16xf32> to vector<16xf32>
        %get3A_519 = arith.constant 0 : i32
        %get3A_520 = arith.index_cast %get3A_519 : i32 to index
        %get3A_521 = arith.index_cast %scan3A_434 : i32 to index
        %get3A_522 = arith.constant 64 : index
        %get3A_523 = tpu.vector_load %arg10[%get3A_520, %get3A_521, %get3A_522] {strides = array<i32>} : memref<2x80x128xf32, #tpu.memory_space<vmem>>, vector<1x1x16xf32>,
        %get3A_524 = vector.shape_cast %get3A_523 : vector<1x1x16xf32> to vector<16xf32>
        %add3A_525 = arith.addf %get3A_518, %get3A_524 : vector<16xf32>
        %swap3A_526 = arith.constant 0 : i32
        %swap3A_527 = arith.index_cast %swap3A_526 : i32 to index
        %swap3A_528 = arith.index_cast %scan3A_434 : i32 to index
        %swap3A_529 = arith.constant 64 : index
        %swap3A_530 = tpu.vector_load %arg11[%swap3A_527, %swap3A_528, %swap3A_529] {strides = array<i32>} : memref<2x80x128xf32, #tpu.memory_space<vmem>>, vector<1x1x16xf32>,
        %swap3A_531 = vector.shape_cast %swap3A_530 : vector<1x1x16xf32> to vector<16xf32>
        %swap3A_532 = vector.shape_cast %add3A_525 : vector<16xf32> to vector<1x1x16xf32>
        tpu.vector_store %arg11[%swap3A_527, %swap3A_528, %swap3A_529], %swap3A_532 {strides = array<i32>} : memref<2x80x128xf32, #tpu.memory_space<vmem>>, vector<1x1x16xf32>,
        %get3A_533 = arith.constant 0 : i32
        %get3A_534 = arith.index_cast %get3A_533 : i32 to index
        %get3A_535 = arith.index_cast %scan3A_434 : i32 to index
        %get3A_536 = arith.constant 80 : index
        %get3A_537 = tpu.vector_load %arg9[%get3A_534, %get3A_535, %get3A_536] {strides = array<i32>} : memref<2x80x128xf32, #tpu.memory_space<vmem>>, vector<1x1x16xf32>,
        %get3A_538 = vector.shape_cast %get3A_537 : vector<1x1x16xf32> to vector<16xf32>
        %get3A_539 = arith.constant 0 : i32
        %get3A_540 = arith.index_cast %get3A_539 : i32 to index
        %get3A_541 = arith.index_cast %scan3A_434 : i32 to index
        %get3A_542 = arith.constant 80 : index
        %get3A_543 = tpu.vector_load %arg10[%get3A_540, %get3A_541, %get3A_542] {strides = array<i32>} : memref<2x80x128xf32, #tpu.memory_space<vmem>>, vector<1x1x16xf32>,
        %get3A_544 = vector.shape_cast %get3A_543 : vector<1x1x16xf32> to vector<16xf32>
        %add3A_545 = arith.addf %get3A_538, %get3A_544 : vector<16xf32>
        %swap3A_546 = arith.constant 0 : i32
        %swap3A_547 = arith.index_cast %swap3A_546 : i32 to index
        %swap3A_548 = arith.index_cast %scan3A_434 : i32 to index
        %swap3A_549 = arith.constant 80 : index
        %swap3A_550 = tpu.vector_load %arg11[%swap3A_547, %swap3A_548, %swap3A_549] {strides = array<i32>} : memref<2x80x128xf32, #tpu.memory_space<vmem>>, vector<1x1x16xf32>,
        %swap3A_551 = vector.shape_cast %swap3A_550 : vector<1x1x16xf32> to vector<16xf32>
        %swap3A_552 = vector.shape_cast %add3A_545 : vector<16xf32> to vector<1x1x16xf32>
        tpu.vector_store %arg11[%swap3A_547, %swap3A_548, %swap3A_549], %swap3A_552 {strides = array<i32>} : memref<2x80x128xf32, #tpu.memory_space<vmem>>, vector<1x1x16xf32>,
        %get3A_553 = arith.constant 0 : i32
        %get3A_554 = arith.index_cast %get3A_553 : i32 to index
        %get3A_555 = arith.index_cast %scan3A_434 : i32 to index
        %get3A_556 = arith.constant 96 : index
        %get3A_557 = tpu.vector_load %arg9[%get3A_554, %get3A_555, %get3A_556] {strides = array<i32>} : memref<2x80x128xf32, #tpu.memory_space<vmem>>, vector<1x1x16xf32>,
        %get3A_558 = vector.shape_cast %get3A_557 : vector<1x1x16xf32> to vector<16xf32>
        %get3A_559 = arith.constant 0 : i32
        %get3A_560 = arith.index_cast %get3A_559 : i32 to index
        %get3A_561 = arith.index_cast %scan3A_434 : i32 to index
        %get3A_562 = arith.constant 96 : index
        %get3A_563 = tpu.vector_load %arg10[%get3A_560, %get3A_561, %get3A_562] {strides = array<i32>} : memref<2x80x128xf32, #tpu.memory_space<vmem>>, vector<1x1x16xf32>,
        %get3A_564 = vector.shape_cast %get3A_563 : vector<1x1x16xf32> to vector<16xf32>
        %add3A_565 = arith.addf %get3A_558, %get3A_564 : vector<16xf32>
        %swap3A_566 = arith.constant 0 : i32
        %swap3A_567 = arith.index_cast %swap3A_566 : i32 to index
        %swap3A_568 = arith.index_cast %scan3A_434 : i32 to index
        %swap3A_569 = arith.constant 96 : index
        %swap3A_570 = tpu.vector_load %arg11[%swap3A_567, %swap3A_568, %swap3A_569] {strides = array<i32>} : memref<2x80x128xf32, #tpu.memory_space<vmem>>, vector<1x1x16xf32>,
        %swap3A_571 = vector.shape_cast %swap3A_570 : vector<1x1x16xf32> to vector<16xf32>
        %swap3A_572 = vector.shape_cast %add3A_565 : vector<16xf32> to vector<1x1x16xf32>
        tpu.vector_store %arg11[%swap3A_567, %swap3A_568, %swap3A_569], %swap3A_572 {strides = array<i32>} : memref<2x80x128xf32, #tpu.memory_space<vmem>>, vector<1x1x16xf32>,
        %get3A_573 = arith.constant 0 : i32
        %get3A_574 = arith.index_cast %get3A_573 : i32 to index
        %get3A_575 = arith.index_cast %scan3A_434 : i32 to index
        %get3A_576 = arith.constant 112 : index
        %get3A_577 = tpu.vector_load %arg9[%get3A_574, %get3A_575, %get3A_576] {strides = array<i32>} : memref<2x80x128xf32, #tpu.memory_space<vmem>>, vector<1x1x16xf32>,
        %get3A_578 = vector.shape_cast %get3A_577 : vector<1x1x16xf32> to vector<16xf32>
        %get3A_579 = arith.constant 0 : i32
        %get3A_580 = arith.index_cast %get3A_579 : i32 to index
        %get3A_581 = arith.index_cast %scan3A_434 : i32 to index
        %get3A_582 = arith.constant 112 : index
        %get3A_583 = tpu.vector_load %arg10[%get3A_580, %get3A_581, %get3A_582] {strides = array<i32>} : memref<2x80x128xf32, #tpu.memory_space<vmem>>, vector<1x1x16xf32>,
        %get3A_584 = vector.shape_cast %get3A_583 : vector<1x1x16xf32> to vector<16xf32>
        %add3A_585 = arith.addf %get3A_578, %get3A_584 : vector<16xf32>
        %swap3A_586 = arith.constant 0 : i32
        %swap3A_587 = arith.index_cast %swap3A_586 : i32 to index
        %swap3A_588 = arith.index_cast %scan3A_434 : i32 to index
        %swap3A_589 = arith.constant 112 : index
        %swap3A_590 = tpu.vector_load %arg11[%swap3A_587, %swap3A_588, %swap3A_589] {strides = array<i32>} : memref<2x80x128xf32, #tpu.memory_space<vmem>>, vector<1x1x16xf32>,
        %swap3A_591 = vector.shape_cast %swap3A_590 : vector<1x1x16xf32> to vector<16xf32>
        %swap3A_592 = vector.shape_cast %add3A_585 : vector<16xf32> to vector<1x1x16xf32>
        tpu.vector_store %arg11[%swap3A_587, %swap3A_588, %swap3A_589], %swap3A_592 {strides = array<i32>} : memref<2x80x128xf32, #tpu.memory_space<vmem>>, vector<1x1x16xf32>,
      }
      %scan3A_329 = arith.constant 80 : i32
      %mul3A_330 = arith.constant 80 : i32
      %mul3A_331 = arith.muli %mul3A_260, %mul3A_330 : i32
      %add3A_332 = arith.addi %mul3A_2, %mul3A_331 : i32
      %dma_start3A_333 = arith.constant 0 : i32
      %dma_start3A_334 = arith.constant 0 : i32
      %dma_start3A_335 = arith.constant 0 : i32
      %dma_start3A_336 = tpu.memref_slice %arg11[%dma_start3A_333, %dma_start3A_334, %dma_start3A_335] : memref<2x80x128xf32, #tpu.memory_space<vmem>> -> memref<1x80x128xf32, #tpu.memory_space<vmem>>
      %dma_start3A_337 = tpu.memref_squeeze %dma_start3A_336 : memref<1x80x128xf32, #tpu.memory_space<vmem>> -> memref<80x128xf32, #tpu.memory_space<vmem>>
      %dma_start3A_338 = arith.constant 0 : i32
      %dma_start3A_339 = tpu.memref_slice %arg6[%add3A_332, %dma_start3A_338] : memref<320000x128xf32, #tpu.memory_space<hbm>> -> memref<80x128xf32, #tpu.memory_space<hbm>>
      %dma_start3A_340 = arith.constant 0 : i32
      %dma_start3A_341 = tpu.memref_slice %arg6[%add3A_332, %dma_start3A_340] : memref<320000x128xf32, #tpu.memory_space<hbm>> -> memref<80x128xf32, #tpu.memory_space<hbm>>
      %dma_start3A_342 = arith.constant 0 : i32
      %dma_start3A_343 = arith.constant 0 : i32
      %dma_start3A_344 = tpu.memref_slice %arg11[%dma_start3A_333, %dma_start3A_342, %dma_start3A_343] : memref<2x80x128xf32, #tpu.memory_space<vmem>> -> memref<1x80x128xf32, #tpu.memory_space<vmem>>
      %dma_start3A_345 = tpu.memref_squeeze %dma_start3A_344 : memref<1x80x128xf32, #tpu.memory_space<vmem>> -> memref<80x128xf32, #tpu.memory_space<vmem>>
      tpu.enqueue_dma source(%dma_start3A_345 : memref<80x128xf32, #tpu.memory_space<vmem>>) target(%dma_start3A_341 : memref<80x128xf32, #tpu.memory_space<hbm>>) target_semaphore(%arg16 : memref<!tpu.dma_semaphore, #tpu.memory_space<semaphore_mem>>)
      %add3A_346 = arith.constant 2 : i32
      %add3A_347 = arith.addi %mul3A_260, %add3A_346 : i32
      %dma_start3A_348 = arith.constant 0 : i32
      %dma_start3A_349 = arith.constant 0 : i32
      %dma_start3A_350 = arith.constant 0 : i32
      %dma_start3A_351 = tpu.memref_slice %arg9[%dma_start3A_348, %dma_start3A_349, %dma_start3A_350] : memref<2x80x128xf32, #tpu.memory_space<vmem>> -> memref<1x80x128xf32, #tpu.memory_space<vmem>>
      %dma_start3A_352 = tpu.memref_squeeze %dma_start3A_351 : memref<1x80x128xf32, #tpu.memory_space<vmem>> -> memref<80x128xf32, #tpu.memory_space<vmem>>
      %dma_start3A_353 = arith.constant 0 : i32
      %dma_start3A_354 = tpu.memref_slice %arg7[%add3A_347, %dma_start3A_353] : memref<125x80xi32, #tpu.memory_space<vmem>> -> memref<1x80xi32, #tpu.memory_space<vmem>>
      %dma_start3A_355 = tpu.memref_squeeze %dma_start3A_354 : memref<1x80xi32, #tpu.memory_space<vmem>> -> memref<80xi32, #tpu.memory_space<vmem>>
      %dma_start3A_356 = arith.constant 0 : i32
      %dma_start3A_357 = arith.constant 0 : i32
      %dma_start3A_358 = tpu.memref_slice %arg2[%dma_start3A_356, %dma_start3A_357] : memref<10000x128xf32, #tpu.memory_space<hbm>> -> memref<10000x128xf32, #tpu.memory_space<hbm>>
      tpu.enqueue_indirect_dma source(%dma_start3A_358 : memref<10000x128xf32, #tpu.memory_space<hbm>>) target(%dma_start3A_352 : memref<80x128xf32, #tpu.memory_space<vmem>>) offsets(%dma_start3A_355 : memref<80xi32, #tpu.memory_space<vmem>>) semaphore(%arg12 : memref<!tpu.dma_semaphore, #tpu.memory_space<semaphore_mem>>)
      %dma_start3A_359 = arith.constant 0 : i32
      %dma_start3A_360 = arith.constant 0 : i32
      %dma_start3A_361 = arith.constant 0 : i32
      %dma_start3A_362 = tpu.memref_slice %arg10[%dma_start3A_359, %dma_start3A_360, %dma_start3A_361] : memref<2x80x128xf32, #tpu.memory_space<vmem>> -> memref<1x80x128xf32, #tpu.memory_space<vmem>>
      %dma_start3A_363 = tpu.memref_squeeze %dma_start3A_362 : memref<1x80x128xf32, #tpu.memory_space<vmem>> -> memref<80x128xf32, #tpu.memory_space<vmem>>
      %dma_start3A_364 = arith.constant 0 : i32
      %dma_start3A_365 = tpu.memref_slice %arg8[%add3A_347, %dma_start3A_364] : memref<125x80xi32, #tpu.memory_space<vmem>> -> memref<1x80xi32, #tpu.memory_space<vmem>>
      %dma_start3A_366 = tpu.memref_squeeze %dma_start3A_365 : memref<1x80xi32, #tpu.memory_space<vmem>> -> memref<80xi32, #tpu.memory_space<vmem>>
      %dma_start3A_367 = arith.constant 0 : i32
      %dma_start3A_368 = arith.constant 0 : i32
      %dma_start3A_369 = tpu.memref_slice %arg3[%dma_start3A_367, %dma_start3A_368] : memref<10000x128xf32, #tpu.memory_space<hbm>> -> memref<10000x128xf32, #tpu.memory_space<hbm>>
      tpu.enqueue_indirect_dma source(%dma_start3A_369 : memref<10000x128xf32, #tpu.memory_space<hbm>>) target(%dma_start3A_363 : memref<80x128xf32, #tpu.memory_space<vmem>>) offsets(%dma_start3A_366 : memref<80xi32, #tpu.memory_space<vmem>>) semaphore(%arg13 : memref<!tpu.dma_semaphore, #tpu.memory_space<semaphore_mem>>)
      %sub3A_370 = arith.constant 1 : i32
      %sub3A_371 = arith.subi %mul3A_260, %sub3A_370 : i32
      %mul3A_372 = arith.constant 80 : i32
      %mul3A_373 = arith.muli %sub3A_371, %mul3A_372 : i32
      %add3A_374 = arith.addi %mul3A_2, %mul3A_373 : i32
      %dma_wait3A_375 = arith.constant 1 : i32
      %dma_wait3A_376 = arith.constant 0 : i32
      %dma_wait3A_377 = arith.constant 0 : i32
      %dma_wait3A_378 = tpu.memref_slice %arg11[%dma_wait3A_375, %dma_wait3A_376, %dma_wait3A_377] : memref<2x80x128xf32, #tpu.memory_space<vmem>> -> memref<1x80x128xf32, #tpu.memory_space<vmem>>
      %dma_wait3A_379 = tpu.memref_squeeze %dma_wait3A_378 : memref<1x80x128xf32, #tpu.memory_space<vmem>> -> memref<80x128xf32, #tpu.memory_space<vmem>>
      %dma_wait3A_380 = arith.constant 0 : i32
      %dma_wait3A_381 = tpu.memref_slice %arg6[%add3A_374, %dma_wait3A_380] : memref<320000x128xf32, #tpu.memory_space<hbm>> -> memref<80x128xf32, #tpu.memory_space<hbm>>
      %dma_wait3A_382 = arith.constant 0 : i32
      %dma_wait3A_383 = tpu.memref_slice %arg6[%add3A_374, %dma_wait3A_382] : memref<320000x128xf32, #tpu.memory_space<hbm>> -> memref<80x128xf32, #tpu.memory_space<hbm>>
      %dma_wait3A_384 = arith.constant 0 : i32
      %dma_wait3A_385 = arith.constant 0 : i32
      %dma_wait3A_386 = tpu.memref_slice %arg11[%dma_wait3A_375, %dma_wait3A_384, %dma_wait3A_385] : memref<2x80x128xf32, #tpu.memory_space<vmem>> -> memref<1x80x128xf32, #tpu.memory_space<vmem>>
      %dma_wait3A_387 = tpu.memref_squeeze %dma_wait3A_386 : memref<1x80x128xf32, #tpu.memory_space<vmem>> -> memref<80x128xf32, #tpu.memory_space<vmem>>
      tpu.wait_dma2 semaphore(%arg17 : memref<!tpu.dma_semaphore, #tpu.memory_space<semaphore_mem>>) src(%dma_wait3A_387 : memref<80x128xf32, #tpu.memory_space<vmem>>) dst(%dma_wait3A_383 : memref<80x128xf32, #tpu.memory_space<hbm>>)
      %add3A_388 = arith.constant 1 : i32
      %add3A_389 = arith.addi %mul3A_260, %add3A_388 : i32
      %dma_wait3A_390 = arith.constant 1 : i32
      %dma_wait3A_391 = arith.constant 0 : i32
      %dma_wait3A_392 = arith.constant 0 : i32
      %dma_wait3A_393 = tpu.memref_slice %arg9[%dma_wait3A_390, %dma_wait3A_391, %dma_wait3A_392] : memref<2x80x128xf32, #tpu.memory_space<vmem>> -> memref<1x80x128xf32, #tpu.memory_space<vmem>>
      %dma_wait3A_394 = tpu.memref_squeeze %dma_wait3A_393 : memref<1x80x128xf32, #tpu.memory_space<vmem>> -> memref<80x128xf32, #tpu.memory_space<vmem>>
      %dma_wait3A_395 = arith.constant 0 : i32
      %dma_wait3A_396 = tpu.memref_slice %arg7[%add3A_389, %dma_wait3A_395] : memref<125x80xi32, #tpu.memory_space<vmem>> -> memref<1x80xi32, #tpu.memory_space<vmem>>
      %dma_wait3A_397 = tpu.memref_squeeze %dma_wait3A_396 : memref<1x80xi32, #tpu.memory_space<vmem>> -> memref<80xi32, #tpu.memory_space<vmem>>
      %dma_wait3A_398 = arith.constant 0 : i32
      %dma_wait3A_399 = arith.constant 0 : i32
      %dma_wait3A_400 = tpu.memref_slice %arg2[%dma_wait3A_398, %dma_wait3A_399] : memref<10000x128xf32, #tpu.memory_space<hbm>> -> memref<10000x128xf32, #tpu.memory_space<hbm>>
      tpu.wait_indirect_dma semaphore(%arg14 : memref<!tpu.dma_semaphore, #tpu.memory_space<semaphore_mem>>) src(%dma_wait3A_400 : memref<10000x128xf32, #tpu.memory_space<hbm>>) dst(%dma_wait3A_394 : memref<80x128xf32, #tpu.memory_space<vmem>>)
      %dma_wait3A_401 = arith.constant 1 : i32
      %dma_wait3A_402 = arith.constant 0 : i32
      %dma_wait3A_403 = arith.constant 0 : i32
      %dma_wait3A_404 = tpu.memref_slice %arg10[%dma_wait3A_401, %dma_wait3A_402, %dma_wait3A_403] : memref<2x80x128xf32, #tpu.memory_space<vmem>> -> memref<1x80x128xf32, #tpu.memory_space<vmem>>
      %dma_wait3A_405 = tpu.memref_squeeze %dma_wait3A_404 : memref<1x80x128xf32, #tpu.memory_space<vmem>> -> memref<80x128xf32, #tpu.memory_space<vmem>>
      %dma_wait3A_406 = arith.constant 0 : i32
      %dma_wait3A_407 = tpu.memref_slice %arg8[%add3A_389, %dma_wait3A_406] : memref<125x80xi32, #tpu.memory_space<vmem>> -> memref<1x80xi32, #tpu.memory_space<vmem>>
      %dma_wait3A_408 = tpu.memref_squeeze %dma_wait3A_407 : memref<1x80xi32, #tpu.memory_space<vmem>> -> memref<80xi32, #tpu.memory_space<vmem>>
      %dma_wait3A_409 = arith.constant 0 : i32
      %dma_wait3A_410 = arith.constant 0 : i32
      %dma_wait3A_411 = tpu.memref_slice %arg3[%dma_wait3A_409, %dma_wait3A_410] : memref<10000x128xf32, #tpu.memory_space<hbm>> -> memref<10000x128xf32, #tpu.memory_space<hbm>>
      tpu.wait_indirect_dma semaphore(%arg15 : memref<!tpu.dma_semaphore, #tpu.memory_space<semaphore_mem>>) src(%dma_wait3A_411 : memref<10000x128xf32, #tpu.memory_space<hbm>>) dst(%dma_wait3A_405 : memref<80x128xf32, #tpu.memory_space<vmem>>)
      %scan3A_412 = arith.constant 0 : i32
      %scan3A_413 = arith.constant 0 : i32
      %scan3A_414 = arith.constant 80 : i32
      %scan3A_415 = arith.addi %scan3A_413, %scan3A_414 : i32
      %scan3A_416 = arith.constant 1 : i32
      scf.for %scan3A_434 = %scan3A_413 to %scan3A_415 step %scan3A_416  : i32 {
        %get3A = arith.constant 1 : i32
        %get3A_435 = arith.index_cast %get3A : i32 to index
        %get3A_436 = arith.index_cast %scan3A_434 : i32 to index
        %get3A_437 = arith.constant 0 : index
        %get3A_438 = tpu.vector_load %arg9[%get3A_435, %get3A_436, %get3A_437] {strides = array<i32>} : memref<2x80x128xf32, #tpu.memory_space<vmem>>, vector<1x1x16xf32>,
        %get3A_439 = vector.shape_cast %get3A_438 : vector<1x1x16xf32> to vector<16xf32>
        %get3A_440 = arith.constant 1 : i32
        %get3A_441 = arith.index_cast %get3A_440 : i32 to index
        %get3A_442 = arith.index_cast %scan3A_434 : i32 to index
        %get3A_443 = arith.constant 0 : index
        %get3A_444 = tpu.vector_load %arg10[%get3A_441, %get3A_442, %get3A_443] {strides = array<i32>} : memref<2x80x128xf32, #tpu.memory_space<vmem>>, vector<1x1x16xf32>,
        %get3A_445 = vector.shape_cast %get3A_444 : vector<1x1x16xf32> to vector<16xf32>
        %add3A_446 = arith.addf %get3A_439, %get3A_445 : vector<16xf32>
        %swap3A = arith.constant 1 : i32
        %swap3A_447 = arith.index_cast %swap3A : i32 to index
        %swap3A_448 = arith.index_cast %scan3A_434 : i32 to index
        %swap3A_449 = arith.constant 0 : index
        %swap3A_450 = tpu.vector_load %arg11[%swap3A_447, %swap3A_448, %swap3A_449] {strides = array<i32>} : memref<2x80x128xf32, #tpu.memory_space<vmem>>, vector<1x1x16xf32>,
        %swap3A_451 = vector.shape_cast %swap3A_450 : vector<1x1x16xf32> to vector<16xf32>
        %swap3A_452 = vector.shape_cast %add3A_446 : vector<16xf32> to vector<1x1x16xf32>
        tpu.vector_store %arg11[%swap3A_447, %swap3A_448, %swap3A_449], %swap3A_452 {strides = array<i32>} : memref<2x80x128xf32, #tpu.memory_space<vmem>>, vector<1x1x16xf32>,
        %get3A_453 = arith.constant 1 : i32
        %get3A_454 = arith.index_cast %get3A_453 : i32 to index
        %get3A_455 = arith.index_cast %scan3A_434 : i32 to index
        %get3A_456 = arith.constant 16 : index
        %get3A_457 = tpu.vector_load %arg9[%get3A_454, %get3A_455, %get3A_456] {strides = array<i32>} : memref<2x80x128xf32, #tpu.memory_space<vmem>>, vector<1x1x16xf32>,
        %get3A_458 = vector.shape_cast %get3A_457 : vector<1x1x16xf32> to vector<16xf32>
        %get3A_459 = arith.constant 1 : i32
        %get3A_460 = arith.index_cast %get3A_459 : i32 to index
        %get3A_461 = arith.index_cast %scan3A_434 : i32 to index
        %get3A_462 = arith.constant 16 : index
        %get3A_463 = tpu.vector_load %arg10[%get3A_460, %get3A_461, %get3A_462] {strides = array<i32>} : memref<2x80x128xf32, #tpu.memory_space<vmem>>, vector<1x1x16xf32>,
        %get3A_464 = vector.shape_cast %get3A_463 : vector<1x1x16xf32> to vector<16xf32>
        %add3A_465 = arith.addf %get3A_458, %get3A_464 : vector<16xf32>
        %swap3A_466 = arith.constant 1 : i32
        %swap3A_467 = arith.index_cast %swap3A_466 : i32 to index
        %swap3A_468 = arith.index_cast %scan3A_434 : i32 to index
        %swap3A_469 = arith.constant 16 : index
        %swap3A_470 = tpu.vector_load %arg11[%swap3A_467, %swap3A_468, %swap3A_469] {strides = array<i32>} : memref<2x80x128xf32, #tpu.memory_space<vmem>>, vector<1x1x16xf32>,
        %swap3A_471 = vector.shape_cast %swap3A_470 : vector<1x1x16xf32> to vector<16xf32>
        %swap3A_472 = vector.shape_cast %add3A_465 : vector<16xf32> to vector<1x1x16xf32>
        tpu.vector_store %arg11[%swap3A_467, %swap3A_468, %swap3A_469], %swap3A_472 {strides = array<i32>} : memref<2x80x128xf32, #tpu.memory_space<vmem>>, vector<1x1x16xf32>,
        %get3A_473 = arith.constant 1 : i32
        %get3A_474 = arith.index_cast %get3A_473 : i32 to index
        %get3A_475 = arith.index_cast %scan3A_434 : i32 to index
        %get3A_476 = arith.constant 32 : index
        %get3A_477 = tpu.vector_load %arg9[%get3A_474, %get3A_475, %get3A_476] {strides = array<i32>} : memref<2x80x128xf32, #tpu.memory_space<vmem>>, vector<1x1x16xf32>,
        %get3A_478 = vector.shape_cast %get3A_477 : vector<1x1x16xf32> to vector<16xf32>
        %get3A_479 = arith.constant 1 : i32
        %get3A_480 = arith.index_cast %get3A_479 : i32 to index
        %get3A_481 = arith.index_cast %scan3A_434 : i32 to index
        %get3A_482 = arith.constant 32 : index
        %get3A_483 = tpu.vector_load %arg10[%get3A_480, %get3A_481, %get3A_482] {strides = array<i32>} : memref<2x80x128xf32, #tpu.memory_space<vmem>>, vector<1x1x16xf32>,
        %get3A_484 = vector.shape_cast %get3A_483 : vector<1x1x16xf32> to vector<16xf32>
        %add3A_485 = arith.addf %get3A_478, %get3A_484 : vector<16xf32>
        %swap3A_486 = arith.constant 1 : i32
        %swap3A_487 = arith.index_cast %swap3A_486 : i32 to index
        %swap3A_488 = arith.index_cast %scan3A_434 : i32 to index
        %swap3A_489 = arith.constant 32 : index
        %swap3A_490 = tpu.vector_load %arg11[%swap3A_487, %swap3A_488, %swap3A_489] {strides = array<i32>} : memref<2x80x128xf32, #tpu.memory_space<vmem>>, vector<1x1x16xf32>,
        %swap3A_491 = vector.shape_cast %swap3A_490 : vector<1x1x16xf32> to vector<16xf32>
        %swap3A_492 = vector.shape_cast %add3A_485 : vector<16xf32> to vector<1x1x16xf32>
        tpu.vector_store %arg11[%swap3A_487, %swap3A_488, %swap3A_489], %swap3A_492 {strides = array<i32>} : memref<2x80x128xf32, #tpu.memory_space<vmem>>, vector<1x1x16xf32>,
        %get3A_493 = arith.constant 1 : i32
        %get3A_494 = arith.index_cast %get3A_493 : i32 to index
        %get3A_495 = arith.index_cast %scan3A_434 : i32 to index
        %get3A_496 = arith.constant 48 : index
        %get3A_497 = tpu.vector_load %arg9[%get3A_494, %get3A_495, %get3A_496] {strides = array<i32>} : memref<2x80x128xf32, #tpu.memory_space<vmem>>, vector<1x1x16xf32>,
        %get3A_498 = vector.shape_cast %get3A_497 : vector<1x1x16xf32> to vector<16xf32>
        %get3A_499 = arith.constant 1 : i32
        %get3A_500 = arith.index_cast %get3A_499 : i32 to index
        %get3A_501 = arith.index_cast %scan3A_434 : i32 to index
        %get3A_502 = arith.constant 48 : index
        %get3A_503 = tpu.vector_load %arg10[%get3A_500, %get3A_501, %get3A_502] {strides = array<i32>} : memref<2x80x128xf32, #tpu.memory_space<vmem>>, vector<1x1x16xf32>,
        %get3A_504 = vector.shape_cast %get3A_503 : vector<1x1x16xf32> to vector<16xf32>
        %add3A_505 = arith.addf %get3A_498, %get3A_504 : vector<16xf32>
        %swap3A_506 = arith.constant 1 : i32
        %swap3A_507 = arith.index_cast %swap3A_506 : i32 to index
        %swap3A_508 = arith.index_cast %scan3A_434 : i32 to index
        %swap3A_509 = arith.constant 48 : index
        %swap3A_510 = tpu.vector_load %arg11[%swap3A_507, %swap3A_508, %swap3A_509] {strides = array<i32>} : memref<2x80x128xf32, #tpu.memory_space<vmem>>, vector<1x1x16xf32>,
        %swap3A_511 = vector.shape_cast %swap3A_510 : vector<1x1x16xf32> to vector<16xf32>
        %swap3A_512 = vector.shape_cast %add3A_505 : vector<16xf32> to vector<1x1x16xf32>
        tpu.vector_store %arg11[%swap3A_507, %swap3A_508, %swap3A_509], %swap3A_512 {strides = array<i32>} : memref<2x80x128xf32, #tpu.memory_space<vmem>>, vector<1x1x16xf32>,
        %get3A_513 = arith.constant 1 : i32
        %get3A_514 = arith.index_cast %get3A_513 : i32 to index
        %get3A_515 = arith.index_cast %scan3A_434 : i32 to index
        %get3A_516 = arith.constant 64 : index
        %get3A_517 = tpu.vector_load %arg9[%get3A_514, %get3A_515, %get3A_516] {strides = array<i32>} : memref<2x80x128xf32, #tpu.memory_space<vmem>>, vector<1x1x16xf32>,
        %get3A_518 = vector.shape_cast %get3A_517 : vector<1x1x16xf32> to vector<16xf32>
        %get3A_519 = arith.constant 1 : i32
        %get3A_520 = arith.index_cast %get3A_519 : i32 to index
        %get3A_521 = arith.index_cast %scan3A_434 : i32 to index
        %get3A_522 = arith.constant 64 : index
        %get3A_523 = tpu.vector_load %arg10[%get3A_520, %get3A_521, %get3A_522] {strides = array<i32>} : memref<2x80x128xf32, #tpu.memory_space<vmem>>, vector<1x1x16xf32>,
        %get3A_524 = vector.shape_cast %get3A_523 : vector<1x1x16xf32> to vector<16xf32>
        %add3A_525 = arith.addf %get3A_518, %get3A_524 : vector<16xf32>
        %swap3A_526 = arith.constant 1 : i32
        %swap3A_527 = arith.index_cast %swap3A_526 : i32 to index
        %swap3A_528 = arith.index_cast %scan3A_434 : i32 to index
        %swap3A_529 = arith.constant 64 : index
        %swap3A_530 = tpu.vector_load %arg11[%swap3A_527, %swap3A_528, %swap3A_529] {strides = array<i32>} : memref<2x80x128xf32, #tpu.memory_space<vmem>>, vector<1x1x16xf32>,
        %swap3A_531 = vector.shape_cast %swap3A_530 : vector<1x1x16xf32> to vector<16xf32>
        %swap3A_532 = vector.shape_cast %add3A_525 : vector<16xf32> to vector<1x1x16xf32>
        tpu.vector_store %arg11[%swap3A_527, %swap3A_528, %swap3A_529], %swap3A_532 {strides = array<i32>} : memref<2x80x128xf32, #tpu.memory_space<vmem>>, vector<1x1x16xf32>,
        %get3A_533 = arith.constant 1 : i32
        %get3A_534 = arith.index_cast %get3A_533 : i32 to index
        %get3A_535 = arith.index_cast %scan3A_434 : i32 to index
        %get3A_536 = arith.constant 80 : index
        %get3A_537 = tpu.vector_load %arg9[%get3A_534, %get3A_535, %get3A_536] {strides = array<i32>} : memref<2x80x128xf32, #tpu.memory_space<vmem>>, vector<1x1x16xf32>,
        %get3A_538 = vector.shape_cast %get3A_537 : vector<1x1x16xf32> to vector<16xf32>
        %get3A_539 = arith.constant 1 : i32
        %get3A_540 = arith.index_cast %get3A_539 : i32 to index
        %get3A_541 = arith.index_cast %scan3A_434 : i32 to index
        %get3A_542 = arith.constant 80 : index
        %get3A_543 = tpu.vector_load %arg10[%get3A_540, %get3A_541, %get3A_542] {strides = array<i32>} : memref<2x80x128xf32, #tpu.memory_space<vmem>>, vector<1x1x16xf32>,
        %get3A_544 = vector.shape_cast %get3A_543 : vector<1x1x16xf32> to vector<16xf32>
        %add3A_545 = arith.addf %get3A_538, %get3A_544 : vector<16xf32>
        %swap3A_546 = arith.constant 1 : i32
        %swap3A_547 = arith.index_cast %swap3A_546 : i32 to index
        %swap3A_548 = arith.index_cast %scan3A_434 : i32 to index
        %swap3A_549 = arith.constant 80 : index
        %swap3A_550 = tpu.vector_load %arg11[%swap3A_547, %swap3A_548, %swap3A_549] {strides = array<i32>} : memref<2x80x128xf32, #tpu.memory_space<vmem>>, vector<1x1x16xf32>,
        %swap3A_551 = vector.shape_cast %swap3A_550 : vector<1x1x16xf32> to vector<16xf32>
        %swap3A_552 = vector.shape_cast %add3A_545 : vector<16xf32> to vector<1x1x16xf32>
        tpu.vector_store %arg11[%swap3A_547, %swap3A_548, %swap3A_549], %swap3A_552 {strides = array<i32>} : memref<2x80x128xf32, #tpu.memory_space<vmem>>, vector<1x1x16xf32>,
        %get3A_553 = arith.constant 1 : i32
        %get3A_554 = arith.index_cast %get3A_553 : i32 to index
        %get3A_555 = arith.index_cast %scan3A_434 : i32 to index
        %get3A_556 = arith.constant 96 : index
        %get3A_557 = tpu.vector_load %arg9[%get3A_554, %get3A_555, %get3A_556] {strides = array<i32>} : memref<2x80x128xf32, #tpu.memory_space<vmem>>, vector<1x1x16xf32>,
        %get3A_558 = vector.shape_cast %get3A_557 : vector<1x1x16xf32> to vector<16xf32>
        %get3A_559 = arith.constant 1 : i32
        %get3A_560 = arith.index_cast %get3A_559 : i32 to index
        %get3A_561 = arith.index_cast %scan3A_434 : i32 to index
        %get3A_562 = arith.constant 96 : index
        %get3A_563 = tpu.vector_load %arg10[%get3A_560, %get3A_561, %get3A_562] {strides = array<i32>} : memref<2x80x128xf32, #tpu.memory_space<vmem>>, vector<1x1x16xf32>,
        %get3A_564 = vector.shape_cast %get3A_563 : vector<1x1x16xf32> to vector<16xf32>
        %add3A_565 = arith.addf %get3A_558, %get3A_564 : vector<16xf32>
        %swap3A_566 = arith.constant 1 : i32
        %swap3A_567 = arith.index_cast %swap3A_566 : i32 to index
        %swap3A_568 = arith.index_cast %scan3A_434 : i32 to index
        %swap3A_569 = arith.constant 96 : index
        %swap3A_570 = tpu.vector_load %arg11[%swap3A_567, %swap3A_568, %swap3A_569] {strides = array<i32>} : memref<2x80x128xf32, #tpu.memory_space<vmem>>, vector<1x1x16xf32>,
        %swap3A_571 = vector.shape_cast %swap3A_570 : vector<1x1x16xf32> to vector<16xf32>
        %swap3A_572 = vector.shape_cast %add3A_565 : vector<16xf32> to vector<1x1x16xf32>
        tpu.vector_store %arg11[%swap3A_567, %swap3A_568, %swap3A_569], %swap3A_572 {strides = array<i32>} : memref<2x80x128xf32, #tpu.memory_space<vmem>>, vector<1x1x16xf32>,
        %get3A_573 = arith.constant 1 : i32
        %get3A_574 = arith.index_cast %get3A_573 : i32 to index
        %get3A_575 = arith.index_cast %scan3A_434 : i32 to index
        %get3A_576 = arith.constant 112 : index
        %get3A_577 = tpu.vector_load %arg9[%get3A_574, %get3A_575, %get3A_576] {strides = array<i32>} : memref<2x80x128xf32, #tpu.memory_space<vmem>>, vector<1x1x16xf32>,
        %get3A_578 = vector.shape_cast %get3A_577 : vector<1x1x16xf32> to vector<16xf32>
        %get3A_579 = arith.constant 1 : i32
        %get3A_580 = arith.index_cast %get3A_579 : i32 to index
        %get3A_581 = arith.index_cast %scan3A_434 : i32 to index
        %get3A_582 = arith.constant 112 : index
        %get3A_583 = tpu.vector_load %arg10[%get3A_580, %get3A_581, %get3A_582] {strides = array<i32>} : memref<2x80x128xf32, #tpu.memory_space<vmem>>, vector<1x1x16xf32>,
        %get3A_584 = vector.shape_cast %get3A_583 : vector<1x1x16xf32> to vector<16xf32>
        %add3A_585 = arith.addf %get3A_578, %get3A_584 : vector<16xf32>
        %swap3A_586 = arith.constant 1 : i32
        %swap3A_587 = arith.index_cast %swap3A_586 : i32 to index
        %swap3A_588 = arith.index_cast %scan3A_434 : i32 to index
        %swap3A_589 = arith.constant 112 : index
        %swap3A_590 = tpu.vector_load %arg11[%swap3A_587, %swap3A_588, %swap3A_589] {strides = array<i32>} : memref<2x80x128xf32, #tpu.memory_space<vmem>>, vector<1x1x16xf32>,
        %swap3A_591 = vector.shape_cast %swap3A_590 : vector<1x1x16xf32> to vector<16xf32>
        %swap3A_592 = vector.shape_cast %add3A_585 : vector<16xf32> to vector<1x1x16xf32>
        tpu.vector_store %arg11[%swap3A_587, %swap3A_588, %swap3A_589], %swap3A_592 {strides = array<i32>} : memref<2x80x128xf32, #tpu.memory_space<vmem>>, vector<1x1x16xf32>,
      }
      %scan3A_417 = arith.constant 80 : i32
      %mul3A_418 = arith.constant 80 : i32
      %mul3A_419 = arith.muli %add3A_389, %mul3A_418 : i32
      %add3A_420 = arith.addi %mul3A_2, %mul3A_419 : i32
      %dma_start3A_421 = arith.constant 1 : i32
      %dma_start3A_422 = arith.constant 0 : i32
      %dma_start3A_423 = arith.constant 0 : i32
      %dma_start3A_424 = tpu.memref_slice %arg11[%dma_start3A_421, %dma_start3A_422, %dma_start3A_423] : memref<2x80x128xf32, #tpu.memory_space<vmem>> -> memref<1x80x128xf32, #tpu.memory_space<vmem>>
      %dma_start3A_425 = tpu.memref_squeeze %dma_start3A_424 : memref<1x80x128xf32, #tpu.memory_space<vmem>> -> memref<80x128xf32, #tpu.memory_space<vmem>>
      %dma_start3A_426 = arith.constant 0 : i32
      %dma_start3A_427 = tpu.memref_slice %arg6[%add3A_420, %dma_start3A_426] : memref<320000x128xf32, #tpu.memory_space<hbm>> -> memref<80x128xf32, #tpu.memory_space<hbm>>
      %dma_start3A_428 = arith.constant 0 : i32
      %dma_start3A_429 = tpu.memref_slice %arg6[%add3A_420, %dma_start3A_428] : memref<320000x128xf32, #tpu.memory_space<hbm>> -> memref<80x128xf32, #tpu.memory_space<hbm>>
      %dma_start3A_430 = arith.constant 0 : i32
      %dma_start3A_431 = arith.constant 0 : i32
      %dma_start3A_432 = tpu.memref_slice %arg11[%dma_start3A_421, %dma_start3A_430, %dma_start3A_431] : memref<2x80x128xf32, #tpu.memory_space<vmem>> -> memref<1x80x128xf32, #tpu.memory_space<vmem>>
      %dma_start3A_433 = tpu.memref_squeeze %dma_start3A_432 : memref<1x80x128xf32, #tpu.memory_space<vmem>> -> memref<80x128xf32, #tpu.memory_space<vmem>>
      tpu.enqueue_dma source(%dma_start3A_433 : memref<80x128xf32, #tpu.memory_space<vmem>>) target(%dma_start3A_429 : memref<80x128xf32, #tpu.memory_space<hbm>>) target_semaphore(%arg17 : memref<!tpu.dma_semaphore, #tpu.memory_space<semaphore_mem>>)
    }
    %scan3A_167 = arith.constant 61 : i32
    %add3A_168 = arith.constant 9760 : i32
    %add3A_169 = arith.addi %mul3A_2, %add3A_168 : i32
    %dma_wait3A_170 = arith.constant 0 : i32
    %dma_wait3A_171 = arith.constant 0 : i32
    %dma_wait3A_172 = arith.constant 0 : i32
    %dma_wait3A_173 = tpu.memref_slice %arg11[%dma_wait3A_170, %dma_wait3A_171, %dma_wait3A_172] : memref<2x80x128xf32, #tpu.memory_space<vmem>> -> memref<1x80x128xf32, #tpu.memory_space<vmem>>
    %dma_wait3A_174 = tpu.memref_squeeze %dma_wait3A_173 : memref<1x80x128xf32, #tpu.memory_space<vmem>> -> memref<80x128xf32, #tpu.memory_space<vmem>>
    %dma_wait3A_175 = arith.constant 0 : i32
    %dma_wait3A_176 = tpu.memref_slice %arg6[%add3A_169, %dma_wait3A_175] : memref<320000x128xf32, #tpu.memory_space<hbm>> -> memref<80x128xf32, #tpu.memory_space<hbm>>
    %dma_wait3A_177 = arith.constant 0 : i32
    %dma_wait3A_178 = tpu.memref_slice %arg6[%add3A_169, %dma_wait3A_177] : memref<320000x128xf32, #tpu.memory_space<hbm>> -> memref<80x128xf32, #tpu.memory_space<hbm>>
    %dma_wait3A_179 = arith.constant 0 : i32
    %dma_wait3A_180 = arith.constant 0 : i32
    %dma_wait3A_181 = tpu.memref_slice %arg11[%dma_wait3A_170, %dma_wait3A_179, %dma_wait3A_180] : memref<2x80x128xf32, #tpu.memory_space<vmem>> -> memref<1x80x128xf32, #tpu.memory_space<vmem>>
    %dma_wait3A_182 = tpu.memref_squeeze %dma_wait3A_181 : memref<1x80x128xf32, #tpu.memory_space<vmem>> -> memref<80x128xf32, #tpu.memory_space<vmem>>
    tpu.wait_dma2 semaphore(%arg16 : memref<!tpu.dma_semaphore, #tpu.memory_space<semaphore_mem>>) src(%dma_wait3A_182 : memref<80x128xf32, #tpu.memory_space<vmem>>) dst(%dma_wait3A_178 : memref<80x128xf32, #tpu.memory_space<hbm>>)
    %dma_wait3A_183 = arith.constant 124 : i32
    %dma_wait3A_184 = arith.constant 0 : i32
    %dma_wait3A_185 = arith.constant 0 : i32
    %dma_wait3A_186 = arith.constant 0 : i32
    %dma_wait3A_187 = tpu.memref_slice %arg9[%dma_wait3A_184, %dma_wait3A_185, %dma_wait3A_186] : memref<2x80x128xf32, #tpu.memory_space<vmem>> -> memref<1x80x128xf32, #tpu.memory_space<vmem>>
    %dma_wait3A_188 = tpu.memref_squeeze %dma_wait3A_187 : memref<1x80x128xf32, #tpu.memory_space<vmem>> -> memref<80x128xf32, #tpu.memory_space<vmem>>
    %dma_wait3A_189 = arith.constant 0 : i32
    %dma_wait3A_190 = tpu.memref_slice %arg7[%dma_wait3A_183, %dma_wait3A_189] : memref<125x80xi32, #tpu.memory_space<vmem>> -> memref<1x80xi32, #tpu.memory_space<vmem>>
    %dma_wait3A_191 = tpu.memref_squeeze %dma_wait3A_190 : memref<1x80xi32, #tpu.memory_space<vmem>> -> memref<80xi32, #tpu.memory_space<vmem>>
    %dma_wait3A_192 = arith.constant 0 : i32
    %dma_wait3A_193 = arith.constant 0 : i32
    %dma_wait3A_194 = tpu.memref_slice %arg2[%dma_wait3A_192, %dma_wait3A_193] : memref<10000x128xf32, #tpu.memory_space<hbm>> -> memref<10000x128xf32, #tpu.memory_space<hbm>>
    tpu.wait_indirect_dma semaphore(%arg12 : memref<!tpu.dma_semaphore, #tpu.memory_space<semaphore_mem>>) src(%dma_wait3A_194 : memref<10000x128xf32, #tpu.memory_space<hbm>>) dst(%dma_wait3A_188 : memref<80x128xf32, #tpu.memory_space<vmem>>)
    %dma_wait3A_195 = arith.constant 124 : i32
    %dma_wait3A_196 = arith.constant 0 : i32
    %dma_wait3A_197 = arith.constant 0 : i32
    %dma_wait3A_198 = arith.constant 0 : i32
    %dma_wait3A_199 = tpu.memref_slice %arg10[%dma_wait3A_196, %dma_wait3A_197, %dma_wait3A_198] : memref<2x80x128xf32, #tpu.memory_space<vmem>> -> memref<1x80x128xf32, #tpu.memory_space<vmem>>
    %dma_wait3A_200 = tpu.memref_squeeze %dma_wait3A_199 : memref<1x80x128xf32, #tpu.memory_space<vmem>> -> memref<80x128xf32, #tpu.memory_space<vmem>>
    %dma_wait3A_201 = arith.constant 0 : i32
    %dma_wait3A_202 = tpu.memref_slice %arg8[%dma_wait3A_195, %dma_wait3A_201] : memref<125x80xi32, #tpu.memory_space<vmem>> -> memref<1x80xi32, #tpu.memory_space<vmem>>
    %dma_wait3A_203 = tpu.memref_squeeze %dma_wait3A_202 : memref<1x80xi32, #tpu.memory_space<vmem>> -> memref<80xi32, #tpu.memory_space<vmem>>
    %dma_wait3A_204 = arith.constant 0 : i32
    %dma_wait3A_205 = arith.constant 0 : i32
    %dma_wait3A_206 = tpu.memref_slice %arg3[%dma_wait3A_204, %dma_wait3A_205] : memref<10000x128xf32, #tpu.memory_space<hbm>> -> memref<10000x128xf32, #tpu.memory_space<hbm>>
    tpu.wait_indirect_dma semaphore(%arg13 : memref<!tpu.dma_semaphore, #tpu.memory_space<semaphore_mem>>) src(%dma_wait3A_206 : memref<10000x128xf32, #tpu.memory_space<hbm>>) dst(%dma_wait3A_200 : memref<80x128xf32, #tpu.memory_space<vmem>>)
    %scan3A_207 = arith.constant 0 : i32
    %scan3A_208 = arith.constant 0 : i32
    %scan3A_209 = arith.constant 80 : i32
    %scan3A_210 = arith.addi %scan3A_208, %scan3A_209 : i32
    %scan3A_211 = arith.constant 1 : i32
    scf.for %scan3A_258 = %scan3A_208 to %scan3A_210 step %scan3A_211  : i32 {
      %get3A = arith.constant 0 : i32
      %get3A_259 = arith.index_cast %get3A : i32 to index
      %get3A_260 = arith.index_cast %scan3A_258 : i32 to index
      %get3A_261 = arith.constant 0 : index
      %get3A_262 = tpu.vector_load %arg9[%get3A_259, %get3A_260, %get3A_261] {strides = array<i32>} : memref<2x80x128xf32, #tpu.memory_space<vmem>>, vector<1x1x16xf32>,
      %get3A_263 = vector.shape_cast %get3A_262 : vector<1x1x16xf32> to vector<16xf32>
      %get3A_264 = arith.constant 0 : i32
      %get3A_265 = arith.index_cast %get3A_264 : i32 to index
      %get3A_266 = arith.index_cast %scan3A_258 : i32 to index
      %get3A_267 = arith.constant 0 : index
      %get3A_268 = tpu.vector_load %arg10[%get3A_265, %get3A_266, %get3A_267] {strides = array<i32>} : memref<2x80x128xf32, #tpu.memory_space<vmem>>, vector<1x1x16xf32>,
      %get3A_269 = vector.shape_cast %get3A_268 : vector<1x1x16xf32> to vector<16xf32>
      %add3A_270 = arith.addf %get3A_263, %get3A_269 : vector<16xf32>
      %swap3A = arith.constant 0 : i32
      %swap3A_271 = arith.index_cast %swap3A : i32 to index
      %swap3A_272 = arith.index_cast %scan3A_258 : i32 to index
      %swap3A_273 = arith.constant 0 : index
      %swap3A_274 = tpu.vector_load %arg11[%swap3A_271, %swap3A_272, %swap3A_273] {strides = array<i32>} : memref<2x80x128xf32, #tpu.memory_space<vmem>>, vector<1x1x16xf32>,
      %swap3A_275 = vector.shape_cast %swap3A_274 : vector<1x1x16xf32> to vector<16xf32>
      %swap3A_276 = vector.shape_cast %add3A_270 : vector<16xf32> to vector<1x1x16xf32>
      tpu.vector_store %arg11[%swap3A_271, %swap3A_272, %swap3A_273], %swap3A_276 {strides = array<i32>} : memref<2x80x128xf32, #tpu.memory_space<vmem>>, vector<1x1x16xf32>,
      %get3A_277 = arith.constant 0 : i32
      %get3A_278 = arith.index_cast %get3A_277 : i32 to index
      %get3A_279 = arith.index_cast %scan3A_258 : i32 to index
      %get3A_280 = arith.constant 16 : index
      %get3A_281 = tpu.vector_load %arg9[%get3A_278, %get3A_279, %get3A_280] {strides = array<i32>} : memref<2x80x128xf32, #tpu.memory_space<vmem>>, vector<1x1x16xf32>,
      %get3A_282 = vector.shape_cast %get3A_281 : vector<1x1x16xf32> to vector<16xf32>
      %get3A_283 = arith.constant 0 : i32
      %get3A_284 = arith.index_cast %get3A_283 : i32 to index
      %get3A_285 = arith.index_cast %scan3A_258 : i32 to index
      %get3A_286 = arith.constant 16 : index
      %get3A_287 = tpu.vector_load %arg10[%get3A_284, %get3A_285, %get3A_286] {strides = array<i32>} : memref<2x80x128xf32, #tpu.memory_space<vmem>>, vector<1x1x16xf32>,
      %get3A_288 = vector.shape_cast %get3A_287 : vector<1x1x16xf32> to vector<16xf32>
      %add3A_289 = arith.addf %get3A_282, %get3A_288 : vector<16xf32>
      %swap3A_290 = arith.constant 0 : i32
      %swap3A_291 = arith.index_cast %swap3A_290 : i32 to index
      %swap3A_292 = arith.index_cast %scan3A_258 : i32 to index
      %swap3A_293 = arith.constant 16 : index
      %swap3A_294 = tpu.vector_load %arg11[%swap3A_291, %swap3A_292, %swap3A_293] {strides = array<i32>} : memref<2x80x128xf32, #tpu.memory_space<vmem>>, vector<1x1x16xf32>,
      %swap3A_295 = vector.shape_cast %swap3A_294 : vector<1x1x16xf32> to vector<16xf32>
      %swap3A_296 = vector.shape_cast %add3A_289 : vector<16xf32> to vector<1x1x16xf32>
      tpu.vector_store %arg11[%swap3A_291, %swap3A_292, %swap3A_293], %swap3A_296 {strides = array<i32>} : memref<2x80x128xf32, #tpu.memory_space<vmem>>, vector<1x1x16xf32>,
      %get3A_297 = arith.constant 0 : i32
      %get3A_298 = arith.index_cast %get3A_297 : i32 to index
      %get3A_299 = arith.index_cast %scan3A_258 : i32 to index
      %get3A_300 = arith.constant 32 : index
      %get3A_301 = tpu.vector_load %arg9[%get3A_298, %get3A_299, %get3A_300] {strides = array<i32>} : memref<2x80x128xf32, #tpu.memory_space<vmem>>, vector<1x1x16xf32>,
      %get3A_302 = vector.shape_cast %get3A_301 : vector<1x1x16xf32> to vector<16xf32>
      %get3A_303 = arith.constant 0 : i32
      %get3A_304 = arith.index_cast %get3A_303 : i32 to index
      %get3A_305 = arith.index_cast %scan3A_258 : i32 to index
      %get3A_306 = arith.constant 32 : index
      %get3A_307 = tpu.vector_load %arg10[%get3A_304, %get3A_305, %get3A_306] {strides = array<i32>} : memref<2x80x128xf32, #tpu.memory_space<vmem>>, vector<1x1x16xf32>,
      %get3A_308 = vector.shape_cast %get3A_307 : vector<1x1x16xf32> to vector<16xf32>
      %add3A_309 = arith.addf %get3A_302, %get3A_308 : vector<16xf32>
      %swap3A_310 = arith.constant 0 : i32
      %swap3A_311 = arith.index_cast %swap3A_310 : i32 to index
      %swap3A_312 = arith.index_cast %scan3A_258 : i32 to index
      %swap3A_313 = arith.constant 32 : index
      %swap3A_314 = tpu.vector_load %arg11[%swap3A_311, %swap3A_312, %swap3A_313] {strides = array<i32>} : memref<2x80x128xf32, #tpu.memory_space<vmem>>, vector<1x1x16xf32>,
      %swap3A_315 = vector.shape_cast %swap3A_314 : vector<1x1x16xf32> to vector<16xf32>
      %swap3A_316 = vector.shape_cast %add3A_309 : vector<16xf32> to vector<1x1x16xf32>
      tpu.vector_store %arg11[%swap3A_311, %swap3A_312, %swap3A_313], %swap3A_316 {strides = array<i32>} : memref<2x80x128xf32, #tpu.memory_space<vmem>>, vector<1x1x16xf32>,
      %get3A_317 = arith.constant 0 : i32
      %get3A_318 = arith.index_cast %get3A_317 : i32 to index
      %get3A_319 = arith.index_cast %scan3A_258 : i32 to index
      %get3A_320 = arith.constant 48 : index
      %get3A_321 = tpu.vector_load %arg9[%get3A_318, %get3A_319, %get3A_320] {strides = array<i32>} : memref<2x80x128xf32, #tpu.memory_space<vmem>>, vector<1x1x16xf32>,
      %get3A_322 = vector.shape_cast %get3A_321 : vector<1x1x16xf32> to vector<16xf32>
      %get3A_323 = arith.constant 0 : i32
      %get3A_324 = arith.index_cast %get3A_323 : i32 to index
      %get3A_325 = arith.index_cast %scan3A_258 : i32 to index
      %get3A_326 = arith.constant 48 : index
      %get3A_327 = tpu.vector_load %arg10[%get3A_324, %get3A_325, %get3A_326] {strides = array<i32>} : memref<2x80x128xf32, #tpu.memory_space<vmem>>, vector<1x1x16xf32>,
      %get3A_328 = vector.shape_cast %get3A_327 : vector<1x1x16xf32> to vector<16xf32>
      %add3A_329 = arith.addf %get3A_322, %get3A_328 : vector<16xf32>
      %swap3A_330 = arith.constant 0 : i32
      %swap3A_331 = arith.index_cast %swap3A_330 : i32 to index
      %swap3A_332 = arith.index_cast %scan3A_258 : i32 to index
      %swap3A_333 = arith.constant 48 : index
      %swap3A_334 = tpu.vector_load %arg11[%swap3A_331, %swap3A_332, %swap3A_333] {strides = array<i32>} : memref<2x80x128xf32, #tpu.memory_space<vmem>>, vector<1x1x16xf32>,
      %swap3A_335 = vector.shape_cast %swap3A_334 : vector<1x1x16xf32> to vector<16xf32>
      %swap3A_336 = vector.shape_cast %add3A_329 : vector<16xf32> to vector<1x1x16xf32>
      tpu.vector_store %arg11[%swap3A_331, %swap3A_332, %swap3A_333], %swap3A_336 {strides = array<i32>} : memref<2x80x128xf32, #tpu.memory_space<vmem>>, vector<1x1x16xf32>,
      %get3A_337 = arith.constant 0 : i32
      %get3A_338 = arith.index_cast %get3A_337 : i32 to index
      %get3A_339 = arith.index_cast %scan3A_258 : i32 to index
      %get3A_340 = arith.constant 64 : index
      %get3A_341 = tpu.vector_load %arg9[%get3A_338, %get3A_339, %get3A_340] {strides = array<i32>} : memref<2x80x128xf32, #tpu.memory_space<vmem>>, vector<1x1x16xf32>,
      %get3A_342 = vector.shape_cast %get3A_341 : vector<1x1x16xf32> to vector<16xf32>
      %get3A_343 = arith.constant 0 : i32
      %get3A_344 = arith.index_cast %get3A_343 : i32 to index
      %get3A_345 = arith.index_cast %scan3A_258 : i32 to index
      %get3A_346 = arith.constant 64 : index
      %get3A_347 = tpu.vector_load %arg10[%get3A_344, %get3A_345, %get3A_346] {strides = array<i32>} : memref<2x80x128xf32, #tpu.memory_space<vmem>>, vector<1x1x16xf32>,
      %get3A_348 = vector.shape_cast %get3A_347 : vector<1x1x16xf32> to vector<16xf32>
      %add3A_349 = arith.addf %get3A_342, %get3A_348 : vector<16xf32>
      %swap3A_350 = arith.constant 0 : i32
      %swap3A_351 = arith.index_cast %swap3A_350 : i32 to index
      %swap3A_352 = arith.index_cast %scan3A_258 : i32 to index
      %swap3A_353 = arith.constant 64 : index
      %swap3A_354 = tpu.vector_load %arg11[%swap3A_351, %swap3A_352, %swap3A_353] {strides = array<i32>} : memref<2x80x128xf32, #tpu.memory_space<vmem>>, vector<1x1x16xf32>,
      %swap3A_355 = vector.shape_cast %swap3A_354 : vector<1x1x16xf32> to vector<16xf32>
      %swap3A_356 = vector.shape_cast %add3A_349 : vector<16xf32> to vector<1x1x16xf32>
      tpu.vector_store %arg11[%swap3A_351, %swap3A_352, %swap3A_353], %swap3A_356 {strides = array<i32>} : memref<2x80x128xf32, #tpu.memory_space<vmem>>, vector<1x1x16xf32>,
      %get3A_357 = arith.constant 0 : i32
      %get3A_358 = arith.index_cast %get3A_357 : i32 to index
      %get3A_359 = arith.index_cast %scan3A_258 : i32 to index
      %get3A_360 = arith.constant 80 : index
      %get3A_361 = tpu.vector_load %arg9[%get3A_358, %get3A_359, %get3A_360] {strides = array<i32>} : memref<2x80x128xf32, #tpu.memory_space<vmem>>, vector<1x1x16xf32>,
      %get3A_362 = vector.shape_cast %get3A_361 : vector<1x1x16xf32> to vector<16xf32>
      %get3A_363 = arith.constant 0 : i32
      %get3A_364 = arith.index_cast %get3A_363 : i32 to index
      %get3A_365 = arith.index_cast %scan3A_258 : i32 to index
      %get3A_366 = arith.constant 80 : index
      %get3A_367 = tpu.vector_load %arg10[%get3A_364, %get3A_365, %get3A_366] {strides = array<i32>} : memref<2x80x128xf32, #tpu.memory_space<vmem>>, vector<1x1x16xf32>,
      %get3A_368 = vector.shape_cast %get3A_367 : vector<1x1x16xf32> to vector<16xf32>
      %add3A_369 = arith.addf %get3A_362, %get3A_368 : vector<16xf32>
      %swap3A_370 = arith.constant 0 : i32
      %swap3A_371 = arith.index_cast %swap3A_370 : i32 to index
      %swap3A_372 = arith.index_cast %scan3A_258 : i32 to index
      %swap3A_373 = arith.constant 80 : index
      %swap3A_374 = tpu.vector_load %arg11[%swap3A_371, %swap3A_372, %swap3A_373] {strides = array<i32>} : memref<2x80x128xf32, #tpu.memory_space<vmem>>, vector<1x1x16xf32>,
      %swap3A_375 = vector.shape_cast %swap3A_374 : vector<1x1x16xf32> to vector<16xf32>
      %swap3A_376 = vector.shape_cast %add3A_369 : vector<16xf32> to vector<1x1x16xf32>
      tpu.vector_store %arg11[%swap3A_371, %swap3A_372, %swap3A_373], %swap3A_376 {strides = array<i32>} : memref<2x80x128xf32, #tpu.memory_space<vmem>>, vector<1x1x16xf32>,
      %get3A_377 = arith.constant 0 : i32
      %get3A_378 = arith.index_cast %get3A_377 : i32 to index
      %get3A_379 = arith.index_cast %scan3A_258 : i32 to index
      %get3A_380 = arith.constant 96 : index
      %get3A_381 = tpu.vector_load %arg9[%get3A_378, %get3A_379, %get3A_380] {strides = array<i32>} : memref<2x80x128xf32, #tpu.memory_space<vmem>>, vector<1x1x16xf32>,
      %get3A_382 = vector.shape_cast %get3A_381 : vector<1x1x16xf32> to vector<16xf32>
      %get3A_383 = arith.constant 0 : i32
      %get3A_384 = arith.index_cast %get3A_383 : i32 to index
      %get3A_385 = arith.index_cast %scan3A_258 : i32 to index
      %get3A_386 = arith.constant 96 : index
      %get3A_387 = tpu.vector_load %arg10[%get3A_384, %get3A_385, %get3A_386] {strides = array<i32>} : memref<2x80x128xf32, #tpu.memory_space<vmem>>, vector<1x1x16xf32>,
      %get3A_388 = vector.shape_cast %get3A_387 : vector<1x1x16xf32> to vector<16xf32>
      %add3A_389 = arith.addf %get3A_382, %get3A_388 : vector<16xf32>
      %swap3A_390 = arith.constant 0 : i32
      %swap3A_391 = arith.index_cast %swap3A_390 : i32 to index
      %swap3A_392 = arith.index_cast %scan3A_258 : i32 to index
      %swap3A_393 = arith.constant 96 : index
      %swap3A_394 = tpu.vector_load %arg11[%swap3A_391, %swap3A_392, %swap3A_393] {strides = array<i32>} : memref<2x80x128xf32, #tpu.memory_space<vmem>>, vector<1x1x16xf32>,
      %swap3A_395 = vector.shape_cast %swap3A_394 : vector<1x1x16xf32> to vector<16xf32>
      %swap3A_396 = vector.shape_cast %add3A_389 : vector<16xf32> to vector<1x1x16xf32>
      tpu.vector_store %arg11[%swap3A_391, %swap3A_392, %swap3A_393], %swap3A_396 {strides = array<i32>} : memref<2x80x128xf32, #tpu.memory_space<vmem>>, vector<1x1x16xf32>,
      %get3A_397 = arith.constant 0 : i32
      %get3A_398 = arith.index_cast %get3A_397 : i32 to index
      %get3A_399 = arith.index_cast %scan3A_258 : i32 to index
      %get3A_400 = arith.constant 112 : index
      %get3A_401 = tpu.vector_load %arg9[%get3A_398, %get3A_399, %get3A_400] {strides = array<i32>} : memref<2x80x128xf32, #tpu.memory_space<vmem>>, vector<1x1x16xf32>,
      %get3A_402 = vector.shape_cast %get3A_401 : vector<1x1x16xf32> to vector<16xf32>
      %get3A_403 = arith.constant 0 : i32
      %get3A_404 = arith.index_cast %get3A_403 : i32 to index
      %get3A_405 = arith.index_cast %scan3A_258 : i32 to index
      %get3A_406 = arith.constant 112 : index
      %get3A_407 = tpu.vector_load %arg10[%get3A_404, %get3A_405, %get3A_406] {strides = array<i32>} : memref<2x80x128xf32, #tpu.memory_space<vmem>>, vector<1x1x16xf32>,
      %get3A_408 = vector.shape_cast %get3A_407 : vector<1x1x16xf32> to vector<16xf32>
      %add3A_409 = arith.addf %get3A_402, %get3A_408 : vector<16xf32>
      %swap3A_410 = arith.constant 0 : i32
      %swap3A_411 = arith.index_cast %swap3A_410 : i32 to index
      %swap3A_412 = arith.index_cast %scan3A_258 : i32 to index
      %swap3A_413 = arith.constant 112 : index
      %swap3A_414 = tpu.vector_load %arg11[%swap3A_411, %swap3A_412, %swap3A_413] {strides = array<i32>} : memref<2x80x128xf32, #tpu.memory_space<vmem>>, vector<1x1x16xf32>,
      %swap3A_415 = vector.shape_cast %swap3A_414 : vector<1x1x16xf32> to vector<16xf32>
      %swap3A_416 = vector.shape_cast %add3A_409 : vector<16xf32> to vector<1x1x16xf32>
      tpu.vector_store %arg11[%swap3A_411, %swap3A_412, %swap3A_413], %swap3A_416 {strides = array<i32>} : memref<2x80x128xf32, #tpu.memory_space<vmem>>, vector<1x1x16xf32>,
    }
    %scan3A_212 = arith.constant 80 : i32
    %add3A_213 = arith.constant 9920 : i32
    %add3A_214 = arith.addi %mul3A_2, %add3A_213 : i32
    %dma_start3A_215 = arith.constant 0 : i32
    %dma_start3A_216 = arith.constant 0 : i32
    %dma_start3A_217 = arith.constant 0 : i32
    %dma_start3A_218 = tpu.memref_slice %arg11[%dma_start3A_215, %dma_start3A_216, %dma_start3A_217] : memref<2x80x128xf32, #tpu.memory_space<vmem>> -> memref<1x80x128xf32, #tpu.memory_space<vmem>>
    %dma_start3A_219 = tpu.memref_squeeze %dma_start3A_218 : memref<1x80x128xf32, #tpu.memory_space<vmem>> -> memref<80x128xf32, #tpu.memory_space<vmem>>
    %dma_start3A_220 = arith.constant 0 : i32
    %dma_start3A_221 = tpu.memref_slice %arg6[%add3A_214, %dma_start3A_220] : memref<320000x128xf32, #tpu.memory_space<hbm>> -> memref<80x128xf32, #tpu.memory_space<hbm>>
    %dma_start3A_222 = arith.constant 0 : i32
    %dma_start3A_223 = tpu.memref_slice %arg6[%add3A_214, %dma_start3A_222] : memref<320000x128xf32, #tpu.memory_space<hbm>> -> memref<80x128xf32, #tpu.memory_space<hbm>>
    %dma_start3A_224 = arith.constant 0 : i32
    %dma_start3A_225 = arith.constant 0 : i32
    %dma_start3A_226 = tpu.memref_slice %arg11[%dma_start3A_215, %dma_start3A_224, %dma_start3A_225] : memref<2x80x128xf32, #tpu.memory_space<vmem>> -> memref<1x80x128xf32, #tpu.memory_space<vmem>>
    %dma_start3A_227 = tpu.memref_squeeze %dma_start3A_226 : memref<1x80x128xf32, #tpu.memory_space<vmem>> -> memref<80x128xf32, #tpu.memory_space<vmem>>
    tpu.enqueue_dma source(%dma_start3A_227 : memref<80x128xf32, #tpu.memory_space<vmem>>) target(%dma_start3A_223 : memref<80x128xf32, #tpu.memory_space<hbm>>) target_semaphore(%arg16 : memref<!tpu.dma_semaphore, #tpu.memory_space<semaphore_mem>>)
    %add3A_228 = arith.constant 9840 : i32
    %add3A_229 = arith.addi %mul3A_2, %add3A_228 : i32
    %dma_wait3A_230 = arith.constant 1 : i32
    %dma_wait3A_231 = arith.constant 0 : i32
    %dma_wait3A_232 = arith.constant 0 : i32
    %dma_wait3A_233 = tpu.memref_slice %arg11[%dma_wait3A_230, %dma_wait3A_231, %dma_wait3A_232] : memref<2x80x128xf32, #tpu.memory_space<vmem>> -> memref<1x80x128xf32, #tpu.memory_space<vmem>>
    %dma_wait3A_234 = tpu.memref_squeeze %dma_wait3A_233 : memref<1x80x128xf32, #tpu.memory_space<vmem>> -> memref<80x128xf32, #tpu.memory_space<vmem>>
    %dma_wait3A_235 = arith.constant 0 : i32
    %dma_wait3A_236 = tpu.memref_slice %arg6[%add3A_229, %dma_wait3A_235] : memref<320000x128xf32, #tpu.memory_space<hbm>> -> memref<80x128xf32, #tpu.memory_space<hbm>>
    %dma_wait3A_237 = arith.constant 0 : i32
    %dma_wait3A_238 = tpu.memref_slice %arg6[%add3A_229, %dma_wait3A_237] : memref<320000x128xf32, #tpu.memory_space<hbm>> -> memref<80x128xf32, #tpu.memory_space<hbm>>
    %dma_wait3A_239 = arith.constant 0 : i32
    %dma_wait3A_240 = arith.constant 0 : i32
    %dma_wait3A_241 = tpu.memref_slice %arg11[%dma_wait3A_230, %dma_wait3A_239, %dma_wait3A_240] : memref<2x80x128xf32, #tpu.memory_space<vmem>> -> memref<1x80x128xf32, #tpu.memory_space<vmem>>
    %dma_wait3A_242 = tpu.memref_squeeze %dma_wait3A_241 : memref<1x80x128xf32, #tpu.memory_space<vmem>> -> memref<80x128xf32, #tpu.memory_space<vmem>>
    tpu.wait_dma2 semaphore(%arg17 : memref<!tpu.dma_semaphore, #tpu.memory_space<semaphore_mem>>) src(%dma_wait3A_242 : memref<80x128xf32, #tpu.memory_space<vmem>>) dst(%dma_wait3A_238 : memref<80x128xf32, #tpu.memory_space<hbm>>)
    %add3A_243 = arith.constant 9920 : i32
    %add3A_244 = arith.addi %mul3A_2, %add3A_243 : i32
    %dma_wait3A_245 = arith.constant 0 : i32
    %dma_wait3A_246 = arith.constant 0 : i32
    %dma_wait3A_247 = arith.constant 0 : i32
    %dma_wait3A_248 = tpu.memref_slice %arg11[%dma_wait3A_245, %dma_wait3A_246, %dma_wait3A_247] : memref<2x80x128xf32, #tpu.memory_space<vmem>> -> memref<1x80x128xf32, #tpu.memory_space<vmem>>
    %dma_wait3A_249 = tpu.memref_squeeze %dma_wait3A_248 : memref<1x80x128xf32, #tpu.memory_space<vmem>> -> memref<80x128xf32, #tpu.memory_space<vmem>>
    %dma_wait3A_250 = arith.constant 0 : i32
    %dma_wait3A_251 = tpu.memref_slice %arg6[%add3A_244, %dma_wait3A_250] : memref<320000x128xf32, #tpu.memory_space<hbm>> -> memref<80x128xf32, #tpu.memory_space<hbm>>
    %dma_wait3A_252 = arith.constant 0 : i32
    %dma_wait3A_253 = tpu.memref_slice %arg6[%add3A_244, %dma_wait3A_252] : memref<320000x128xf32, #tpu.memory_space<hbm>> -> memref<80x128xf32, #tpu.memory_space<hbm>>
    %dma_wait3A_254 = arith.constant 0 : i32
    %dma_wait3A_255 = arith.constant 0 : i32
    %dma_wait3A_256 = tpu.memref_slice %arg11[%dma_wait3A_245, %dma_wait3A_254, %dma_wait3A_255] : memref<2x80x128xf32, #tpu.memory_space<vmem>> -> memref<1x80x128xf32, #tpu.memory_space<vmem>>
    %dma_wait3A_257 = tpu.memref_squeeze %dma_wait3A_256 : memref<1x80x128xf32, #tpu.memory_space<vmem>> -> memref<80x128xf32, #tpu.memory_space<vmem>>
    tpu.wait_dma2 semaphore(%arg16 : memref<!tpu.dma_semaphore, #tpu.memory_space<semaphore_mem>>) src(%dma_wait3A_257 : memref<80x128xf32, #tpu.memory_space<vmem>>) dst(%dma_wait3A_253 : memref<80x128xf32, #tpu.memory_space<hbm>>)
    return
  }
}

module attributes {stable_mosaic.version = 14 : i64} {
  func.func @_pq_body(%arg0: i32, %arg1: memref<1000x128xf32, #tpu.memory_space<vmem>>, %arg2: memref<128x128xf32, #tpu.memory_space<vmem>>, %arg3: memref<128x128xf32, #tpu.memory_space<vmem>>, %arg4: memref<1000x128xf32, #tpu.memory_space<vmem>>, %arg5: memref<1000x128xf32, #tpu.memory_space<vmem>>) attributes {dimension_semantics = [#tpu.dimension_semantics<arbitrary>], iteration_bounds = array<i64: 10>, scalar_prefetch = 0 : i64, scratch_operands = 0 : i64, tpu.core_type = #tpu.core_type<tc>, window_params = [{transform_indices = @transform_0, window_bounds = array<i64: 1000, 128>}, {pipeline_mode = #tpu.pipeline_mode<synchronous>, transform_indices = @transform_1, window_bounds = array<i64: 128, 128>}, {pipeline_mode = #tpu.pipeline_mode<synchronous>, transform_indices = @transform_2, window_bounds = array<i64: 128, 128>}, {transform_indices = @transform_3, window_bounds = array<i64: 1000, 128>}, {transform_indices = @transform_4, window_bounds = array<i64: 1000, 128>}]} {
    %get3A = arith.constant 0 : index
    %get3A_0 = arith.constant 0 : index
    %get3A_1 = vector.load %arg1[%get3A, %get3A_0] : memref<1000x128xf32, #tpu.memory_space<vmem>>, vector<1000x128xf32>
    %get3A_2 = arith.constant 0 : index
    %get3A_3 = arith.constant 0 : index
    %get3A_4 = vector.load %arg2[%get3A_2, %get3A_3] : memref<128x128xf32, #tpu.memory_space<vmem>>, vector<128x128xf32>
    %dot_general3A = arith.constant dense<0.000000e+00> : vector<1000x128xf32>
    %dot_general3A_5 = tpu.matmul %get3A_1, %get3A_4, %dot_general3A {dimension_numbers = #tpu.dot_dimension_numbers<[1], [0], [0], [1], [0, 0, 1, 1], [], []>, transpose_lhs_hint = false} : vector<1000x128xf32>, vector<128x128xf32>, vector<1000x128xf32> -> vector<1000x128xf32>
    %swap3A = arith.constant 0 : index
    %swap3A_6 = arith.constant 0 : index
    %swap3A_7 = vector.load %arg4[%swap3A, %swap3A_6] : memref<1000x128xf32, #tpu.memory_space<vmem>>, vector<1000x128xf32>
    tpu.vector_store %arg4[%swap3A, %swap3A_6], %dot_general3A_5 {strides = array<i32>} : memref<1000x128xf32, #tpu.memory_space<vmem>>, vector<1000x128xf32>,
    %get3A_8 = arith.constant 0 : index
    %get3A_9 = arith.constant 0 : index
    %get3A_10 = vector.load %arg3[%get3A_8, %get3A_9] : memref<128x128xf32, #tpu.memory_space<vmem>>, vector<128x128xf32>
    %dot_general3A_11 = arith.constant dense<0.000000e+00> : vector<1000x128xf32>
    %dot_general3A_12 = tpu.matmul %get3A_1, %get3A_10, %dot_general3A_11 {dimension_numbers = #tpu.dot_dimension_numbers<[1], [0], [0], [1], [0, 0, 1, 1], [], []>, transpose_lhs_hint = false} : vector<1000x128xf32>, vector<128x128xf32>, vector<1000x128xf32> -> vector<1000x128xf32>
    %swap3A_13 = arith.constant 0 : index
    %swap3A_14 = arith.constant 0 : index
    %swap3A_15 = vector.load %arg5[%swap3A_13, %swap3A_14] : memref<1000x128xf32, #tpu.memory_space<vmem>>, vector<1000x128xf32>
    tpu.vector_store %arg5[%swap3A_13, %swap3A_14], %dot_general3A_12 {strides = array<i32>} : memref<1000x128xf32, #tpu.memory_space<vmem>>, vector<1000x128xf32>,
    return
  }
  func.func @transform_0(%arg0: i32) -> (i32, i32) {
    %c0_i32 = arith.constant 0 : i32
    %c0_i32_0 = arith.constant 0 : i32
    return %arg0, %c0_i32 : i32, i32
  }
  func.func @transform_1(%arg0: i32) -> (i32, i32) {
    %c0_i32 = arith.constant 0 : i32
    %c0_i32_0 = arith.constant 0 : i32
    %c0_i32_1 = arith.constant 0 : i32
    return %c0_i32, %c0_i32_0 : i32, i32
  }
  func.func @transform_2(%arg0: i32) -> (i32, i32) {
    %c0_i32 = arith.constant 0 : i32
    %c0_i32_0 = arith.constant 0 : i32
    %c0_i32_1 = arith.constant 0 : i32
    return %c0_i32, %c0_i32_0 : i32, i32
  }
  func.func @transform_3(%arg0: i32) -> (i32, i32) {
    %c0_i32 = arith.constant 0 : i32
    %c0_i32_0 = arith.constant 0 : i32
    return %arg0, %c0_i32 : i32, i32
  }
  func.func @transform_4(%arg0: i32) -> (i32, i32) {
    %c0_i32 = arith.constant 0 : i32
    %c0_i32_0 = arith.constant 0 : i32
    return %arg0, %c0_i32 : i32, i32
  }
}

module attributes {stable_mosaic.version = 14 : i64} {
  func.func @_edge_body(%arg0: i32, %arg1: memref<3200x128xf32, #tpu.memory_space<vmem>>, %arg2: memref<3200x128xf32, #tpu.memory_space<vmem>>, %arg3: memref<128x128xf32, #tpu.memory_space<vmem>>, %arg4: memref<1x128xf32, #tpu.memory_space<vmem>>, %arg5: memref<128x128xf32, #tpu.memory_space<vmem>>, %arg6: memref<1x128xf32, #tpu.memory_space<vmem>>, %arg7: memref<3200x128xf32, #tpu.memory_space<vmem>>) attributes {dimension_semantics = [#tpu.dimension_semantics<arbitrary>], iteration_bounds = array<i64: 100>, scalar_prefetch = 0 : i64, scratch_operands = 0 : i64, tpu.core_type = #tpu.core_type<tc>, window_params = [{transform_indices = @transform_0, window_bounds = array<i64: 3200, 128>}, {transform_indices = @transform_1, window_bounds = array<i64: 3200, 128>}, {pipeline_mode = #tpu.pipeline_mode<synchronous>, transform_indices = @transform_2, window_bounds = array<i64: 128, 128>}, {pipeline_mode = #tpu.pipeline_mode<synchronous>, transform_indices = @transform_3, window_bounds = array<i64: 1, 128>}, {pipeline_mode = #tpu.pipeline_mode<synchronous>, transform_indices = @transform_4, window_bounds = array<i64: 128, 128>}, {pipeline_mode = #tpu.pipeline_mode<synchronous>, transform_indices = @transform_5, window_bounds = array<i64: 1, 128>}, {transform_indices = @transform_6, window_bounds = array<i64: 3200, 128>}]} {
    %get3A = arith.constant 0 : index
    %get3A_0 = arith.constant 0 : index
    %get3A_1 = vector.load %arg2[%get3A, %get3A_0] : memref<3200x128xf32, #tpu.memory_space<vmem>>, vector<3200x128xf32>
    %convert_element_type3A = arith.truncf %get3A_1 : vector<3200x128xf32> to vector<3200x128xbf16>
    %get3A_2 = arith.constant 0 : index
    %get3A_3 = arith.constant 0 : index
    %get3A_4 = vector.load %arg3[%get3A_2, %get3A_3] : memref<128x128xf32, #tpu.memory_space<vmem>>, vector<128x128xf32>
    %convert_element_type3A_5 = arith.truncf %get3A_4 : vector<128x128xf32> to vector<128x128xbf16>
    %dot_general3A = arith.constant dense<0.000000e+00> : vector<3200x128xf32>
    %dot_general3A_6 = tpu.matmul %convert_element_type3A, %convert_element_type3A_5, %dot_general3A {dimension_numbers = #tpu.dot_dimension_numbers<[1], [0], [0], [1], [0, 0, 1, 1], [], []>, transpose_lhs_hint = false} : vector<3200x128xbf16>, vector<128x128xbf16>, vector<3200x128xf32> -> vector<3200x128xf32>
    %get3A_7 = arith.constant 0 : index
    %get3A_8 = arith.constant 0 : index
    %get3A_9 = vector.load %arg1[%get3A_7, %get3A_8] : memref<3200x128xf32, #tpu.memory_space<vmem>>, vector<3200x128xf32>
    %add3A = arith.addf %get3A_9, %dot_general3A_6 : vector<3200x128xf32>
    %get3A_10 = arith.constant 0 : index
    %get3A_11 = arith.constant 0 : index
    %get3A_12 = vector.load %arg4[%get3A_10, %get3A_11] : memref<1x128xf32, #tpu.memory_space<vmem>>, vector<1x128xf32>
    %add3A_13 = vector.broadcast %get3A_12 : vector<1x128xf32> to vector<3200x128xf32>
    %add3A_14 = arith.addf %add3A, %add3A_13 : vector<3200x128xf32>
    %max3A = arith.constant 0.000000e+00 : f32
    %max3A_15 = vector.broadcast %max3A : f32 to vector<3200x128xf32>
    %max3A_16 = arith.maximumf %add3A_14, %max3A_15 : vector<3200x128xf32>
    %convert_element_type3A_17 = arith.truncf %max3A_16 : vector<3200x128xf32> to vector<3200x128xbf16>
    %get3A_18 = arith.constant 0 : index
    %get3A_19 = arith.constant 0 : index
    %get3A_20 = vector.load %arg5[%get3A_18, %get3A_19] : memref<128x128xf32, #tpu.memory_space<vmem>>, vector<128x128xf32>
    %convert_element_type3A_21 = arith.truncf %get3A_20 : vector<128x128xf32> to vector<128x128xbf16>
    %dot_general3A_22 = arith.constant dense<0.000000e+00> : vector<3200x128xf32>
    %dot_general3A_23 = tpu.matmul %convert_element_type3A_17, %convert_element_type3A_21, %dot_general3A_22 {dimension_numbers = #tpu.dot_dimension_numbers<[1], [0], [0], [1], [0, 0, 1, 1], [], []>, transpose_lhs_hint = false} : vector<3200x128xbf16>, vector<128x128xbf16>, vector<3200x128xf32> -> vector<3200x128xf32>
    %add3A_24 = arith.addf %max3A_16, %dot_general3A_23 : vector<3200x128xf32>
    %get3A_25 = arith.constant 0 : index
    %get3A_26 = arith.constant 0 : index
    %get3A_27 = vector.load %arg6[%get3A_25, %get3A_26] : memref<1x128xf32, #tpu.memory_space<vmem>>, vector<1x128xf32>
    %add3A_28 = vector.broadcast %get3A_27 : vector<1x128xf32> to vector<3200x128xf32>
    %add3A_29 = arith.addf %add3A_24, %add3A_28 : vector<3200x128xf32>
    %max3A_30 = arith.constant 0.000000e+00 : f32
    %max3A_31 = vector.broadcast %max3A_30 : f32 to vector<3200x128xf32>
    %max3A_32 = arith.maximumf %add3A_29, %max3A_31 : vector<3200x128xf32>
    %swap3A = arith.constant 0 : index
    %swap3A_33 = arith.constant 0 : index
    %swap3A_34 = vector.load %arg7[%swap3A, %swap3A_33] : memref<3200x128xf32, #tpu.memory_space<vmem>>, vector<3200x128xf32>
    tpu.vector_store %arg7[%swap3A, %swap3A_33], %max3A_32 {strides = array<i32>} : memref<3200x128xf32, #tpu.memory_space<vmem>>, vector<3200x128xf32>,
    return
  }
  func.func @transform_0(%arg0: i32) -> (i32, i32) {
    %c0_i32 = arith.constant 0 : i32
    %c0_i32_0 = arith.constant 0 : i32
    return %arg0, %c0_i32 : i32, i32
  }
  func.func @transform_1(%arg0: i32) -> (i32, i32) {
    %c0_i32 = arith.constant 0 : i32
    %c0_i32_0 = arith.constant 0 : i32
    return %arg0, %c0_i32 : i32, i32
  }
  func.func @transform_2(%arg0: i32) -> (i32, i32) {
    %c0_i32 = arith.constant 0 : i32
    %c0_i32_0 = arith.constant 0 : i32
    %c0_i32_1 = arith.constant 0 : i32
    return %c0_i32, %c0_i32_0 : i32, i32
  }
  func.func @transform_3(%arg0: i32) -> (i32, i32) {
    %c0_i32 = arith.constant 0 : i32
    %c0_i32_0 = arith.constant 0 : i32
    %c0_i32_1 = arith.constant 0 : i32
    return %c0_i32, %c0_i32_0 : i32, i32
  }
  func.func @transform_4(%arg0: i32) -> (i32, i32) {
    %c0_i32 = arith.constant 0 : i32
    %c0_i32_0 = arith.constant 0 : i32
    %c0_i32_1 = arith.constant 0 : i32
    return %c0_i32, %c0_i32_0 : i32, i32
  }
  func.func @transform_5(%arg0: i32) -> (i32, i32) {
    %c0_i32 = arith.constant 0 : i32
    %c0_i32_0 = arith.constant 0 : i32
    %c0_i32_1 = arith.constant 0 : i32
    return %c0_i32, %c0_i32_0 : i32, i32
  }
  func.func @transform_6(%arg0: i32) -> (i32, i32) {
    %c0_i32 = arith.constant 0 : i32
    %c0_i32_0 = arith.constant 0 : i32
    return %arg0, %c0_i32 : i32, i32
  }
}

module attributes {stable_mosaic.version = 14 : i64} {
  func.func @_node_body(%arg0: i32, %arg1: memref<1000x128xf32, #tpu.memory_space<vmem>>, %arg2: memref<2x1000x128xf32, #tpu.memory_space<vmem>>, %arg3: memref<2x1000x128xf32, #tpu.memory_space<vmem>>, %arg4: memref<1000x1xf32, #tpu.memory_space<vmem>>, %arg5: memref<128x128xf32, #tpu.memory_space<vmem>>, %arg6: memref<1x128xf32, #tpu.memory_space<vmem>>, %arg7: memref<128x128xf32, #tpu.memory_space<vmem>>, %arg8: memref<128x128xf32, #tpu.memory_space<vmem>>, %arg9: memref<1x128xf32, #tpu.memory_space<vmem>>, %arg10: memref<1x128xf32, #tpu.memory_space<vmem>>, %arg11: memref<128x128xf32, #tpu.memory_space<vmem>>, %arg12: memref<1x128xf32, #tpu.memory_space<vmem>>, %arg13: memref<128x128xf32, #tpu.memory_space<vmem>>, %arg14: memref<1x128xf32, #tpu.memory_space<vmem>>, %arg15: memref<1000x128xf32, #tpu.memory_space<vmem>>) attributes {dimension_semantics = [#tpu.dimension_semantics<arbitrary>], iteration_bounds = array<i64: 10>, scalar_prefetch = 0 : i64, scratch_operands = 0 : i64, tpu.core_type = #tpu.core_type<tc>, window_params = [{transform_indices = @transform_0, window_bounds = array<i64: 1000, 128>}, {transform_indices = @transform_1, window_bounds = array<i64: 2, 1000, 128>}, {transform_indices = @transform_2, window_bounds = array<i64: 2, 1000, 128>}, {transform_indices = @transform_3, window_bounds = array<i64: 1000, 1>}, {pipeline_mode = #tpu.pipeline_mode<synchronous>, transform_indices = @transform_4, window_bounds = array<i64: 128, 128>}, {pipeline_mode = #tpu.pipeline_mode<synchronous>, transform_indices = @transform_5, window_bounds = array<i64: 1, 128>}, {pipeline_mode = #tpu.pipeline_mode<synchronous>, transform_indices = @transform_6, window_bounds = array<i64: 128, 128>}, {pipeline_mode = #tpu.pipeline_mode<synchronous>, transform_indices = @transform_7, window_bounds = array<i64: 128, 128>}, {pipeline_mode = #tpu.pipeline_mode<synchronous>, transform_indices = @transform_8, window_bounds = array<i64: 1, 128>}, {pipeline_mode = #tpu.pipeline_mode<synchronous>, transform_indices = @transform_9, window_bounds = array<i64: 1, 128>}, {pipeline_mode = #tpu.pipeline_mode<synchronous>, transform_indices = @transform_10, window_bounds = array<i64: 128, 128>}, {pipeline_mode = #tpu.pipeline_mode<synchronous>, transform_indices = @transform_11, window_bounds = array<i64: 1, 128>}, {pipeline_mode = #tpu.pipeline_mode<synchronous>, transform_indices = @transform_12, window_bounds = array<i64: 128, 128>}, {pipeline_mode = #tpu.pipeline_mode<synchronous>, transform_indices = @transform_13, window_bounds = array<i64: 1, 128>}, {transform_indices = @transform_14, window_bounds = array<i64: 1000, 128>}]} {
    %get3A = arith.constant 0 : index
    %get3A_0 = arith.constant 0 : index
    %get3A_1 = arith.constant 0 : index
    %get3A_2 = vector.load %arg2[%get3A, %get3A_0, %get3A_1] : memref<2x1000x128xf32, #tpu.memory_space<vmem>>, vector<1x1000x128xf32>
    %get3A_3 = vector.shape_cast %get3A_2 : vector<1x1000x128xf32> to vector<1000x128xf32>
    %get3A_4 = arith.constant 1 : index
    %get3A_5 = arith.constant 0 : index
    %get3A_6 = arith.constant 0 : index
    %get3A_7 = vector.load %arg2[%get3A_4, %get3A_5, %get3A_6] : memref<2x1000x128xf32, #tpu.memory_space<vmem>>, vector<1x1000x128xf32>
    %get3A_8 = vector.shape_cast %get3A_7 : vector<1x1000x128xf32> to vector<1000x128xf32>
    %add3A = arith.addf %get3A_3, %get3A_8 : vector<1000x128xf32>
    %get3A_9 = arith.constant 0 : index
    %get3A_10 = arith.constant 0 : index
    %get3A_11 = arith.constant 0 : index
    %get3A_12 = vector.load %arg3[%get3A_9, %get3A_10, %get3A_11] : memref<2x1000x128xf32, #tpu.memory_space<vmem>>, vector<1x1000x1xf32>
    %get3A_13 = vector.shape_cast %get3A_12 : vector<1x1000x1xf32> to vector<1000x1xf32>
    %get3A_14 = arith.constant 1 : index
    %get3A_15 = arith.constant 0 : index
    %get3A_16 = arith.constant 0 : index
    %get3A_17 = vector.load %arg3[%get3A_14, %get3A_15, %get3A_16] : memref<2x1000x128xf32, #tpu.memory_space<vmem>>, vector<1x1000x1xf32>
    %get3A_18 = vector.shape_cast %get3A_17 : vector<1x1000x1xf32> to vector<1000x1xf32>
    %add3A_19 = arith.addf %get3A_13, %get3A_18 : vector<1000x1xf32>
    %get3A_20 = arith.constant 0 : index
    %get3A_21 = arith.constant 0 : index
    %get3A_22 = vector.load %arg5[%get3A_20, %get3A_21] : memref<128x128xf32, #tpu.memory_space<vmem>>, vector<128x128xf32>
    %dot_general3A = arith.constant dense<0.000000e+00> : vector<1000x128xf32>
    %dot_general3A_23 = tpu.matmul %add3A, %get3A_22, %dot_general3A {dimension_numbers = #tpu.dot_dimension_numbers<[1], [0], [0], [1], [0, 0, 1, 1], [], []>, transpose_lhs_hint = false} : vector<1000x128xf32>, vector<128x128xf32>, vector<1000x128xf32> -> vector<1000x128xf32>
    %gt3A = arith.constant 0.000000e+00 : f32
    %gt3A_24 = vector.broadcast %gt3A : f32 to vector<1000x1xf32>
    %gt3A_25 = arith.cmpf ogt, %add3A_19, %gt3A_24 : vector<1000x1xf32>
    %max3A = arith.constant 1.000000e+00 : f32
    %max3A_26 = vector.broadcast %max3A : f32 to vector<1000x1xf32>
    %max3A_27 = arith.maximumf %add3A_19, %max3A_26 : vector<1000x1xf32>
    %div3A = vector.broadcast %max3A_27 : vector<1000x1xf32> to vector<1000x128xf32>
    %div3A_28 = arith.divf %dot_general3A_23, %div3A : vector<1000x128xf32>
    %get3A_29 = arith.constant 0 : index
    %get3A_30 = arith.constant 0 : index
    %get3A_31 = vector.load %arg6[%get3A_29, %get3A_30] : memref<1x128xf32, #tpu.memory_space<vmem>>, vector<1x128xf32>
    %add3A_32 = vector.broadcast %get3A_31 : vector<1x128xf32> to vector<1000x128xf32>
    %add3A_33 = arith.addf %div3A_28, %add3A_32 : vector<1000x128xf32>
    %jit3A = arith.constant 0.000000e+00 : f32
    %broadcast_in_dim3A = vector.shape_cast %gt3A_25 : vector<1000x1xi1> to vector<1000x1xi1>
    %broadcast_in_dim3A_34 = vector.broadcast %broadcast_in_dim3A : vector<1000x1xi1> to vector<1000x128xi1>
    %broadcast_in_dim3A_35 = vector.broadcast %jit3A : f32 to vector<1000x128xf32>
    %select_n3A = arith.select %broadcast_in_dim3A_34, %add3A_33, %broadcast_in_dim3A_35 : vector<1000x128xi1>, vector<1000x128xf32>
    %get3A_36 = arith.constant 0 : index
    %get3A_37 = arith.constant 0 : index
    %get3A_38 = vector.load %arg1[%get3A_36, %get3A_37] : memref<1000x128xf32, #tpu.memory_space<vmem>>, vector<1000x128xf32>
    %get3A_39 = arith.constant 0 : index
    %get3A_40 = arith.constant 0 : index
    %get3A_41 = vector.load %arg7[%get3A_39, %get3A_40] : memref<128x128xf32, #tpu.memory_space<vmem>>, vector<128x128xf32>
    %dot_general3A_42 = arith.constant dense<0.000000e+00> : vector<1000x128xf32>
    %dot_general3A_43 = tpu.matmul %get3A_38, %get3A_41, %dot_general3A_42 {dimension_numbers = #tpu.dot_dimension_numbers<[1], [0], [0], [1], [0, 0, 1, 1], [], []>, transpose_lhs_hint = false} : vector<1000x128xf32>, vector<128x128xf32>, vector<1000x128xf32> -> vector<1000x128xf32>
    %get3A_44 = arith.constant 0 : index
    %get3A_45 = arith.constant 0 : index
    %get3A_46 = vector.load %arg8[%get3A_44, %get3A_45] : memref<128x128xf32, #tpu.memory_space<vmem>>, vector<128x128xf32>
    %dot_general3A_47 = arith.constant dense<0.000000e+00> : vector<1000x128xf32>
    %dot_general3A_48 = tpu.matmul %select_n3A, %get3A_46, %dot_general3A_47 {dimension_numbers = #tpu.dot_dimension_numbers<[1], [0], [0], [1], [0, 0, 1, 1], [], []>, transpose_lhs_hint = false} : vector<1000x128xf32>, vector<128x128xf32>, vector<1000x128xf32> -> vector<1000x128xf32>
    %add3A_49 = arith.addf %dot_general3A_43, %dot_general3A_48 : vector<1000x128xf32>
    %get3A_50 = arith.constant 0 : index
    %get3A_51 = arith.constant 0 : index
    %get3A_52 = vector.load %arg4[%get3A_50, %get3A_51] : memref<1000x1xf32, #tpu.memory_space<vmem>>, vector<1000x1xf32>
    %get3A_53 = arith.constant 0 : index
    %get3A_54 = arith.constant 0 : index
    %get3A_55 = vector.load %arg9[%get3A_53, %get3A_54] : memref<1x128xf32, #tpu.memory_space<vmem>>, vector<1x128xf32>
    %mul3A = vector.broadcast %get3A_52 : vector<1000x1xf32> to vector<1000x128xf32>
    %mul3A_56 = vector.broadcast %get3A_55 : vector<1x128xf32> to vector<1000x128xf32>
    %mul3A_57 = arith.mulf %mul3A, %mul3A_56 : vector<1000x128xf32>
    %add3A_58 = arith.addf %add3A_49, %mul3A_57 : vector<1000x128xf32>
    %get3A_59 = arith.constant 0 : index
    %get3A_60 = arith.constant 0 : index
    %get3A_61 = vector.load %arg10[%get3A_59, %get3A_60] : memref<1x128xf32, #tpu.memory_space<vmem>>, vector<1x128xf32>
    %add3A_62 = vector.broadcast %get3A_61 : vector<1x128xf32> to vector<1000x128xf32>
    %add3A_63 = arith.addf %add3A_58, %add3A_62 : vector<1000x128xf32>
    %max3A_64 = arith.constant 0.000000e+00 : f32
    %max3A_65 = vector.broadcast %max3A_64 : f32 to vector<1000x128xf32>
    %max3A_66 = arith.maximumf %add3A_63, %max3A_65 : vector<1000x128xf32>
    %get3A_67 = arith.constant 0 : index
    %get3A_68 = arith.constant 0 : index
    %get3A_69 = vector.load %arg11[%get3A_67, %get3A_68] : memref<128x128xf32, #tpu.memory_space<vmem>>, vector<128x128xf32>
    %dot_general3A_70 = arith.constant dense<0.000000e+00> : vector<1000x128xf32>
    %dot_general3A_71 = tpu.matmul %max3A_66, %get3A_69, %dot_general3A_70 {dimension_numbers = #tpu.dot_dimension_numbers<[1], [0], [0], [1], [0, 0, 1, 1], [], []>, transpose_lhs_hint = false} : vector<1000x128xf32>, vector<128x128xf32>, vector<1000x128xf32> -> vector<1000x128xf32>
    %add3A_72 = arith.addf %max3A_66, %dot_general3A_71 : vector<1000x128xf32>
    %get3A_73 = arith.constant 0 : index
    %get3A_74 = arith.constant 0 : index
    %get3A_75 = vector.load %arg12[%get3A_73, %get3A_74] : memref<1x128xf32, #tpu.memory_space<vmem>>, vector<1x128xf32>
    %add3A_76 = vector.broadcast %get3A_75 : vector<1x128xf32> to vector<1000x128xf32>
    %add3A_77 = arith.addf %add3A_72, %add3A_76 : vector<1000x128xf32>
    %max3A_78 = arith.constant 0.000000e+00 : f32
    %max3A_79 = vector.broadcast %max3A_78 : f32 to vector<1000x128xf32>
    %max3A_80 = arith.maximumf %add3A_77, %max3A_79 : vector<1000x128xf32>
    %get3A_81 = arith.constant 0 : index
    %get3A_82 = arith.constant 0 : index
    %get3A_83 = vector.load %arg13[%get3A_81, %get3A_82] : memref<128x128xf32, #tpu.memory_space<vmem>>, vector<128x128xf32>
    %dot_general3A_84 = arith.constant dense<0.000000e+00> : vector<1000x128xf32>
    %dot_general3A_85 = tpu.matmul %max3A_80, %get3A_83, %dot_general3A_84 {dimension_numbers = #tpu.dot_dimension_numbers<[1], [0], [0], [1], [0, 0, 1, 1], [], []>, transpose_lhs_hint = false} : vector<1000x128xf32>, vector<128x128xf32>, vector<1000x128xf32> -> vector<1000x128xf32>
    %get3A_86 = arith.constant 0 : index
    %get3A_87 = arith.constant 0 : index
    %get3A_88 = vector.load %arg14[%get3A_86, %get3A_87] : memref<1x128xf32, #tpu.memory_space<vmem>>, vector<1x128xf32>
    %add3A_89 = vector.broadcast %get3A_88 : vector<1x128xf32> to vector<1000x128xf32>
    %add3A_90 = arith.addf %dot_general3A_85, %add3A_89 : vector<1000x128xf32>
    %swap3A = arith.constant 0 : index
    %swap3A_91 = arith.constant 0 : index
    %swap3A_92 = vector.load %arg15[%swap3A, %swap3A_91] : memref<1000x128xf32, #tpu.memory_space<vmem>>, vector<1000x128xf32>
    tpu.vector_store %arg15[%swap3A, %swap3A_91], %add3A_90 {strides = array<i32>} : memref<1000x128xf32, #tpu.memory_space<vmem>>, vector<1000x128xf32>,
    return
  }
  func.func @transform_0(%arg0: i32) -> (i32, i32) {
    %c0_i32 = arith.constant 0 : i32
    %c0_i32_0 = arith.constant 0 : i32
    return %arg0, %c0_i32 : i32, i32
  }
  func.func @transform_1(%arg0: i32) -> (i32, i32, i32) {
    %c0_i32 = arith.constant 0 : i32
    %c0_i32_0 = arith.constant 0 : i32
    %c0_i32_1 = arith.constant 0 : i32
    return %c0_i32, %arg0, %c0_i32_0 : i32, i32, i32
  }
  func.func @transform_2(%arg0: i32) -> (i32, i32, i32) {
    %c0_i32 = arith.constant 0 : i32
    %c0_i32_0 = arith.constant 0 : i32
    %c0_i32_1 = arith.constant 0 : i32
    return %c0_i32, %arg0, %c0_i32_0 : i32, i32, i32
  }
  func.func @transform_3(%arg0: i32) -> (i32, i32) {
    %c0_i32 = arith.constant 0 : i32
    %c0_i32_0 = arith.constant 0 : i32
    return %arg0, %c0_i32 : i32, i32
  }
  func.func @transform_4(%arg0: i32) -> (i32, i32) {
    %c0_i32 = arith.constant 0 : i32
    %c0_i32_0 = arith.constant 0 : i32
    %c0_i32_1 = arith.constant 0 : i32
    return %c0_i32, %c0_i32_0 : i32, i32
  }
  func.func @transform_5(%arg0: i32) -> (i32, i32) {
    %c0_i32 = arith.constant 0 : i32
    %c0_i32_0 = arith.constant 0 : i32
    %c0_i32_1 = arith.constant 0 : i32
    return %c0_i32, %c0_i32_0 : i32, i32
  }
  func.func @transform_6(%arg0: i32) -> (i32, i32) {
    %c0_i32 = arith.constant 0 : i32
    %c0_i32_0 = arith.constant 0 : i32
    %c0_i32_1 = arith.constant 0 : i32
    return %c0_i32, %c0_i32_0 : i32, i32
  }
  func.func @transform_7(%arg0: i32) -> (i32, i32) {
    %c0_i32 = arith.constant 0 : i32
    %c0_i32_0 = arith.constant 0 : i32
    %c0_i32_1 = arith.constant 0 : i32
    return %c0_i32, %c0_i32_0 : i32, i32
  }
  func.func @transform_8(%arg0: i32) -> (i32, i32) {
    %c0_i32 = arith.constant 0 : i32
    %c0_i32_0 = arith.constant 0 : i32
    %c0_i32_1 = arith.constant 0 : i32
    return %c0_i32, %c0_i32_0 : i32, i32
  }
  func.func @transform_9(%arg0: i32) -> (i32, i32) {
    %c0_i32 = arith.constant 0 : i32
    %c0_i32_0 = arith.constant 0 : i32
    %c0_i32_1 = arith.constant 0 : i32
    return %c0_i32, %c0_i32_0 : i32, i32
  }
  func.func @transform_10(%arg0: i32) -> (i32, i32) {
    %c0_i32 = arith.constant 0 : i32
    %c0_i32_0 = arith.constant 0 : i32
    %c0_i32_1 = arith.constant 0 : i32
    return %c0_i32, %c0_i32_0 : i32, i32
  }
  func.func @transform_11(%arg0: i32) -> (i32, i32) {
    %c0_i32 = arith.constant 0 : i32
    %c0_i32_0 = arith.constant 0 : i32
    %c0_i32_1 = arith.constant 0 : i32
    return %c0_i32, %c0_i32_0 : i32, i32
  }
  func.func @transform_12(%arg0: i32) -> (i32, i32) {
    %c0_i32 = arith.constant 0 : i32
    %c0_i32_0 = arith.constant 0 : i32
    %c0_i32_1 = arith.constant 0 : i32
    return %c0_i32, %c0_i32_0 : i32, i32
  }
  func.func @transform_13(%arg0: i32) -> (i32, i32) {
    %c0_i32 = arith.constant 0 : i32
    %c0_i32_0 = arith.constant 0 : i32
    %c0_i32_1 = arith.constant 0 : i32
    return %c0_i32, %c0_i32_0 : i32, i32
  }
  func.func @transform_14(%arg0: i32) -> (i32, i32) {
    %c0_i32 = arith.constant 0 : i32
    %c0_i32_0 = arith.constant 0 : i32
    return %arg0, %c0_i32 : i32, i32
  }
}

</mosaic_0001>

<sc_bundles>
// kernel: kernel.11.cloned.1.call-start
scs
__scs_entry_jumppad:
0x0: {  	(pc) =	sbr.rel $0x88, $3  }
0x1: {  	(tag) =	ssettag $0x0;
	lr =	simm.s32 $0x1  }
0x2: {  	[smem:$0x3F91] =	sst lr;
	_ =	strace $0xD0000000  }
0x3: {  	_ = 	snop  }
0x4: {  	_ = 	snop  }
0x5: {  	_ = 	snop  }
0x6: {  	_ = 	snop  }
0x7: {  	_ = 	snop  }
__scs_overlays_trampoline_lowered:
0x8: {  	[smem:$0x3FA0] =	sst s0  }
0x9: {  	[smem:$0x3FA1] =	sst s1  }
0xa: {  	[smem:$0x3FA2] =	sst s2  }
0xb: {  	[smem:$0x3FA3] =	sst s3  }
0xc: {  	[smem:$0x3FA4] =	sst s4  }
0xd: {  	[smem:$0x3FA5] =	sst s5  }
0xe: {  	[smem:$0x3FA6] =	sst s6  }
0xf: {  	[smem:$0x3FA7] =	sst s7  }
0x10: {  	[smem:$0x3FA8] =	sst s8  }
0x11: {  	[smem:$0x3FA9] =	sst s9;
	s0 =	simm.s32 @!p0 $0x0  }
0x12: {  	s1 =	sld [smem:$0x3F8F];
	s0 =	simm.s32 @p0 $0x1  }
0x13: {  	[smem:$0x3FAA] =	sst s0;
	s0 =	simm.s32 @!p1 $0x0  }
0x14: {  	s2 =	sld [smem:$0x3F8E];
	s0 =	simm.s32 @p1 $0x1  }
0x15: {  	[smem:$0x3FAB] =	sst s0;
	s0 =	simm.s32 @!p2 $0x0  }
0x16: {  	s3 =	sld [smem:$0x3FDB];
	s0 =	simm.s32 @p2 $0x1  }
0x17: {  	s4 =	simm.s32 $0x1BF5;
	[smem:$0x3FAD] =	sst s0  }
0x18: {  	s0 =	sld [smem:$0x3F90];
	_ =	swait.ge [sflag:s4], $0x0  }
0x19: {  	s7 =	sld [smem:$0x3F91]  }
0x1a: {  	s8 =	sadd.s32 $0xFFFFE003, lr  }
0x1b: {  	s9 =	sadd.s32 $0xFFFFFEF7, lr;
	s5 =	simm.s32 $0xFFFFFFFF;
	p2 =	slt.u32 s8, $0xFFFFF086  }
0x1c: {  	p1 =	slt.u32 s9, $0xF7A;
	s5 =	simm.s32 @!p2 $0x0  }
0x1d: {  	s5 =	simm.s32 @p1 $0x1;
	p0 =	seq.s32 s7, s2  }
0x1e: {  	s7 =	smul.u32 @!p0 $0xF7A, s2;
	p2 =	seq.s32 @!p0 s5, $0x0  }
0x1f: {  	s9 =	smul.u32 $0xF7A, s1;
	s8 =	simm.s32 @!p0 $0x1BF5;
	p2 =	por !p2, p0  }
0x20: {  	[sflag:s8] =	ssyncset.s32 @!p0 $0xFFFFF086;
	s6 =	sadd.s32 @!p0 s3, s7;
	s7 =	simm.s32 @!p0 $0x108  }
0x21: {  	s3 =	sadd.s32 s3, s9;
	s6 =	sadd.s32 @!p0 $0x88, s6;
	s7 =	simm.s32 @p2 $0x1082  }
0x22: {  	[simem:s7], [sflag:s8] =	dma.local @!p0 [hbm:s6], $0xF7A  }
0x23: {  	s9 =	sor.u32 $0xD0000000, s2;
	s6 =	simm.s32 $0x108;
	_ =	swait.ge @!p0 [sflag:s8], $0x0  }
0x24: {  	s3 =	sadd.s32 $0x88, s3;
	s6 =	simm.s32 @!p1 $0x1082;
	[sflag:s4] =	ssyncset.s32 $0xFFFFF086  }
0x25: {  	[simem:s6], [sflag:s4] =	dma.local [hbm:s3], $0xF7A  }
0x26: {  	[smem:$0x3F91] =	sst s1;
	(tag) =	ssettag s2;
	_ =	strace s9  }
0x27: {  	s1 =	sld [smem:$0x3FA1]  }
0x28: {  	s2 =	sld [smem:$0x3FA2]  }
0x29: {  	s4 =	sld [smem:$0x3FA4]  }
0x2a: {  	p0 =	seq.s32 s5, $0x0;
	s5 =	sld [smem:$0x3FA5]  }
0x2b: {  	s6 =	sld [smem:$0x3FA6]  }
0x2c: {  	s7 =	sld [smem:$0x3FA7]  }
0x2d: {  	s3 =	simm.s32 $0x108;
	s8 =	sld [smem:$0x3FA8]  }
0x2e: {  	s3 =	simm.s32 @!p0 $0x1082;
	s9 =	sld [smem:$0x3FA9]  }
0x2f: {  	lr =	sadd.s32 s0, s3;
	s0 =	sld [smem:$0x3FA0]  }
0x30: {  	s3 =	sld [smem:$0x3FA3]  }
0x31: {  	[smem:$0x3FAC] =	sst s10  }
0x32: {  	s10 =	sld [smem:$0x3FAA];
	_ =	sdelay $0x3  }
0x33: {  	p0 =	seq.s32 s10, $0x1;
	s10 =	sld [smem:$0x3FAC];
	_ =	sdelay $0x3  }
0x34: {  	[smem:$0x3FAC] =	sst s10  }
0x35: {  	s10 =	sld [smem:$0x3FAB];
	_ =	sdelay $0x3  }
0x36: {  	p1 =	seq.s32 s10, $0x1;
	s10 =	sld [smem:$0x3FAC];
	_ =	sdelay $0x3  }
0x37: {  	[smem:$0x3FAC] =	sst s10  }
0x38: {  	s10 =	sld [smem:$0x3FAD]  }
0x39: {  	_ = 	snop;
	(pc) =	sbr.ind lr, $3  }
0x3a: {  	_ = 	snop  }
0x3b: {  	_ = 	snop  }
0x3c: {  	p2 =	seq.s32 s10, $0x1;
	s10 =	sld [smem:$0x3FAC]  }
0x3d: {  	_ =	shalt  }
0x3e: {  	_ =	shalt  }
0x3f: {  	_ =	shalt  }
0x40: {  	_ =	shalt  }
0x41: {  	_ =	shalt  }
0x42: {  	_ =	shalt  }
0x43: {  	_ =	shalt  }
0x44: {  	_ =	shalt  }
0x45: {  	_ =	shalt  }
0x46: {  	_ =	shalt  }
0x47: {  	_ =	shalt  }
0x48: {  	_ =	shalt  }
0x49: {  	_ =	shalt  }
0x4a: {  	_ =	shalt  }
0x4b: {  	_ =	shalt  }
0x4c: {  	_ =	shalt  }
0x4d: {  	_ =	shalt  }
0x4e: {  	_ =	shalt  }
0x4f: {  	_ =	shalt  }
0x50: {  	_ =	shalt  }
0x51: {  	_ =	shalt  }
0x52: {  	_ =	shalt  }
0x53: {  	_ =	shalt  }
0x54: {  	_ =	shalt  }
0x55: {  	_ =	shalt  }
0x56: {  	_ =	shalt  }
0x57: {  	_ =	shalt  }
0x58: {  	_ =	shalt  }
0x59: {  	_ =	shalt  }
0x5a: {  	_ =	shalt  }
0x5b: {  	_ =	shalt  }
0x5c: {  	_ =	shalt  }
0x5d: {  	_ =	shalt  }
0x5e: {  	_ =	shalt  }
0x5f: {  	_ =	shalt  }
0x60: {  	_ =	shalt  }
0x61: {  	_ =	shalt  }
0x62: {  	_ =	shalt  }
0x63: {  	_ =	shalt  }
0x64: {  	_ =	shalt  }
0x65: {  	_ =	shalt  }
0x66: {  	_ =	shalt  }
0x67: {  	_ =	shalt  }
0x68: {  	_ =	shalt  }
0x69: {  	_ =	shalt  }
0x6a: {  	_ =	shalt  }
0x6b: {  	_ =	shalt  }
0x6c: {  	_ =	shalt  }
0x6d: {  	_ =	shalt  }
0x6e: {  	_ =	shalt  }
0x6f: {  	_ =	shalt  }
0x70: {  	_ =	shalt  }
0x71: {  	_ =	shalt  }
0x72: {  	_ =	shalt  }
0x73: {  	_ =	shalt  }
0x74: {  	_ =	shalt  }
0x75: {  	_ =	shalt  }
0x76: {  	_ =	shalt  }
0x77: {  	_ =	shalt  }
0x78: {  	_ =	shalt  }
0x79: {  	_ =	shalt  }
0x7a: {  	_ =	shalt  }
0x7b: {  	_ =	shalt  }
0x7c: {  	_ =	shalt  }
0x7d: {  	_ =	shalt  }
0x7e: {  	_ =	shalt  }
0x7f: {  	_ =	shalt  }
0x80: {  	_ =	shalt  }
0x81: {  	_ =	shalt  }
0x82: {  	_ =	shalt  }
0x83: {  	_ =	shalt  }
0x84: {  	_ =	shalt  }
0x85: {  	_ =	shalt  }
0x86: {  	_ =	shalt  }
0x87: {  	_ =	shalt  }
.Lfunc_end0:
.L_simem_size_0:
called_computation.1_lowered:
.L_overlay_start_0:
0x88: {  	s2 =	sld [smem:$0x3FD9]  }
0x89: {  	s3 =	sld [smem:$0x3FFE];
	_ =	sdelay $0x1  }
0x8a: {  	s1 =	srdreg.scid  }
0x8b: {  	s0 =	sand.u32 $0x1, s1  }
0x8c: {  	s17 =	sshll.u32 s0, $0xA;
	s2 =	sadd.s32 s3, s2  }
0x8d: {  	s2 =	sadd.s32 s2, s17  }
0x8e: {  	[smem:$0x3FB8] =	sst s2  }
0x8f: {  	_ = 	snop  }
0x90: {  	(tm) =	ssettm $0x1  }
0x91: {  	s18 =	sld [smem:$0x3FFB];
	_ =	sdelay $0x3  }
0x92: {  	_ =	strace s18  }
0x93: {  	s2 =	sld [smem:$0x3FFC];
	_ =	sdelay $0x3  }
0x94: {  	_ =	strace s2  }
0x95: {  	s2 =	sld [smem:$0x3FFD];
	_ =	sdelay $0x3  }
0x96: {  	_ =	strace s2  }
0x97: {  	_ =	strace $0x8FFFFFFF  }
0x98: {  	s19 =	sld [smem:$0x3FDB];
	_ =	sdelay $0x1  }
0x99: {  	s20 =	simm.s32 $_scs_section_size  }
0x9a: {  	s4 =	simm.s32 $_size__tile_overlayer_lowered;
	s5 =	simm.s32 $_tile_overlayer_lowered  }
0x9b: {  	s6 =	simm.s32 $0x1BFF;
	s21 =	sshll.u32 s5, $0x1;
	s3 =	sadd.s32 s20, s19  }
0x9c: {  	s22 =	simm.s32 $0x0;
	s4 =	sshll.u32 s4, $0x1;
	s5 =	sadd.s32 s21, s3  }
0x9d: {  	[timem:s22], [sflag:s6] =	dma.local [hbm:s5], s4  }
0x9e: {  	_ =	swait.ge [sflag:s6], s4  }
0x9f: {  	s4 =	ssub.s32 $0x0, s4;
	[sflag:s6] =	ssyncset.done $0x0  }
0xa0: {  	[sflag:s6] =	ssyncadd.s32 s4;
	_ =	sdelay $0x1  }
0xa1: {  	s23 =	simm.s32 $0x1B8B  }
0xa2: {  	_ =	swait.ge [sflag:s23], $0x1  }
0xa3: {  	[sflag:s23] =	ssyncset.done $0x0  }
0xa4: {  	[sflag:s23] =	ssyncadd.s32 $0xFFFFFFFF  }
0xa5: {  	s4 =	sld [smem:$0x0]  }
0xa6: {  	s5 =	sand.u32 $0xFFFFFFFE, s1  }
0xa7: {  	p0 =	sne.s32 s1, s5  }
0xa8: {  	s5 =	sshll.u32 @p0 s5, $0xE  }
0xa9: {  	s5 =	sadd.s32 @p0 $0x11B8D, s5;
	s6 =	sshll.u32 @p0 s4, $0x11  }
0xaa: {  	s5 =	sor.u32 @p0 s6, s5  }
0xab: {  	[sflag:s5] =	ssyncadd.remote.s32 @p0 $0x1;
	_ =	sdelay $0x1  }
0xac: {  	s5 =	simm.s32 @p0 $0x1B8D  }
0xad: {  	_ =	swait.eq @p0 [sflag:s5], $0x1  }
0xae: {  	[sflag:s5] =	ssyncadd.s32 @p0 $0xFFFFFFFF  }
0xaf: {  	s6 =	sshll.u32 @!p0 s1, $0xE  }
0xb0: {  	s6 =	sor.u32 @!p0 $0x4000, s6;
	s5 =	simm.s32 @!p0 $0x1B8D  }
0xb1: {  	s4 =	sshll.u32 @!p0 s4, $0x11;
	s6 =	sadd.s32 @!p0 $0x11B8D, s6;
	_ =	swait.eq @!p0 [sflag:s5], $0x1  }
0xb2: {  	s4 =	sor.u32 @!p0 s4, s6;
	[sflag:s5] =	ssyncadd.s32 @!p0 $0xFFFFFFFF  }
0xb3: {  	s25 =	simm.s32 $0x1B8E;
	s24 =	sld [smem:$0x3FFE];
	[sflag:s4] =	ssyncadd.remote.s32 @!p0 $0x1  }
0xb4: {  	s26 =	simm.s32 $execute0_lowered;
	[smem:$0x3FD2] =	sst s25  }
0xb5: {  	s5 =	sshll.u32 s26, $0x1;
	_ =	strace $0x80000049;
	[dreg:$0x1] =	wrdreg $0xFFFFFFFF  }
0xb6: {  	s28 =	simm.s32 $_size_execute0_lowered;
	s3 =	sadd.s32 s3, s5;
	[dreg:$0x0] =	wrdreg $0x0  }
0xb7: {  	s5 =	sshll.u32 s28, $0x1;
	[dreg:$0x2] =	wrdreg s3  }
0xb8: {  	[dreg:$0x3] =	wrdreg s5  }
0xb9: {  	[dreg:$0x4] =	wrdreg $0xC0  }
0xba: {  	_ =	task [dreg:s22], $0x5FFFF  }
0xbb: {  	[dreg:$0x1] =	wrdreg $0xFFFFFFFF  }
0xbc: {  	[dreg:$0x0] =	wrdreg $0x60  }
0xbd: {  	[dreg:$0x2] =	wrdreg s24  }
0xbe: {  	[dreg:$0x3] =	wrdreg $0x90000  }
0xbf: {  	[dreg:$0x4] =	wrdreg $0x9  }
0xc0: {  	_ =	task.clear_ibuf [dreg:s22], $0x5FFFF;
	_ =	strace $0x90000049  }
0xc1: {  	s29 =	simm.s32 $0x9;
	_ =	strace $0x8000004B  }
0xc2: {  	_ =	swait.ge [sflag:s29], $0x1  }
0xc3: {  	[sflag:s29] =	ssyncadd.s32 $0xFFFFFFFF  }
0xc4: {  	_ =	strace $0x9000004B  }
0xc5: {  	_ =	sfence  }
0xc6: {  	s30 =	sld [smem:$0x0];
	_ =	sdelay $0x2  }
0xc7: {  	s31 =	sshll.u32 s1, $0xD;
	s1 =	sshrl.u32 s1, $0x2  }
0xc8: {  	s4 =	sand.u32 $0x4000, s31;
	s1 =	sadd.s32 s1, s30  }
0xc9: {  	s0 =	sor.u32 s4, s0;
	s1 =	sshll.u32 s1, $0x11  }
0xca: {  	s0 =	sor.u32 s1, s0  }
0xcb: {  	s0 =	sadd.s32 $0x8F2B, s0  }
0xcc: {  	[sflag:s0] =	ssyncadd.remote.s32 $0x1  }
0xcd: {  	_ =	sfence.sel $0xFFFF  }
0xce: {  	[dreg:$0x0] =	wrdreg $0xFFFFFFFF;
	(pc) =	sbr.abs _section_cstart, $3  }
0xcf: {  	[dreg:$0x1] =	wrdreg $0xFFFFFFFF  }
0xd0: {  	_ =	task.clear_ibuf [dreg:s22], $0x2FFFF;
	_ =	strace $0x9FFFFFFF  }
0xd1: {  	(tm) =	ssettm $0x7FFFFFFF  }
tec
execute0_lowered:
.L_overlay_start_1:
0x0: {  	(tag) =	ssettag $0x1  }
0x1: {  	s0 =	rddreg [dreg:$0x0]  }
0x2: {  	s2 =	rddreg [dreg:$0x1]  }
0x3: {  	s1 =	srdreg.scid;
	s7 =	stileid.u32  }
0x4: {  	s3 =	simm.s32 $0x0;
	s22 =	simm.s32 $0x2;
	s23 =	simm.s32 $0x6800  }
0x5: {  	s24 =	simm.s32 $0x50;
	s28 =	simm.s32 $0x100;
	s29 =	simm.s32 $0x180  }
0x6: {  	s30 =	simm.s32 $0x1;
	s31 =	simm.s32 $0x0;
	s4 =	smul.u32 $0x280, s7  }
0x7: {  	s1 =	sand.u32 $0x1, s1;
	[smem:$0x7FF] =	sst s3;
	s25 =	smul.u32 $0x50000, s7  }
0x8: {  	s7 =	sshll.u32 s7, $0xC;
	s5 =	smul.u32 $0x2800, s1;
	s6 =	sshll.u32 s1, $0xB  }
0x9: {  	_ =	strace $0x8000004A;
	s1 =	ssub.s32 $0x2, s1;
	s6 =	sadd.s32 s6, s0  }
0xa: {  	s17 =	sshrl.u32 s1, $0x1;
	s4 =	sadd.s32 s4, s5;
	s26 =	sadd.s32 s7, s6  }
0xb: {  	s5 =	sshrl.u32 s25, $0x2;
	s25 =	simm.s32 $0x4000;
	s4 =	sshll.u32 s4, $0x4  }
0xc: {  	s5 =	sadd.s32 s5, s2;
	s0 =	sadd.s32 s4, s0;
	s4 =	sadd.s32 $0x3400, s26  }
0xd: {  	s6 =	sadd.s32 $0x2800, s5;
	s7 =	sadd.s32 $0x5000, s5;
	s8 =	sadd.s32 $0x7800, s5  }
0xe: {  	s9 =	sadd.s32 $0xA000, s5;
	s10 =	sadd.s32 $0xC800, s5;
	s11 =	sadd.s32 $0xF000, s5  }
0xf: {  	s1 =	ssub.s32 s1, s17;
	s12 =	sadd.s32 $0x52C600, s0;
	s13 =	sadd.s32 $0x52CB00, s0  }
0x10: {  	s14 =	sadd.s32 $0x11800, s5;
	s15 =	sadd.s32 $0x52D000, s0;
	s16 =	sadd.s32 $0x52D500, s0  }
0x11: {  	s21 =	smax.u32 s1, $0x1;
	s17 =	sadd.s32 $0x52DA00, s0;
	s18 =	sadd.s32 $0x52DF00, s0  }
0x12: {  	v0 =	vimm.f32 $0.0e+00;
	v1 =	vimm.f32 $1.000000000e+00;
	s26 =	simm.s32 $0x80;
	s19 =	sadd.s32 $0x52E400, s0;
	s20 =	sadd.s32 $0x52E900, s0  }
.LBB2_1:
0x13: {  	[tilespmem:s3], [sflag:$0x2] =	stream.linear.gather [hbm4b:s4+s3], $0x3E80, $0x38;
	[tilespmem:$0x1D000] =	vst v63  }
0x14: {  	_ =	swait.ge [sflag:s22], $0x3E80  }
0x15: {  	[sflag:s22] =	ssyncset.done $0x0  }
0x16: {  	s0 =	simm.s32 $0x0;
	s1 =	simm.s32 $0x200;
	[sflag:s22] =	ssyncadd.s32 $0xFFFFC180  }
.LBB2_2:
0x17: {  	p0 =	sne.s32 s1, $0x9E00;
	[tilespmem:s0+$0x4070] =	vst v1  }
0x18: {  	[tilespmem:s0+$0x6800] =	vst v0  }
0x19: {  	[tilespmem:s0+$0x4000] =	vst v1  }
0x1a: {  	[tilespmem:s0+$0x6810] =	vst v0  }
0x1b: {  	[tilespmem:s0+$0x4010] =	vst v1  }
0x1c: {  	[tilespmem:s0+$0x6820] =	vst v0  }
0x1d: {  	[tilespmem:s0+$0x4020] =	vst v1  }
0x1e: {  	[tilespmem:s0+$0x6830] =	vst v0  }
0x1f: {  	[tilespmem:s0+$0x4030] =	vst v1  }
0x20: {  	[tilespmem:s0+$0x6840] =	vst v0  }
0x21: {  	[tilespmem:s0+$0x4040] =	vst v1  }
.Ltmp0:
0x22: {  	[tilespmem:s0+$0x6850] =	vst v0;
	(pc) =	sbr.rel @p0 .LBB2_2-.Ltmp0, $4  }
0x23: {  	[tilespmem:s0+$0x4050] =	vst v1  }
0x24: {  	[tilespmem:s0+$0x6860] =	vst v0  }
0x25: {  	[tilespmem:s0+$0x4060] =	vst v1  }
0x26: {  	[tilespmem:s0+$0x6870] =	vst v0;
	s0 =	sshra.s32 s1, $0x2;
	s1 =	sadd.s32 $0x200, s1  }
0x27: {  	[tilespmem:s0+$0x4070] =	vst v1  }
0x28: {  	[tilespmem:s0+$0x6800] =	vst v0  }
0x29: {  	[tilespmem:s0+$0x4000] =	vst v1  }
0x2a: {  	[tilespmem:s0+$0x6810] =	vst v0  }
0x2b: {  	[tilespmem:s0+$0x4010] =	vst v1  }
0x2c: {  	[tilespmem:s0+$0x6820] =	vst v0  }
0x2d: {  	[tilespmem:s0+$0x4020] =	vst v1  }
0x2e: {  	[tilespmem:s0+$0x6830] =	vst v0  }
0x2f: {  	[tilespmem:s0+$0x4030] =	vst v1  }
0x30: {  	[tilespmem:s0+$0x6840] =	vst v0  }
0x31: {  	[tilespmem:s0+$0x4040] =	vst v1  }
0x32: {  	[tilespmem:s0+$0x6850] =	vst v0  }
0x33: {  	[tilespmem:s0+$0x4050] =	vst v1  }
0x34: {  	[tilespmem:s0+$0x6860] =	vst v0  }
0x35: {  	[tilespmem:s0+$0x4060] =	vst v1  }
0x36: {  	[tilespmem:s0+$0x6870] =	vst v0  }
0x37: {  	[spmem:s5] =	stream.linear.scatter [tilespmem:s23], [sflag:$0x2], $0x2800, $0x38;
	[tilespmem:$0x1D000] =	vst v63  }
0x38: {  	_ =	swait.ge [sflag:s22], $0x2800  }
0x39: {  	[sflag:s22] =	ssyncset.done $0x0  }
0x3a: {  	[sflag:s22] =	ssyncadd.s32 $0xFFFFD800  }
0x3b: {  	[spmem:s6] =	stream.linear.scatter [tilespmem:s23], [sflag:$0x2], $0x2800, $0x38;
	[tilespmem:$0x1D000] =	vst v63  }
0x3c: {  	_ =	swait.ge [sflag:s22], $0x2800  }
0x3d: {  	[sflag:s22] =	ssyncset.done $0x0  }
0x3e: {  	[sflag:s22] =	ssyncadd.s32 $0xFFFFD800  }
0x3f: {  	[spmem:s7] =	stream.linear.scatter [tilespmem:s23], [sflag:$0x2], $0x2800, $0x38;
	[tilespmem:$0x1D000] =	vst v63  }
0x40: {  	_ =	swait.ge [sflag:s22], $0x2800  }
0x41: {  	[sflag:s22] =	ssyncset.done $0x0  }
0x42: {  	[sflag:s22] =	ssyncadd.s32 $0xFFFFD800  }
0x43: {  	[spmem:s8] =	stream.linear.scatter [tilespmem:s23], [sflag:$0x2], $0x2800, $0x38;
	[tilespmem:$0x1D000] =	vst v63  }
0x44: {  	_ =	swait.ge [sflag:s22], $0x2800  }
0x45: {  	[sflag:s22] =	ssyncset.done $0x0  }
0x46: {  	[sflag:s22] =	ssyncadd.s32 $0xFFFFD800  }
0x47: {  	[spmem:s9] =	stream.linear.scatter [tilespmem:s23], [sflag:$0x2], $0x2800, $0x38;
	[tilespmem:$0x1D000] =	vst v63  }
0x48: {  	_ =	swait.ge [sflag:s22], $0x2800  }
0x49: {  	[sflag:s22] =	ssyncset.done $0x0  }
0x4a: {  	[sflag:s22] =	ssyncadd.s32 $0xFFFFD800  }
0x4b: {  	[spmem:s10] =	stream.linear.scatter [tilespmem:s23], [sflag:$0x2], $0x2800, $0x38;
	[tilespmem:$0x1D000] =	vst v63  }
0x4c: {  	_ =	swait.ge [sflag:s22], $0x2800  }
0x4d: {  	[sflag:s22] =	ssyncset.done $0x0  }
0x4e: {  	[sflag:s22] =	ssyncadd.s32 $0xFFFFD800  }
0x4f: {  	[spmem:s11] =	stream.linear.scatter [tilespmem:s23], [sflag:$0x2], $0x2800, $0x38;
	[tilespmem:$0x1D000] =	vst v63  }
0x50: {  	_ =	swait.ge [sflag:s22], $0x2800  }
0x51: {  	[sflag:s22] =	ssyncset.done $0x0  }
0x52: {  	[sflag:s22] =	ssyncadd.s32 $0xFFFFD800  }
0x53: {  	[spmem:s14] =	stream.linear.scatter [tilespmem:s23], [sflag:$0x2], $0x2800, $0x38;
	[tilespmem:$0x1D000] =	vst v63  }
0x54: {  	_ =	swait.ge [sflag:s22], $0x2800  }
0x55: {  	[sflag:s22] =	ssyncset.done $0x0  }
0x56: {  	[sflag:s22] =	ssyncadd.s32 $0xFFFFD800  }
0x57: {  	[bflag:$0x0] =	sbarrier.arrive $0xFFFF  }
0x58: {  	[spmem:s2] =	stream.indirect.scatter.add.f32 [tilespmem:s25], [sflag:$0x1], $0x80, s3, s24, $0xb8;
	[tilespmem:$0x1D000] =	vst v63  }
0x59: {  	_ = 	snop  }
0x5a: {  	[spmem:s2] =	stream.indirect.scatter.add.f32 [tilespmem:s25], [sflag:$0x1], $0x80, s26, s24, $0xb8;
	[tilespmem:$0x1D000] =	vst v63  }
0x5b: {  	_ = 	snop  }
0x5c: {  	[spmem:s2] =	stream.indirect.scatter.add.f32 [tilespmem:s25], [sflag:$0x1], $0x80, s28, s24, $0xb8;
	[tilespmem:$0x1D000] =	vst v63  }
0x5d: {  	_ = 	snop  }
0x5e: {  	[spmem:s2] =	stream.indirect.scatter.add.f32 [tilespmem:s25], [sflag:$0x1], $0x80, s29, s24, $0xb8;
	[tilespmem:$0x1D000] =	vst v63  }
0x5f: {  	s1 =	simm.s32 $0x200  }
0x60: {  	[spmem:s2] =	stream.indirect.scatter.add.f32 [tilespmem:s25], [sflag:$0x1], $0x80, s1, s24, $0xb8;
	[tilespmem:$0x1D000] =	vst v63  }
0x61: {  	_ =	swait.ge [sflag:s30], $0x2800  }
0x62: {  	s0 =	simm.s32 $0xA00;
	[sflag:s30] =	ssyncset.done $0x0  }
.LBB2_4:
0x63: {  	s1 =	sshra.s32 s0, $0x2;
	[sflag:s30] =	ssyncadd.s32 $0xFFFFD800;
	p0 =	sne.s32 s0, $0xF800  }
0x64: {  	[spmem:s2] =	stream.indirect.scatter.add.f32 [tilespmem:s25], [sflag:$0x1], $0x80, s1, s24, $0xb8;
	[tilespmem:$0x1D000] =	vst v63  }
.Ltmp1:
0x65: {  	_ = 	snop;
	(pc) =	sbr.rel @p0 .LBB2_4-.Ltmp1, $4  }
0x66: {  	_ = 	snop  }
0x67: {  	s0 =	sadd.s32 $0x200, s0  }
0x68: {  	_ =	swait.ge [sflag:s30], $0x2800  }
0x69: {  	[sflag:s30] =	ssyncset.done $0x0  }
0x6a: {  	[sflag:s30] =	ssyncadd.s32 $0xFFFFD800  }
0x6b: {  	_ =	swait.ge [sflag:s30], $0x2800  }
0x6c: {  	[sflag:s30] =	ssyncset.done $0x0  }
0x6d: {  	[sflag:s30] =	ssyncadd.s32 $0xFFFFD800  }
0x6e: {  	_ =	swait.ge [sflag:s30], $0x2800  }
0x6f: {  	[sflag:s30] =	ssyncset.done $0x0  }
0x70: {  	[sflag:s30] =	ssyncadd.s32 $0xFFFFD800  }
0x71: {  	_ =	swait.ge [sflag:s30], $0x2800  }
0x72: {  	[sflag:s30] =	ssyncset.done $0x0  }
0x73: {  	[sflag:s30] =	ssyncadd.s32 $0xFFFFD800  }
0x74: {  	_ =	swait.ge [sflag:s30], $0x2800  }
0x75: {  	[sflag:s30] =	ssyncset.done $0x0  }
0x76: {  	[sflag:s30] =	ssyncadd.s32 $0xFFFFD800  }
0x77: {  	[bflag:$0x0] =	sbarrier.arrive $0xFFFF  }
0x78: {  	[tilespmem:s23], [sflag:$0x2] =	stream.linear.gather [spmem:s5], $0x2800, $0x38;
	[tilespmem:$0x1D000] =	vst v63  }
0x79: {  	_ =	swait.ge [sflag:s22], $0x2800  }
0x7a: {  	[sflag:s22] =	ssyncset.done $0x0  }
0x7b: {  	[sflag:s22] =	ssyncadd.s32 $0xFFFFD800  }
0x7c: {  	[hbm4b:s12+s3] =	stream.linear.scatter [tilespmem:s23], [sflag:$0x2], $0x2800, $0x38;
	[tilespmem:$0x1D000] =	vst v63  }
0x7d: {  	_ =	swait.ge [sflag:s22], $0x2800  }
0x7e: {  	[sflag:s22] =	ssyncset.done $0x0  }
0x7f: {  	[sflag:s22] =	ssyncadd.s32 $0xFFFFD800  }
0x80: {  	[tilespmem:s23], [sflag:$0x2] =	stream.linear.gather [spmem:s6], $0x2800, $0x38;
	[tilespmem:$0x1D000] =	vst v63  }
0x81: {  	_ =	swait.ge [sflag:s22], $0x2800  }
0x82: {  	[sflag:s22] =	ssyncset.done $0x0  }
0x83: {  	[sflag:s22] =	ssyncadd.s32 $0xFFFFD800  }
0x84: {  	[hbm4b:s13+s3] =	stream.linear.scatter [tilespmem:s23], [sflag:$0x2], $0x2800, $0x38;
	[tilespmem:$0x1D000] =	vst v63  }
0x85: {  	_ =	swait.ge [sflag:s22], $0x2800  }
0x86: {  	[sflag:s22] =	ssyncset.done $0x0  }
0x87: {  	[sflag:s22] =	ssyncadd.s32 $0xFFFFD800  }
0x88: {  	[tilespmem:s23], [sflag:$0x2] =	stream.linear.gather [spmem:s7], $0x2800, $0x38;
	[tilespmem:$0x1D000] =	vst v63  }
0x89: {  	_ =	swait.ge [sflag:s22], $0x2800  }
0x8a: {  	[sflag:s22] =	ssyncset.done $0x0  }
0x8b: {  	[sflag:s22] =	ssyncadd.s32 $0xFFFFD800  }
0x8c: {  	[hbm4b:s15+s3] =	stream.linear.scatter [tilespmem:s23], [sflag:$0x2], $0x2800, $0x38;
	[tilespmem:$0x1D000] =	vst v63  }
0x8d: {  	_ =	swait.ge [sflag:s22], $0x2800  }
0x8e: {  	[sflag:s22] =	ssyncset.done $0x0  }
0x8f: {  	[sflag:s22] =	ssyncadd.s32 $0xFFFFD800  }
0x90: {  	[tilespmem:s23], [sflag:$0x2] =	stream.linear.gather [spmem:s8], $0x2800, $0x38;
	[tilespmem:$0x1D000] =	vst v63  }
0x91: {  	_ =	swait.ge [sflag:s22], $0x2800  }
0x92: {  	[sflag:s22] =	ssyncset.done $0x0  }
0x93: {  	[sflag:s22] =	ssyncadd.s32 $0xFFFFD800  }
0x94: {  	[hbm4b:s16+s3] =	stream.linear.scatter [tilespmem:s23], [sflag:$0x2], $0x2800, $0x38;
	[tilespmem:$0x1D000] =	vst v63  }
0x95: {  	_ =	swait.ge [sflag:s22], $0x2800  }
0x96: {  	[sflag:s22] =	ssyncset.done $0x0  }
0x97: {  	[sflag:s22] =	ssyncadd.s32 $0xFFFFD800  }
0x98: {  	[tilespmem:s23], [sflag:$0x2] =	stream.linear.gather [spmem:s9], $0x2800, $0x38;
	[tilespmem:$0x1D000] =	vst v63  }
0x99: {  	_ =	swait.ge [sflag:s22], $0x2800  }
0x9a: {  	[sflag:s22] =	ssyncset.done $0x0  }
0x9b: {  	[sflag:s22] =	ssyncadd.s32 $0xFFFFD800  }
0x9c: {  	[hbm4b:s17+s3] =	stream.linear.scatter [tilespmem:s23], [sflag:$0x2], $0x2800, $0x38;
	[tilespmem:$0x1D000] =	vst v63  }
0x9d: {  	_ =	swait.ge [sflag:s22], $0x2800  }
0x9e: {  	[sflag:s22] =	ssyncset.done $0x0  }
0x9f: {  	[sflag:s22] =	ssyncadd.s32 $0xFFFFD800  }
0xa0: {  	[tilespmem:s23], [sflag:$0x2] =	stream.linear.gather [spmem:s10], $0x2800, $0x38;
	[tilespmem:$0x1D000] =	vst v63  }
0xa1: {  	_ =	swait.ge [sflag:s22], $0x2800  }
0xa2: {  	[sflag:s22] =	ssyncset.done $0x0  }
0xa3: {  	[sflag:s22] =	ssyncadd.s32 $0xFFFFD800  }
0xa4: {  	[hbm4b:s18+s3] =	stream.linear.scatter [tilespmem:s23], [sflag:$0x2], $0x2800, $0x38;
	[tilespmem:$0x1D000] =	vst v63  }
0xa5: {  	_ =	swait.ge [sflag:s22], $0x2800  }
0xa6: {  	[sflag:s22] =	ssyncset.done $0x0  }
0xa7: {  	[sflag:s22] =	ssyncadd.s32 $0xFFFFD800  }
0xa8: {  	[tilespmem:s23], [sflag:$0x2] =	stream.linear.gather [spmem:s11], $0x2800, $0x38;
	[tilespmem:$0x1D000] =	vst v63  }
0xa9: {  	_ =	swait.ge [sflag:s22], $0x2800  }
0xaa: {  	[sflag:s22] =	ssyncset.done $0x0  }
0xab: {  	[sflag:s22] =	ssyncadd.s32 $0xFFFFD800  }
0xac: {  	[hbm4b:s19+s3] =	stream.linear.scatter [tilespmem:s23], [sflag:$0x2], $0x2800, $0x38;
	[tilespmem:$0x1D000] =	vst v63  }
0xad: {  	_ =	swait.ge [sflag:s22], $0x2800  }
0xae: {  	[sflag:s22] =	ssyncset.done $0x0  }
0xaf: {  	[sflag:s22] =	ssyncadd.s32 $0xFFFFD800  }
0xb0: {  	[tilespmem:s23], [sflag:$0x2] =	stream.linear.gather [spmem:s14], $0x2800, $0x38;
	[tilespmem:$0x1D000] =	vst v63  }
0xb1: {  	s31 =	sadd.s32 $0x1, s31;
	_ =	swait.ge [sflag:s22], $0x2800  }
0xb2: {  	p0 =	sne.s32 s31, s21;
	[sflag:s22] =	ssyncset.done $0x0  }
.Ltmp2:
0xb3: {  	[sflag:s22] =	ssyncadd.s32 $0xFFFFD800;
	(pc) =	sbr.rel @p0 .LBB2_1-.Ltmp2, $4  }
0xb4: {  	[hbm4b:s20+s3] =	stream.linear.scatter [tilespmem:s23], [sflag:$0x2], $0x2800, $0x38;
	[tilespmem:$0x1D000] =	vst v63  }
0xb5: {  	_ =	swait.ge [sflag:s22], $0x2800  }
0xb6: {  	[sflag:s22] =	ssyncset.done $0x0  }
0xb7: {  	[sflag:s22] =	ssyncadd.s32 $0xFFFFD800  }
0xb8: {  	_ =	sfence.sel $0x180000  }
0xb9: {  	[bflag:$0x0] =	sbarrier.arrive $0xFFFF  }
0xba: {  	_ =	strace $0x9000004A  }
0xbb: {  	s0 =	stileid.u32;
	[bflag:$0x2] =	sbarrier.arrive $0xFFFF  }
0xbc: {  	p0 =	sne.s32 s0, $0x0;
	s0 =	rddreg [dreg:$0x2]  }
0xbd: {  	s0 =	sadd.s32 @!p0 $0x100000, s0  }
0xbe: {  	[sflag:s0] =	ssyncadd.tile.s32 @!p0 $0x1;
	_ =	shalt  }
.Lfunc_end2:
_tile_overlayer_lowered:
.L_overlay_start_2:
0xbf: {  	(tag) =	ssettag $0x2  }
0xc0: {  	s0 =	rddreg [dreg:$0x0];
	s2 =	stileid.u32  }
0xc1: {  	s1 =	rddreg [dreg:$0x1];
	p0 =	sne.s32 s2, $0x0  }
0xc2: {  	s3 =	rddreg [dreg:$0x2];
	[bflag:$0x3] =	sbarrier.arrive $0xFFFF;
	s2 =	simm.s32 @!p0 $0x1C02  }
0xc3: {  	[timem:s3], [sflag:s2] =	dma.local @!p0 [hbm:s0], s1  }
0xc4: {  	s0 =	simm.s32 @!p0 $0x2  }
0xc5: {  	_ =	swait.ge @!p0 [sflag:s0], s1  }
0xc6: {  	s1 =	ssub.s32 @!p0 $0x0, s1;
	[sflag:s0] =	ssyncset.done @!p0 $0x0  }
0xc7: {  	[sflag:s0] =	ssyncadd.s32 @!p0 s1  }
0xc8: {  	[bflag:$0x3] =	sbarrier.arrive $0xFFFF  }
0xc9: {  	_ =	shalt  }

// kernel: kernel.14.cloned.1.call-start
scs
__scs_entry_jumppad:
0x0: {  	(pc) =	sbr.rel $0x88, $3  }
0x1: {  	(tag) =	ssettag $0x0;
	lr =	simm.s32 $0x1  }
0x2: {  	[smem:$0x3F91] =	sst lr;
	_ =	strace $0xD0000000  }
0x3: {  	_ = 	snop  }
0x4: {  	_ = 	snop  }
0x5: {  	_ = 	snop  }
0x6: {  	_ = 	snop  }
0x7: {  	_ = 	snop  }
__scs_overlays_trampoline_lowered:
0x8: {  	[smem:$0x3FA0] =	sst s0  }
0x9: {  	[smem:$0x3FA1] =	sst s1  }
0xa: {  	[smem:$0x3FA2] =	sst s2  }
0xb: {  	[smem:$0x3FA3] =	sst s3  }
0xc: {  	[smem:$0x3FA4] =	sst s4  }
0xd: {  	[smem:$0x3FA5] =	sst s5  }
0xe: {  	[smem:$0x3FA6] =	sst s6  }
0xf: {  	[smem:$0x3FA7] =	sst s7  }
0x10: {  	[smem:$0x3FA8] =	sst s8  }
0x11: {  	[smem:$0x3FA9] =	sst s9;
	s0 =	simm.s32 @!p0 $0x0  }
0x12: {  	s1 =	sld [smem:$0x3F8F];
	s0 =	simm.s32 @p0 $0x1  }
0x13: {  	[smem:$0x3FAA] =	sst s0;
	s0 =	simm.s32 @!p1 $0x0  }
0x14: {  	s2 =	sld [smem:$0x3F8E];
	s0 =	simm.s32 @p1 $0x1  }
0x15: {  	[smem:$0x3FAB] =	sst s0;
	s0 =	simm.s32 @!p2 $0x0  }
0x16: {  	s3 =	sld [smem:$0x3FDB];
	s0 =	simm.s32 @p2 $0x1  }
0x17: {  	s4 =	simm.s32 $0x1BF5;
	[smem:$0x3FAD] =	sst s0  }
0x18: {  	s0 =	sld [smem:$0x3F90];
	_ =	swait.ge [sflag:s4], $0x0  }
0x19: {  	s7 =	sld [smem:$0x3F91]  }
0x1a: {  	s8 =	sadd.s32 $0xFFFFE003, lr  }
0x1b: {  	s9 =	sadd.s32 $0xFFFFFEF7, lr;
	s5 =	simm.s32 $0xFFFFFFFF;
	p2 =	slt.u32 s8, $0xFFFFF086  }
0x1c: {  	p1 =	slt.u32 s9, $0xF7A;
	s5 =	simm.s32 @!p2 $0x0  }
0x1d: {  	s5 =	simm.s32 @p1 $0x1;
	p0 =	seq.s32 s7, s2  }
0x1e: {  	s7 =	smul.u32 @!p0 $0xF7A, s2;
	p2 =	seq.s32 @!p0 s5, $0x0  }
0x1f: {  	s9 =	smul.u32 $0xF7A, s1;
	s8 =	simm.s32 @!p0 $0x1BF5;
	p2 =	por !p2, p0  }
0x20: {  	[sflag:s8] =	ssyncset.s32 @!p0 $0xFFFFF086;
	s6 =	sadd.s32 @!p0 s3, s7;
	s7 =	simm.s32 @!p0 $0x108  }
0x21: {  	s3 =	sadd.s32 s3, s9;
	s6 =	sadd.s32 @!p0 $0x88, s6;
	s7 =	simm.s32 @p2 $0x1082  }
0x22: {  	[simem:s7], [sflag:s8] =	dma.local @!p0 [hbm:s6], $0xF7A  }
0x23: {  	s9 =	sor.u32 $0xD0000000, s2;
	s6 =	simm.s32 $0x108;
	_ =	swait.ge @!p0 [sflag:s8], $0x0  }
0x24: {  	s3 =	sadd.s32 $0x88, s3;
	s6 =	simm.s32 @!p1 $0x1082;
	[sflag:s4] =	ssyncset.s32 $0xFFFFF086  }
0x25: {  	[simem:s6], [sflag:s4] =	dma.local [hbm:s3], $0xF7A  }
0x26: {  	[smem:$0x3F91] =	sst s1;
	(tag) =	ssettag s2;
	_ =	strace s9  }
0x27: {  	s1 =	sld [smem:$0x3FA1]  }
0x28: {  	s2 =	sld [smem:$0x3FA2]  }
0x29: {  	s4 =	sld [smem:$0x3FA4]  }
0x2a: {  	p0 =	seq.s32 s5, $0x0;
	s5 =	sld [smem:$0x3FA5]  }
0x2b: {  	s6 =	sld [smem:$0x3FA6]  }
0x2c: {  	s7 =	sld [smem:$0x3FA7]  }
0x2d: {  	s3 =	simm.s32 $0x108;
	s8 =	sld [smem:$0x3FA8]  }
0x2e: {  	s3 =	simm.s32 @!p0 $0x1082;
	s9 =	sld [smem:$0x3FA9]  }
0x2f: {  	lr =	sadd.s32 s0, s3;
	s0 =	sld [smem:$0x3FA0]  }
0x30: {  	s3 =	sld [smem:$0x3FA3]  }
0x31: {  	[smem:$0x3FAC] =	sst s10  }
0x32: {  	s10 =	sld [smem:$0x3FAA];
	_ =	sdelay $0x3  }
0x33: {  	p0 =	seq.s32 s10, $0x1;
	s10 =	sld [smem:$0x3FAC];
	_ =	sdelay $0x3  }
0x34: {  	[smem:$0x3FAC] =	sst s10  }
0x35: {  	s10 =	sld [smem:$0x3FAB];
	_ =	sdelay $0x3  }
0x36: {  	p1 =	seq.s32 s10, $0x1;
	s10 =	sld [smem:$0x3FAC];
	_ =	sdelay $0x3  }
0x37: {  	[smem:$0x3FAC] =	sst s10  }
0x38: {  	s10 =	sld [smem:$0x3FAD]  }
0x39: {  	_ = 	snop;
	(pc) =	sbr.ind lr, $3  }
0x3a: {  	_ = 	snop  }
0x3b: {  	_ = 	snop  }
0x3c: {  	p2 =	seq.s32 s10, $0x1;
	s10 =	sld [smem:$0x3FAC]  }
0x3d: {  	_ =	shalt  }
0x3e: {  	_ =	shalt  }
0x3f: {  	_ =	shalt  }
0x40: {  	_ =	shalt  }
0x41: {  	_ =	shalt  }
0x42: {  	_ =	shalt  }
0x43: {  	_ =	shalt  }
0x44: {  	_ =	shalt  }
0x45: {  	_ =	shalt  }
0x46: {  	_ =	shalt  }
0x47: {  	_ =	shalt  }
0x48: {  	_ =	shalt  }
0x49: {  	_ =	shalt  }
0x4a: {  	_ =	shalt  }
0x4b: {  	_ =	shalt  }
0x4c: {  	_ =	shalt  }
0x4d: {  	_ =	shalt  }
0x4e: {  	_ =	shalt  }
0x4f: {  	_ =	shalt  }
0x50: {  	_ =	shalt  }
0x51: {  	_ =	shalt  }
0x52: {  	_ =	shalt  }
0x53: {  	_ =	shalt  }
0x54: {  	_ =	shalt  }
0x55: {  	_ =	shalt  }
0x56: {  	_ =	shalt  }
0x57: {  	_ =	shalt  }
0x58: {  	_ =	shalt  }
0x59: {  	_ =	shalt  }
0x5a: {  	_ =	shalt  }
0x5b: {  	_ =	shalt  }
0x5c: {  	_ =	shalt  }
0x5d: {  	_ =	shalt  }
0x5e: {  	_ =	shalt  }
0x5f: {  	_ =	shalt  }
0x60: {  	_ =	shalt  }
0x61: {  	_ =	shalt  }
0x62: {  	_ =	shalt  }
0x63: {  	_ =	shalt  }
0x64: {  	_ =	shalt  }
0x65: {  	_ =	shalt  }
0x66: {  	_ =	shalt  }
0x67: {  	_ =	shalt  }
0x68: {  	_ =	shalt  }
0x69: {  	_ =	shalt  }
0x6a: {  	_ =	shalt  }
0x6b: {  	_ =	shalt  }
0x6c: {  	_ =	shalt  }
0x6d: {  	_ =	shalt  }
0x6e: {  	_ =	shalt  }
0x6f: {  	_ =	shalt  }
0x70: {  	_ =	shalt  }
0x71: {  	_ =	shalt  }
0x72: {  	_ =	shalt  }
0x73: {  	_ =	shalt  }
0x74: {  	_ =	shalt  }
0x75: {  	_ =	shalt  }
0x76: {  	_ =	shalt  }
0x77: {  	_ =	shalt  }
0x78: {  	_ =	shalt  }
0x79: {  	_ =	shalt  }
0x7a: {  	_ =	shalt  }
0x7b: {  	_ =	shalt  }
0x7c: {  	_ =	shalt  }
0x7d: {  	_ =	shalt  }
0x7e: {  	_ =	shalt  }
0x7f: {  	_ =	shalt  }
0x80: {  	_ =	shalt  }
0x81: {  	_ =	shalt  }
0x82: {  	_ =	shalt  }
0x83: {  	_ =	shalt  }
0x84: {  	_ =	shalt  }
0x85: {  	_ =	shalt  }
0x86: {  	_ =	shalt  }
0x87: {  	_ =	shalt  }
.Lfunc_end0:
.L_simem_size_0:
called_computation.2_lowered:
.L_overlay_start_0:
0x88: {  	s2 =	sld [smem:$0x3FD9]  }
0x89: {  	s3 =	sld [smem:$0x3FFE];
	_ =	sdelay $0x1  }
0x8a: {  	s1 =	srdreg.scid  }
0x8b: {  	s0 =	sand.u32 $0x1, s1  }
0x8c: {  	s17 =	sshll.u32 s0, $0xA;
	s2 =	sadd.s32 s3, s2  }
0x8d: {  	s2 =	sadd.s32 s2, s17  }
0x8e: {  	[smem:$0x3FB8] =	sst s2  }
0x8f: {  	_ = 	snop  }
0x90: {  	(tm) =	ssettm $0x1  }
0x91: {  	s18 =	sld [smem:$0x3FFB];
	_ =	sdelay $0x3  }
0x92: {  	_ =	strace s18  }
0x93: {  	s2 =	sld [smem:$0x3FFC];
	_ =	sdelay $0x3  }
0x94: {  	_ =	strace s2  }
0x95: {  	s2 =	sld [smem:$0x3FFD];
	_ =	sdelay $0x3  }
0x96: {  	_ =	strace s2  }
0x97: {  	_ =	strace $0x8FFFFFFF  }
0x98: {  	s19 =	sld [smem:$0x3FDB];
	_ =	sdelay $0x1  }
0x99: {  	s20 =	simm.s32 $_scs_section_size  }
0x9a: {  	s4 =	simm.s32 $_size__tile_overlayer_lowered;
	s5 =	simm.s32 $_tile_overlayer_lowered  }
0x9b: {  	s6 =	simm.s32 $0x1BFF;
	s21 =	sshll.u32 s5, $0x1;
	s3 =	sadd.s32 s20, s19  }
0x9c: {  	s22 =	simm.s32 $0x0;
	s4 =	sshll.u32 s4, $0x1;
	s5 =	sadd.s32 s21, s3  }
0x9d: {  	[timem:s22], [sflag:s6] =	dma.local [hbm:s5], s4  }
0x9e: {  	_ =	swait.ge [sflag:s6], s4  }
0x9f: {  	s4 =	ssub.s32 $0x0, s4;
	[sflag:s6] =	ssyncset.done $0x0  }
0xa0: {  	[sflag:s6] =	ssyncadd.s32 s4;
	_ =	sdelay $0x1  }
0xa1: {  	s23 =	simm.s32 $0x1B8B  }
0xa2: {  	_ =	swait.ge [sflag:s23], $0x1  }
0xa3: {  	[sflag:s23] =	ssyncset.done $0x0  }
0xa4: {  	[sflag:s23] =	ssyncadd.s32 $0xFFFFFFFF  }
0xa5: {  	s4 =	sld [smem:$0x0]  }
0xa6: {  	s5 =	sand.u32 $0xFFFFFFFE, s1  }
0xa7: {  	p0 =	sne.s32 s1, s5  }
0xa8: {  	s5 =	sshll.u32 @p0 s5, $0xE  }
0xa9: {  	s5 =	sadd.s32 @p0 $0x11B8D, s5;
	s6 =	sshll.u32 @p0 s4, $0x11  }
0xaa: {  	s5 =	sor.u32 @p0 s6, s5  }
0xab: {  	[sflag:s5] =	ssyncadd.remote.s32 @p0 $0x1;
	_ =	sdelay $0x1  }
0xac: {  	s5 =	simm.s32 @p0 $0x1B8D  }
0xad: {  	_ =	swait.eq @p0 [sflag:s5], $0x1  }
0xae: {  	[sflag:s5] =	ssyncadd.s32 @p0 $0xFFFFFFFF  }
0xaf: {  	s6 =	sshll.u32 @!p0 s1, $0xE  }
0xb0: {  	s6 =	sor.u32 @!p0 $0x4000, s6;
	s5 =	simm.s32 @!p0 $0x1B8D  }
0xb1: {  	s4 =	sshll.u32 @!p0 s4, $0x11;
	s6 =	sadd.s32 @!p0 $0x11B8D, s6;
	_ =	swait.eq @!p0 [sflag:s5], $0x1  }
0xb2: {  	s4 =	sor.u32 @!p0 s4, s6;
	[sflag:s5] =	ssyncadd.s32 @!p0 $0xFFFFFFFF  }
0xb3: {  	s25 =	simm.s32 $0x1B8E;
	s24 =	sld [smem:$0x3FFE];
	[sflag:s4] =	ssyncadd.remote.s32 @!p0 $0x1  }
0xb4: {  	s26 =	simm.s32 $execute0_lowered;
	[smem:$0x3FD2] =	sst s25  }
0xb5: {  	s5 =	sshll.u32 s26, $0x1;
	_ =	strace $0x8000004C;
	[dreg:$0x1] =	wrdreg $0xFFFFFFFF  }
0xb6: {  	s28 =	simm.s32 $_size_execute0_lowered;
	s3 =	sadd.s32 s3, s5;
	[dreg:$0x0] =	wrdreg $0x0  }
0xb7: {  	s5 =	sshll.u32 s28, $0x1;
	[dreg:$0x2] =	wrdreg s3  }
0xb8: {  	[dreg:$0x3] =	wrdreg s5  }
0xb9: {  	[dreg:$0x4] =	wrdreg $0xC0  }
0xba: {  	_ =	task [dreg:s22], $0x5FFFF  }
0xbb: {  	[dreg:$0x1] =	wrdreg $0xFFFFFFFF  }
0xbc: {  	[dreg:$0x0] =	wrdreg $0x60  }
0xbd: {  	[dreg:$0x2] =	wrdreg s24  }
0xbe: {  	[dreg:$0x3] =	wrdreg $0xB8000  }
0xbf: {  	[dreg:$0x4] =	wrdreg $0xA  }
0xc0: {  	_ =	task.clear_ibuf [dreg:s22], $0x5FFFF;
	_ =	strace $0x9000004C  }
0xc1: {  	s29 =	simm.s32 $0xA;
	_ =	strace $0x8000004E  }
0xc2: {  	_ =	swait.ge [sflag:s29], $0x1  }
0xc3: {  	[sflag:s29] =	ssyncadd.s32 $0xFFFFFFFF  }
0xc4: {  	_ =	strace $0x9000004E  }
0xc5: {  	_ =	sfence  }
0xc6: {  	s30 =	sld [smem:$0x0];
	_ =	sdelay $0x2  }
0xc7: {  	s31 =	sshll.u32 s1, $0xD;
	s1 =	sshrl.u32 s1, $0x2  }
0xc8: {  	s4 =	sand.u32 $0x4000, s31;
	s1 =	sadd.s32 s1, s30  }
0xc9: {  	s0 =	sor.u32 s4, s0;
	s1 =	sshll.u32 s1, $0x11  }
0xca: {  	s0 =	sor.u32 s1, s0  }
0xcb: {  	s0 =	sadd.s32 $0x8F2B, s0  }
0xcc: {  	[sflag:s0] =	ssyncadd.remote.s32 $0x1  }
0xcd: {  	_ =	sfence.sel $0xFFFF  }
0xce: {  	[dreg:$0x0] =	wrdreg $0xFFFFFFFF;
	(pc) =	sbr.abs _section_cstart, $3  }
0xcf: {  	[dreg:$0x1] =	wrdreg $0xFFFFFFFF  }
0xd0: {  	_ =	task.clear_ibuf [dreg:s22], $0x2FFFF;
	_ =	strace $0x9FFFFFFF  }
0xd1: {  	(tm) =	ssettm $0x7FFFFFFF  }
tec
execute0_lowered:
.L_overlay_start_1:
0x0: {  	(tag) =	ssettag $0x1  }
0x1: {  	s0 =	rddreg [dreg:$0x0]  }
0x2: {  	s2 =	rddreg [dreg:$0x1];
	s3 =	simm.s32 $0x0  }
0x3: {  	s1 =	srdreg.scid;
	s17 =	stileid.u32;
	s29 =	simm.s32 $0x4000  }
0x4: {  	s30 =	simm.s32 $0x7;
	s31 =	simm.s32 $0x6800;
	s5 =	smul.u32 $0x280, s17  }
0x5: {  	s1 =	sand.u32 $0x1, s1;
	s4 =	sshll.u32 s17, $0x1;
	s7 =	smul.u32 $0x50000, s17  }
0x6: {  	[smem:$0x7FF] =	sst s3;
	s12 =	sadd.s32 $0x57C600, s0;
	s20 =	smul.u32 $0x4E200, s17  }
0x7: {  	s17 =	simm.s32 $0x5;
	s10 =	sor.u32 s1, s4;
	s22 =	smul.u32 $0x2800, s1  }
0x8: {  	_ =	strace $0x8000004D;
	s23 =	ssub.s32 $0x2, s1;
	s1 =	smul.u32 $0x27100, s1  }
0x9: {  	s6 =	sshll.u32 s10, $0xB;
	s24 =	sshrl.u32 s7, $0x2;
	s11 =	smul.u32 $0x138800, s10  }
0xa: {  	s25 =	sshrl.u32 s23, $0x1;
	s15 =	smul.u32 $0x27100, s10;
	s4 =	sadd.s32 s5, s22  }
0xb: {  	s13 =	sadd.s32 s6, s0;
	s14 =	ssub.s32 s23, s25;
	s4 =	sshll.u32 s4, $0x4  }
0xc: {  	s16 =	sshrl.u32 s11, $0x3;
	s13 =	sadd.s32 $0x3400, s13;
	s0 =	sadd.s32 s4, s0  }
0xd: {  	s4 =	sadd.s32 s24, s2;
	s16 =	sadd.s32 s12, s16;
	[dreg:$0x3] =	wrdreg s13  }
0xe: {  	s13 =	sadd.s32 s12, s15;
	s12 =	sadd.s32 s20, s12;
	s15 =	simm.s32 $0x4  }
0xf: {  	s5 =	sadd.s32 $0x2800, s4;
	s6 =	sadd.s32 $0x5000, s4;
	s26 =	sadd.s32 $0x500, s16  }
0x10: {  	s7 =	sadd.s32 $0x7800, s4;
	s18 =	sadd.s32 $0xA00, s16;
	[dreg:$0x4] =	wrdreg s26  }
0x11: {  	s8 =	sadd.s32 $0xA000, s4;
	s19 =	sadd.s32 $0x13400, s0;
	[dreg:$0x5] =	wrdreg s18  }
0x12: {  	s9 =	sadd.s32 $0xC800, s4;
	s21 =	sadd.s32 $0x13900, s0;
	[dreg:$0x6] =	wrdreg s19  }
0x13: {  	s10 =	sadd.s32 $0xF000, s4;
	s22 =	sadd.s32 $0x13E00, s0;
	[dreg:$0x7] =	wrdreg s21  }
0x14: {  	s11 =	sadd.s32 $0x11800, s4;
	s23 =	sadd.s32 $0x14300, s0;
	[dreg:$0x8] =	wrdreg s22  }
0x15: {  	s24 =	sadd.s32 $0x14800, s0;
	s25 =	sadd.s32 $0x14D00, s0;
	[dreg:$0x9] =	wrdreg s23  }
0x16: {  	s1 =	sadd.s32 s1, s12;
	s28 =	sadd.s32 $0x26C00, s13;
	[dreg:$0xa] =	wrdreg s24  }
0x17: {  	s12 =	simm.s32 $0x50;
	s16 =	simm.s32 $0x3;
	[dreg:$0xb] =	wrdreg s25  }
0x18: {  	s26 =	sadd.s32 $0x15200, s0;
	s0 =	sadd.s32 $0x15700, s0;
	s24 =	smax.u32 s14, $0x1  }
0x19: {  	s25 =	sadd.s32 $0x1900, s1;
	s1 =	simm.s32 $0x1;
	s14 =	simm.s32 $0x2  }
0x1a: {  	s18 =	simm.s32 $0x6;
	s19 =	simm.s32 $0x0;
	[dreg:$0xc] =	wrdreg s26  }
0x1b: {  	v0 =	vimm.f32 $0.0e+00;
	[dreg:$0xd] =	wrdreg s0;
	s26 =	sadd.s32 $0x26700, s13;
	s0 =	simm.s32 $0x9000  }
.LBB2_1:
0x1c: {  	s20 =	simm.s32 $0x0;
	s21 =	simm.s32 $0x200  }
.LBB2_2:
0x1d: {  	p0 =	sne.s32 s21, $0x9E00;
	[tilespmem:s20+$0x4070] =	vst v0  }
0x1e: {  	[tilespmem:s20+$0x4000] =	vst v0  }
0x1f: {  	[tilespmem:s20+$0x4010] =	vst v0  }
.Ltmp0:
0x20: {  	[tilespmem:s20+$0x4020] =	vst v0;
	(pc) =	sbr.rel @p0 .LBB2_2-.Ltmp0, $4  }
0x21: {  	[tilespmem:s20+$0x4030] =	vst v0  }
0x22: {  	[tilespmem:s20+$0x4040] =	vst v0  }
0x23: {  	[tilespmem:s20+$0x4050] =	vst v0  }
0x24: {  	[tilespmem:s20+$0x4060] =	vst v0;
	s20 =	sshra.s32 s21, $0x2;
	s21 =	sadd.s32 $0x200, s21  }
0x25: {  	[tilespmem:s20+$0x4070] =	vst v0  }
0x26: {  	[tilespmem:s20+$0x4000] =	vst v0  }
0x27: {  	[tilespmem:s20+$0x4010] =	vst v0  }
0x28: {  	[tilespmem:s20+$0x4020] =	vst v0  }
0x29: {  	[tilespmem:s20+$0x4030] =	vst v0  }
0x2a: {  	[tilespmem:s20+$0x4040] =	vst v0  }
0x2b: {  	[tilespmem:s20+$0x4050] =	vst v0  }
0x2c: {  	[tilespmem:s20+$0x4060] =	vst v0  }
0x2d: {  	[spmem:s4] =	stream.linear.scatter [tilespmem:s29], [sflag:$0x7], $0x2800, $0x38;
	[tilespmem:$0x1F800] =	vst v63  }
0x2e: {  	_ =	swait.ge [sflag:s30], $0x2800  }
0x2f: {  	[sflag:s30] =	ssyncset.done $0x0  }
0x30: {  	[sflag:s30] =	ssyncadd.s32 $0xFFFFD800  }
0x31: {  	[spmem:s5] =	stream.linear.scatter [tilespmem:s29], [sflag:$0x7], $0x2800, $0x38;
	[tilespmem:$0x1F800] =	vst v63  }
0x32: {  	_ =	swait.ge [sflag:s30], $0x2800  }
0x33: {  	[sflag:s30] =	ssyncset.done $0x0  }
0x34: {  	[sflag:s30] =	ssyncadd.s32 $0xFFFFD800  }
0x35: {  	[spmem:s6] =	stream.linear.scatter [tilespmem:s29], [sflag:$0x7], $0x2800, $0x38;
	[tilespmem:$0x1F800] =	vst v63  }
0x36: {  	_ =	swait.ge [sflag:s30], $0x2800  }
0x37: {  	[sflag:s30] =	ssyncset.done $0x0  }
0x38: {  	[sflag:s30] =	ssyncadd.s32 $0xFFFFD800  }
0x39: {  	[spmem:s7] =	stream.linear.scatter [tilespmem:s29], [sflag:$0x7], $0x2800, $0x38;
	[tilespmem:$0x1F800] =	vst v63  }
0x3a: {  	_ =	swait.ge [sflag:s30], $0x2800  }
0x3b: {  	[sflag:s30] =	ssyncset.done $0x0  }
0x3c: {  	[sflag:s30] =	ssyncadd.s32 $0xFFFFD800  }
0x3d: {  	[spmem:s8] =	stream.linear.scatter [tilespmem:s29], [sflag:$0x7], $0x2800, $0x38;
	[tilespmem:$0x1F800] =	vst v63  }
0x3e: {  	_ =	swait.ge [sflag:s30], $0x2800  }
0x3f: {  	[sflag:s30] =	ssyncset.done $0x0  }
0x40: {  	[sflag:s30] =	ssyncadd.s32 $0xFFFFD800  }
0x41: {  	[spmem:s9] =	stream.linear.scatter [tilespmem:s29], [sflag:$0x7], $0x2800, $0x38;
	[tilespmem:$0x1F800] =	vst v63  }
0x42: {  	_ =	swait.ge [sflag:s30], $0x2800  }
0x43: {  	[sflag:s30] =	ssyncset.done $0x0  }
0x44: {  	[sflag:s30] =	ssyncadd.s32 $0xFFFFD800  }
0x45: {  	[spmem:s10] =	stream.linear.scatter [tilespmem:s29], [sflag:$0x7], $0x2800, $0x38;
	[tilespmem:$0x1F800] =	vst v63  }
0x46: {  	_ =	swait.ge [sflag:s30], $0x2800  }
0x47: {  	[sflag:s30] =	ssyncset.done $0x0  }
0x48: {  	[sflag:s30] =	ssyncadd.s32 $0xFFFFD800  }
0x49: {  	[spmem:s11] =	stream.linear.scatter [tilespmem:s29], [sflag:$0x7], $0x2800, $0x38;
	[tilespmem:$0x1F800] =	vst v63  }
0x4a: {  	_ =	swait.ge [sflag:s30], $0x2800  }
0x4b: {  	[sflag:s30] =	ssyncset.done $0x0  }
0x4c: {  	s20 =	simm.s32 $0x0;
	s21 =	rddreg [dreg:$0x3];
	[sflag:s30] =	ssyncadd.s32 $0xFFFFD800  }
0x4d: {  	[tilespmem:s20], [sflag:$0x7] =	stream.linear.gather [hbm4b:s21+s20], $0x3E80, $0x38;
	[tilespmem:$0x1F800] =	vst v63  }
0x4e: {  	_ =	swait.ge [sflag:s30], $0x3E80  }
0x4f: {  	[sflag:s30] =	ssyncset.done $0x0  }
0x50: {  	[sflag:s30] =	ssyncadd.s32 $0xFFFFC180  }
0x51: {  	[bflag:$0x0] =	sbarrier.arrive $0xFFFF  }
0x52: {  	[tilespmem:s29], [sflag:$0x1] =	stream.linear.gather [hbm4b:s13+s20], $0x2800, $0x38;
	[tilespmem:$0x1F800] =	vst v63  }
0x53: {  	s22 =	rddreg [dreg:$0x4]  }
0x54: {  	[tilespmem:s31], [sflag:$0x2] =	stream.linear.gather [hbm4b:s22+s20], $0x2800, $0x38;
	[tilespmem:$0x1F800] =	vst v63  }
0x55: {  	s23 =	rddreg [dreg:$0x5]  }
0x56: {  	[tilespmem:s0], [sflag:$0x3] =	stream.linear.gather [hbm4b:s23+s20], $0x2800, $0x38;
	[tilespmem:$0x1F800] =	vst v63  }
0x57: {  	_ =	swait.ge [sflag:s1], $0x2800  }
0x58: {  	[sflag:s1] =	ssyncset.done $0x0  }
0x59: {  	[sflag:s1] =	ssyncadd.s32 $0xFFFFD800  }
0x5a: {  	[spmem:s2] =	stream.indirect.scatter.add.f32 [tilespmem:s29], [sflag:$0x4], $0x80, s20, s12, $0xb8;
	[tilespmem:$0x1F800] =	vst v63  }
0x5b: {  	_ =	swait.ge [sflag:s14], $0x2800  }
0x5c: {  	[sflag:s14] =	ssyncset.done $0x0  }
0x5d: {  	s22 =	simm.s32 $0x80;
	[sflag:s14] =	ssyncadd.s32 $0xFFFFD800  }
0x5e: {  	[spmem:s2] =	stream.indirect.scatter.add.f32 [tilespmem:s31], [sflag:$0x5], $0x80, s22, s12, $0xb8;
	[tilespmem:$0x1F800] =	vst v63  }
0x5f: {  	_ =	swait.ge [sflag:s15], $0x2800  }
0x60: {  	[sflag:s15] =	ssyncset.done $0x0  }
0x61: {  	s23 =	sadd.s32 $0xFFFFF600, s25;
	[sflag:s15] =	ssyncadd.s32 $0xFFFFD800  }
0x62: {  	[tilespmem:s29], [sflag:$0x1] =	stream.linear.gather [hbm4b:s23+s3], $0x2800, $0x38;
	[tilespmem:$0x1F800] =	vst v63  }
0x63: {  	_ =	swait.ge [sflag:s16], $0x2800  }
0x64: {  	[sflag:s16] =	ssyncset.done $0x0  }
0x65: {  	s21 =	simm.s32 $0x100;
	[sflag:s16] =	ssyncadd.s32 $0xFFFFD800  }
0x66: {  	[spmem:s2] =	stream.indirect.scatter.add.f32 [tilespmem:s0], [sflag:$0x6], $0x80, s21, s12, $0xb8;
	[tilespmem:$0x1F800] =	vst v63  }
0x67: {  	_ =	swait.ge [sflag:s17], $0x2800  }
0x68: {  	[sflag:s17] =	ssyncset.done $0x0  }
0x69: {  	s22 =	sadd.s32 $0xFFFFFB00, s25;
	[sflag:s17] =	ssyncadd.s32 $0xFFFFD800  }
0x6a: {  	[tilespmem:s31], [sflag:$0x2] =	stream.linear.gather [hbm4b:s22+s3], $0x2800, $0x38;
	[tilespmem:$0x1F800] =	vst v63  }
0x6b: {  	_ =	swait.ge [sflag:s1], $0x2800  }
0x6c: {  	[sflag:s1] =	ssyncset.done $0x0  }
0x6d: {  	s23 =	simm.s32 $0x180;
	[sflag:s1] =	ssyncadd.s32 $0xFFFFD800  }
0x6e: {  	[spmem:s2] =	stream.indirect.scatter.add.f32 [tilespmem:s29], [sflag:$0x4], $0x80, s23, s12, $0xb8;
	[tilespmem:$0x1F800] =	vst v63  }
0x6f: {  	_ =	swait.ge [sflag:s18], $0x2800  }
0x70: {  	[sflag:s18] =	ssyncset.done $0x0  }
0x71: {  	[sflag:s18] =	ssyncadd.s32 $0xFFFFD800  }
0x72: {  	[tilespmem:s0], [sflag:$0x3] =	stream.linear.gather [hbm4b:s25+s3], $0x2800, $0x38;
	[tilespmem:$0x1F800] =	vst v63  }
0x73: {  	_ =	swait.ge [sflag:s14], $0x2800  }
0x74: {  	s20 =	simm.s32 $0x600;
	[sflag:s14] =	ssyncset.done $0x0  }
0x75: {  	s21 =	sadd.s32 $0xF00, s25;
	s22 =	simm.s32 $0x200;
	[sflag:s14] =	ssyncadd.s32 $0xFFFFD800  }
.LBB2_4:
0x76: {  	[spmem:s2] =	stream.indirect.scatter.add.f32 [tilespmem:s31], [sflag:$0x5], $0x80, s22, s12, $0xb8;
	[tilespmem:$0x1F800] =	vst v63  }
0x77: {  	s22 =	smov.u32 s20  }
0x78: {  	p0 =	sne.s32 s20, $0xEA00;
	s20 =	sadd.s32 $0x600, s20;
	_ =	swait.ge [sflag:s15], $0x2800  }
0x79: {  	[sflag:s15] =	ssyncset.done $0x0  }
0x7a: {  	s23 =	sadd.s32 $0xFFFFF600, s21;
	[sflag:s15] =	ssyncadd.s32 $0xFFFFD800  }
0x7b: {  	[tilespmem:s29], [sflag:$0x1] =	stream.linear.gather [hbm4b:s23+s3], $0x2800, $0x38;
	[tilespmem:$0x1F800] =	vst v63  }
0x7c: {  	_ =	swait.ge [sflag:s16], $0x2800  }
0x7d: {  	s22 =	sshra.s32 s22, $0x2;
	[sflag:s16] =	ssyncset.done $0x0  }
0x7e: {  	s23 =	sadd.s32 $0x100, s22;
	[sflag:s16] =	ssyncadd.s32 $0xFFFFD800  }
0x7f: {  	[spmem:s2] =	stream.indirect.scatter.add.f32 [tilespmem:s0], [sflag:$0x6], $0x80, s23, s12, $0xb8;
	[tilespmem:$0x1F800] =	vst v63  }
0x80: {  	_ =	swait.ge [sflag:s17], $0x2800  }
0x81: {  	[sflag:s17] =	ssyncset.done $0x0  }
0x82: {  	s23 =	sadd.s32 $0xFFFFFB00, s21;
	[sflag:s17] =	ssyncadd.s32 $0xFFFFD800  }
0x83: {  	[tilespmem:s31], [sflag:$0x2] =	stream.linear.gather [hbm4b:s23+s3], $0x2800, $0x38;
	[tilespmem:$0x1F800] =	vst v63  }
0x84: {  	_ =	swait.ge [sflag:s1], $0x2800  }
0x85: {  	[sflag:s1] =	ssyncset.done $0x0  }
0x86: {  	s23 =	sadd.s32 $0x180, s22;
	[sflag:s1] =	ssyncadd.s32 $0xFFFFD800  }
0x87: {  	[spmem:s2] =	stream.indirect.scatter.add.f32 [tilespmem:s29], [sflag:$0x4], $0x80, s23, s12, $0xb8;
	[tilespmem:$0x1F800] =	vst v63  }
0x88: {  	_ =	swait.ge [sflag:s18], $0x2800  }
0x89: {  	[sflag:s18] =	ssyncset.done $0x0  }
.Ltmp1:
0x8a: {  	[sflag:s18] =	ssyncadd.s32 $0xFFFFD800;
	(pc) =	sbr.rel @p0 .LBB2_4-.Ltmp1, $4  }
0x8b: {  	[tilespmem:s0], [sflag:$0x3] =	stream.linear.gather [hbm4b:s21+s3], $0x2800, $0x38;
	[tilespmem:$0x1F800] =	vst v63  }
0x8c: {  	_ =	swait.ge [sflag:s14], $0x2800  }
0x8d: {  	[sflag:s14] =	ssyncset.done $0x0  }
0x8e: {  	s22 =	sadd.s32 $0x200, s22;
	s21 =	sadd.s32 $0xF00, s21;
	[sflag:s14] =	ssyncadd.s32 $0xFFFFD800  }
0x8f: {  	[spmem:s2] =	stream.indirect.scatter.add.f32 [tilespmem:s31], [sflag:$0x5], $0x80, s22, s12, $0xb8;
	[tilespmem:$0x1F800] =	vst v63  }
0x90: {  	_ =	swait.ge [sflag:s15], $0x2800  }
0x91: {  	[sflag:s15] =	ssyncset.done $0x0  }
0x92: {  	[sflag:s15] =	ssyncadd.s32 $0xFFFFD800  }
0x93: {  	[tilespmem:s29], [sflag:$0x1] =	stream.linear.gather [hbm4b:s26+s3], $0x2800, $0x38;
	[tilespmem:$0x1F800] =	vst v63  }
0x94: {  	_ =	swait.ge [sflag:s16], $0x2800  }
0x95: {  	[sflag:s16] =	ssyncset.done $0x0  }
0x96: {  	s20 =	simm.s32 $0x3D00;
	[sflag:s16] =	ssyncadd.s32 $0xFFFFD800  }
0x97: {  	[spmem:s2] =	stream.indirect.scatter.add.f32 [tilespmem:s0], [sflag:$0x6], $0x80, s20, s12, $0xb8;
	[tilespmem:$0x1F800] =	vst v63  }
0x98: {  	_ =	swait.ge [sflag:s17], $0x2800  }
0x99: {  	[sflag:s17] =	ssyncset.done $0x0  }
0x9a: {  	[sflag:s17] =	ssyncadd.s32 $0xFFFFD800  }
0x9b: {  	[tilespmem:s31], [sflag:$0x2] =	stream.linear.gather [hbm4b:s28+s3], $0x2800, $0x38;
	[tilespmem:$0x1F800] =	vst v63  }
0x9c: {  	_ =	swait.ge [sflag:s1], $0x2800  }
0x9d: {  	[sflag:s1] =	ssyncset.done $0x0  }
0x9e: {  	s23 =	simm.s32 $0x3D80;
	[sflag:s1] =	ssyncadd.s32 $0xFFFFD800  }
0x9f: {  	[spmem:s2] =	stream.indirect.scatter.add.f32 [tilespmem:s29], [sflag:$0x4], $0x80, s23, s12, $0xb8;
	[tilespmem:$0x1F800] =	vst v63  }
0xa0: {  	_ =	swait.ge [sflag:s18], $0x2800  }
0xa1: {  	[sflag:s18] =	ssyncset.done $0x0  }
0xa2: {  	[sflag:s18] =	ssyncadd.s32 $0xFFFFD800  }
0xa3: {  	[tilespmem:s0], [sflag:$0x3] =	stream.linear.gather [hbm4b:s28+s3], $0x2800, $0x38;
	[tilespmem:$0x1F800] =	vst v63  }
0xa4: {  	_ =	swait.ge [sflag:s14], $0x2800  }
0xa5: {  	[sflag:s14] =	ssyncset.done $0x0  }
0xa6: {  	s21 =	simm.s32 $0x3E00;
	[sflag:s14] =	ssyncadd.s32 $0xFFFFD800  }
0xa7: {  	[spmem:s2] =	stream.indirect.scatter.add.f32 [tilespmem:s31], [sflag:$0x5], $0x80, s21, s12, $0xb8;
	[tilespmem:$0x1F800] =	vst v63  }
0xa8: {  	_ =	swait.ge [sflag:s15], $0x2800  }
0xa9: {  	[sflag:s15] =	ssyncset.done $0x0  }
0xaa: {  	[sflag:s15] =	ssyncadd.s32 $0xFFFFD800  }
0xab: {  	_ =	swait.ge [sflag:s17], $0x2800  }
0xac: {  	[sflag:s17] =	ssyncset.done $0x0  }
0xad: {  	[sflag:s17] =	ssyncadd.s32 $0xFFFFD800  }
0xae: {  	_ =	swait.ge [sflag:s16], $0x2800  }
0xaf: {  	[sflag:s16] =	ssyncset.done $0x0  }
0xb0: {  	[sflag:s16] =	ssyncadd.s32 $0xFFFFD800  }
0xb1: {  	[bflag:$0x0] =	sbarrier.arrive $0xFFFF  }
0xb2: {  	[tilespmem:s29], [sflag:$0x7] =	stream.linear.gather [spmem:s4], $0x2800, $0x38;
	[tilespmem:$0x1F800] =	vst v63  }
0xb3: {  	_ =	swait.ge [sflag:s30], $0x2800  }
0xb4: {  	[sflag:s30] =	ssyncset.done $0x0  }
0xb5: {  	s22 =	rddreg [dreg:$0x6];
	[sflag:s30] =	ssyncadd.s32 $0xFFFFD800  }
0xb6: {  	[hbm4b:s22+s3] =	stream.linear.scatter [tilespmem:s29], [sflag:$0x7], $0x2800, $0x38;
	[tilespmem:$0x1F800] =	vst v63  }
0xb7: {  	_ =	swait.ge [sflag:s30], $0x2800  }
0xb8: {  	[sflag:s30] =	ssyncset.done $0x0  }
0xb9: {  	[sflag:s30] =	ssyncadd.s32 $0xFFFFD800  }
0xba: {  	[tilespmem:s29], [sflag:$0x7] =	stream.linear.gather [spmem:s5], $0x2800, $0x38;
	[tilespmem:$0x1F800] =	vst v63  }
0xbb: {  	_ =	swait.ge [sflag:s30], $0x2800  }
0xbc: {  	[sflag:s30] =	ssyncset.done $0x0  }
0xbd: {  	s23 =	rddreg [dreg:$0x7];
	[sflag:s30] =	ssyncadd.s32 $0xFFFFD800  }
0xbe: {  	[hbm4b:s23+s3] =	stream.linear.scatter [tilespmem:s29], [sflag:$0x7], $0x2800, $0x38;
	[tilespmem:$0x1F800] =	vst v63  }
0xbf: {  	_ =	swait.ge [sflag:s30], $0x2800  }
0xc0: {  	[sflag:s30] =	ssyncset.done $0x0  }
0xc1: {  	[sflag:s30] =	ssyncadd.s32 $0xFFFFD800  }
0xc2: {  	[tilespmem:s29], [sflag:$0x7] =	stream.linear.gather [spmem:s6], $0x2800, $0x38;
	[tilespmem:$0x1F800] =	vst v63  }
0xc3: {  	_ =	swait.ge [sflag:s30], $0x2800  }
0xc4: {  	[sflag:s30] =	ssyncset.done $0x0  }
0xc5: {  	s21 =	rddreg [dreg:$0x8];
	[sflag:s30] =	ssyncadd.s32 $0xFFFFD800  }
0xc6: {  	[hbm4b:s21+s3] =	stream.linear.scatter [tilespmem:s29], [sflag:$0x7], $0x2800, $0x38;
	[tilespmem:$0x1F800] =	vst v63  }
0xc7: {  	_ =	swait.ge [sflag:s30], $0x2800  }
0xc8: {  	[sflag:s30] =	ssyncset.done $0x0  }
0xc9: {  	[sflag:s30] =	ssyncadd.s32 $0xFFFFD800  }
0xca: {  	[tilespmem:s29], [sflag:$0x7] =	stream.linear.gather [spmem:s7], $0x2800, $0x38;
	[tilespmem:$0x1F800] =	vst v63  }
0xcb: {  	_ =	swait.ge [sflag:s30], $0x2800  }
0xcc: {  	[sflag:s30] =	ssyncset.done $0x0  }
0xcd: {  	s22 =	rddreg [dreg:$0x9];
	[sflag:s30] =	ssyncadd.s32 $0xFFFFD800  }
0xce: {  	[hbm4b:s22+s3] =	stream.linear.scatter [tilespmem:s29], [sflag:$0x7], $0x2800, $0x38;
	[tilespmem:$0x1F800] =	vst v63  }
0xcf: {  	_ =	swait.ge [sflag:s30], $0x2800  }
0xd0: {  	[sflag:s30] =	ssyncset.done $0x0  }
0xd1: {  	[sflag:s30] =	ssyncadd.s32 $0xFFFFD800  }
0xd2: {  	[tilespmem:s29], [sflag:$0x7] =	stream.linear.gather [spmem:s8], $0x2800, $0x38;
	[tilespmem:$0x1F800] =	vst v63  }
0xd3: {  	_ =	swait.ge [sflag:s30], $0x2800  }
0xd4: {  	[sflag:s30] =	ssyncset.done $0x0  }
0xd5: {  	s23 =	rddreg [dreg:$0xa];
	[sflag:s30] =	ssyncadd.s32 $0xFFFFD800  }
0xd6: {  	[hbm4b:s23+s3] =	stream.linear.scatter [tilespmem:s29], [sflag:$0x7], $0x2800, $0x38;
	[tilespmem:$0x1F800] =	vst v63  }
0xd7: {  	_ =	swait.ge [sflag:s30], $0x2800  }
0xd8: {  	[sflag:s30] =	ssyncset.done $0x0  }
0xd9: {  	[sflag:s30] =	ssyncadd.s32 $0xFFFFD800  }
0xda: {  	[tilespmem:s29], [sflag:$0x7] =	stream.linear.gather [spmem:s9], $0x2800, $0x38;
	[tilespmem:$0x1F800] =	vst v63  }
0xdb: {  	_ =	swait.ge [sflag:s30], $0x2800  }
0xdc: {  	[sflag:s30] =	ssyncset.done $0x0  }
0xdd: {  	s21 =	rddreg [dreg:$0xb];
	[sflag:s30] =	ssyncadd.s32 $0xFFFFD800  }
0xde: {  	[hbm4b:s21+s3] =	stream.linear.scatter [tilespmem:s29], [sflag:$0x7], $0x2800, $0x38;
	[tilespmem:$0x1F800] =	vst v63  }
0xdf: {  	_ =	swait.ge [sflag:s30], $0x2800  }
0xe0: {  	[sflag:s30] =	ssyncset.done $0x0  }
0xe1: {  	[sflag:s30] =	ssyncadd.s32 $0xFFFFD800  }
0xe2: {  	[tilespmem:s29], [sflag:$0x7] =	stream.linear.gather [spmem:s10], $0x2800, $0x38;
	[tilespmem:$0x1F800] =	vst v63  }
0xe3: {  	_ =	swait.ge [sflag:s30], $0x2800  }
0xe4: {  	[sflag:s30] =	ssyncset.done $0x0  }
0xe5: {  	s22 =	rddreg [dreg:$0xc];
	[sflag:s30] =	ssyncadd.s32 $0xFFFFD800  }
0xe6: {  	[hbm4b:s22+s3] =	stream.linear.scatter [tilespmem:s29], [sflag:$0x7], $0x2800, $0x38;
	[tilespmem:$0x1F800] =	vst v63  }
0xe7: {  	_ =	swait.ge [sflag:s30], $0x2800  }
0xe8: {  	[sflag:s30] =	ssyncset.done $0x0  }
0xe9: {  	[sflag:s30] =	ssyncadd.s32 $0xFFFFD800  }
0xea: {  	[tilespmem:s29], [sflag:$0x7] =	stream.linear.gather [spmem:s11], $0x2800, $0x38;
	[tilespmem:$0x1F800] =	vst v63  }
0xeb: {  	s19 =	sadd.s32 $0x1, s19;
	_ =	swait.ge [sflag:s30], $0x2800  }
0xec: {  	p0 =	sne.s32 s19, s24;
	[sflag:s30] =	ssyncset.done $0x0  }
.Ltmp2:
0xed: {  	s23 =	rddreg [dreg:$0xd];
	[sflag:s30] =	ssyncadd.s32 $0xFFFFD800;
	(pc) =	sbr.rel @p0 .LBB2_1-.Ltmp2, $4  }
0xee: {  	[hbm4b:s23+s3] =	stream.linear.scatter [tilespmem:s29], [sflag:$0x7], $0x2800, $0x38;
	[tilespmem:$0x1F800] =	vst v63  }
0xef: {  	_ =	swait.ge [sflag:s30], $0x2800  }
0xf0: {  	[sflag:s30] =	ssyncset.done $0x0  }
0xf1: {  	[sflag:s30] =	ssyncadd.s32 $0xFFFFD800  }
0xf2: {  	_ =	sfence.sel $0x180000  }
0xf3: {  	[bflag:$0x0] =	sbarrier.arrive $0xFFFF  }
0xf4: {  	_ =	strace $0x9000004D  }
0xf5: {  	s0 =	stileid.u32;
	[bflag:$0x2] =	sbarrier.arrive $0xFFFF  }
0xf6: {  	p0 =	sne.s32 s0, $0x0;
	s0 =	rddreg [dreg:$0x2]  }
0xf7: {  	s0 =	sadd.s32 @!p0 $0x100000, s0  }
0xf8: {  	[sflag:s0] =	ssyncadd.tile.s32 @!p0 $0x1;
	_ =	shalt  }
.Lfunc_end2:
_tile_overlayer_lowered:
.L_overlay_start_2:
0xf9: {  	(tag) =	ssettag $0x2  }
0xfa: {  	s0 =	rddreg [dreg:$0x0];
	s2 =	stileid.u32  }
0xfb: {  	s1 =	rddreg [dreg:$0x1];
	p0 =	sne.s32 s2, $0x0  }
0xfc: {  	s3 =	rddreg [dreg:$0x2];
	[bflag:$0x3] =	sbarrier.arrive $0xFFFF;
	s2 =	simm.s32 @!p0 $0x1C07  }
0xfd: {  	[timem:s3], [sflag:s2] =	dma.local @!p0 [hbm:s0], s1  }
0xfe: {  	s0 =	simm.s32 @!p0 $0x7  }
0xff: {  	_ =	swait.ge @!p0 [sflag:s0], s1  }
0x100: {  	s1 =	ssub.s32 @!p0 $0x0, s1;
	[sflag:s0] =	ssyncset.done @!p0 $0x0  }
0x101: {  	[sflag:s0] =	ssyncadd.s32 @!p0 s1  }
0x102: {  	[bflag:$0x3] =	sbarrier.arrive $0xFFFF  }
0x103: {  	_ =	shalt  }

// kernel: kernel.8.cloned.1.call-start
scs
__scs_entry_jumppad:
0x0: {  	(pc) =	sbr.rel $0x88, $3  }
0x1: {  	(tag) =	ssettag $0x0;
	lr =	simm.s32 $0x1  }
0x2: {  	[smem:$0x3F91] =	sst lr;
	_ =	strace $0xD0000000  }
0x3: {  	_ = 	snop  }
0x4: {  	_ = 	snop  }
0x5: {  	_ = 	snop  }
0x6: {  	_ = 	snop  }
0x7: {  	_ = 	snop  }
__scs_overlays_trampoline_lowered:
0x8: {  	[smem:$0x3FA0] =	sst s0  }
0x9: {  	[smem:$0x3FA1] =	sst s1  }
0xa: {  	[smem:$0x3FA2] =	sst s2  }
0xb: {  	[smem:$0x3FA3] =	sst s3  }
0xc: {  	[smem:$0x3FA4] =	sst s4  }
0xd: {  	[smem:$0x3FA5] =	sst s5  }
0xe: {  	[smem:$0x3FA6] =	sst s6  }
0xf: {  	[smem:$0x3FA7] =	sst s7  }
0x10: {  	[smem:$0x3FA8] =	sst s8  }
0x11: {  	[smem:$0x3FA9] =	sst s9;
	s0 =	simm.s32 @!p0 $0x0  }
0x12: {  	s1 =	sld [smem:$0x3F8F];
	s0 =	simm.s32 @p0 $0x1  }
0x13: {  	[smem:$0x3FAA] =	sst s0;
	s0 =	simm.s32 @!p1 $0x0  }
0x14: {  	s2 =	sld [smem:$0x3F8E];
	s0 =	simm.s32 @p1 $0x1  }
0x15: {  	[smem:$0x3FAB] =	sst s0;
	s0 =	simm.s32 @!p2 $0x0  }
0x16: {  	s3 =	sld [smem:$0x3FDB];
	s0 =	simm.s32 @p2 $0x1  }
0x17: {  	s4 =	simm.s32 $0x1BF5;
	[smem:$0x3FAD] =	sst s0  }
0x18: {  	s0 =	sld [smem:$0x3F90];
	_ =	swait.ge [sflag:s4], $0x0  }
0x19: {  	s7 =	sld [smem:$0x3F91]  }
0x1a: {  	s8 =	sadd.s32 $0xFFFFE003, lr  }
0x1b: {  	s9 =	sadd.s32 $0xFFFFFEF7, lr;
	s5 =	simm.s32 $0xFFFFFFFF;
	p2 =	slt.u32 s8, $0xFFFFF086  }
0x1c: {  	p1 =	slt.u32 s9, $0xF7A;
	s5 =	simm.s32 @!p2 $0x0  }
0x1d: {  	s5 =	simm.s32 @p1 $0x1;
	p0 =	seq.s32 s7, s2  }
0x1e: {  	s7 =	smul.u32 @!p0 $0xF7A, s2;
	p2 =	seq.s32 @!p0 s5, $0x0  }
0x1f: {  	s9 =	smul.u32 $0xF7A, s1;
	s8 =	simm.s32 @!p0 $0x1BF5;
	p2 =	por !p2, p0  }
0x20: {  	[sflag:s8] =	ssyncset.s32 @!p0 $0xFFFFF086;
	s6 =	sadd.s32 @!p0 s3, s7;
	s7 =	simm.s32 @!p0 $0x108  }
0x21: {  	s3 =	sadd.s32 s3, s9;
	s6 =	sadd.s32 @!p0 $0x88, s6;
	s7 =	simm.s32 @p2 $0x1082  }
0x22: {  	[simem:s7], [sflag:s8] =	dma.local @!p0 [hbm:s6], $0xF7A  }
0x23: {  	s9 =	sor.u32 $0xD0000000, s2;
	s6 =	simm.s32 $0x108;
	_ =	swait.ge @!p0 [sflag:s8], $0x0  }
0x24: {  	s3 =	sadd.s32 $0x88, s3;
	s6 =	simm.s32 @!p1 $0x1082;
	[sflag:s4] =	ssyncset.s32 $0xFFFFF086  }
0x25: {  	[simem:s6], [sflag:s4] =	dma.local [hbm:s3], $0xF7A  }
0x26: {  	[smem:$0x3F91] =	sst s1;
	(tag) =	ssettag s2;
	_ =	strace s9  }
0x27: {  	s1 =	sld [smem:$0x3FA1]  }
0x28: {  	s2 =	sld [smem:$0x3FA2]  }
0x29: {  	s4 =	sld [smem:$0x3FA4]  }
0x2a: {  	p0 =	seq.s32 s5, $0x0;
	s5 =	sld [smem:$0x3FA5]  }
0x2b: {  	s6 =	sld [smem:$0x3FA6]  }
0x2c: {  	s7 =	sld [smem:$0x3FA7]  }
0x2d: {  	s3 =	simm.s32 $0x108;
	s8 =	sld [smem:$0x3FA8]  }
0x2e: {  	s3 =	simm.s32 @!p0 $0x1082;
	s9 =	sld [smem:$0x3FA9]  }
0x2f: {  	lr =	sadd.s32 s0, s3;
	s0 =	sld [smem:$0x3FA0]  }
0x30: {  	s3 =	sld [smem:$0x3FA3]  }
0x31: {  	[smem:$0x3FAC] =	sst s10  }
0x32: {  	s10 =	sld [smem:$0x3FAA];
	_ =	sdelay $0x3  }
0x33: {  	p0 =	seq.s32 s10, $0x1;
	s10 =	sld [smem:$0x3FAC];
	_ =	sdelay $0x3  }
0x34: {  	[smem:$0x3FAC] =	sst s10  }
0x35: {  	s10 =	sld [smem:$0x3FAB];
	_ =	sdelay $0x3  }
0x36: {  	p1 =	seq.s32 s10, $0x1;
	s10 =	sld [smem:$0x3FAC];
	_ =	sdelay $0x3  }
0x37: {  	[smem:$0x3FAC] =	sst s10  }
0x38: {  	s10 =	sld [smem:$0x3FAD]  }
0x39: {  	_ = 	snop;
	(pc) =	sbr.ind lr, $3  }
0x3a: {  	_ = 	snop  }
0x3b: {  	_ = 	snop  }
0x3c: {  	p2 =	seq.s32 s10, $0x1;
	s10 =	sld [smem:$0x3FAC]  }
0x3d: {  	_ =	shalt  }
0x3e: {  	_ =	shalt  }
0x3f: {  	_ =	shalt  }
0x40: {  	_ =	shalt  }
0x41: {  	_ =	shalt  }
0x42: {  	_ =	shalt  }
0x43: {  	_ =	shalt  }
0x44: {  	_ =	shalt  }
0x45: {  	_ =	shalt  }
0x46: {  	_ =	shalt  }
0x47: {  	_ =	shalt  }
0x48: {  	_ =	shalt  }
0x49: {  	_ =	shalt  }
0x4a: {  	_ =	shalt  }
0x4b: {  	_ =	shalt  }
0x4c: {  	_ =	shalt  }
0x4d: {  	_ =	shalt  }
0x4e: {  	_ =	shalt  }
0x4f: {  	_ =	shalt  }
0x50: {  	_ =	shalt  }
0x51: {  	_ =	shalt  }
0x52: {  	_ =	shalt  }
0x53: {  	_ =	shalt  }
0x54: {  	_ =	shalt  }
0x55: {  	_ =	shalt  }
0x56: {  	_ =	shalt  }
0x57: {  	_ =	shalt  }
0x58: {  	_ =	shalt  }
0x59: {  	_ =	shalt  }
0x5a: {  	_ =	shalt  }
0x5b: {  	_ =	shalt  }
0x5c: {  	_ =	shalt  }
0x5d: {  	_ =	shalt  }
0x5e: {  	_ =	shalt  }
0x5f: {  	_ =	shalt  }
0x60: {  	_ =	shalt  }
0x61: {  	_ =	shalt  }
0x62: {  	_ =	shalt  }
0x63: {  	_ =	shalt  }
0x64: {  	_ =	shalt  }
0x65: {  	_ =	shalt  }
0x66: {  	_ =	shalt  }
0x67: {  	_ =	shalt  }
0x68: {  	_ =	shalt  }
0x69: {  	_ =	shalt  }
0x6a: {  	_ =	shalt  }
0x6b: {  	_ =	shalt  }
0x6c: {  	_ =	shalt  }
0x6d: {  	_ =	shalt  }
0x6e: {  	_ =	shalt  }
0x6f: {  	_ =	shalt  }
0x70: {  	_ =	shalt  }
0x71: {  	_ =	shalt  }
0x72: {  	_ =	shalt  }
0x73: {  	_ =	shalt  }
0x74: {  	_ =	shalt  }
0x75: {  	_ =	shalt  }
0x76: {  	_ =	shalt  }
0x77: {  	_ =	shalt  }
0x78: {  	_ =	shalt  }
0x79: {  	_ =	shalt  }
0x7a: {  	_ =	shalt  }
0x7b: {  	_ =	shalt  }
0x7c: {  	_ =	shalt  }
0x7d: {  	_ =	shalt  }
0x7e: {  	_ =	shalt  }
0x7f: {  	_ =	shalt  }
0x80: {  	_ =	shalt  }
0x81: {  	_ =	shalt  }
0x82: {  	_ =	shalt  }
0x83: {  	_ =	shalt  }
0x84: {  	_ =	shalt  }
0x85: {  	_ =	shalt  }
0x86: {  	_ =	shalt  }
0x87: {  	_ =	shalt  }
.Lfunc_end0:
.L_simem_size_0:
called_computation_lowered:
.L_overlay_start_0:
0x88: {  	s2 =	sld [smem:$0x3FD9]  }
0x89: {  	s3 =	sld [smem:$0x3FFE];
	_ =	sdelay $0x1  }
0x8a: {  	s1 =	srdreg.scid  }
0x8b: {  	s0 =	sand.u32 $0x1, s1  }
0x8c: {  	s17 =	sshll.u32 s0, $0xA;
	s2 =	sadd.s32 s3, s2  }
0x8d: {  	s2 =	sadd.s32 s2, s17  }
0x8e: {  	[smem:$0x3FB8] =	sst s2  }
0x8f: {  	_ = 	snop  }
0x90: {  	s2 =	sld [smem:$0x3FD0];
	(tm) =	ssettm $0x1  }
0x91: {  	s18 =	sld [smem:$0x3FFB];
	_ =	sdelay $0x3  }
0x92: {  	_ =	strace s18  }
0x93: {  	s3 =	sld [smem:$0x3FFC];
	_ =	sdelay $0x3  }
0x94: {  	_ =	strace s3  }
0x95: {  	s3 =	sld [smem:$0x3FFD];
	_ =	sdelay $0x3  }
0x96: {  	_ =	strace s3  }
0x97: {  	_ =	strace $0x8FFFFFFF  }
0x98: {  	s19 =	sld [smem:$0x3FDB];
	_ =	sdelay $0x1  }
0x99: {  	s4 =	simm.s32 $_scs_section_size  }
0x9a: {  	s5 =	simm.s32 $_size__tile_overlayer_lowered;
	s6 =	simm.s32 $_tile_overlayer_lowered  }
0x9b: {  	s22 =	simm.s32 $0x1BFF;
	s21 =	sshll.u32 s6, $0x1;
	s3 =	sadd.s32 s4, s19  }
0x9c: {  	s7 =	simm.s32 $0x0;
	s20 =	sshll.u32 s5, $0x1;
	s5 =	sadd.s32 s21, s3  }
0x9d: {  	[timem:s7], [sflag:s22] =	dma.local [hbm:s5], s20  }
0x9e: {  	_ =	swait.ge [sflag:s22], s20  }
0x9f: {  	s4 =	ssub.s32 $0x0, s20;
	[sflag:s22] =	ssyncset.done $0x0  }
0xa0: {  	[sflag:s22] =	ssyncadd.s32 s4;
	_ =	sdelay $0x1  }
0xa1: {  	s23 =	simm.s32 $0x1B8B  }
0xa2: {  	_ =	swait.ge [sflag:s23], $0x1  }
0xa3: {  	[sflag:s23] =	ssyncset.done $0x0  }
0xa4: {  	s25 =	simm.s32 $0x1B8E;
	s24 =	sld [smem:$0x3FFE];
	[sflag:s23] =	ssyncadd.s32 $0xFFFFFFFF  }
0xa5: {  	s26 =	simm.s32 $execute0_lowered;
	[smem:$0x3FD2] =	sst s25  }
0xa6: {  	s5 =	sshll.u32 s26, $0x1;
	_ =	strace $0x80000046;
	[dreg:$0x1] =	wrdreg $0xFFFFFFFF  }
0xa7: {  	s28 =	simm.s32 $_size_execute0_lowered;
	s3 =	sadd.s32 s3, s5;
	[dreg:$0x0] =	wrdreg $0x0  }
0xa8: {  	s5 =	sshll.u32 s28, $0x1;
	[dreg:$0x2] =	wrdreg s3  }
0xa9: {  	[dreg:$0x3] =	wrdreg s5  }
0xaa: {  	[dreg:$0x4] =	wrdreg $0xC0  }
0xab: {  	_ =	task [dreg:s7], $0x5FFFF  }
0xac: {  	[dreg:$0x1] =	wrdreg $0xFFFFFFFF  }
0xad: {  	[dreg:$0x0] =	wrdreg $0x60  }
0xae: {  	[dreg:$0x2] =	wrdreg s2  }
0xaf: {  	[dreg:$0x3] =	wrdreg s24  }
0xb0: {  	[dreg:$0x4] =	wrdreg $0xA  }
0xb1: {  	_ =	task.clear_ibuf [dreg:s7], $0x5FFFF;
	_ =	strace $0x90000046  }
0xb2: {  	s29 =	simm.s32 $0xA;
	_ =	strace $0x80000048  }
0xb3: {  	_ =	swait.ge [sflag:s29], $0x1  }
0xb4: {  	[sflag:s29] =	ssyncadd.s32 $0xFFFFFFFF  }
0xb5: {  	_ =	strace $0x90000048  }
0xb6: {  	_ =	sfence  }
0xb7: {  	s30 =	sld [smem:$0x0];
	_ =	sdelay $0x2  }
0xb8: {  	s31 =	sshll.u32 s1, $0xD;
	s1 =	sshrl.u32 s1, $0x2  }
0xb9: {  	s3 =	sand.u32 $0x4000, s31;
	s1 =	sadd.s32 s1, s30  }
0xba: {  	s0 =	sor.u32 s3, s0;
	s1 =	sshll.u32 s1, $0x11  }
0xbb: {  	s0 =	sor.u32 s1, s0  }
0xbc: {  	s0 =	sadd.s32 $0x8F2B, s0  }
0xbd: {  	[sflag:s0] =	ssyncadd.remote.s32 $0x1  }
0xbe: {  	_ =	sfence.sel $0xFFFF  }
0xbf: {  	[dreg:$0x0] =	wrdreg $0xFFFFFFFF;
	(pc) =	sbr.abs _section_cstart, $3  }
0xc0: {  	[dreg:$0x1] =	wrdreg $0xFFFFFFFF  }
0xc1: {  	_ =	task.clear_ibuf [dreg:s7], $0x2FFFF;
	_ =	strace $0x9FFFFFFF  }
0xc2: {  	(tm) =	ssettm $0x7FFFFFFF  }
0xc3: {  	_ =	shalt  }
tec
execute0_lowered:
.L_overlay_start_1:
0x0: {  	(tag) =	ssettag $0x1  }
0x1: {  	s2 =	rddreg [dreg:$0x0]  }
0x2: {  	s0 =	rddreg [dreg:$0x1]  }
0x3: {  	s1 =	srdreg.scid;
	s4 =	stileid.u32  }
0x4: {  	s3 =	simm.s32 $0x0;
	s13 =	simm.s32 $0x7;
	s15 =	simm.s32 $0x50  }
0x5: {  	s16 =	simm.s32 $0x8000;
	s17 =	simm.s32 $0xD000;
	s19 =	simm.s32 $0xA800  }
0x6: {  	s21 =	simm.s32 $0xF800;
	s22 =	simm.s32 $0x1;
	s23 =	simm.s32 $0x2  }
0x7: {  	s24 =	simm.s32 $0x12000;
	s28 =	simm.s32 $0x3;
	s29 =	simm.s32 $0x4  }
0x8: {  	s1 =	sand.u32 $0x1, s1;
	s4 =	sshll.u32 s4, $0x1;
	[smem:$0x7FF] =	sst s3  }
0x9: {  	s30 =	simm.s32 $0x14800;
	s7 =	sor.u32 s1, s4;
	_ =	strace $0x80000047  }
0xa: {  	s31 =	simm.s32 $0x5;
	s4 =	sadd.s32 $0x23400, s0;
	s9 =	smul.u32 $0x138800, s7  }
0xb: {  	s1 =	ssub.s32 $0x2, s1;
	s5 =	sshll.u32 s7, $0xB;
	s6 =	smul.u32 $0x2710, s7  }
0xc: {  	s25 =	sshrl.u32 s1, $0x1;
	s26 =	smul.u32 $0x27100, s7;
	s8 =	sadd.s32 s5, s0  }
0xd: {  	s5 =	sadd.s32 $0x4A600, s0;
	s0 =	ssub.s32 s1, s25;
	s1 =	simm.s32 $0x0  }
0xe: {  	s9 =	sshrl.u32 s9, $0x3;
	s7 =	sadd.s32 $0x3400, s8;
	s8 =	sadd.s32 $0x13400, s8  }
0xf: {  	s12 =	smax.u32 s0, $0x1;
	s0 =	simm.s32 $0x6;
	s11 =	sadd.s32 s5, s9  }
0x10: {  	s9 =	sadd.s32 s5, s26;
	s10 =	sadd.s32 $0x500, s11;
	s11 =	sadd.s32 $0x26C00, s11  }
.LBB2_1:
0x11: {  	[tilespmem:s3], [sflag:$0x7] =	stream.linear.gather [hbm4b:s7+s3], $0x3E80, $0x38;
	[tilespmem:$0x17000] =	vst v63  }
0x12: {  	_ =	swait.ge [sflag:s13], $0x3E80  }
0x13: {  	[sflag:s13] =	ssyncset.done $0x0  }
0x14: {  	s14 =	simm.s32 $0x4000;
	[sflag:s13] =	ssyncadd.s32 $0xFFFFC180  }
0x15: {  	[tilespmem:s14], [sflag:$0x7] =	stream.linear.gather [hbm4b:s8+s3], $0x3E80, $0x38;
	[tilespmem:$0x17000] =	vst v63  }
0x16: {  	_ =	swait.ge [sflag:s13], $0x3E80  }
0x17: {  	[sflag:s13] =	ssyncset.done $0x0  }
0x18: {  	[sflag:s13] =	ssyncadd.s32 $0xFFFFC180  }
0x19: {  	[tilespmem:s16], [sflag:$0x1] =	stream.indirect.gather [hbm4b:s2+s15], $0x80, s3, s15, $0xb8;
	[tilespmem:$0x17000] =	vst v63  }
0x1a: {  	_ = 	snop  }
0x1b: {  	[tilespmem:s17], [sflag:$0x2] =	stream.indirect.gather [hbm4b:s4+s15], $0x80, s14, s15, $0xb8;
	[tilespmem:$0x17000] =	vst v63  }
0x1c: {  	s25 =	simm.s32 $0x80  }
0x1d: {  	[tilespmem:s19], [sflag:$0x3] =	stream.indirect.gather [hbm4b:s2+s15], $0x80, s25, s15, $0xb8;
	[tilespmem:$0x17000] =	vst v63  }
0x1e: {  	s26 =	simm.s32 $0x4080  }
0x1f: {  	[tilespmem:s21], [sflag:$0x4] =	stream.indirect.gather [hbm4b:s4+s15], $0x80, s26, s15, $0xb8;
	[tilespmem:$0x17000] =	vst v63  }
0x20: {  	_ =	swait.ge [sflag:s22], $0x2800  }
0x21: {  	[sflag:s22] =	ssyncset.done $0x0  }
0x22: {  	[sflag:s22] =	ssyncadd.s32 $0xFFFFD800  }
0x23: {  	_ =	swait.ge [sflag:s23], $0x2800  }
0x24: {  	[sflag:s23] =	ssyncset.done $0x0  }
0x25: {  	s18 =	simm.s32 $0x0;
	[sflag:s23] =	ssyncadd.s32 $0xFFFFD800  }
0x26: {  	v0 =	vld [tilespmem:s18+$0x8070]  }
0x27: {  	v1 =	vld [tilespmem:s18+$0xD070]  }
0x28: {  	v2 =	vld [tilespmem:s18+$0x8000]  }
0x29: {  	v3 =	vld [tilespmem:s18+$0xD000]  }
0x2a: {  	v4 =	vld [tilespmem:s18+$0x8010]  }
0x2b: {  	v5 =	vld [tilespmem:s18+$0xD010]  }
0x2c: {  	v6 =	vld [tilespmem:s18+$0x8020]  }
0x2d: {  	v7 =	vld [tilespmem:s18+$0x8030]  }
0x2e: {  	v0 =	vadd.f32 v1, v0;
	v1 =	vld [tilespmem:s18+$0xD020]  }
0x2f: {  	v8 =	vld [tilespmem:s18+$0xD030]  }
0x30: {  	v9 =	vld [tilespmem:s18+$0xD040];
	v2 =	vadd.f32 v3, v2  }
0x31: {  	[tilespmem:s18+$0x12070] =	vst v0;
	v0 =	vadd.f32 v5, v4;
	v5 =	vld [tilespmem:s18+$0x8040]  }
0x32: {  	v3 =	vld [tilespmem:s18+$0xD050];
	[tilespmem:s18+$0x12000] =	vst v2  }
0x33: {  	v2 =	vld [tilespmem:s18+$0x8050];
	[tilespmem:s18+$0x12010] =	vst v0;
	v0 =	vadd.f32 v1, v6  }
0x34: {  	v4 =	vld [tilespmem:s18+$0xD060];
	v6 =	vadd.f32 v8, v7  }
0x35: {  	s20 =	simm.s32 $0x80;
	[tilespmem:s18+$0x12020] =	vst v0;
	v0 =	vld [tilespmem:s18+$0x8060]  }
0x36: {  	s25 =	simm.s32 $0x400;
	v5 =	vadd.f32 v9, v5;
	v1 =	vld [tilespmem:s20+$0x8070];
	[tilespmem:s18+$0x12030] =	vst v6  }
.LBB2_2:
0x37: {  	p0 =	sne.s32 s25, $0x9E00;
	v6 =	vld [tilespmem:s20+$0xD070]  }
0x38: {  	v7 =	vld [tilespmem:s20+$0x8000];
	[tilespmem:s18+$0x12040] =	vst v5;
	v2 =	vadd.f32 v3, v2  }
0x39: {  	v3 =	vld [tilespmem:s20+$0xD000]  }
0x3a: {  	v5 =	vld [tilespmem:s20+$0x8010];
	[tilespmem:s18+$0x12050] =	vst v2;
	v0 =	vadd.f32 v4, v0  }
0x3b: {  	v2 =	vld [tilespmem:s20+$0xD010]  }
0x3c: {  	v4 =	vld [tilespmem:s20+$0x8020];
	v1 =	vadd.f32 v6, v1;
	[tilespmem:s18+$0x12060] =	vst v0;
	s18 =	smov.u32 s20  }
0x3d: {  	v0 =	vld [tilespmem:s18+$0xD020]  }
0x3e: {  	v3 =	vadd.f32 v3, v7;
	v6 =	vld [tilespmem:s18+$0x8030];
	[tilespmem:s18+$0x12070] =	vst v1  }
0x3f: {  	v1 =	vld [tilespmem:s18+$0xD030]  }
0x40: {  	[tilespmem:s18+$0x12000] =	vst v3;
	v2 =	vadd.f32 v2, v5;
	v5 =	vld [tilespmem:s18+$0x8040]  }
0x41: {  	v7 =	vld [tilespmem:s18+$0xD040]  }
.Ltmp0:
0x42: {  	[tilespmem:s18+$0x12010] =	vst v2;
	v0 =	vadd.f32 v0, v4;
	v2 =	vld [tilespmem:s18+$0x8050];
	(pc) =	sbr.rel @p0 .LBB2_2-.Ltmp0, $4  }
0x43: {  	v3 =	vld [tilespmem:s18+$0xD050]  }
0x44: {  	[tilespmem:s18+$0x12020] =	vst v0;
	v6 =	vadd.f32 v1, v6;
	v0 =	vld [tilespmem:s18+$0x8060]  }
0x45: {  	s20 =	sshra.s32 s25, $0x2;
	v4 =	vld [tilespmem:s18+$0xD060]  }
0x46: {  	s25 =	sadd.s32 $0x200, s25;
	v1 =	vld [tilespmem:s20+$0x8070];
	[tilespmem:s18+$0x12030] =	vst v6;
	v5 =	vadd.f32 v7, v5  }
0x47: {  	v6 =	vld [tilespmem:s20+$0xD070]  }
0x48: {  	v7 =	vld [tilespmem:s20+$0x8000];
	[tilespmem:s18+$0x12040] =	vst v5;
	v2 =	vadd.f32 v3, v2  }
0x49: {  	v3 =	vld [tilespmem:s20+$0xD000]  }
0x4a: {  	v5 =	vld [tilespmem:s20+$0x8010];
	[tilespmem:s18+$0x12050] =	vst v2;
	v0 =	vadd.f32 v4, v0  }
0x4b: {  	v2 =	vld [tilespmem:s20+$0xD010]  }
0x4c: {  	v4 =	vld [tilespmem:s20+$0x8020];
	[tilespmem:s18+$0x12060] =	vst v0  }
0x4d: {  	v0 =	vadd.f32 v6, v1;
	v1 =	vld [tilespmem:s20+$0xD020]  }
0x4e: {  	v6 =	vld [tilespmem:s20+$0x8030]  }
0x4f: {  	v3 =	vadd.f32 v3, v7;
	[tilespmem:s20+$0x12070] =	vst v0;
	v0 =	vld [tilespmem:s20+$0xD030]  }
0x50: {  	v7 =	vld [tilespmem:s20+$0xD060]  }
0x51: {  	[tilespmem:s20+$0x12000] =	vst v3;
	v2 =	vadd.f32 v2, v5;
	v3 =	vld [tilespmem:s20+$0x8040]  }
0x52: {  	v5 =	vld [tilespmem:s20+$0xD040]  }
0x53: {  	[tilespmem:s20+$0x12010] =	vst v2;
	v1 =	vadd.f32 v1, v4;
	v2 =	vld [tilespmem:s20+$0x8050]  }
0x54: {  	v4 =	vld [tilespmem:s20+$0xD050]  }
0x55: {  	[tilespmem:s20+$0x12020] =	vst v1;
	v1 =	vld [tilespmem:s20+$0x8060];
	_ =	sdelay $0x1  }
0x56: {  	v0 =	vadd.f32 v0, v6  }
0x57: {  	v3 =	vadd.f32 v5, v3  }
0x58: {  	[tilespmem:s20+$0x12030] =	vst v0;
	v0 =	vadd.f32 v4, v2  }
0x59: {  	[tilespmem:s20+$0x12040] =	vst v3;
	v1 =	vadd.f32 v7, v1  }
0x5a: {  	[tilespmem:s20+$0x12050] =	vst v0  }
0x5b: {  	s14 =	simm.s32 $0x0;
	[tilespmem:s20+$0x12060] =	vst v1  }
0x5c: {  	[hbm4b:s9+s14] =	stream.linear.scatter [tilespmem:s24], [sflag:$0x5], $0x2800, $0x38;
	[tilespmem:$0x17000] =	vst v63  }
0x5d: {  	s25 =	simm.s32 $0x100  }
0x5e: {  	[tilespmem:s16], [sflag:$0x1] =	stream.indirect.gather [hbm4b:s2+s15], $0x80, s25, s15, $0xb8;
	[tilespmem:$0x17000] =	vst v63  }
0x5f: {  	s26 =	simm.s32 $0x4100  }
0x60: {  	[tilespmem:s17], [sflag:$0x2] =	stream.indirect.gather [hbm4b:s4+s15], $0x80, s26, s15, $0xb8;
	[tilespmem:$0x17000] =	vst v63  }
0x61: {  	_ =	swait.ge [sflag:s28], $0x2800  }
0x62: {  	[sflag:s28] =	ssyncset.done $0x0  }
0x63: {  	[sflag:s28] =	ssyncadd.s32 $0xFFFFD800  }
0x64: {  	_ =	swait.ge [sflag:s29], $0x2800  }
0x65: {  	[sflag:s29] =	ssyncset.done $0x0  }
0x66: {  	s18 =	simm.s32 $0x0;
	[sflag:s29] =	ssyncadd.s32 $0xFFFFD800  }
0x67: {  	v0 =	vld [tilespmem:s18+$0xA870]  }
0x68: {  	v1 =	vld [tilespmem:s18+$0xF870]  }
0x69: {  	v2 =	vld [tilespmem:s18+$0xA800]  }
0x6a: {  	v3 =	vld [tilespmem:s18+$0xF800]  }
0x6b: {  	v4 =	vld [tilespmem:s18+$0xA810]  }
0x6c: {  	v5 =	vld [tilespmem:s18+$0xF810]  }
0x6d: {  	v6 =	vld [tilespmem:s18+$0xA820]  }
0x6e: {  	v7 =	vld [tilespmem:s18+$0xA830]  }
0x6f: {  	v0 =	vadd.f32 v1, v0;
	v1 =	vld [tilespmem:s18+$0xF820]  }
0x70: {  	v8 =	vld [tilespmem:s18+$0xF830]  }
0x71: {  	v9 =	vld [tilespmem:s18+$0xF840];
	v2 =	vadd.f32 v3, v2  }
0x72: {  	[tilespmem:s18+$0x14870] =	vst v0;
	v0 =	vadd.f32 v5, v4;
	v5 =	vld [tilespmem:s18+$0xA840]  }
0x73: {  	v3 =	vld [tilespmem:s18+$0xF850];
	[tilespmem:s18+$0x14800] =	vst v2  }
0x74: {  	v2 =	vld [tilespmem:s18+$0xA850];
	[tilespmem:s18+$0x14810] =	vst v0;
	v0 =	vadd.f32 v1, v6  }
0x75: {  	v4 =	vld [tilespmem:s18+$0xF860];
	v6 =	vadd.f32 v8, v7  }
0x76: {  	s20 =	simm.s32 $0x80;
	[tilespmem:s18+$0x14820] =	vst v0;
	v0 =	vld [tilespmem:s18+$0xA860]  }
0x77: {  	s25 =	simm.s32 $0x400;
	v5 =	vadd.f32 v9, v5;
	v1 =	vld [tilespmem:s20+$0xA870];
	[tilespmem:s18+$0x14830] =	vst v6  }
.LBB2_4:
0x78: {  	p0 =	sne.s32 s25, $0x9E00;
	v6 =	vld [tilespmem:s20+$0xF870]  }
0x79: {  	v7 =	vld [tilespmem:s20+$0xA800];
	[tilespmem:s18+$0x14840] =	vst v5;
	v2 =	vadd.f32 v3, v2  }
0x7a: {  	v3 =	vld [tilespmem:s20+$0xF800]  }
0x7b: {  	v5 =	vld [tilespmem:s20+$0xA810];
	[tilespmem:s18+$0x14850] =	vst v2;
	v0 =	vadd.f32 v4, v0  }
0x7c: {  	v2 =	vld [tilespmem:s20+$0xF810]  }
0x7d: {  	v4 =	vld [tilespmem:s20+$0xA820];
	v1 =	vadd.f32 v6, v1;
	[tilespmem:s18+$0x14860] =	vst v0;
	s18 =	smov.u32 s20  }
0x7e: {  	v0 =	vld [tilespmem:s18+$0xF820]  }
0x7f: {  	v3 =	vadd.f32 v3, v7;
	v6 =	vld [tilespmem:s18+$0xA830];
	[tilespmem:s18+$0x14870] =	vst v1  }
0x80: {  	v1 =	vld [tilespmem:s18+$0xF830]  }
0x81: {  	[tilespmem:s18+$0x14800] =	vst v3;
	v2 =	vadd.f32 v2, v5;
	v5 =	vld [tilespmem:s18+$0xA840]  }
0x82: {  	v7 =	vld [tilespmem:s18+$0xF840]  }
.Ltmp1:
0x83: {  	[tilespmem:s18+$0x14810] =	vst v2;
	v0 =	vadd.f32 v0, v4;
	v2 =	vld [tilespmem:s18+$0xA850];
	(pc) =	sbr.rel @p0 .LBB2_4-.Ltmp1, $4  }
0x84: {  	v3 =	vld [tilespmem:s18+$0xF850]  }
0x85: {  	[tilespmem:s18+$0x14820] =	vst v0;
	v6 =	vadd.f32 v1, v6;
	v0 =	vld [tilespmem:s18+$0xA860]  }
0x86: {  	s20 =	sshra.s32 s25, $0x2;
	v4 =	vld [tilespmem:s18+$0xF860]  }
0x87: {  	s25 =	sadd.s32 $0x200, s25;
	v1 =	vld [tilespmem:s20+$0xA870];
	[tilespmem:s18+$0x14830] =	vst v6;
	v5 =	vadd.f32 v7, v5  }
0x88: {  	v6 =	vld [tilespmem:s20+$0xF870]  }
0x89: {  	v7 =	vld [tilespmem:s20+$0xA800];
	[tilespmem:s18+$0x14840] =	vst v5;
	v2 =	vadd.f32 v3, v2  }
0x8a: {  	v51 =	vld [tilespmem:s20+$0xF800]  }
0x8b: {  	v5 =	vld [tilespmem:s20+$0xA810];
	[tilespmem:s18+$0x14850] =	vst v2;
	v0 =	vadd.f32 v4, v0  }
0x8c: {  	v2 =	vld [tilespmem:s20+$0xF810]  }
0x8d: {  	v52 =	vld [tilespmem:s20+$0xA820];
	[tilespmem:s18+$0x14860] =	vst v0  }
0x8e: {  	v54 =	vld [tilespmem:s20+$0xF820]  }
0x8f: {  	v55 =	vld [tilespmem:s20+$0xA830]  }
0x90: {  	v56 =	vld [tilespmem:s20+$0xF830]  }
0x91: {  	v57 =	vld [tilespmem:s20+$0xA840]  }
0x92: {  	v58 =	vld [tilespmem:s20+$0xF840]  }
0x93: {  	v59 =	vld [tilespmem:s20+$0xA850]  }
0x94: {  	v53 =	vadd.f32 v6, v1;
	v60 =	vld [tilespmem:s20+$0xF850]  }
0x95: {  	v61 =	vld [tilespmem:s20+$0xA860];
	v3 =	vadd.f32 v51, v7  }
0x96: {  	v62 =	vld [tilespmem:s20+$0xF860];
	[tilespmem:s20+$0x14870] =	vst v53;
	v2 =	vadd.f32 v2, v5  }
0x97: {  	[tilespmem:s20+$0x14800] =	vst v3;
	v1 =	vadd.f32 v54, v52  }
0x98: {  	[tilespmem:s20+$0x14810] =	vst v2;
	v0 =	vadd.f32 v56, v55  }
0x99: {  	v3 =	vadd.f32 v58, v57;
	[tilespmem:s20+$0x14820] =	vst v1  }
0x9a: {  	v63 =	vadd.f32 v60, v59;
	[tilespmem:s20+$0x14830] =	vst v0  }
0x9b: {  	[tilespmem:s20+$0x14840] =	vst v3;
	v1 =	vadd.f32 v62, v61  }
0x9c: {  	[tilespmem:s20+$0x14850] =	vst v63  }
0x9d: {  	s18 =	simm.s32 $0x1;
	[tilespmem:s20+$0x14860] =	vst v1  }
0x9e: {  	[hbm4b:s10+s3] =	stream.linear.scatter [tilespmem:s30], [sflag:$0x6], $0x2800, $0x38;
	[tilespmem:$0x17000] =	vst v63  }
.LBB2_6:
0x9f: {  	s20 =	sshllo.u32 s18, $0x1  }
0xa0: {  	s14 =	sshll.u32 s20, $0x7  }
0xa1: {  	[tilespmem:s19], [sflag:$0x3] =	stream.indirect.gather [hbm4b:s2+s15], $0x80, s14, s15, $0xb8;
	[tilespmem:$0x17000] =	vst v63  }
0xa2: {  	s14 =	sadd.s32 $0x4000, s14  }
0xa3: {  	[tilespmem:s21], [sflag:$0x4] =	stream.indirect.gather [hbm4b:s4+s15], $0x80, s14, s15, $0xb8;
	[tilespmem:$0x17000] =	vst v63  }
0xa4: {  	_ =	swait.ge [sflag:s31], $0x2800  }
0xa5: {  	[sflag:s31] =	ssyncset.done $0x0  }
0xa6: {  	[sflag:s31] =	ssyncadd.s32 $0xFFFFD800  }
0xa7: {  	_ =	swait.ge [sflag:s22], $0x2800  }
0xa8: {  	[sflag:s22] =	ssyncset.done $0x0  }
0xa9: {  	[sflag:s22] =	ssyncadd.s32 $0xFFFFD800  }
0xaa: {  	_ =	swait.ge [sflag:s23], $0x2800  }
0xab: {  	[sflag:s23] =	ssyncset.done $0x0  }
0xac: {  	s25 =	simm.s32 $0x0;
	[sflag:s23] =	ssyncadd.s32 $0xFFFFD800  }
0xad: {  	v0 =	vld [tilespmem:s25+$0x8070]  }
0xae: {  	v1 =	vld [tilespmem:s25+$0xD070]  }
0xaf: {  	v2 =	vld [tilespmem:s25+$0x8000]  }
0xb0: {  	v3 =	vld [tilespmem:s25+$0xD000]  }
0xb1: {  	v4 =	vld [tilespmem:s25+$0x8010]  }
0xb2: {  	v5 =	vld [tilespmem:s25+$0xD010]  }
0xb3: {  	v6 =	vld [tilespmem:s25+$0x8020]  }
0xb4: {  	v7 =	vld [tilespmem:s25+$0x8030]  }
0xb5: {  	v0 =	vadd.f32 v1, v0;
	v1 =	vld [tilespmem:s25+$0xD020]  }
0xb6: {  	v8 =	vld [tilespmem:s25+$0xD030]  }
0xb7: {  	v9 =	vld [tilespmem:s25+$0xD040];
	v2 =	vadd.f32 v3, v2  }
0xb8: {  	[tilespmem:s25+$0x12070] =	vst v0;
	v0 =	vadd.f32 v5, v4;
	v5 =	vld [tilespmem:s25+$0x8040]  }
0xb9: {  	v3 =	vld [tilespmem:s25+$0xD050];
	[tilespmem:s25+$0x12000] =	vst v2  }
0xba: {  	v2 =	vld [tilespmem:s25+$0x8050];
	[tilespmem:s25+$0x12010] =	vst v0;
	v0 =	vadd.f32 v1, v6  }
0xbb: {  	v4 =	vld [tilespmem:s25+$0xD060];
	v6 =	vadd.f32 v8, v7  }
0xbc: {  	s26 =	simm.s32 $0x80;
	[tilespmem:s25+$0x12020] =	vst v0;
	v0 =	vld [tilespmem:s25+$0x8060]  }
0xbd: {  	s14 =	simm.s32 $0x400;
	v5 =	vadd.f32 v9, v5;
	v1 =	vld [tilespmem:s26+$0x8070];
	[tilespmem:s25+$0x12030] =	vst v6  }
.LBB2_7:
0xbe: {  	p0 =	sne.s32 s14, $0x9E00;
	v6 =	vld [tilespmem:s26+$0xD070]  }
0xbf: {  	v7 =	vld [tilespmem:s26+$0x8000];
	[tilespmem:s25+$0x12040] =	vst v5;
	v2 =	vadd.f32 v3, v2  }
0xc0: {  	v3 =	vld [tilespmem:s26+$0xD000]  }
0xc1: {  	v5 =	vld [tilespmem:s26+$0x8010];
	[tilespmem:s25+$0x12050] =	vst v2;
	v0 =	vadd.f32 v4, v0  }
0xc2: {  	v2 =	vld [tilespmem:s26+$0xD010]  }
0xc3: {  	v4 =	vld [tilespmem:s26+$0x8020];
	v1 =	vadd.f32 v6, v1;
	[tilespmem:s25+$0x12060] =	vst v0;
	s25 =	smov.u32 s26  }
0xc4: {  	v0 =	vld [tilespmem:s25+$0xD020]  }
0xc5: {  	v3 =	vadd.f32 v3, v7;
	v6 =	vld [tilespmem:s25+$0x8030];
	[tilespmem:s25+$0x12070] =	vst v1  }
0xc6: {  	v1 =	vld [tilespmem:s25+$0xD030]  }
0xc7: {  	[tilespmem:s25+$0x12000] =	vst v3;
	v2 =	vadd.f32 v2, v5;
	v5 =	vld [tilespmem:s25+$0x8040]  }
0xc8: {  	v7 =	vld [tilespmem:s25+$0xD040]  }
.Ltmp2:
0xc9: {  	[tilespmem:s25+$0x12010] =	vst v2;
	v0 =	vadd.f32 v0, v4;
	v2 =	vld [tilespmem:s25+$0x8050];
	(pc) =	sbr.rel @p0 .LBB2_7-.Ltmp2, $4  }
0xca: {  	v3 =	vld [tilespmem:s25+$0xD050]  }
0xcb: {  	[tilespmem:s25+$0x12020] =	vst v0;
	v6 =	vadd.f32 v1, v6;
	v0 =	vld [tilespmem:s25+$0x8060]  }
0xcc: {  	s26 =	sshra.s32 s14, $0x2;
	v4 =	vld [tilespmem:s25+$0xD060]  }
0xcd: {  	s14 =	sadd.s32 $0x200, s14;
	v1 =	vld [tilespmem:s26+$0x8070];
	[tilespmem:s25+$0x12030] =	vst v6;
	v5 =	vadd.f32 v7, v5  }
0xce: {  	v6 =	vld [tilespmem:s26+$0xD070]  }
0xcf: {  	v7 =	vld [tilespmem:s26+$0x8000];
	[tilespmem:s25+$0x12040] =	vst v5;
	v2 =	vadd.f32 v3, v2  }
0xd0: {  	v3 =	vld [tilespmem:s26+$0xD000]  }
0xd1: {  	v5 =	vld [tilespmem:s26+$0x8010];
	[tilespmem:s25+$0x12050] =	vst v2;
	v0 =	vadd.f32 v4, v0  }
0xd2: {  	v2 =	vld [tilespmem:s26+$0xD010]  }
0xd3: {  	v4 =	vld [tilespmem:s26+$0x8020];
	[tilespmem:s25+$0x12060] =	vst v0  }
0xd4: {  	v0 =	vadd.f32 v6, v1;
	v1 =	vld [tilespmem:s26+$0xD020]  }
0xd5: {  	v6 =	vld [tilespmem:s26+$0x8030]  }
0xd6: {  	v3 =	vadd.f32 v3, v7;
	[tilespmem:s26+$0x12070] =	vst v0;
	v0 =	vld [tilespmem:s26+$0xD030]  }
0xd7: {  	v7 =	vld [tilespmem:s26+$0xD060]  }
0xd8: {  	[tilespmem:s26+$0x12000] =	vst v3;
	v2 =	vadd.f32 v2, v5;
	v3 =	vld [tilespmem:s26+$0x8040]  }
0xd9: {  	v5 =	vld [tilespmem:s26+$0xD040]  }
0xda: {  	[tilespmem:s26+$0x12010] =	vst v2;
	v1 =	vadd.f32 v1, v4;
	v2 =	vld [tilespmem:s26+$0x8050]  }
0xdb: {  	v4 =	vld [tilespmem:s26+$0xD050]  }
0xdc: {  	[tilespmem:s26+$0x12020] =	vst v1;
	v1 =	vld [tilespmem:s26+$0x8060];
	_ =	sdelay $0x1  }
0xdd: {  	v0 =	vadd.f32 v0, v6  }
0xde: {  	s14 =	smul.u32 $0xA0, s18;
	v3 =	vadd.f32 v5, v3  }
0xdf: {  	[tilespmem:s26+$0x12030] =	vst v0;
	v0 =	vadd.f32 v4, v2  }
0xe0: {  	s14 =	sadd.s32 s6, s14;
	[tilespmem:s26+$0x12040] =	vst v3;
	v1 =	vadd.f32 v7, v1  }
0xe1: {  	s14 =	sshll.u32 s14, $0x4;
	[tilespmem:s26+$0x12050] =	vst v0  }
0xe2: {  	s14 =	sadd.s32 s5, s14;
	[tilespmem:s26+$0x12060] =	vst v1;
	s26 =	simm.s32 $0x0  }
0xe3: {  	[hbm4b:s14+s26] =	stream.linear.scatter [tilespmem:s24], [sflag:$0x5], $0x2800, $0x38;
	[tilespmem:$0x17000] =	vst v63  }
0xe4: {  	s14 =	sshll.u32 s18, $0x8  }
0xe5: {  	s26 =	sadd.s32 $0x100, s14  }
0xe6: {  	[tilespmem:s16], [sflag:$0x1] =	stream.indirect.gather [hbm4b:s2+s15], $0x80, s26, s15, $0xb8;
	[tilespmem:$0x17000] =	vst v63  }
0xe7: {  	s14 =	sadd.s32 $0x4100, s14  }
0xe8: {  	[tilespmem:s17], [sflag:$0x2] =	stream.indirect.gather [hbm4b:s4+s15], $0x80, s14, s15, $0xb8;
	[tilespmem:$0x17000] =	vst v63  }
0xe9: {  	_ =	swait.ge [sflag:s0], $0x2800  }
0xea: {  	[sflag:s0] =	ssyncset.done $0x0  }
0xeb: {  	[sflag:s0] =	ssyncadd.s32 $0xFFFFD800  }
0xec: {  	_ =	swait.ge [sflag:s28], $0x2800  }
0xed: {  	[sflag:s28] =	ssyncset.done $0x0  }
0xee: {  	[sflag:s28] =	ssyncadd.s32 $0xFFFFD800  }
0xef: {  	_ =	swait.ge [sflag:s29], $0x2800  }
0xf0: {  	[sflag:s29] =	ssyncset.done $0x0  }
0xf1: {  	s25 =	simm.s32 $0x0;
	[sflag:s29] =	ssyncadd.s32 $0xFFFFD800  }
0xf2: {  	v0 =	vld [tilespmem:s25+$0xA870]  }
0xf3: {  	v1 =	vld [tilespmem:s25+$0xF870]  }
0xf4: {  	v2 =	vld [tilespmem:s25+$0xA800]  }
0xf5: {  	v3 =	vld [tilespmem:s25+$0xF800]  }
0xf6: {  	v4 =	vld [tilespmem:s25+$0xA810]  }
0xf7: {  	v5 =	vld [tilespmem:s25+$0xF810]  }
0xf8: {  	v6 =	vld [tilespmem:s25+$0xA820]  }
0xf9: {  	v7 =	vld [tilespmem:s25+$0xA830]  }
0xfa: {  	v0 =	vadd.f32 v1, v0;
	v1 =	vld [tilespmem:s25+$0xF820]  }
0xfb: {  	v8 =	vld [tilespmem:s25+$0xF830]  }
0xfc: {  	v9 =	vld [tilespmem:s25+$0xF840];
	v2 =	vadd.f32 v3, v2  }
0xfd: {  	[tilespmem:s25+$0x14870] =	vst v0;
	v0 =	vadd.f32 v5, v4;
	v5 =	vld [tilespmem:s25+$0xA840]  }
0xfe: {  	v3 =	vld [tilespmem:s25+$0xF850];
	[tilespmem:s25+$0x14800] =	vst v2  }
0xff: {  	v2 =	vld [tilespmem:s25+$0xA850];
	[tilespmem:s25+$0x14810] =	vst v0;
	v0 =	vadd.f32 v1, v6  }
0x100: {  	v4 =	vld [tilespmem:s25+$0xF860];
	v6 =	vadd.f32 v8, v7  }
0x101: {  	s26 =	simm.s32 $0x80;
	[tilespmem:s25+$0x14820] =	vst v0;
	v0 =	vld [tilespmem:s25+$0xA860]  }
0x102: {  	s14 =	simm.s32 $0x400;
	v5 =	vadd.f32 v9, v5;
	v1 =	vld [tilespmem:s26+$0xA870];
	[tilespmem:s25+$0x14830] =	vst v6  }
.LBB2_9:
0x103: {  	p0 =	sne.s32 s14, $0x9E00;
	v6 =	vld [tilespmem:s26+$0xF870]  }
0x104: {  	v7 =	vld [tilespmem:s26+$0xA800];
	[tilespmem:s25+$0x14840] =	vst v5;
	v2 =	vadd.f32 v3, v2  }
0x105: {  	v3 =	vld [tilespmem:s26+$0xF800]  }
0x106: {  	v5 =	vld [tilespmem:s26+$0xA810];
	[tilespmem:s25+$0x14850] =	vst v2;
	v0 =	vadd.f32 v4, v0  }
0x107: {  	v2 =	vld [tilespmem:s26+$0xF810]  }
0x108: {  	v4 =	vld [tilespmem:s26+$0xA820];
	v1 =	vadd.f32 v6, v1;
	[tilespmem:s25+$0x14860] =	vst v0;
	s25 =	smov.u32 s26  }
0x109: {  	v0 =	vld [tilespmem:s25+$0xF820]  }
0x10a: {  	v3 =	vadd.f32 v3, v7;
	v6 =	vld [tilespmem:s25+$0xA830];
	[tilespmem:s25+$0x14870] =	vst v1  }
0x10b: {  	v1 =	vld [tilespmem:s25+$0xF830]  }
0x10c: {  	[tilespmem:s25+$0x14800] =	vst v3;
	v2 =	vadd.f32 v2, v5;
	v5 =	vld [tilespmem:s25+$0xA840]  }
0x10d: {  	v7 =	vld [tilespmem:s25+$0xF840]  }
.Ltmp3:
0x10e: {  	[tilespmem:s25+$0x14810] =	vst v2;
	v0 =	vadd.f32 v0, v4;
	v2 =	vld [tilespmem:s25+$0xA850];
	(pc) =	sbr.rel @p0 .LBB2_9-.Ltmp3, $4  }
0x10f: {  	v3 =	vld [tilespmem:s25+$0xF850]  }
0x110: {  	[tilespmem:s25+$0x14820] =	vst v0;
	v6 =	vadd.f32 v1, v6;
	v0 =	vld [tilespmem:s25+$0xA860]  }
0x111: {  	s26 =	sshra.s32 s14, $0x2;
	v4 =	vld [tilespmem:s25+$0xF860]  }
0x112: {  	s14 =	sadd.s32 $0x200, s14;
	v1 =	vld [tilespmem:s26+$0xA870];
	[tilespmem:s25+$0x14830] =	vst v6;
	v5 =	vadd.f32 v7, v5  }
0x113: {  	v6 =	vld [tilespmem:s26+$0xF870]  }
0x114: {  	v7 =	vld [tilespmem:s26+$0xA800];
	[tilespmem:s25+$0x14840] =	vst v5;
	v2 =	vadd.f32 v3, v2  }
0x115: {  	v51 =	vld [tilespmem:s26+$0xF800]  }
0x116: {  	v5 =	vld [tilespmem:s26+$0xA810];
	[tilespmem:s25+$0x14850] =	vst v2;
	v0 =	vadd.f32 v4, v0  }
0x117: {  	v2 =	vld [tilespmem:s26+$0xF810]  }
0x118: {  	v52 =	vld [tilespmem:s26+$0xA820];
	[tilespmem:s25+$0x14860] =	vst v0  }
0x119: {  	v54 =	vld [tilespmem:s26+$0xF820]  }
0x11a: {  	v55 =	vld [tilespmem:s26+$0xA830]  }
0x11b: {  	v56 =	vld [tilespmem:s26+$0xF830]  }
0x11c: {  	v57 =	vld [tilespmem:s26+$0xA840]  }
0x11d: {  	v58 =	vld [tilespmem:s26+$0xF840]  }
0x11e: {  	v59 =	vld [tilespmem:s26+$0xA850]  }
0x11f: {  	v53 =	vadd.f32 v6, v1;
	v60 =	vld [tilespmem:s26+$0xF850]  }
0x120: {  	v61 =	vld [tilespmem:s26+$0xA860];
	v3 =	vadd.f32 v51, v7  }
0x121: {  	v62 =	vld [tilespmem:s26+$0xF860];
	[tilespmem:s26+$0x14870] =	vst v53;
	v2 =	vadd.f32 v2, v5  }
0x122: {  	[tilespmem:s26+$0x14800] =	vst v3;
	v1 =	vadd.f32 v54, v52  }
0x123: {  	s18 =	sadd.s32 $0x1, s18;
	[tilespmem:s26+$0x14810] =	vst v2;
	v0 =	vadd.f32 v56, v55  }
0x124: {  	s14 =	smul.u32 $0x50, s20;
	p0 =	sne.s32 s18, $0x3E;
	v3 =	vadd.f32 v58, v57;
	[tilespmem:s26+$0x14820] =	vst v1  }
.Ltmp4:
0x125: {  	v63 =	vadd.f32 v60, v59;
	[tilespmem:s26+$0x14830] =	vst v0;
	(pc) =	sbr.rel @p0 .LBB2_6-.Ltmp4, $4  }
0x126: {  	s14 =	sadd.s32 s6, s14;
	[tilespmem:s26+$0x14840] =	vst v3;
	v1 =	vadd.f32 v62, v61  }
0x127: {  	s14 =	sshll.u32 s14, $0x4;
	[tilespmem:s26+$0x14850] =	vst v63  }
0x128: {  	s14 =	sadd.s32 s5, s14;
	[tilespmem:s26+$0x14860] =	vst v1  }
0x129: {  	[hbm4b:s14+s3] =	stream.linear.scatter [tilespmem:s30], [sflag:$0x6], $0x2800, $0x38;
	[tilespmem:$0x17000] =	vst v63  }
0x12a: {  	_ =	swait.ge [sflag:s31], $0x2800  }
0x12b: {  	[sflag:s31] =	ssyncset.done $0x0  }
0x12c: {  	[sflag:s31] =	ssyncadd.s32 $0xFFFFD800  }
0x12d: {  	_ =	swait.ge [sflag:s22], $0x2800  }
0x12e: {  	[sflag:s22] =	ssyncset.done $0x0  }
0x12f: {  	[sflag:s22] =	ssyncadd.s32 $0xFFFFD800  }
0x130: {  	_ =	swait.ge [sflag:s23], $0x2800  }
0x131: {  	[sflag:s23] =	ssyncset.done $0x0  }
0x132: {  	s18 =	simm.s32 $0x0;
	[sflag:s23] =	ssyncadd.s32 $0xFFFFD800  }
0x133: {  	v0 =	vld [tilespmem:s18+$0x8070]  }
0x134: {  	v1 =	vld [tilespmem:s18+$0xD070]  }
0x135: {  	v2 =	vld [tilespmem:s18+$0x8000]  }
0x136: {  	v3 =	vld [tilespmem:s18+$0xD000]  }
0x137: {  	v4 =	vld [tilespmem:s18+$0x8010]  }
0x138: {  	v5 =	vld [tilespmem:s18+$0xD010]  }
0x139: {  	v6 =	vld [tilespmem:s18+$0x8020]  }
0x13a: {  	v7 =	vld [tilespmem:s18+$0x8030]  }
0x13b: {  	v0 =	vadd.f32 v1, v0;
	v1 =	vld [tilespmem:s18+$0xD020]  }
0x13c: {  	v8 =	vld [tilespmem:s18+$0xD030]  }
0x13d: {  	v9 =	vld [tilespmem:s18+$0xD040];
	v2 =	vadd.f32 v3, v2  }
0x13e: {  	[tilespmem:s18+$0x12070] =	vst v0;
	v0 =	vadd.f32 v5, v4;
	v5 =	vld [tilespmem:s18+$0x8040]  }
0x13f: {  	v3 =	vld [tilespmem:s18+$0xD050];
	[tilespmem:s18+$0x12000] =	vst v2  }
0x140: {  	v2 =	vld [tilespmem:s18+$0x8050];
	[tilespmem:s18+$0x12010] =	vst v0;
	v0 =	vadd.f32 v1, v6  }
0x141: {  	v4 =	vld [tilespmem:s18+$0xD060];
	v6 =	vadd.f32 v8, v7  }
0x142: {  	s20 =	simm.s32 $0x80;
	[tilespmem:s18+$0x12020] =	vst v0;
	v0 =	vld [tilespmem:s18+$0x8060]  }
0x143: {  	s14 =	simm.s32 $0x400;
	v5 =	vadd.f32 v9, v5;
	v1 =	vld [tilespmem:s20+$0x8070];
	[tilespmem:s18+$0x12030] =	vst v6  }
.LBB2_12:
0x144: {  	p0 =	sne.s32 s14, $0x9E00;
	v6 =	vld [tilespmem:s20+$0xD070]  }
0x145: {  	v7 =	vld [tilespmem:s20+$0x8000];
	[tilespmem:s18+$0x12040] =	vst v5;
	v2 =	vadd.f32 v3, v2  }
0x146: {  	v3 =	vld [tilespmem:s20+$0xD000]  }
0x147: {  	v5 =	vld [tilespmem:s20+$0x8010];
	[tilespmem:s18+$0x12050] =	vst v2;
	v0 =	vadd.f32 v4, v0  }
0x148: {  	v2 =	vld [tilespmem:s20+$0xD010]  }
0x149: {  	v4 =	vld [tilespmem:s20+$0x8020];
	v1 =	vadd.f32 v6, v1;
	[tilespmem:s18+$0x12060] =	vst v0;
	s18 =	smov.u32 s20  }
0x14a: {  	v0 =	vld [tilespmem:s18+$0xD020]  }
0x14b: {  	v3 =	vadd.f32 v3, v7;
	v6 =	vld [tilespmem:s18+$0x8030];
	[tilespmem:s18+$0x12070] =	vst v1  }
0x14c: {  	v1 =	vld [tilespmem:s18+$0xD030]  }
0x14d: {  	[tilespmem:s18+$0x12000] =	vst v3;
	v2 =	vadd.f32 v2, v5;
	v5 =	vld [tilespmem:s18+$0x8040]  }
0x14e: {  	v7 =	vld [tilespmem:s18+$0xD040]  }
.Ltmp5:
0x14f: {  	[tilespmem:s18+$0x12010] =	vst v2;
	v0 =	vadd.f32 v0, v4;
	v2 =	vld [tilespmem:s18+$0x8050];
	(pc) =	sbr.rel @p0 .LBB2_12-.Ltmp5, $4  }
0x150: {  	v3 =	vld [tilespmem:s18+$0xD050]  }
0x151: {  	[tilespmem:s18+$0x12020] =	vst v0;
	v6 =	vadd.f32 v1, v6;
	v0 =	vld [tilespmem:s18+$0x8060]  }
0x152: {  	s20 =	sshra.s32 s14, $0x2;
	v4 =	vld [tilespmem:s18+$0xD060]  }
0x153: {  	s14 =	sadd.s32 $0x200, s14;
	v1 =	vld [tilespmem:s20+$0x8070];
	[tilespmem:s18+$0x12030] =	vst v6;
	v5 =	vadd.f32 v7, v5  }
0x154: {  	v6 =	vld [tilespmem:s20+$0xD070]  }
0x155: {  	v7 =	vld [tilespmem:s20+$0x8000];
	[tilespmem:s18+$0x12040] =	vst v5;
	v2 =	vadd.f32 v3, v2  }
0x156: {  	v51 =	vld [tilespmem:s20+$0xD000]  }
0x157: {  	v5 =	vld [tilespmem:s20+$0x8010];
	[tilespmem:s18+$0x12050] =	vst v2;
	v0 =	vadd.f32 v4, v0  }
0x158: {  	v2 =	vld [tilespmem:s20+$0xD010]  }
0x159: {  	v52 =	vld [tilespmem:s20+$0x8020];
	[tilespmem:s18+$0x12060] =	vst v0  }
0x15a: {  	v54 =	vld [tilespmem:s20+$0xD020]  }
0x15b: {  	v55 =	vld [tilespmem:s20+$0x8030]  }
0x15c: {  	v56 =	vld [tilespmem:s20+$0xD030]  }
0x15d: {  	v57 =	vld [tilespmem:s20+$0x8040]  }
0x15e: {  	v58 =	vld [tilespmem:s20+$0xD040]  }
0x15f: {  	v59 =	vld [tilespmem:s20+$0x8050]  }
0x160: {  	v53 =	vadd.f32 v6, v1;
	v60 =	vld [tilespmem:s20+$0xD050]  }
0x161: {  	v61 =	vld [tilespmem:s20+$0x8060];
	v3 =	vadd.f32 v51, v7  }
0x162: {  	v62 =	vld [tilespmem:s20+$0xD060];
	[tilespmem:s20+$0x12070] =	vst v53;
	v2 =	vadd.f32 v2, v5  }
0x163: {  	[tilespmem:s20+$0x12000] =	vst v3;
	v1 =	vadd.f32 v54, v52  }
0x164: {  	[tilespmem:s20+$0x12010] =	vst v2;
	v0 =	vadd.f32 v56, v55  }
0x165: {  	v3 =	vadd.f32 v58, v57;
	[tilespmem:s20+$0x12020] =	vst v1  }
0x166: {  	v63 =	vadd.f32 v60, v59;
	[tilespmem:s20+$0x12030] =	vst v0  }
0x167: {  	[tilespmem:s20+$0x12040] =	vst v3;
	v1 =	vadd.f32 v62, v61  }
0x168: {  	[tilespmem:s20+$0x12050] =	vst v63  }
0x169: {  	s1 =	sadd.s32 $0x1, s1;
	[tilespmem:s20+$0x12060] =	vst v1  }
0x16a: {  	[hbm4b:s11+s3] =	stream.linear.scatter [tilespmem:s24], [sflag:$0x5], $0x2800, $0x38;
	[tilespmem:$0x17000] =	vst v63  }
0x16b: {  	p0 =	sne.s32 s1, s12;
	_ =	swait.ge [sflag:s0], $0x2800  }
.Ltmp6:
0x16c: {  	[sflag:s0] =	ssyncset.done $0x0;
	(pc) =	sbr.rel @p0 .LBB2_1-.Ltmp6, $4  }
0x16d: {  	[sflag:s0] =	ssyncadd.s32 $0xFFFFD800  }
0x16e: {  	_ =	swait.ge [sflag:s31], $0x2800  }
0x16f: {  	[sflag:s31] =	ssyncset.done $0x0  }
0x170: {  	[sflag:s31] =	ssyncadd.s32 $0xFFFFD800  }
0x171: {  	_ =	sfence.sel $0x180000  }
0x172: {  	[bflag:$0x0] =	sbarrier.arrive $0xFFFF  }
0x173: {  	_ =	strace $0x90000047  }
0x174: {  	s0 =	stileid.u32;
	[bflag:$0x2] =	sbarrier.arrive $0xFFFF  }
0x175: {  	p0 =	sne.s32 s0, $0x0;
	s0 =	rddreg [dreg:$0x2]  }
0x176: {  	s0 =	sadd.s32 @!p0 $0x100000, s0  }
0x177: {  	[sflag:s0] =	ssyncadd.tile.s32 @!p0 $0x1;
	_ =	shalt  }
.Lfunc_end2:
_tile_overlayer_lowered:
.L_overlay_start_2:
0x178: {  	(tag) =	ssettag $0x2  }
0x179: {  	s0 =	rddreg [dreg:$0x0];
	s2 =	stileid.u32  }
0x17a: {  	s1 =	rddreg [dreg:$0x1];
	p0 =	sne.s32 s2, $0x0  }
0x17b: {  	s3 =	rddreg [dreg:$0x2];
	[bflag:$0x3] =	sbarrier.arrive $0xFFFF;
	s2 =	simm.s32 @!p0 $0x1C07  }
0x17c: {  	[timem:s3], [sflag:s2] =	dma.local @!p0 [hbm:s0], s1  }
0x17d: {  	s0 =	simm.s32 @!p0 $0x7  }
0x17e: {  	_ =	swait.ge @!p0 [sflag:s0], s1  }
0x17f: {  	s1 =	ssub.s32 @!p0 $0x0, s1;
	[sflag:s0] =	ssyncset.done @!p0 $0x0  }
0x180: {  	[sflag:s0] =	ssyncadd.s32 @!p0 s1  }
0x181: {  	[bflag:$0x3] =	sbarrier.arrive $0xFFFF  }
0x182: {  	_ =	shalt  }

</sc_bundles>
